<compile_context>
chip_gen: v7x
topology: tpu7x:2x2x1
jax: 0.10.2.dev20260603
libtpu: 0.0.44.dev20260713+nightly
codegen_flags: <defaults>
</compile_context>

<pallas_src>
import functools
import math

import jax
import jax.numpy as jnp
from jax import lax
from jax.experimental import pallas as pl
from jax.experimental.pallas import tpu as pltpu
from jax.experimental.pallas import tpu_sc as plsc

N = 10000
E = 320000
HS = 64
HV = 32
NB = 32
CUT = 5.0
INV_SQRT_DEG = 1.0 / math.sqrt(32.0)

NC, NS = 2, 16
NW = NC * NS
EPW = E // NW
NP = 10240
RPS = NP // NS
ZR = 128

_sc_mesh = plsc.VectorSubcoreMesh(
    core_axis_name="c", subcore_axis_name="s", num_cores=NC, num_subcores=NS)
_sc_params = pltpu.CompilerParams(use_tc_tiling_on_sc=False)


PCH = 80


@functools.partial(
    pl.kernel,
    out_type=(jax.ShapeDtypeStruct((E, 16), jnp.float32),
              jax.ShapeDtypeStruct((E, 16), jnp.float32)),
    mesh=_sc_mesh,
    scratch_types=[
        pltpu.VMEM((PCH,), jnp.int32),
        pltpu.VMEM((PCH,), jnp.int32),
        pltpu.VMEM((PCH, 16), jnp.float32),
        pltpu.VMEM((PCH, 16), jnp.float32),
        pltpu.SemaphoreType.DMA,
        pltpu.SemaphoreType.DMA,
    ],
    compiler_params=_sc_params,
)
def _sc_gather_pos(posp, src, dst, pe_out, pd_out, idx_e, idx_d, rows_e,
                   rows_d, sem_e, sem_d):
    wid = lax.axis_index("c") * NS + lax.axis_index("s")
    base = wid * EPW

    def chunk(k, carry):
        off = pl.multiple_of(base + k * PCH, 8)
        pltpu.sync_copy(src.at[pl.ds(off, PCH)], idx_e)
        e_dma = pltpu.async_copy(posp.at[idx_e], rows_e, sem_e)
        pltpu.sync_copy(dst.at[pl.ds(off, PCH)], idx_d)
        d_dma = pltpu.async_copy(posp.at[idx_d], rows_d, sem_d)
        e_dma.wait()
        pltpu.sync_copy(rows_e, pe_out.at[pl.ds(off, PCH)])
        d_dma.wait()
        pltpu.sync_copy(rows_d, pd_out.at[pl.ds(off, PCH)])
        return carry

    lax.fori_loop(0, EPW // PCH, chunk, 0)


def _make_edge_pass(gw, ww, mw, ch, body):
    nchunk = EPW // ch

    @functools.partial(
        pl.kernel,
        out_type=jax.ShapeDtypeStruct((NC, NP, mw), jnp.float32),
        mesh=_sc_mesh,
        scratch_types=[
            pltpu.VMEM_SHARED((NP, mw), jnp.float32),
            pltpu.VMEM((ch,), jnp.int32),
            pltpu.VMEM((ch,), jnp.int32),
            pltpu.VMEM((ch, gw), jnp.float32),
            pltpu.VMEM((ch, ww), jnp.float32),
            pltpu.VMEM((ch, mw), jnp.float32),
            pltpu.VMEM((ZR, mw), jnp.float32),
            pltpu.SemaphoreType.DMA,
            pltpu.SemaphoreType.DMA,
        ],
        compiler_params=_sc_params,
    )
    def edge_pass(gt, ws, src, dst, out, acc, isrc, idst, gbuf, wbuf, mbuf,
                  zbuf, sem, semw):
        cid = lax.axis_index("c")
        sid = lax.axis_index("s")
        wid = cid * NS + sid

        def zrow(r, carry):
            for j in range(mw // 16):
                zbuf[r, pl.ds(16 * j, 16)] = jnp.zeros((16,), jnp.float32)
            return carry

        lax.fori_loop(0, ZR, zrow, 0)
        for k in range(RPS // ZR):
            pltpu.sync_copy(zbuf, acc.at[pl.ds(sid * RPS + k * ZR, ZR)])
        plsc.subcore_barrier()

        base = wid * EPW

        def chunk(k, carry):
            off = pl.multiple_of(base + k * ch, 8)
            w_dma = pltpu.async_copy(ws.at[pl.ds(off, ch)], wbuf, semw)
            pltpu.sync_copy(src.at[pl.ds(off, ch)], isrc)
            pltpu.sync_copy(dst.at[pl.ds(off, ch)], idst)
            g_dma = pltpu.async_copy(gt.at[isrc], gbuf, sem)
            g_dma.wait()
            w_dma.wait()

            def edge(e, c2):
                body(e, gbuf, wbuf, mbuf)
                return c2

            lax.fori_loop(0, ch, edge, 0)
            pltpu.sync_copy(mbuf, acc.at[idst], add=True)
            return carry

        lax.fori_loop(0, nchunk, chunk, 0)
        plsc.subcore_barrier()
        pltpu.sync_copy(acc.at[pl.ds(sid * RPS, RPS)],
                        out.at[cid, pl.ds(sid * RPS, RPS)])

    return edge_pass


def _body_a(e, gbuf, wbuf, mbuf):
    for i in range(4):
        mbuf[e, pl.ds(16 * i, 16)] = (
            wbuf[e, pl.ds(16 * i, 16)] * gbuf[e, pl.ds(16 * i, 16)])


def _body_b(e, gbuf, wbuf, mbuf):
    t0 = wbuf[e, pl.ds(0, 16)] * gbuf[e, pl.ds(0, 16)]
    t1 = wbuf[e, pl.ds(16, 16)] * gbuf[e, pl.ds(16, 16)]
    wv0 = wbuf[e, pl.ds(32, 16)]
    wv1 = wbuf[e, pl.ds(48, 16)]
    shv = wbuf[e, pl.ds(64, 16)]
    for c in range(3):
        g0 = gbuf[e, pl.ds(32 + 32 * c, 16)]
        g1 = gbuf[e, pl.ds(48 + 32 * c, 16)]
        mbuf[e, pl.ds(32 * c, 16)] = t0 * shv[c] + wv0 * g0
        mbuf[e, pl.ds(16 + 32 * c, 16)] = t1 * shv[c] + wv1 * g1


_edge_pass_a = _make_edge_pass(64, 64, 64, 80, _body_a)
_edge_pass_b = _make_edge_pass(128, 80, 96, 80, _body_b)


BE = 2000
BN = 1000


def _geom_body(pe, pd, shp, c16, wr1s, br1s, wr2s, a0, a1, a2, b0, b1, b2):
    u = pd[...] - pe[...] + jnp.dot(shp[...], c16[...],
                                    preferred_element_type=jnp.float32)
    r2 = jnp.sum(u * u, axis=1, keepdims=True)
    d = jnp.sqrt(r2 + 1e-12)
    dirn = u * (1.0 / jnp.maximum(d, 1e-8))
    shfull = jnp.sqrt(3.0) * dirn
    x = jnp.clip(d / CUT, 0.0, 1.0 - 1e-6)
    gate = jnp.where(d < CUT, jnp.exp(1.0 - 1.0 / (1.0 - x * x)), 0.0)
    k = lax.broadcasted_iota(jnp.int32, (1, NB), 1).astype(jnp.float32)
    centers = k * (CUT / (NB - 1))
    width = CUT / NB
    t = (d - centers) / width
    attr = jnp.exp(-0.5 * t * t) * gate
    outs_a = (a0, a1, a2)
    outs_b = (b0, b1, b2)
    for l in range(3):
        h = jnp.dot(attr, wr1s[l], preferred_element_type=jnp.float32)
        h = h + br1s[l, 0:1, :]
        h = h / (1.0 + jnp.exp(-h))
        w = jnp.dot(h, wr2s[l], preferred_element_type=jnp.float32)
        wg = w * gate
        outs_a[l][...] = wg[:, :64]
        outs_b[l][...] = jnp.concatenate([wg[:, 64:], shfull], axis=1)


def _t0_body(z1, bf, ewa, wfa, ewb, wfb, g0, ews, wfns, gs0, ga_o, gb_o, sf_o):
    ids = lax.broadcasted_iota(jnp.int32, (BN, 128), 1)
    onehot = (ids == z1[...]).astype(jnp.float32)
    b = bf[...]
    b2 = b * b
    fns = []
    for m in range(4):
        fns.append(jnp.sqrt(b2[:, 3 * m:3 * m + 1] + b2[:, 3 * m + 1:3 * m + 2]
                            + b2[:, 3 * m + 2:3 * m + 3] + 1e-12))
    fn = jnp.concatenate(fns, axis=1)
    mu = jnp.mean(fn, axis=1, keepdims=True)
    sd = jnp.sqrt(jnp.mean((fn - mu) ** 2, axis=1, keepdims=True))
    fnfeat = jnp.concatenate(
        [fn, mu, sd, jnp.zeros((BN, 2), jnp.float32)], axis=1)
    ga_o[...] = (jnp.dot(onehot, ewa[...], preferred_element_type=jnp.float32)
                 + jnp.dot(fnfeat, wfa[...], preferred_element_type=jnp.float32))
    gb_s = (jnp.dot(onehot, ewb[...], preferred_element_type=jnp.float32)
            + jnp.dot(fnfeat, wfb[...], preferred_element_type=jnp.float32))
    gb_v = jnp.dot(b, g0[...], preferred_element_type=jnp.float32)
    gb_o[...] = jnp.concatenate([gb_s, gb_v], axis=1)
    sf_s = (jnp.dot(onehot, ews[...], preferred_element_type=jnp.float32)
            + jnp.dot(fnfeat, wfns[...], preferred_element_type=jnp.float32))
    sf_v = jnp.dot(b, gs0[...], preferred_element_type=jnp.float32)
    sf_o[...] = jnp.concatenate([sf_s, sf_v], axis=1)


def _ct_body(pa, pb, sf, wss, wsv, bvv, wselfs, bselfv, ga_o, gb_o, sf_o):
    s = (pa[0] + pa[1]) * INV_SQRT_DEG + sf[:, :64]
    vf = (pb[0] + pb[1]) * INV_SQRT_DEG + sf[:, 64:]
    ga_o[...] = jnp.dot(s, wss[...], preferred_element_type=jnp.float32)
    gb_o[...] = jnp.concatenate(
        [jnp.dot(s, wsv[...], preferred_element_type=jnp.float32),
         jnp.dot(vf, bvv[...], preferred_element_type=jnp.float32)], axis=1)
    sf_o[...] = jnp.concatenate(
        [jnp.dot(s, wselfs[...], preferred_element_type=jnp.float32),
         jnp.dot(vf, bselfv[...], preferred_element_type=jnp.float32)], axis=1)


def _fin_body(pb, sf, bhead, f_o):
    vf = (pb[0] + pb[1]) * INV_SQRT_DEG + sf[:, 64:]
    f_o[...] = jnp.dot(vf, bhead[...], preferred_element_type=jnp.float32)


def _full(shape):
    return pl.BlockSpec(shape, lambda i: tuple(0 for _ in shape))


def _rows(bs, w):
    return pl.BlockSpec((bs, w), lambda i: (i, 0))


def _parts(bs, w):
    return pl.BlockSpec((2, bs, w), lambda i: (0, i, 0))


def _geom(pe, pd, shp, c16, wr1s, br1s, wr2s):
    return pl.pallas_call(
        _geom_body,
        grid=(E // BE,),
        in_specs=[_rows(BE, 16), _rows(BE, 16), _rows(BE, 16),
                  _full((16, 16)), _full((3, 32, 64)), _full((3, 8, 64)),
                  _full((3, 64, 128))],
        out_specs=[_rows(BE, 64)] * 3 + [_rows(BE, 80)] * 3,
        out_shape=[jax.ShapeDtypeStruct((E, 64), jnp.float32)] * 3
        + [jax.ShapeDtypeStruct((E, 80), jnp.float32)] * 3,
    )(pe, pd, shp, c16, wr1s, br1s, wr2s)


def _t0(z1, bf, ewa, wfa, ewb, wfb, g0, ews, wfns, gs0):
    return pl.pallas_call(
        _t0_body,
        grid=(N // BN,),
        in_specs=[_rows(BN, 1), _rows(BN, 12), _full((128, 64)),
                  _full((8, 64)), _full((128, 32)), _full((8, 32)),
                  _full((12, 96)), _full((128, 64)), _full((8, 64)),
                  _full((12, 96))],
        out_specs=[_rows(BN, 64), _rows(BN, 128), _rows(BN, 160)],
        out_shape=[jax.ShapeDtypeStruct((N, 64), jnp.float32),
                   jax.ShapeDtypeStruct((N, 128), jnp.float32),
                   jax.ShapeDtypeStruct((N, 160), jnp.float32)],
    )(z1, bf, ewa, wfa, ewb, wfb, g0, ews, wfns, gs0)


def _ct(pa, pb, sf, wss, wsv, bvv, wselfs, bselfv):
    return pl.pallas_call(
        _ct_body,
        grid=(N // BN,),
        in_specs=[_parts(BN, 64), _parts(BN, 96), _rows(BN, 160),
                  _full((64, 64)), _full((64, 32)), _full((96, 96)),
                  _full((64, 64)), _full((96, 96))],
        out_specs=[_rows(BN, 64), _rows(BN, 128), _rows(BN, 160)],
        out_shape=[jax.ShapeDtypeStruct((N, 64), jnp.float32),
                   jax.ShapeDtypeStruct((N, 128), jnp.float32),
                   jax.ShapeDtypeStruct((N, 160), jnp.float32)],
    )(pa, pb, sf, wss, wsv, bvv, wselfs, bselfv)


def _fin(pb, sf, bhead):
    return pl.pallas_call(
        _fin_body,
        grid=(N // BN,),
        in_specs=[_parts(BN, 96), _rows(BN, 160), _full((96, 8))],
        out_specs=_rows(BN, 8),
        out_shape=jax.ShapeDtypeStruct((N, 8), jnp.float32),
    )(pb, sf, bhead)


def kernel(z, pos, edge_index, shifts, cell, batch_idx, base_forces,
           base_energies, params):
    src = edge_index[0].astype(jnp.int32)
    dst = edge_index[1].astype(jnp.int32)
    posp = jnp.pad(pos.astype(jnp.float32), ((0, 0), (0, 13)))
    shp = jnp.pad(shifts.astype(jnp.float32), ((0, 0), (0, 13)))
    c16 = jnp.zeros((16, 16), jnp.float32).at[:3, :3].set(cell[0])

    layers = params['layers']
    wr1s = jnp.stack([p['Wr1'] for p in layers])
    br1s = jnp.stack([jnp.pad(p['br1'][None, :], ((0, 7), (0, 0)))
                      for p in layers])
    wr2s = jnp.stack([p['Wr2'] for p in layers])

    def blockdiag(w):
        b = jnp.zeros((96, 96), jnp.float32)
        for c in range(3):
            b = b.at[32 * c:32 * (c + 1), 32 * c:32 * (c + 1)].set(w)
        return b

    p0 = layers[0]
    ewa = jnp.pad(params['emb'] @ p0['Wss'][:16], ((0, 28), (0, 0)))
    wfa = jnp.pad(p0['Wss'][16:22], ((0, 2), (0, 0)))
    ewb = jnp.pad(params['emb'] @ p0['Wsv'][:16], ((0, 28), (0, 0)))
    wfb = jnp.pad(p0['Wsv'][16:22], ((0, 2), (0, 0)))
    ews = jnp.pad(params['emb'] @ p0['Wself_s'][:16], ((0, 28), (0, 0)))
    wfns = jnp.pad(p0['Wself_s'][16:22], ((0, 2), (0, 0)))

    def fold12(w):
        w5 = w[:4] + 0.25 * w[4:5]
        g = jnp.zeros((12, 96), jnp.float32)
        for c in range(3):
            for i in range(4):
                g = g.at[3 * i + c, 32 * c:32 * (c + 1)].set(w5[i])
        return g

    g0 = fold12(p0['Wvv'])
    gs0 = fold12(p0['Wself_v'])

    bhead = jnp.zeros((96, 8), jnp.float32)
    for c in range(3):
        bhead = bhead.at[32 * c:32 * (c + 1), c].set(params['Whead'][:, 0])

    pe, pd = _sc_gather_pos(posp, src, dst)

    wa0, wa1, wa2, wb0, wb1, wb2 = _geom(pe, pd, shp, c16, wr1s, br1s, wr2s)
    was = (wa0, wa1, wa2)
    wbs = (wb0, wb1, wb2)

    z1 = z.astype(jnp.int32).reshape(N, 1)
    bf12 = base_forces.astype(jnp.float32).reshape(N, 12)
    gta, gtb, sf = _t0(z1, bf12, ewa, wfa, ewb, wfb, g0, ews, wfns, gs0)

    for l in range(3):
        pa = _edge_pass_a(gta, was[l], src, dst)
        pb = _edge_pass_b(gtb, wbs[l], src, dst)
        if l < 2:
            pn = layers[l + 1]
            gta, gtb, sf = _ct(pa, pb, sf, pn['Wss'], pn['Wsv'],
                               blockdiag(pn['Wvv']), pn['Wself_s'],
                               blockdiag(pn['Wself_v']))
        else:
            fout = _fin(pb, sf, bhead)

    forces = fout[:, :3]
    return (forces, base_energies, base_forces)

# --- scband reference (transcript-rebuilt; emitter-appended) ---
"""Pipeline reference for scband-direct-force-fitting-ensemble-16819091931683 (READ-ONLY COPY).

The authoritative reference and input builder live on the scoring server;
editing this copy changes nothing except your own understanding.
"""

import jax, jax.numpy as jnp
import numpy as np

N_NODES = 10000
N_EDGES = 320000
N_MODELS = 4
ATOM_EMB = 16
HS = 64
HV = 32
NUM_BASIS = 32
CUTOFF = 5.0
NUM_LAYERS = 3
NS_IN = ATOM_EMB + N_MODELS + 2
NV_IN = N_MODELS + 1
AVG_DEG = float(N_EDGES) / N_NODES


def _gaussian(d):
    centers = jnp.linspace(0.0, CUTOFF, NUM_BASIS)
    width = CUTOFF / NUM_BASIS
    return jnp.exp(-0.5 * ((d[:, None] - centers[None, :]) / width) ** 2)


def _envelope(d):
    x = jnp.clip(d / CUTOFF, 0.0, 1.0 - 1e-6)
    val = jnp.exp(1.0 - 1.0 / (1.0 - x * x))
    return jnp.where(d < CUTOFF, val, 0.0)


def _sh(dirn):
    x, y, z = dirn[:, 0], dirn[:, 1], dirn[:, 2]
    s3 = np.sqrt(3.0); s15 = np.sqrt(15.0); s5 = np.sqrt(5.0)
    return jnp.stack([
        jnp.ones_like(x),
        s3 * x, s3 * y, s3 * z,
        s15 * x * y, s15 * y * z, (s5 / 2.0) * (3.0 * z * z - 1.0), s15 * x * z, (s15 / 2.0) * (x * x - y * y)
    ], axis=-1)


def _safe_norm(v, axis=-1):
    return jnp.sqrt(jnp.sum(v * v, axis=axis) + 1e-12)


def _interaction(s, v, src, dst, edge_attr, sh, edge_gate, p, n_nodes):
    h = jax.nn.silu(edge_attr @ p['Wr1'] + p['br1'])
    w = h @ p['Wr2']
    w_ss, w_sv, w_vv = w[:, :HS], w[:, HS:HS + HV], w[:, HS + HV:]
    s_src = s[src]
    v_src = v[src]
    m_s = w_ss * (s_src @ p['Wss']) * sh[:, 0:1] * edge_gate[:, None]
    sh1 = sh[:, 1:4]
    m_v = ((w_sv * (s_src @ p['Wsv']))[:, :, None] * sh1[:, None, :]
           + w_vv[:, :, None] * jnp.einsum('eic,io->eoc', v_src, p['Wvv'])) * edge_gate[:, None, None]
    s_agg = jax.ops.segment_sum(m_s, dst, num_segments=n_nodes) / np.sqrt(AVG_DEG)
    v_agg = jax.ops.segment_sum(m_v, dst, num_segments=n_nodes) / np.sqrt(AVG_DEG)
    s_out = s_agg + s @ p['Wself_s']
    v_out = v_agg + jnp.einsum('nic,io->noc', v, p['Wself_v'])
    return s_out, v_out


def _init_layer(key, ns_in, nv_in):
    ks = jax.random.split(key, 7)
    def w(k, shape, fan_in):
        return jax.random.normal(k, shape, dtype=jnp.float32) / np.sqrt(float(fan_in))
    return {
        'Wr1': w(ks[0], (NUM_BASIS, 64), NUM_BASIS),
        'br1': jnp.zeros((64,), jnp.float32),
        'Wr2': w(ks[1], (64, HS + 2 * HV), 64),
        'Wss': w(ks[2], (ns_in, HS), ns_in),
        'Wsv': w(ks[3], (ns_in, HV), ns_in),
        'Wvv': w(ks[4], (nv_in, HV), nv_in),
        'Wself_s': w(ks[5], (ns_in, HS), ns_in),
        'Wself_v': w(ks[6], (nv_in, HV), nv_in),
    }


def _forward(pos, shifts, cell, base_forces, params, z, edge_index, batch_idx):
    n_nodes = pos.shape[0]
    src = edge_index[0]
    dst = edge_index[1]
    edge_vec = pos[dst] - pos[src] + jnp.einsum('ek,ekl->el', shifts, cell[batch_idx[src]])
    edge_length = _safe_norm(edge_vec, axis=-1)
    direction = edge_vec / jnp.maximum(edge_length, 1e-8)[:, None]
    sh = _sh(direction)
    edge_gate = _envelope(edge_length)
    edge_attr = _gaussian(edge_length) * edge_gate[:, None]
    mean_force = base_forces.mean(axis=1)
    force_norm = _safe_norm(base_forces, axis=-1)
    fn_mean = force_norm.mean(axis=1, keepdims=True)
    fn_std = jnp.std(force_norm, axis=1, keepdims=True)
    s = jnp.nan_to_num(jnp.concatenate([params['emb'][z], force_norm, fn_mean, fn_std], axis=-1))
    v = jnp.nan_to_num(jnp.concatenate([base_forces, mean_force[:, None, :]], axis=1))
    for p in params['layers']:
        s, v = _interaction(s, v, src, dst, edge_attr, sh, edge_gate, p, n_nodes)
        s = jnp.nan_to_num(s)
        v = jnp.nan_to_num(v)
    forces = jnp.einsum('nvc,vo->noc', v, params['Whead'])[:, 0, :]
    return forces


def setup_inputs(seed: int = 0):
    key = jax.random.key(seed)
    ks = jax.random.split(key, 10)
    z = jax.random.randint(ks[0], (N_NODES,), 0, 100)
    pos = jax.random.normal(ks[1], (N_NODES, 3), dtype=jnp.float32) * 1.5
    edge_index = jax.random.randint(ks[2], (2, N_EDGES), 0, N_NODES)
    shifts = jnp.zeros((N_EDGES, 3), jnp.float32)
    cell = jnp.ones((1, 3, 3), jnp.float32)
    batch_idx = jnp.zeros((N_NODES,), jnp.int32)
    base_forces = jax.random.normal(ks[3], (N_NODES, N_MODELS, 3), dtype=jnp.float32)
    base_energies = jax.random.normal(ks[4], (1, N_MODELS), dtype=jnp.float32)
    params = {
        'emb': jax.random.normal(ks[5], (100, ATOM_EMB), dtype=jnp.float32),
        'layers': [_init_layer(ks[6 + i], NS_IN if i == 0 else HS, NV_IN if i == 0 else HV) for i in range(NUM_LAYERS)],
        'Whead': jax.random.normal(ks[9], (HV, 1), dtype=jnp.float32) / np.sqrt(float(HV)),
    }
    return {'z': z, 'pos': pos, 'edge_index': edge_index, 'shifts': shifts, 'cell': cell,
            'batch_idx': batch_idx, 'base_forces': base_forces, 'base_energies': base_energies, 'params': params}


def reference(z, pos, edge_index, shifts, cell, batch_idx, base_forces, base_energies, params):
    forces = _forward(pos, shifts, cell, base_forces, params, z, edge_index, batch_idx)
    return (forces, base_energies, base_forces)

if __name__ == "__main__":
    import jax
    _d = setup_inputs()
    print(jax.jit(kernel)(*tuple(_d.values())))

</pallas_src>

<mosaic_0001>
#map = affine_map<(d0, d1) -> (0, 0)>
#map1 = affine_map<(d0, d1) -> (0)>
#map2 = affine_map<(d0, d1) -> (0, 0, 0)>
module attributes {stable_mosaic.version = 14 : i64} {
  func.func @edge_pass(%arg0: i32, %arg1: i32, %arg2: memref<10000x64xf32, #tpu.memory_space<hbm>>, %arg3: memref<320000x64xf32, #tpu.memory_space<hbm>>, %arg4: memref<320000xi32, #tpu.memory_space<hbm>>, %arg5: memref<320000xi32, #tpu.memory_space<hbm>>, %arg6: memref<2x10240x64xf32, #tpu.memory_space<hbm>>, %arg7: memref<10240x64xf32, #tpu.memory_space<vmem_shared>>, %arg8: memref<80xi32, #tpu.memory_space<vmem>>, %arg9: memref<80xi32, #tpu.memory_space<vmem>>, %arg10: memref<80x64xf32, #tpu.memory_space<vmem>>, %arg11: memref<80x64xf32, #tpu.memory_space<vmem>>, %arg12: memref<80x64xf32, #tpu.memory_space<vmem>>, %arg13: memref<128x64xf32, #tpu.memory_space<vmem>>, %arg14: memref<!tpu.dma_semaphore, #tpu.memory_space<semaphore_mem>>, %arg15: memref<!tpu.dma_semaphore, #tpu.memory_space<semaphore_mem>>) attributes {dimension_semantics = [#tpu.dimension_semantics<core_parallel>, #tpu.dimension_semantics<subcore_parallel>], iteration_bounds = array<i64: 2, 16>, scalar_prefetch = 0 : i64, scratch_operands = 9 : i64, tpu.core_type = #tpu.core_type<sc_vector_subcore>, window_params = [{transform_indices = #map}, {transform_indices = #map}, {transform_indices = #map1}, {transform_indices = #map1}, {transform_indices = #map2}]} {
    %mul3A = arith.constant 16 : i32
    %mul3A_0 = arith.muli %arg0, %mul3A : i32
    %add3A = arith.addi %mul3A_0, %arg1 : i32
    %scan3A = arith.constant 0 : i32
    %scan3A_1 = arith.constant 0 : i32
    %scan3A_2 = arith.constant 128 : i32
    %scan3A_3 = arith.addi %scan3A_1, %scan3A_2 : i32
    %scan3A_4 = arith.constant 1 : i32
    scf.for %scan3A_39 = %scan3A_1 to %scan3A_3 step %scan3A_4  : i32 {
      %broadcast_in_dim3A = arith.constant 0.000000e+00 : f32
      %broadcast_in_dim3A_40 = vector.broadcast %broadcast_in_dim3A : f32 to vector<16xf32>
      %swap3A = arith.index_cast %scan3A_39 : i32 to index
      %swap3A_41 = arith.constant 0 : index
      %swap3A_42 = tpu.vector_load %arg13[%swap3A, %swap3A_41] {strides = array<i32>} : memref<128x64xf32, #tpu.memory_space<vmem>>, vector<1x16xf32>,
      %swap3A_43 = vector.shape_cast %swap3A_42 : vector<1x16xf32> to vector<16xf32>
      %swap3A_44 = vector.shape_cast %broadcast_in_dim3A_40 : vector<16xf32> to vector<1x16xf32>
      tpu.vector_store %arg13[%swap3A, %swap3A_41], %swap3A_44 {strides = array<i32>} : memref<128x64xf32, #tpu.memory_space<vmem>>, vector<1x16xf32>,
      %broadcast_in_dim3A_45 = arith.constant 0.000000e+00 : f32
      %broadcast_in_dim3A_46 = vector.broadcast %broadcast_in_dim3A_45 : f32 to vector<16xf32>
      %swap3A_47 = arith.index_cast %scan3A_39 : i32 to index
      %swap3A_48 = arith.constant 16 : index
      %swap3A_49 = tpu.vector_load %arg13[%swap3A_47, %swap3A_48] {strides = array<i32>} : memref<128x64xf32, #tpu.memory_space<vmem>>, vector<1x16xf32>,
      %swap3A_50 = vector.shape_cast %swap3A_49 : vector<1x16xf32> to vector<16xf32>
      %swap3A_51 = vector.shape_cast %broadcast_in_dim3A_46 : vector<16xf32> to vector<1x16xf32>
      tpu.vector_store %arg13[%swap3A_47, %swap3A_48], %swap3A_51 {strides = array<i32>} : memref<128x64xf32, #tpu.memory_space<vmem>>, vector<1x16xf32>,
      %broadcast_in_dim3A_52 = arith.constant 0.000000e+00 : f32
      %broadcast_in_dim3A_53 = vector.broadcast %broadcast_in_dim3A_52 : f32 to vector<16xf32>
      %swap3A_54 = arith.index_cast %scan3A_39 : i32 to index
      %swap3A_55 = arith.constant 32 : index
      %swap3A_56 = tpu.vector_load %arg13[%swap3A_54, %swap3A_55] {strides = array<i32>} : memref<128x64xf32, #tpu.memory_space<vmem>>, vector<1x16xf32>,
      %swap3A_57 = vector.shape_cast %swap3A_56 : vector<1x16xf32> to vector<16xf32>
      %swap3A_58 = vector.shape_cast %broadcast_in_dim3A_53 : vector<16xf32> to vector<1x16xf32>
      tpu.vector_store %arg13[%swap3A_54, %swap3A_55], %swap3A_58 {strides = array<i32>} : memref<128x64xf32, #tpu.memory_space<vmem>>, vector<1x16xf32>,
      %broadcast_in_dim3A_59 = arith.constant 0.000000e+00 : f32
      %broadcast_in_dim3A_60 = vector.broadcast %broadcast_in_dim3A_59 : f32 to vector<16xf32>
      %swap3A_61 = arith.index_cast %scan3A_39 : i32 to index
      %swap3A_62 = arith.constant 48 : index
      %swap3A_63 = tpu.vector_load %arg13[%swap3A_61, %swap3A_62] {strides = array<i32>} : memref<128x64xf32, #tpu.memory_space<vmem>>, vector<1x16xf32>,
      %swap3A_64 = vector.shape_cast %swap3A_63 : vector<1x16xf32> to vector<16xf32>
      %swap3A_65 = vector.shape_cast %broadcast_in_dim3A_60 : vector<16xf32> to vector<1x16xf32>
      tpu.vector_store %arg13[%swap3A_61, %swap3A_62], %swap3A_65 {strides = array<i32>} : memref<128x64xf32, #tpu.memory_space<vmem>>, vector<1x16xf32>,
    }
    %scan3A_5 = arith.constant 128 : i32
    %mul3A_6 = arith.constant 640 : i32
    %mul3A_7 = arith.muli %arg1, %mul3A_6 : i32
    %add3A_8 = arith.constant 0 : i32
    %add3A_9 = arith.addi %mul3A_7, %add3A_8 : i32
    "tpu.region"() ({
      %run_scoped3A = tpu.sem_alloc : memref<!tpu.dma_semaphore, #tpu.memory_space<semaphore_mem>>
      %dma_start3A = arith.constant 0 : i32
      %dma_start3A_39 = tpu.memref_slice %arg7[%add3A_9, %dma_start3A] : memref<10240x64xf32, #tpu.memory_space<vmem_shared>> -> memref<128x64xf32, #tpu.memory_space<vmem_shared>>
      %dma_start3A_40 = arith.constant 0 : i32
      %dma_start3A_41 = tpu.memref_slice %arg7[%add3A_9, %dma_start3A_40] : memref<10240x64xf32, #tpu.memory_space<vmem_shared>> -> memref<128x64xf32, #tpu.memory_space<vmem_shared>>
      tpu.enqueue_dma source(%arg13 : memref<128x64xf32, #tpu.memory_space<vmem>>) target(%dma_start3A_41 : memref<128x64xf32, #tpu.memory_space<vmem_shared>>) target_semaphore(%run_scoped3A : memref<!tpu.dma_semaphore, #tpu.memory_space<semaphore_mem>>)
      %dma_wait3A = arith.constant 0 : i32
      %dma_wait3A_42 = tpu.memref_slice %arg7[%add3A_9, %dma_wait3A] : memref<10240x64xf32, #tpu.memory_space<vmem_shared>> -> memref<128x64xf32, #tpu.memory_space<vmem_shared>>
      %dma_wait3A_43 = arith.constant 0 : i32
      %dma_wait3A_44 = tpu.memref_slice %arg7[%add3A_9, %dma_wait3A_43] : memref<10240x64xf32, #tpu.memory_space<vmem_shared>> -> memref<128x64xf32, #tpu.memory_space<vmem_shared>>
      tpu.wait_dma2 semaphore(%run_scoped3A : memref<!tpu.dma_semaphore, #tpu.memory_space<semaphore_mem>>) src(%arg13 : memref<128x64xf32, #tpu.memory_space<vmem>>) dst(%dma_wait3A_44 : memref<128x64xf32, #tpu.memory_space<vmem_shared>>)
      tpu.yield
    }) : () -> ()
    %mul3A_10 = arith.constant 640 : i32
    %mul3A_11 = arith.muli %arg1, %mul3A_10 : i32
    %add3A_12 = arith.constant 128 : i32
    %add3A_13 = arith.addi %mul3A_11, %add3A_12 : i32
    "tpu.region"() ({
      %run_scoped3A = tpu.sem_alloc : memref<!tpu.dma_semaphore, #tpu.memory_space<semaphore_mem>>
      %dma_start3A = arith.constant 0 : i32
      %dma_start3A_39 = tpu.memref_slice %arg7[%add3A_13, %dma_start3A] : memref<10240x64xf32, #tpu.memory_space<vmem_shared>> -> memref<128x64xf32, #tpu.memory_space<vmem_shared>>
      %dma_start3A_40 = arith.constant 0 : i32
      %dma_start3A_41 = tpu.memref_slice %arg7[%add3A_13, %dma_start3A_40] : memref<10240x64xf32, #tpu.memory_space<vmem_shared>> -> memref<128x64xf32, #tpu.memory_space<vmem_shared>>
      tpu.enqueue_dma source(%arg13 : memref<128x64xf32, #tpu.memory_space<vmem>>) target(%dma_start3A_41 : memref<128x64xf32, #tpu.memory_space<vmem_shared>>) target_semaphore(%run_scoped3A : memref<!tpu.dma_semaphore, #tpu.memory_space<semaphore_mem>>)
      %dma_wait3A = arith.constant 0 : i32
      %dma_wait3A_42 = tpu.memref_slice %arg7[%add3A_13, %dma_wait3A] : memref<10240x64xf32, #tpu.memory_space<vmem_shared>> -> memref<128x64xf32, #tpu.memory_space<vmem_shared>>
      %dma_wait3A_43 = arith.constant 0 : i32
      %dma_wait3A_44 = tpu.memref_slice %arg7[%add3A_13, %dma_wait3A_43] : memref<10240x64xf32, #tpu.memory_space<vmem_shared>> -> memref<128x64xf32, #tpu.memory_space<vmem_shared>>
      tpu.wait_dma2 semaphore(%run_scoped3A : memref<!tpu.dma_semaphore, #tpu.memory_space<semaphore_mem>>) src(%arg13 : memref<128x64xf32, #tpu.memory_space<vmem>>) dst(%dma_wait3A_44 : memref<128x64xf32, #tpu.memory_space<vmem_shared>>)
      tpu.yield
    }) : () -> ()
    %mul3A_14 = arith.constant 640 : i32
    %mul3A_15 = arith.muli %arg1, %mul3A_14 : i32
    %add3A_16 = arith.constant 256 : i32
    %add3A_17 = arith.addi %mul3A_15, %add3A_16 : i32
    "tpu.region"() ({
      %run_scoped3A = tpu.sem_alloc : memref<!tpu.dma_semaphore, #tpu.memory_space<semaphore_mem>>
      %dma_start3A = arith.constant 0 : i32
      %dma_start3A_39 = tpu.memref_slice %arg7[%add3A_17, %dma_start3A] : memref<10240x64xf32, #tpu.memory_space<vmem_shared>> -> memref<128x64xf32, #tpu.memory_space<vmem_shared>>
      %dma_start3A_40 = arith.constant 0 : i32
      %dma_start3A_41 = tpu.memref_slice %arg7[%add3A_17, %dma_start3A_40] : memref<10240x64xf32, #tpu.memory_space<vmem_shared>> -> memref<128x64xf32, #tpu.memory_space<vmem_shared>>
      tpu.enqueue_dma source(%arg13 : memref<128x64xf32, #tpu.memory_space<vmem>>) target(%dma_start3A_41 : memref<128x64xf32, #tpu.memory_space<vmem_shared>>) target_semaphore(%run_scoped3A : memref<!tpu.dma_semaphore, #tpu.memory_space<semaphore_mem>>)
      %dma_wait3A = arith.constant 0 : i32
      %dma_wait3A_42 = tpu.memref_slice %arg7[%add3A_17, %dma_wait3A] : memref<10240x64xf32, #tpu.memory_space<vmem_shared>> -> memref<128x64xf32, #tpu.memory_space<vmem_shared>>
      %dma_wait3A_43 = arith.constant 0 : i32
      %dma_wait3A_44 = tpu.memref_slice %arg7[%add3A_17, %dma_wait3A_43] : memref<10240x64xf32, #tpu.memory_space<vmem_shared>> -> memref<128x64xf32, #tpu.memory_space<vmem_shared>>
      tpu.wait_dma2 semaphore(%run_scoped3A : memref<!tpu.dma_semaphore, #tpu.memory_space<semaphore_mem>>) src(%arg13 : memref<128x64xf32, #tpu.memory_space<vmem>>) dst(%dma_wait3A_44 : memref<128x64xf32, #tpu.memory_space<vmem_shared>>)
      tpu.yield
    }) : () -> ()
    %mul3A_18 = arith.constant 640 : i32
    %mul3A_19 = arith.muli %arg1, %mul3A_18 : i32
    %add3A_20 = arith.constant 384 : i32
    %add3A_21 = arith.addi %mul3A_19, %add3A_20 : i32
    "tpu.region"() ({
      %run_scoped3A = tpu.sem_alloc : memref<!tpu.dma_semaphore, #tpu.memory_space<semaphore_mem>>
      %dma_start3A = arith.constant 0 : i32
      %dma_start3A_39 = tpu.memref_slice %arg7[%add3A_21, %dma_start3A] : memref<10240x64xf32, #tpu.memory_space<vmem_shared>> -> memref<128x64xf32, #tpu.memory_space<vmem_shared>>
      %dma_start3A_40 = arith.constant 0 : i32
      %dma_start3A_41 = tpu.memref_slice %arg7[%add3A_21, %dma_start3A_40] : memref<10240x64xf32, #tpu.memory_space<vmem_shared>> -> memref<128x64xf32, #tpu.memory_space<vmem_shared>>
      tpu.enqueue_dma source(%arg13 : memref<128x64xf32, #tpu.memory_space<vmem>>) target(%dma_start3A_41 : memref<128x64xf32, #tpu.memory_space<vmem_shared>>) target_semaphore(%run_scoped3A : memref<!tpu.dma_semaphore, #tpu.memory_space<semaphore_mem>>)
      %dma_wait3A = arith.constant 0 : i32
      %dma_wait3A_42 = tpu.memref_slice %arg7[%add3A_21, %dma_wait3A] : memref<10240x64xf32, #tpu.memory_space<vmem_shared>> -> memref<128x64xf32, #tpu.memory_space<vmem_shared>>
      %dma_wait3A_43 = arith.constant 0 : i32
      %dma_wait3A_44 = tpu.memref_slice %arg7[%add3A_21, %dma_wait3A_43] : memref<10240x64xf32, #tpu.memory_space<vmem_shared>> -> memref<128x64xf32, #tpu.memory_space<vmem_shared>>
      tpu.wait_dma2 semaphore(%run_scoped3A : memref<!tpu.dma_semaphore, #tpu.memory_space<semaphore_mem>>) src(%arg13 : memref<128x64xf32, #tpu.memory_space<vmem>>) dst(%dma_wait3A_44 : memref<128x64xf32, #tpu.memory_space<vmem_shared>>)
      tpu.yield
    }) : () -> ()
    %mul3A_22 = arith.constant 640 : i32
    %mul3A_23 = arith.muli %arg1, %mul3A_22 : i32
    %add3A_24 = arith.constant 512 : i32
    %add3A_25 = arith.addi %mul3A_23, %add3A_24 : i32
    "tpu.region"() ({
      %run_scoped3A = tpu.sem_alloc : memref<!tpu.dma_semaphore, #tpu.memory_space<semaphore_mem>>
      %dma_start3A = arith.constant 0 : i32
      %dma_start3A_39 = tpu.memref_slice %arg7[%add3A_25, %dma_start3A] : memref<10240x64xf32, #tpu.memory_space<vmem_shared>> -> memref<128x64xf32, #tpu.memory_space<vmem_shared>>
      %dma_start3A_40 = arith.constant 0 : i32
      %dma_start3A_41 = tpu.memref_slice %arg7[%add3A_25, %dma_start3A_40] : memref<10240x64xf32, #tpu.memory_space<vmem_shared>> -> memref<128x64xf32, #tpu.memory_space<vmem_shared>>
      tpu.enqueue_dma source(%arg13 : memref<128x64xf32, #tpu.memory_space<vmem>>) target(%dma_start3A_41 : memref<128x64xf32, #tpu.memory_space<vmem_shared>>) target_semaphore(%run_scoped3A : memref<!tpu.dma_semaphore, #tpu.memory_space<semaphore_mem>>)
      %dma_wait3A = arith.constant 0 : i32
      %dma_wait3A_42 = tpu.memref_slice %arg7[%add3A_25, %dma_wait3A] : memref<10240x64xf32, #tpu.memory_space<vmem_shared>> -> memref<128x64xf32, #tpu.memory_space<vmem_shared>>
      %dma_wait3A_43 = arith.constant 0 : i32
      %dma_wait3A_44 = tpu.memref_slice %arg7[%add3A_25, %dma_wait3A_43] : memref<10240x64xf32, #tpu.memory_space<vmem_shared>> -> memref<128x64xf32, #tpu.memory_space<vmem_shared>>
      tpu.wait_dma2 semaphore(%run_scoped3A : memref<!tpu.dma_semaphore, #tpu.memory_space<semaphore_mem>>) src(%arg13 : memref<128x64xf32, #tpu.memory_space<vmem>>) dst(%dma_wait3A_44 : memref<128x64xf32, #tpu.memory_space<vmem_shared>>)
      tpu.yield
    }) : () -> ()
    %barrier3A = arith.constant 0 : index
    tpu.barrier barrier_id(%barrier3A)
    %mul3A_26 = arith.constant 10000 : i32
    %mul3A_27 = arith.muli %add3A, %mul3A_26 : i32
    %scan3A_28 = arith.constant 0 : i32
    %scan3A_29 = arith.constant 0 : i32
    %scan3A_30 = arith.constant 125 : i32
    %scan3A_31 = arith.addi %scan3A_29, %scan3A_30 : i32
    %scan3A_32 = arith.constant 1 : i32
    scf.for %scan3A_39 = %scan3A_29 to %scan3A_31 step %scan3A_32  : i32 {
      %mul3A_40 = arith.constant 80 : i32
      %mul3A_41 = arith.muli %scan3A_39, %mul3A_40 : i32
      %add3A_42 = arith.addi %mul3A_27, %mul3A_41 : i32
      %multiple_of3A = tpu.assume_multiple %add3A_42, 8 : i32
      %dma_start3A = arith.constant 0 : i32
      %dma_start3A_43 = tpu.memref_slice %arg3[%multiple_of3A, %dma_start3A] : memref<320000x64xf32, #tpu.memory_space<hbm>> -> memref<80x64xf32, #tpu.memory_space<hbm>>
      %dma_start3A_44 = arith.constant 0 : i32
      %dma_start3A_45 = tpu.memref_slice %arg3[%multiple_of3A, %dma_start3A_44] : memref<320000x64xf32, #tpu.memory_space<hbm>> -> memref<80x64xf32, #tpu.memory_space<hbm>>
      tpu.enqueue_dma source(%dma_start3A_45 : memref<80x64xf32, #tpu.memory_space<hbm>>) target(%arg11 : memref<80x64xf32, #tpu.memory_space<vmem>>) target_semaphore(%arg15 : memref<!tpu.dma_semaphore, #tpu.memory_space<semaphore_mem>>)
      "tpu.region"() ({
        %run_scoped3A = tpu.sem_alloc : memref<!tpu.dma_semaphore, #tpu.memory_space<semaphore_mem>>
        %dma_start3A_61 = tpu.memref_slice %arg4[%multiple_of3A] : memref<320000xi32, #tpu.memory_space<hbm>> -> memref<80xi32, #tpu.memory_space<hbm>>
        %dma_start3A_62 = tpu.memref_slice %arg4[%multiple_of3A] : memref<320000xi32, #tpu.memory_space<hbm>> -> memref<80xi32, #tpu.memory_space<hbm>>
        tpu.enqueue_dma source(%dma_start3A_62 : memref<80xi32, #tpu.memory_space<hbm>>) target(%arg8 : memref<80xi32, #tpu.memory_space<vmem>>) target_semaphore(%run_scoped3A : memref<!tpu.dma_semaphore, #tpu.memory_space<semaphore_mem>>)
        %dma_wait3A_63 = tpu.memref_slice %arg4[%multiple_of3A] : memref<320000xi32, #tpu.memory_space<hbm>> -> memref<80xi32, #tpu.memory_space<hbm>>
        %dma_wait3A_64 = tpu.memref_slice %arg4[%multiple_of3A] : memref<320000xi32, #tpu.memory_space<hbm>> -> memref<80xi32, #tpu.memory_space<hbm>>
        tpu.wait_dma2 semaphore(%run_scoped3A : memref<!tpu.dma_semaphore, #tpu.memory_space<semaphore_mem>>) src(%dma_wait3A_64 : memref<80xi32, #tpu.memory_space<hbm>>) dst(%arg8 : memref<80xi32, #tpu.memory_space<vmem>>)
        tpu.yield
      }) : () -> ()
      "tpu.region"() ({
        %run_scoped3A = tpu.sem_alloc : memref<!tpu.dma_semaphore, #tpu.memory_space<semaphore_mem>>
        %dma_start3A_61 = tpu.memref_slice %arg5[%multiple_of3A] : memref<320000xi32, #tpu.memory_space<hbm>> -> memref<80xi32, #tpu.memory_space<hbm>>
        %dma_start3A_62 = tpu.memref_slice %arg5[%multiple_of3A] : memref<320000xi32, #tpu.memory_space<hbm>> -> memref<80xi32, #tpu.memory_space<hbm>>
        tpu.enqueue_dma source(%dma_start3A_62 : memref<80xi32, #tpu.memory_space<hbm>>) target(%arg9 : memref<80xi32, #tpu.memory_space<vmem>>) target_semaphore(%run_scoped3A : memref<!tpu.dma_semaphore, #tpu.memory_space<semaphore_mem>>)
        %dma_wait3A_63 = tpu.memref_slice %arg5[%multiple_of3A] : memref<320000xi32, #tpu.memory_space<hbm>> -> memref<80xi32, #tpu.memory_space<hbm>>
        %dma_wait3A_64 = tpu.memref_slice %arg5[%multiple_of3A] : memref<320000xi32, #tpu.memory_space<hbm>> -> memref<80xi32, #tpu.memory_space<hbm>>
        tpu.wait_dma2 semaphore(%run_scoped3A : memref<!tpu.dma_semaphore, #tpu.memory_space<semaphore_mem>>) src(%dma_wait3A_64 : memref<80xi32, #tpu.memory_space<hbm>>) dst(%arg9 : memref<80xi32, #tpu.memory_space<vmem>>)
        tpu.yield
      }) : () -> ()
      %dma_start3A_46 = arith.constant 0 : i32
      %dma_start3A_47 = arith.constant 0 : i32
      %dma_start3A_48 = tpu.memref_slice %arg2[%dma_start3A_46, %dma_start3A_47] : memref<10000x64xf32, #tpu.memory_space<hbm>> -> memref<10000x64xf32, #tpu.memory_space<hbm>>
      tpu.enqueue_indirect_dma source(%dma_start3A_48 : memref<10000x64xf32, #tpu.memory_space<hbm>>) target(%arg10 : memref<80x64xf32, #tpu.memory_space<vmem>>) offsets(%arg8 : memref<80xi32, #tpu.memory_space<vmem>>) semaphore(%arg14 : memref<!tpu.dma_semaphore, #tpu.memory_space<semaphore_mem>>)
      %dma_wait3A = arith.constant 0 : i32
      %dma_wait3A_49 = arith.constant 0 : i32
      %dma_wait3A_50 = tpu.memref_slice %arg2[%dma_wait3A, %dma_wait3A_49] : memref<10000x64xf32, #tpu.memory_space<hbm>> -> memref<10000x64xf32, #tpu.memory_space<hbm>>
      tpu.wait_indirect_dma semaphore(%arg14 : memref<!tpu.dma_semaphore, #tpu.memory_space<semaphore_mem>>) src(%dma_wait3A_50 : memref<10000x64xf32, #tpu.memory_space<hbm>>) dst(%arg10 : memref<80x64xf32, #tpu.memory_space<vmem>>)
      %dma_wait3A_51 = arith.constant 0 : i32
      %dma_wait3A_52 = tpu.memref_slice %arg3[%multiple_of3A, %dma_wait3A_51] : memref<320000x64xf32, #tpu.memory_space<hbm>> -> memref<80x64xf32, #tpu.memory_space<hbm>>
      %dma_wait3A_53 = arith.constant 0 : i32
      %dma_wait3A_54 = tpu.memref_slice %arg3[%multiple_of3A, %dma_wait3A_53] : memref<320000x64xf32, #tpu.memory_space<hbm>> -> memref<80x64xf32, #tpu.memory_space<hbm>>
      tpu.wait_dma2 semaphore(%arg15 : memref<!tpu.dma_semaphore, #tpu.memory_space<semaphore_mem>>) src(%dma_wait3A_54 : memref<80x64xf32, #tpu.memory_space<hbm>>) dst(%arg11 : memref<80x64xf32, #tpu.memory_space<vmem>>)
      %scan3A_55 = arith.constant 0 : i32
      %scan3A_56 = arith.constant 0 : i32
      %scan3A_57 = arith.constant 80 : i32
      %scan3A_58 = arith.addi %scan3A_56, %scan3A_57 : i32
      %scan3A_59 = arith.constant 1 : i32
      scf.for %scan3A_61 = %scan3A_56 to %scan3A_58 step %scan3A_59  : i32 {
        %get3A = arith.index_cast %scan3A_61 : i32 to index
        %get3A_62 = arith.constant 0 : index
        %get3A_63 = tpu.vector_load %arg11[%get3A, %get3A_62] {strides = array<i32>} : memref<80x64xf32, #tpu.memory_space<vmem>>, vector<1x16xf32>,
        %get3A_64 = vector.shape_cast %get3A_63 : vector<1x16xf32> to vector<16xf32>
        %get3A_65 = arith.index_cast %scan3A_61 : i32 to index
        %get3A_66 = arith.constant 0 : index
        %get3A_67 = tpu.vector_load %arg10[%get3A_65, %get3A_66] {strides = array<i32>} : memref<80x64xf32, #tpu.memory_space<vmem>>, vector<1x16xf32>,
        %get3A_68 = vector.shape_cast %get3A_67 : vector<1x16xf32> to vector<16xf32>
        %mul3A_69 = arith.mulf %get3A_64, %get3A_68 : vector<16xf32>
        %swap3A = arith.index_cast %scan3A_61 : i32 to index
        %swap3A_70 = arith.constant 0 : index
        %swap3A_71 = tpu.vector_load %arg12[%swap3A, %swap3A_70] {strides = array<i32>} : memref<80x64xf32, #tpu.memory_space<vmem>>, vector<1x16xf32>,
        %swap3A_72 = vector.shape_cast %swap3A_71 : vector<1x16xf32> to vector<16xf32>
        %swap3A_73 = vector.shape_cast %mul3A_69 : vector<16xf32> to vector<1x16xf32>
        tpu.vector_store %arg12[%swap3A, %swap3A_70], %swap3A_73 {strides = array<i32>} : memref<80x64xf32, #tpu.memory_space<vmem>>, vector<1x16xf32>,
        %get3A_74 = arith.index_cast %scan3A_61 : i32 to index
        %get3A_75 = arith.constant 16 : index
        %get3A_76 = tpu.vector_load %arg11[%get3A_74, %get3A_75] {strides = array<i32>} : memref<80x64xf32, #tpu.memory_space<vmem>>, vector<1x16xf32>,
        %get3A_77 = vector.shape_cast %get3A_76 : vector<1x16xf32> to vector<16xf32>
        %get3A_78 = arith.index_cast %scan3A_61 : i32 to index
        %get3A_79 = arith.constant 16 : index
        %get3A_80 = tpu.vector_load %arg10[%get3A_78, %get3A_79] {strides = array<i32>} : memref<80x64xf32, #tpu.memory_space<vmem>>, vector<1x16xf32>,
        %get3A_81 = vector.shape_cast %get3A_80 : vector<1x16xf32> to vector<16xf32>
        %mul3A_82 = arith.mulf %get3A_77, %get3A_81 : vector<16xf32>
        %swap3A_83 = arith.index_cast %scan3A_61 : i32 to index
        %swap3A_84 = arith.constant 16 : index
        %swap3A_85 = tpu.vector_load %arg12[%swap3A_83, %swap3A_84] {strides = array<i32>} : memref<80x64xf32, #tpu.memory_space<vmem>>, vector<1x16xf32>,
        %swap3A_86 = vector.shape_cast %swap3A_85 : vector<1x16xf32> to vector<16xf32>
        %swap3A_87 = vector.shape_cast %mul3A_82 : vector<16xf32> to vector<1x16xf32>
        tpu.vector_store %arg12[%swap3A_83, %swap3A_84], %swap3A_87 {strides = array<i32>} : memref<80x64xf32, #tpu.memory_space<vmem>>, vector<1x16xf32>,
        %get3A_88 = arith.index_cast %scan3A_61 : i32 to index
        %get3A_89 = arith.constant 32 : index
        %get3A_90 = tpu.vector_load %arg11[%get3A_88, %get3A_89] {strides = array<i32>} : memref<80x64xf32, #tpu.memory_space<vmem>>, vector<1x16xf32>,
        %get3A_91 = vector.shape_cast %get3A_90 : vector<1x16xf32> to vector<16xf32>
        %get3A_92 = arith.index_cast %scan3A_61 : i32 to index
        %get3A_93 = arith.constant 32 : index
        %get3A_94 = tpu.vector_load %arg10[%get3A_92, %get3A_93] {strides = array<i32>} : memref<80x64xf32, #tpu.memory_space<vmem>>, vector<1x16xf32>,
        %get3A_95 = vector.shape_cast %get3A_94 : vector<1x16xf32> to vector<16xf32>
        %mul3A_96 = arith.mulf %get3A_91, %get3A_95 : vector<16xf32>
        %swap3A_97 = arith.index_cast %scan3A_61 : i32 to index
        %swap3A_98 = arith.constant 32 : index
        %swap3A_99 = tpu.vector_load %arg12[%swap3A_97, %swap3A_98] {strides = array<i32>} : memref<80x64xf32, #tpu.memory_space<vmem>>, vector<1x16xf32>,
        %swap3A_100 = vector.shape_cast %swap3A_99 : vector<1x16xf32> to vector<16xf32>
        %swap3A_101 = vector.shape_cast %mul3A_96 : vector<16xf32> to vector<1x16xf32>
        tpu.vector_store %arg12[%swap3A_97, %swap3A_98], %swap3A_101 {strides = array<i32>} : memref<80x64xf32, #tpu.memory_space<vmem>>, vector<1x16xf32>,
        %get3A_102 = arith.index_cast %scan3A_61 : i32 to index
        %get3A_103 = arith.constant 48 : index
        %get3A_104 = tpu.vector_load %arg11[%get3A_102, %get3A_103] {strides = array<i32>} : memref<80x64xf32, #tpu.memory_space<vmem>>, vector<1x16xf32>,
        %get3A_105 = vector.shape_cast %get3A_104 : vector<1x16xf32> to vector<16xf32>
        %get3A_106 = arith.index_cast %scan3A_61 : i32 to index
        %get3A_107 = arith.constant 48 : index
        %get3A_108 = tpu.vector_load %arg10[%get3A_106, %get3A_107] {strides = array<i32>} : memref<80x64xf32, #tpu.memory_space<vmem>>, vector<1x16xf32>,
        %get3A_109 = vector.shape_cast %get3A_108 : vector<1x16xf32> to vector<16xf32>
        %mul3A_110 = arith.mulf %get3A_105, %get3A_109 : vector<16xf32>
        %swap3A_111 = arith.index_cast %scan3A_61 : i32 to index
        %swap3A_112 = arith.constant 48 : index
        %swap3A_113 = tpu.vector_load %arg12[%swap3A_111, %swap3A_112] {strides = array<i32>} : memref<80x64xf32, #tpu.memory_space<vmem>>, vector<1x16xf32>,
        %swap3A_114 = vector.shape_cast %swap3A_113 : vector<1x16xf32> to vector<16xf32>
        %swap3A_115 = vector.shape_cast %mul3A_110 : vector<16xf32> to vector<1x16xf32>
        tpu.vector_store %arg12[%swap3A_111, %swap3A_112], %swap3A_115 {strides = array<i32>} : memref<80x64xf32, #tpu.memory_space<vmem>>, vector<1x16xf32>,
      }
      %scan3A_60 = arith.constant 80 : i32
      "tpu.region"() ({
        %run_scoped3A = tpu.sem_alloc : memref<!tpu.dma_semaphore, #tpu.memory_space<semaphore_mem>>
        %dma_start3A_61 = arith.constant 0 : i32
        %dma_start3A_62 = arith.constant 0 : i32
        %dma_start3A_63 = tpu.memref_slice %arg7[%dma_start3A_61, %dma_start3A_62] : memref<10240x64xf32, #tpu.memory_space<vmem_shared>> -> memref<10240x64xf32, #tpu.memory_space<vmem_shared>>
        tpu.enqueue_indirect_dma source(%arg12 : memref<80x64xf32, #tpu.memory_space<vmem>>) target(%dma_start3A_63 : memref<10240x64xf32, #tpu.memory_space<vmem_shared>>) offsets(%arg9 : memref<80xi32, #tpu.memory_space<vmem>>) semaphore(%run_scoped3A : memref<!tpu.dma_semaphore, #tpu.memory_space<semaphore_mem>>) {add = true}
        %dma_wait3A_64 = arith.constant 0 : i32
        %dma_wait3A_65 = arith.constant 0 : i32
        %dma_wait3A_66 = tpu.memref_slice %arg7[%dma_wait3A_64, %dma_wait3A_65] : memref<10240x64xf32, #tpu.memory_space<vmem_shared>> -> memref<10240x64xf32, #tpu.memory_space<vmem_shared>>
        tpu.wait_indirect_dma semaphore(%run_scoped3A : memref<!tpu.dma_semaphore, #tpu.memory_space<semaphore_mem>>) src(%arg12 : memref<80x64xf32, #tpu.memory_space<vmem>>) dst(%dma_wait3A_66 : memref<10240x64xf32, #tpu.memory_space<vmem_shared>>)
        tpu.yield
      }) : () -> ()
    }
    %scan3A_33 = arith.constant 125 : i32
    %barrier3A_34 = arith.constant 0 : index
    tpu.barrier barrier_id(%barrier3A_34)
    %mul3A_35 = arith.constant 640 : i32
    %mul3A_36 = arith.muli %arg1, %mul3A_35 : i32
    %mul3A_37 = arith.constant 640 : i32
    %mul3A_38 = arith.muli %arg1, %mul3A_37 : i32
    "tpu.region"() ({
      %run_scoped3A = tpu.sem_alloc : memref<!tpu.dma_semaphore, #tpu.memory_space<semaphore_mem>>
      %dma_start3A = arith.constant 0 : i32
      %dma_start3A_39 = tpu.memref_slice %arg6[%arg0, %mul3A_38, %dma_start3A] : memref<2x10240x64xf32, #tpu.memory_space<hbm>> -> memref<1x640x64xf32, #tpu.memory_space<hbm>>
      %dma_start3A_40 = tpu.memref_squeeze %dma_start3A_39 : memref<1x640x64xf32, #tpu.memory_space<hbm>> -> memref<640x64xf32, #tpu.memory_space<hbm>>
      %dma_start3A_41 = arith.constant 0 : i32
      %dma_start3A_42 = tpu.memref_slice %arg7[%mul3A_36, %dma_start3A_41] : memref<10240x64xf32, #tpu.memory_space<vmem_shared>> -> memref<640x64xf32, #tpu.memory_space<vmem_shared>>
      tpu.enqueue_dma source(%dma_start3A_42 : memref<640x64xf32, #tpu.memory_space<vmem_shared>>) target(%dma_start3A_40 : memref<640x64xf32, #tpu.memory_space<hbm>>) target_semaphore(%run_scoped3A : memref<!tpu.dma_semaphore, #tpu.memory_space<semaphore_mem>>)
      %dma_wait3A = arith.constant 0 : i32
      %dma_wait3A_43 = tpu.memref_slice %arg6[%arg0, %mul3A_38, %dma_wait3A] : memref<2x10240x64xf32, #tpu.memory_space<hbm>> -> memref<1x640x64xf32, #tpu.memory_space<hbm>>
      %dma_wait3A_44 = tpu.memref_squeeze %dma_wait3A_43 : memref<1x640x64xf32, #tpu.memory_space<hbm>> -> memref<640x64xf32, #tpu.memory_space<hbm>>
      %dma_wait3A_45 = arith.constant 0 : i32
      %dma_wait3A_46 = tpu.memref_slice %arg7[%mul3A_36, %dma_wait3A_45] : memref<10240x64xf32, #tpu.memory_space<vmem_shared>> -> memref<640x64xf32, #tpu.memory_space<vmem_shared>>
      tpu.wait_dma2 semaphore(%run_scoped3A : memref<!tpu.dma_semaphore, #tpu.memory_space<semaphore_mem>>) src(%dma_wait3A_46 : memref<640x64xf32, #tpu.memory_space<vmem_shared>>) dst(%dma_wait3A_44 : memref<640x64xf32, #tpu.memory_space<hbm>>)
      tpu.yield
    }) : () -> ()
    return
  }
}

#map = affine_map<(d0, d1) -> (0, 0)>
#map1 = affine_map<(d0, d1) -> (0)>
#map2 = affine_map<(d0, d1) -> (0, 0, 0)>
module attributes {stable_mosaic.version = 14 : i64} {
  func.func @edge_pass(%arg0: i32, %arg1: i32, %arg2: memref<10000x128xf32, #tpu.memory_space<hbm>>, %arg3: memref<320000x80xf32, #tpu.memory_space<hbm>>, %arg4: memref<320000xi32, #tpu.memory_space<hbm>>, %arg5: memref<320000xi32, #tpu.memory_space<hbm>>, %arg6: memref<2x10240x96xf32, #tpu.memory_space<hbm>>, %arg7: memref<10240x96xf32, #tpu.memory_space<vmem_shared>>, %arg8: memref<80xi32, #tpu.memory_space<vmem>>, %arg9: memref<80xi32, #tpu.memory_space<vmem>>, %arg10: memref<80x128xf32, #tpu.memory_space<vmem>>, %arg11: memref<80x80xf32, #tpu.memory_space<vmem>>, %arg12: memref<80x96xf32, #tpu.memory_space<vmem>>, %arg13: memref<128x96xf32, #tpu.memory_space<vmem>>, %arg14: memref<!tpu.dma_semaphore, #tpu.memory_space<semaphore_mem>>, %arg15: memref<!tpu.dma_semaphore, #tpu.memory_space<semaphore_mem>>) attributes {dimension_semantics = [#tpu.dimension_semantics<core_parallel>, #tpu.dimension_semantics<subcore_parallel>], iteration_bounds = array<i64: 2, 16>, scalar_prefetch = 0 : i64, scratch_operands = 9 : i64, tpu.core_type = #tpu.core_type<sc_vector_subcore>, window_params = [{transform_indices = #map}, {transform_indices = #map}, {transform_indices = #map1}, {transform_indices = #map1}, {transform_indices = #map2}]} {
    %mul3A = arith.constant 16 : i32
    %mul3A_0 = arith.muli %arg0, %mul3A : i32
    %add3A = arith.addi %mul3A_0, %arg1 : i32
    %scan3A = arith.constant 0 : i32
    %scan3A_1 = arith.constant 0 : i32
    %scan3A_2 = arith.constant 128 : i32
    %scan3A_3 = arith.addi %scan3A_1, %scan3A_2 : i32
    %scan3A_4 = arith.constant 1 : i32
    scf.for %scan3A_39 = %scan3A_1 to %scan3A_3 step %scan3A_4  : i32 {
      %broadcast_in_dim3A = arith.constant 0.000000e+00 : f32
      %broadcast_in_dim3A_40 = vector.broadcast %broadcast_in_dim3A : f32 to vector<16xf32>
      %swap3A = arith.index_cast %scan3A_39 : i32 to index
      %swap3A_41 = arith.constant 0 : index
      %swap3A_42 = tpu.vector_load %arg13[%swap3A, %swap3A_41] {strides = array<i32>} : memref<128x96xf32, #tpu.memory_space<vmem>>, vector<1x16xf32>,
      %swap3A_43 = vector.shape_cast %swap3A_42 : vector<1x16xf32> to vector<16xf32>
      %swap3A_44 = vector.shape_cast %broadcast_in_dim3A_40 : vector<16xf32> to vector<1x16xf32>
      tpu.vector_store %arg13[%swap3A, %swap3A_41], %swap3A_44 {strides = array<i32>} : memref<128x96xf32, #tpu.memory_space<vmem>>, vector<1x16xf32>,
      %broadcast_in_dim3A_45 = arith.constant 0.000000e+00 : f32
      %broadcast_in_dim3A_46 = vector.broadcast %broadcast_in_dim3A_45 : f32 to vector<16xf32>
      %swap3A_47 = arith.index_cast %scan3A_39 : i32 to index
      %swap3A_48 = arith.constant 16 : index
      %swap3A_49 = tpu.vector_load %arg13[%swap3A_47, %swap3A_48] {strides = array<i32>} : memref<128x96xf32, #tpu.memory_space<vmem>>, vector<1x16xf32>,
      %swap3A_50 = vector.shape_cast %swap3A_49 : vector<1x16xf32> to vector<16xf32>
      %swap3A_51 = vector.shape_cast %broadcast_in_dim3A_46 : vector<16xf32> to vector<1x16xf32>
      tpu.vector_store %arg13[%swap3A_47, %swap3A_48], %swap3A_51 {strides = array<i32>} : memref<128x96xf32, #tpu.memory_space<vmem>>, vector<1x16xf32>,
      %broadcast_in_dim3A_52 = arith.constant 0.000000e+00 : f32
      %broadcast_in_dim3A_53 = vector.broadcast %broadcast_in_dim3A_52 : f32 to vector<16xf32>
      %swap3A_54 = arith.index_cast %scan3A_39 : i32 to index
      %swap3A_55 = arith.constant 32 : index
      %swap3A_56 = tpu.vector_load %arg13[%swap3A_54, %swap3A_55] {strides = array<i32>} : memref<128x96xf32, #tpu.memory_space<vmem>>, vector<1x16xf32>,
      %swap3A_57 = vector.shape_cast %swap3A_56 : vector<1x16xf32> to vector<16xf32>
      %swap3A_58 = vector.shape_cast %broadcast_in_dim3A_53 : vector<16xf32> to vector<1x16xf32>
      tpu.vector_store %arg13[%swap3A_54, %swap3A_55], %swap3A_58 {strides = array<i32>} : memref<128x96xf32, #tpu.memory_space<vmem>>, vector<1x16xf32>,
      %broadcast_in_dim3A_59 = arith.constant 0.000000e+00 : f32
      %broadcast_in_dim3A_60 = vector.broadcast %broadcast_in_dim3A_59 : f32 to vector<16xf32>
      %swap3A_61 = arith.index_cast %scan3A_39 : i32 to index
      %swap3A_62 = arith.constant 48 : index
      %swap3A_63 = tpu.vector_load %arg13[%swap3A_61, %swap3A_62] {strides = array<i32>} : memref<128x96xf32, #tpu.memory_space<vmem>>, vector<1x16xf32>,
      %swap3A_64 = vector.shape_cast %swap3A_63 : vector<1x16xf32> to vector<16xf32>
      %swap3A_65 = vector.shape_cast %broadcast_in_dim3A_60 : vector<16xf32> to vector<1x16xf32>
      tpu.vector_store %arg13[%swap3A_61, %swap3A_62], %swap3A_65 {strides = array<i32>} : memref<128x96xf32, #tpu.memory_space<vmem>>, vector<1x16xf32>,
      %broadcast_in_dim3A_66 = arith.constant 0.000000e+00 : f32
      %broadcast_in_dim3A_67 = vector.broadcast %broadcast_in_dim3A_66 : f32 to vector<16xf32>
      %swap3A_68 = arith.index_cast %scan3A_39 : i32 to index
      %swap3A_69 = arith.constant 64 : index
      %swap3A_70 = tpu.vector_load %arg13[%swap3A_68, %swap3A_69] {strides = array<i32>} : memref<128x96xf32, #tpu.memory_space<vmem>>, vector<1x16xf32>,
      %swap3A_71 = vector.shape_cast %swap3A_70 : vector<1x16xf32> to vector<16xf32>
      %swap3A_72 = vector.shape_cast %broadcast_in_dim3A_67 : vector<16xf32> to vector<1x16xf32>
      tpu.vector_store %arg13[%swap3A_68, %swap3A_69], %swap3A_72 {strides = array<i32>} : memref<128x96xf32, #tpu.memory_space<vmem>>, vector<1x16xf32>,
      %broadcast_in_dim3A_73 = arith.constant 0.000000e+00 : f32
      %broadcast_in_dim3A_74 = vector.broadcast %broadcast_in_dim3A_73 : f32 to vector<16xf32>
      %swap3A_75 = arith.index_cast %scan3A_39 : i32 to index
      %swap3A_76 = arith.constant 80 : index
      %swap3A_77 = tpu.vector_load %arg13[%swap3A_75, %swap3A_76] {strides = array<i32>} : memref<128x96xf32, #tpu.memory_space<vmem>>, vector<1x16xf32>,
      %swap3A_78 = vector.shape_cast %swap3A_77 : vector<1x16xf32> to vector<16xf32>
      %swap3A_79 = vector.shape_cast %broadcast_in_dim3A_74 : vector<16xf32> to vector<1x16xf32>
      tpu.vector_store %arg13[%swap3A_75, %swap3A_76], %swap3A_79 {strides = array<i32>} : memref<128x96xf32, #tpu.memory_space<vmem>>, vector<1x16xf32>,
    }
    %scan3A_5 = arith.constant 128 : i32
    %mul3A_6 = arith.constant 640 : i32
    %mul3A_7 = arith.muli %arg1, %mul3A_6 : i32
    %add3A_8 = arith.constant 0 : i32
    %add3A_9 = arith.addi %mul3A_7, %add3A_8 : i32
    "tpu.region"() ({
      %run_scoped3A = tpu.sem_alloc : memref<!tpu.dma_semaphore, #tpu.memory_space<semaphore_mem>>
      %dma_start3A = arith.constant 0 : i32
      %dma_start3A_39 = tpu.memref_slice %arg7[%add3A_9, %dma_start3A] : memref<10240x96xf32, #tpu.memory_space<vmem_shared>> -> memref<128x96xf32, #tpu.memory_space<vmem_shared>>
      %dma_start3A_40 = arith.constant 0 : i32
      %dma_start3A_41 = tpu.memref_slice %arg7[%add3A_9, %dma_start3A_40] : memref<10240x96xf32, #tpu.memory_space<vmem_shared>> -> memref<128x96xf32, #tpu.memory_space<vmem_shared>>
      tpu.enqueue_dma source(%arg13 : memref<128x96xf32, #tpu.memory_space<vmem>>) target(%dma_start3A_41 : memref<128x96xf32, #tpu.memory_space<vmem_shared>>) target_semaphore(%run_scoped3A : memref<!tpu.dma_semaphore, #tpu.memory_space<semaphore_mem>>)
      %dma_wait3A = arith.constant 0 : i32
      %dma_wait3A_42 = tpu.memref_slice %arg7[%add3A_9, %dma_wait3A] : memref<10240x96xf32, #tpu.memory_space<vmem_shared>> -> memref<128x96xf32, #tpu.memory_space<vmem_shared>>
      %dma_wait3A_43 = arith.constant 0 : i32
      %dma_wait3A_44 = tpu.memref_slice %arg7[%add3A_9, %dma_wait3A_43] : memref<10240x96xf32, #tpu.memory_space<vmem_shared>> -> memref<128x96xf32, #tpu.memory_space<vmem_shared>>
      tpu.wait_dma2 semaphore(%run_scoped3A : memref<!tpu.dma_semaphore, #tpu.memory_space<semaphore_mem>>) src(%arg13 : memref<128x96xf32, #tpu.memory_space<vmem>>) dst(%dma_wait3A_44 : memref<128x96xf32, #tpu.memory_space<vmem_shared>>)
      tpu.yield
    }) : () -> ()
    %mul3A_10 = arith.constant 640 : i32
    %mul3A_11 = arith.muli %arg1, %mul3A_10 : i32
    %add3A_12 = arith.constant 128 : i32
    %add3A_13 = arith.addi %mul3A_11, %add3A_12 : i32
    "tpu.region"() ({
      %run_scoped3A = tpu.sem_alloc : memref<!tpu.dma_semaphore, #tpu.memory_space<semaphore_mem>>
      %dma_start3A = arith.constant 0 : i32
      %dma_start3A_39 = tpu.memref_slice %arg7[%add3A_13, %dma_start3A] : memref<10240x96xf32, #tpu.memory_space<vmem_shared>> -> memref<128x96xf32, #tpu.memory_space<vmem_shared>>
      %dma_start3A_40 = arith.constant 0 : i32
      %dma_start3A_41 = tpu.memref_slice %arg7[%add3A_13, %dma_start3A_40] : memref<10240x96xf32, #tpu.memory_space<vmem_shared>> -> memref<128x96xf32, #tpu.memory_space<vmem_shared>>
      tpu.enqueue_dma source(%arg13 : memref<128x96xf32, #tpu.memory_space<vmem>>) target(%dma_start3A_41 : memref<128x96xf32, #tpu.memory_space<vmem_shared>>) target_semaphore(%run_scoped3A : memref<!tpu.dma_semaphore, #tpu.memory_space<semaphore_mem>>)
      %dma_wait3A = arith.constant 0 : i32
      %dma_wait3A_42 = tpu.memref_slice %arg7[%add3A_13, %dma_wait3A] : memref<10240x96xf32, #tpu.memory_space<vmem_shared>> -> memref<128x96xf32, #tpu.memory_space<vmem_shared>>
      %dma_wait3A_43 = arith.constant 0 : i32
      %dma_wait3A_44 = tpu.memref_slice %arg7[%add3A_13, %dma_wait3A_43] : memref<10240x96xf32, #tpu.memory_space<vmem_shared>> -> memref<128x96xf32, #tpu.memory_space<vmem_shared>>
      tpu.wait_dma2 semaphore(%run_scoped3A : memref<!tpu.dma_semaphore, #tpu.memory_space<semaphore_mem>>) src(%arg13 : memref<128x96xf32, #tpu.memory_space<vmem>>) dst(%dma_wait3A_44 : memref<128x96xf32, #tpu.memory_space<vmem_shared>>)
      tpu.yield
    }) : () -> ()
    %mul3A_14 = arith.constant 640 : i32
    %mul3A_15 = arith.muli %arg1, %mul3A_14 : i32
    %add3A_16 = arith.constant 256 : i32
    %add3A_17 = arith.addi %mul3A_15, %add3A_16 : i32
    "tpu.region"() ({
      %run_scoped3A = tpu.sem_alloc : memref<!tpu.dma_semaphore, #tpu.memory_space<semaphore_mem>>
      %dma_start3A = arith.constant 0 : i32
      %dma_start3A_39 = tpu.memref_slice %arg7[%add3A_17, %dma_start3A] : memref<10240x96xf32, #tpu.memory_space<vmem_shared>> -> memref<128x96xf32, #tpu.memory_space<vmem_shared>>
      %dma_start3A_40 = arith.constant 0 : i32
      %dma_start3A_41 = tpu.memref_slice %arg7[%add3A_17, %dma_start3A_40] : memref<10240x96xf32, #tpu.memory_space<vmem_shared>> -> memref<128x96xf32, #tpu.memory_space<vmem_shared>>
      tpu.enqueue_dma source(%arg13 : memref<128x96xf32, #tpu.memory_space<vmem>>) target(%dma_start3A_41 : memref<128x96xf32, #tpu.memory_space<vmem_shared>>) target_semaphore(%run_scoped3A : memref<!tpu.dma_semaphore, #tpu.memory_space<semaphore_mem>>)
      %dma_wait3A = arith.constant 0 : i32
      %dma_wait3A_42 = tpu.memref_slice %arg7[%add3A_17, %dma_wait3A] : memref<10240x96xf32, #tpu.memory_space<vmem_shared>> -> memref<128x96xf32, #tpu.memory_space<vmem_shared>>
      %dma_wait3A_43 = arith.constant 0 : i32
      %dma_wait3A_44 = tpu.memref_slice %arg7[%add3A_17, %dma_wait3A_43] : memref<10240x96xf32, #tpu.memory_space<vmem_shared>> -> memref<128x96xf32, #tpu.memory_space<vmem_shared>>
      tpu.wait_dma2 semaphore(%run_scoped3A : memref<!tpu.dma_semaphore, #tpu.memory_space<semaphore_mem>>) src(%arg13 : memref<128x96xf32, #tpu.memory_space<vmem>>) dst(%dma_wait3A_44 : memref<128x96xf32, #tpu.memory_space<vmem_shared>>)
      tpu.yield
    }) : () -> ()
    %mul3A_18 = arith.constant 640 : i32
    %mul3A_19 = arith.muli %arg1, %mul3A_18 : i32
    %add3A_20 = arith.constant 384 : i32
    %add3A_21 = arith.addi %mul3A_19, %add3A_20 : i32
    "tpu.region"() ({
      %run_scoped3A = tpu.sem_alloc : memref<!tpu.dma_semaphore, #tpu.memory_space<semaphore_mem>>
      %dma_start3A = arith.constant 0 : i32
      %dma_start3A_39 = tpu.memref_slice %arg7[%add3A_21, %dma_start3A] : memref<10240x96xf32, #tpu.memory_space<vmem_shared>> -> memref<128x96xf32, #tpu.memory_space<vmem_shared>>
      %dma_start3A_40 = arith.constant 0 : i32
      %dma_start3A_41 = tpu.memref_slice %arg7[%add3A_21, %dma_start3A_40] : memref<10240x96xf32, #tpu.memory_space<vmem_shared>> -> memref<128x96xf32, #tpu.memory_space<vmem_shared>>
      tpu.enqueue_dma source(%arg13 : memref<128x96xf32, #tpu.memory_space<vmem>>) target(%dma_start3A_41 : memref<128x96xf32, #tpu.memory_space<vmem_shared>>) target_semaphore(%run_scoped3A : memref<!tpu.dma_semaphore, #tpu.memory_space<semaphore_mem>>)
      %dma_wait3A = arith.constant 0 : i32
      %dma_wait3A_42 = tpu.memref_slice %arg7[%add3A_21, %dma_wait3A] : memref<10240x96xf32, #tpu.memory_space<vmem_shared>> -> memref<128x96xf32, #tpu.memory_space<vmem_shared>>
      %dma_wait3A_43 = arith.constant 0 : i32
      %dma_wait3A_44 = tpu.memref_slice %arg7[%add3A_21, %dma_wait3A_43] : memref<10240x96xf32, #tpu.memory_space<vmem_shared>> -> memref<128x96xf32, #tpu.memory_space<vmem_shared>>
      tpu.wait_dma2 semaphore(%run_scoped3A : memref<!tpu.dma_semaphore, #tpu.memory_space<semaphore_mem>>) src(%arg13 : memref<128x96xf32, #tpu.memory_space<vmem>>) dst(%dma_wait3A_44 : memref<128x96xf32, #tpu.memory_space<vmem_shared>>)
      tpu.yield
    }) : () -> ()
    %mul3A_22 = arith.constant 640 : i32
    %mul3A_23 = arith.muli %arg1, %mul3A_22 : i32
    %add3A_24 = arith.constant 512 : i32
    %add3A_25 = arith.addi %mul3A_23, %add3A_24 : i32
    "tpu.region"() ({
      %run_scoped3A = tpu.sem_alloc : memref<!tpu.dma_semaphore, #tpu.memory_space<semaphore_mem>>
      %dma_start3A = arith.constant 0 : i32
      %dma_start3A_39 = tpu.memref_slice %arg7[%add3A_25, %dma_start3A] : memref<10240x96xf32, #tpu.memory_space<vmem_shared>> -> memref<128x96xf32, #tpu.memory_space<vmem_shared>>
      %dma_start3A_40 = arith.constant 0 : i32
      %dma_start3A_41 = tpu.memref_slice %arg7[%add3A_25, %dma_start3A_40] : memref<10240x96xf32, #tpu.memory_space<vmem_shared>> -> memref<128x96xf32, #tpu.memory_space<vmem_shared>>
      tpu.enqueue_dma source(%arg13 : memref<128x96xf32, #tpu.memory_space<vmem>>) target(%dma_start3A_41 : memref<128x96xf32, #tpu.memory_space<vmem_shared>>) target_semaphore(%run_scoped3A : memref<!tpu.dma_semaphore, #tpu.memory_space<semaphore_mem>>)
      %dma_wait3A = arith.constant 0 : i32
      %dma_wait3A_42 = tpu.memref_slice %arg7[%add3A_25, %dma_wait3A] : memref<10240x96xf32, #tpu.memory_space<vmem_shared>> -> memref<128x96xf32, #tpu.memory_space<vmem_shared>>
      %dma_wait3A_43 = arith.constant 0 : i32
      %dma_wait3A_44 = tpu.memref_slice %arg7[%add3A_25, %dma_wait3A_43] : memref<10240x96xf32, #tpu.memory_space<vmem_shared>> -> memref<128x96xf32, #tpu.memory_space<vmem_shared>>
      tpu.wait_dma2 semaphore(%run_scoped3A : memref<!tpu.dma_semaphore, #tpu.memory_space<semaphore_mem>>) src(%arg13 : memref<128x96xf32, #tpu.memory_space<vmem>>) dst(%dma_wait3A_44 : memref<128x96xf32, #tpu.memory_space<vmem_shared>>)
      tpu.yield
    }) : () -> ()
    %barrier3A = arith.constant 0 : index
    tpu.barrier barrier_id(%barrier3A)
    %mul3A_26 = arith.constant 10000 : i32
    %mul3A_27 = arith.muli %add3A, %mul3A_26 : i32
    %scan3A_28 = arith.constant 0 : i32
    %scan3A_29 = arith.constant 0 : i32
    %scan3A_30 = arith.constant 125 : i32
    %scan3A_31 = arith.addi %scan3A_29, %scan3A_30 : i32
    %scan3A_32 = arith.constant 1 : i32
    scf.for %scan3A_39 = %scan3A_29 to %scan3A_31 step %scan3A_32  : i32 {
      %mul3A_40 = arith.constant 80 : i32
      %mul3A_41 = arith.muli %scan3A_39, %mul3A_40 : i32
      %add3A_42 = arith.addi %mul3A_27, %mul3A_41 : i32
      %multiple_of3A = tpu.assume_multiple %add3A_42, 8 : i32
      %dma_start3A = arith.constant 0 : i32
      %dma_start3A_43 = tpu.memref_slice %arg3[%multiple_of3A, %dma_start3A] : memref<320000x80xf32, #tpu.memory_space<hbm>> -> memref<80x80xf32, #tpu.memory_space<hbm>>
      %dma_start3A_44 = arith.constant 0 : i32
      %dma_start3A_45 = tpu.memref_slice %arg3[%multiple_of3A, %dma_start3A_44] : memref<320000x80xf32, #tpu.memory_space<hbm>> -> memref<80x80xf32, #tpu.memory_space<hbm>>
      tpu.enqueue_dma source(%dma_start3A_45 : memref<80x80xf32, #tpu.memory_space<hbm>>) target(%arg11 : memref<80x80xf32, #tpu.memory_space<vmem>>) target_semaphore(%arg15 : memref<!tpu.dma_semaphore, #tpu.memory_space<semaphore_mem>>)
      "tpu.region"() ({
        %run_scoped3A = tpu.sem_alloc : memref<!tpu.dma_semaphore, #tpu.memory_space<semaphore_mem>>
        %dma_start3A_61 = tpu.memref_slice %arg4[%multiple_of3A] : memref<320000xi32, #tpu.memory_space<hbm>> -> memref<80xi32, #tpu.memory_space<hbm>>
        %dma_start3A_62 = tpu.memref_slice %arg4[%multiple_of3A] : memref<320000xi32, #tpu.memory_space<hbm>> -> memref<80xi32, #tpu.memory_space<hbm>>
        tpu.enqueue_dma source(%dma_start3A_62 : memref<80xi32, #tpu.memory_space<hbm>>) target(%arg8 : memref<80xi32, #tpu.memory_space<vmem>>) target_semaphore(%run_scoped3A : memref<!tpu.dma_semaphore, #tpu.memory_space<semaphore_mem>>)
        %dma_wait3A_63 = tpu.memref_slice %arg4[%multiple_of3A] : memref<320000xi32, #tpu.memory_space<hbm>> -> memref<80xi32, #tpu.memory_space<hbm>>
        %dma_wait3A_64 = tpu.memref_slice %arg4[%multiple_of3A] : memref<320000xi32, #tpu.memory_space<hbm>> -> memref<80xi32, #tpu.memory_space<hbm>>
        tpu.wait_dma2 semaphore(%run_scoped3A : memref<!tpu.dma_semaphore, #tpu.memory_space<semaphore_mem>>) src(%dma_wait3A_64 : memref<80xi32, #tpu.memory_space<hbm>>) dst(%arg8 : memref<80xi32, #tpu.memory_space<vmem>>)
        tpu.yield
      }) : () -> ()
      "tpu.region"() ({
        %run_scoped3A = tpu.sem_alloc : memref<!tpu.dma_semaphore, #tpu.memory_space<semaphore_mem>>
        %dma_start3A_61 = tpu.memref_slice %arg5[%multiple_of3A] : memref<320000xi32, #tpu.memory_space<hbm>> -> memref<80xi32, #tpu.memory_space<hbm>>
        %dma_start3A_62 = tpu.memref_slice %arg5[%multiple_of3A] : memref<320000xi32, #tpu.memory_space<hbm>> -> memref<80xi32, #tpu.memory_space<hbm>>
        tpu.enqueue_dma source(%dma_start3A_62 : memref<80xi32, #tpu.memory_space<hbm>>) target(%arg9 : memref<80xi32, #tpu.memory_space<vmem>>) target_semaphore(%run_scoped3A : memref<!tpu.dma_semaphore, #tpu.memory_space<semaphore_mem>>)
        %dma_wait3A_63 = tpu.memref_slice %arg5[%multiple_of3A] : memref<320000xi32, #tpu.memory_space<hbm>> -> memref<80xi32, #tpu.memory_space<hbm>>
        %dma_wait3A_64 = tpu.memref_slice %arg5[%multiple_of3A] : memref<320000xi32, #tpu.memory_space<hbm>> -> memref<80xi32, #tpu.memory_space<hbm>>
        tpu.wait_dma2 semaphore(%run_scoped3A : memref<!tpu.dma_semaphore, #tpu.memory_space<semaphore_mem>>) src(%dma_wait3A_64 : memref<80xi32, #tpu.memory_space<hbm>>) dst(%arg9 : memref<80xi32, #tpu.memory_space<vmem>>)
        tpu.yield
      }) : () -> ()
      %dma_start3A_46 = arith.constant 0 : i32
      %dma_start3A_47 = arith.constant 0 : i32
      %dma_start3A_48 = tpu.memref_slice %arg2[%dma_start3A_46, %dma_start3A_47] : memref<10000x128xf32, #tpu.memory_space<hbm>> -> memref<10000x128xf32, #tpu.memory_space<hbm>>
      tpu.enqueue_indirect_dma source(%dma_start3A_48 : memref<10000x128xf32, #tpu.memory_space<hbm>>) target(%arg10 : memref<80x128xf32, #tpu.memory_space<vmem>>) offsets(%arg8 : memref<80xi32, #tpu.memory_space<vmem>>) semaphore(%arg14 : memref<!tpu.dma_semaphore, #tpu.memory_space<semaphore_mem>>)
      %dma_wait3A = arith.constant 0 : i32
      %dma_wait3A_49 = arith.constant 0 : i32
      %dma_wait3A_50 = tpu.memref_slice %arg2[%dma_wait3A, %dma_wait3A_49] : memref<10000x128xf32, #tpu.memory_space<hbm>> -> memref<10000x128xf32, #tpu.memory_space<hbm>>
      tpu.wait_indirect_dma semaphore(%arg14 : memref<!tpu.dma_semaphore, #tpu.memory_space<semaphore_mem>>) src(%dma_wait3A_50 : memref<10000x128xf32, #tpu.memory_space<hbm>>) dst(%arg10 : memref<80x128xf32, #tpu.memory_space<vmem>>)
      %dma_wait3A_51 = arith.constant 0 : i32
      %dma_wait3A_52 = tpu.memref_slice %arg3[%multiple_of3A, %dma_wait3A_51] : memref<320000x80xf32, #tpu.memory_space<hbm>> -> memref<80x80xf32, #tpu.memory_space<hbm>>
      %dma_wait3A_53 = arith.constant 0 : i32
      %dma_wait3A_54 = tpu.memref_slice %arg3[%multiple_of3A, %dma_wait3A_53] : memref<320000x80xf32, #tpu.memory_space<hbm>> -> memref<80x80xf32, #tpu.memory_space<hbm>>
      tpu.wait_dma2 semaphore(%arg15 : memref<!tpu.dma_semaphore, #tpu.memory_space<semaphore_mem>>) src(%dma_wait3A_54 : memref<80x80xf32, #tpu.memory_space<hbm>>) dst(%arg11 : memref<80x80xf32, #tpu.memory_space<vmem>>)
      %scan3A_55 = arith.constant 0 : i32
      %scan3A_56 = arith.constant 0 : i32
      %scan3A_57 = arith.constant 80 : i32
      %scan3A_58 = arith.addi %scan3A_56, %scan3A_57 : i32
      %scan3A_59 = arith.constant 1 : i32
      scf.for %scan3A_61 = %scan3A_56 to %scan3A_58 step %scan3A_59  : i32 {
        %get3A = arith.index_cast %scan3A_61 : i32 to index
        %get3A_62 = arith.constant 0 : index
        %get3A_63 = tpu.vector_load %arg11[%get3A, %get3A_62] {strides = array<i32>} : memref<80x80xf32, #tpu.memory_space<vmem>>, vector<1x16xf32>,
        %get3A_64 = vector.shape_cast %get3A_63 : vector<1x16xf32> to vector<16xf32>
        %get3A_65 = arith.index_cast %scan3A_61 : i32 to index
        %get3A_66 = arith.constant 0 : index
        %get3A_67 = tpu.vector_load %arg10[%get3A_65, %get3A_66] {strides = array<i32>} : memref<80x128xf32, #tpu.memory_space<vmem>>, vector<1x16xf32>,
        %get3A_68 = vector.shape_cast %get3A_67 : vector<1x16xf32> to vector<16xf32>
        %mul3A_69 = arith.mulf %get3A_64, %get3A_68 : vector<16xf32>
        %get3A_70 = arith.index_cast %scan3A_61 : i32 to index
        %get3A_71 = arith.constant 16 : index
        %get3A_72 = tpu.vector_load %arg11[%get3A_70, %get3A_71] {strides = array<i32>} : memref<80x80xf32, #tpu.memory_space<vmem>>, vector<1x16xf32>,
        %get3A_73 = vector.shape_cast %get3A_72 : vector<1x16xf32> to vector<16xf32>
        %get3A_74 = arith.index_cast %scan3A_61 : i32 to index
        %get3A_75 = arith.constant 16 : index
        %get3A_76 = tpu.vector_load %arg10[%get3A_74, %get3A_75] {strides = array<i32>} : memref<80x128xf32, #tpu.memory_space<vmem>>, vector<1x16xf32>,
        %get3A_77 = vector.shape_cast %get3A_76 : vector<1x16xf32> to vector<16xf32>
        %mul3A_78 = arith.mulf %get3A_73, %get3A_77 : vector<16xf32>
        %get3A_79 = arith.index_cast %scan3A_61 : i32 to index
        %get3A_80 = arith.constant 32 : index
        %get3A_81 = tpu.vector_load %arg11[%get3A_79, %get3A_80] {strides = array<i32>} : memref<80x80xf32, #tpu.memory_space<vmem>>, vector<1x16xf32>,
        %get3A_82 = vector.shape_cast %get3A_81 : vector<1x16xf32> to vector<16xf32>
        %get3A_83 = arith.index_cast %scan3A_61 : i32 to index
        %get3A_84 = arith.constant 48 : index
        %get3A_85 = tpu.vector_load %arg11[%get3A_83, %get3A_84] {strides = array<i32>} : memref<80x80xf32, #tpu.memory_space<vmem>>, vector<1x16xf32>,
        %get3A_86 = vector.shape_cast %get3A_85 : vector<1x16xf32> to vector<16xf32>
        %get3A_87 = arith.index_cast %scan3A_61 : i32 to index
        %get3A_88 = arith.constant 64 : index
        %get3A_89 = tpu.vector_load %arg11[%get3A_87, %get3A_88] {strides = array<i32>} : memref<80x80xf32, #tpu.memory_space<vmem>>, vector<1x16xf32>,
        %get3A_90 = vector.shape_cast %get3A_89 : vector<1x16xf32> to vector<16xf32>
        %get3A_91 = arith.index_cast %scan3A_61 : i32 to index
        %get3A_92 = arith.constant 32 : index
        %get3A_93 = tpu.vector_load %arg10[%get3A_91, %get3A_92] {strides = array<i32>} : memref<80x128xf32, #tpu.memory_space<vmem>>, vector<1x16xf32>,
        %get3A_94 = vector.shape_cast %get3A_93 : vector<1x16xf32> to vector<16xf32>
        %get3A_95 = arith.index_cast %scan3A_61 : i32 to index
        %get3A_96 = arith.constant 48 : index
        %get3A_97 = tpu.vector_load %arg10[%get3A_95, %get3A_96] {strides = array<i32>} : memref<80x128xf32, #tpu.memory_space<vmem>>, vector<1x16xf32>,
        %get3A_98 = vector.shape_cast %get3A_97 : vector<1x16xf32> to vector<16xf32>
        %slice3A = vector.extract_strided_slice %get3A_90 {offsets = [0], sizes = [1], strides = [1]} : vector<16xf32> to vector<1xf32>
        %squeeze3A = vector.extract %slice3A[0] : f32 from vector<1xf32>
        %mul3A_99 = vector.broadcast %squeeze3A : f32 to vector<16xf32>
        %mul3A_100 = arith.mulf %mul3A_69, %mul3A_99 : vector<16xf32>
        %mul3A_101 = arith.mulf %get3A_82, %get3A_94 : vector<16xf32>
        %add3A_102 = arith.addf %mul3A_100, %mul3A_101 : vector<16xf32>
        %swap3A = arith.index_cast %scan3A_61 : i32 to index
        %swap3A_103 = arith.constant 0 : index
        %swap3A_104 = tpu.vector_load %arg12[%swap3A, %swap3A_103] {strides = array<i32>} : memref<80x96xf32, #tpu.memory_space<vmem>>, vector<1x16xf32>,
        %swap3A_105 = vector.shape_cast %swap3A_104 : vector<1x16xf32> to vector<16xf32>
        %swap3A_106 = vector.shape_cast %add3A_102 : vector<16xf32> to vector<1x16xf32>
        tpu.vector_store %arg12[%swap3A, %swap3A_103], %swap3A_106 {strides = array<i32>} : memref<80x96xf32, #tpu.memory_space<vmem>>, vector<1x16xf32>,
        %slice3A_107 = vector.extract_strided_slice %get3A_90 {offsets = [0], sizes = [1], strides = [1]} : vector<16xf32> to vector<1xf32>
        %squeeze3A_108 = vector.extract %slice3A_107[0] : f32 from vector<1xf32>
        %mul3A_109 = vector.broadcast %squeeze3A_108 : f32 to vector<16xf32>
        %mul3A_110 = arith.mulf %mul3A_78, %mul3A_109 : vector<16xf32>
        %mul3A_111 = arith.mulf %get3A_86, %get3A_98 : vector<16xf32>
        %add3A_112 = arith.addf %mul3A_110, %mul3A_111 : vector<16xf32>
        %swap3A_113 = arith.index_cast %scan3A_61 : i32 to index
        %swap3A_114 = arith.constant 16 : index
        %swap3A_115 = tpu.vector_load %arg12[%swap3A_113, %swap3A_114] {strides = array<i32>} : memref<80x96xf32, #tpu.memory_space<vmem>>, vector<1x16xf32>,
        %swap3A_116 = vector.shape_cast %swap3A_115 : vector<1x16xf32> to vector<16xf32>
        %swap3A_117 = vector.shape_cast %add3A_112 : vector<16xf32> to vector<1x16xf32>
        tpu.vector_store %arg12[%swap3A_113, %swap3A_114], %swap3A_117 {strides = array<i32>} : memref<80x96xf32, #tpu.memory_space<vmem>>, vector<1x16xf32>,
        %get3A_118 = arith.index_cast %scan3A_61 : i32 to index
        %get3A_119 = arith.constant 64 : index
        %get3A_120 = tpu.vector_load %arg10[%get3A_118, %get3A_119] {strides = array<i32>} : memref<80x128xf32, #tpu.memory_space<vmem>>, vector<1x16xf32>,
        %get3A_121 = vector.shape_cast %get3A_120 : vector<1x16xf32> to vector<16xf32>
        %get3A_122 = arith.index_cast %scan3A_61 : i32 to index
        %get3A_123 = arith.constant 80 : index
        %get3A_124 = tpu.vector_load %arg10[%get3A_122, %get3A_123] {strides = array<i32>} : memref<80x128xf32, #tpu.memory_space<vmem>>, vector<1x16xf32>,
        %get3A_125 = vector.shape_cast %get3A_124 : vector<1x16xf32> to vector<16xf32>
        %slice3A_126 = vector.extract_strided_slice %get3A_90 {offsets = [1], sizes = [1], strides = [1]} : vector<16xf32> to vector<1xf32>
        %squeeze3A_127 = vector.extract %slice3A_126[0] : f32 from vector<1xf32>
        %mul3A_128 = vector.broadcast %squeeze3A_127 : f32 to vector<16xf32>
        %mul3A_129 = arith.mulf %mul3A_69, %mul3A_128 : vector<16xf32>
        %mul3A_130 = arith.mulf %get3A_82, %get3A_121 : vector<16xf32>
        %add3A_131 = arith.addf %mul3A_129, %mul3A_130 : vector<16xf32>
        %swap3A_132 = arith.index_cast %scan3A_61 : i32 to index
        %swap3A_133 = arith.constant 32 : index
        %swap3A_134 = tpu.vector_load %arg12[%swap3A_132, %swap3A_133] {strides = array<i32>} : memref<80x96xf32, #tpu.memory_space<vmem>>, vector<1x16xf32>,
        %swap3A_135 = vector.shape_cast %swap3A_134 : vector<1x16xf32> to vector<16xf32>
        %swap3A_136 = vector.shape_cast %add3A_131 : vector<16xf32> to vector<1x16xf32>
        tpu.vector_store %arg12[%swap3A_132, %swap3A_133], %swap3A_136 {strides = array<i32>} : memref<80x96xf32, #tpu.memory_space<vmem>>, vector<1x16xf32>,
        %slice3A_137 = vector.extract_strided_slice %get3A_90 {offsets = [1], sizes = [1], strides = [1]} : vector<16xf32> to vector<1xf32>
        %squeeze3A_138 = vector.extract %slice3A_137[0] : f32 from vector<1xf32>
        %mul3A_139 = vector.broadcast %squeeze3A_138 : f32 to vector<16xf32>
        %mul3A_140 = arith.mulf %mul3A_78, %mul3A_139 : vector<16xf32>
        %mul3A_141 = arith.mulf %get3A_86, %get3A_125 : vector<16xf32>
        %add3A_142 = arith.addf %mul3A_140, %mul3A_141 : vector<16xf32>
        %swap3A_143 = arith.index_cast %scan3A_61 : i32 to index
        %swap3A_144 = arith.constant 48 : index
        %swap3A_145 = tpu.vector_load %arg12[%swap3A_143, %swap3A_144] {strides = array<i32>} : memref<80x96xf32, #tpu.memory_space<vmem>>, vector<1x16xf32>,
        %swap3A_146 = vector.shape_cast %swap3A_145 : vector<1x16xf32> to vector<16xf32>
        %swap3A_147 = vector.shape_cast %add3A_142 : vector<16xf32> to vector<1x16xf32>
        tpu.vector_store %arg12[%swap3A_143, %swap3A_144], %swap3A_147 {strides = array<i32>} : memref<80x96xf32, #tpu.memory_space<vmem>>, vector<1x16xf32>,
        %get3A_148 = arith.index_cast %scan3A_61 : i32 to index
        %get3A_149 = arith.constant 96 : index
        %get3A_150 = tpu.vector_load %arg10[%get3A_148, %get3A_149] {strides = array<i32>} : memref<80x128xf32, #tpu.memory_space<vmem>>, vector<1x16xf32>,
        %get3A_151 = vector.shape_cast %get3A_150 : vector<1x16xf32> to vector<16xf32>
        %get3A_152 = arith.index_cast %scan3A_61 : i32 to index
        %get3A_153 = arith.constant 112 : index
        %get3A_154 = tpu.vector_load %arg10[%get3A_152, %get3A_153] {strides = array<i32>} : memref<80x128xf32, #tpu.memory_space<vmem>>, vector<1x16xf32>,
        %get3A_155 = vector.shape_cast %get3A_154 : vector<1x16xf32> to vector<16xf32>
        %slice3A_156 = vector.extract_strided_slice %get3A_90 {offsets = [2], sizes = [1], strides = [1]} : vector<16xf32> to vector<1xf32>
        %squeeze3A_157 = vector.extract %slice3A_156[0] : f32 from vector<1xf32>
        %mul3A_158 = vector.broadcast %squeeze3A_157 : f32 to vector<16xf32>
        %mul3A_159 = arith.mulf %mul3A_69, %mul3A_158 : vector<16xf32>
        %mul3A_160 = arith.mulf %get3A_82, %get3A_151 : vector<16xf32>
        %add3A_161 = arith.addf %mul3A_159, %mul3A_160 : vector<16xf32>
        %swap3A_162 = arith.index_cast %scan3A_61 : i32 to index
        %swap3A_163 = arith.constant 64 : index
        %swap3A_164 = tpu.vector_load %arg12[%swap3A_162, %swap3A_163] {strides = array<i32>} : memref<80x96xf32, #tpu.memory_space<vmem>>, vector<1x16xf32>,
        %swap3A_165 = vector.shape_cast %swap3A_164 : vector<1x16xf32> to vector<16xf32>
        %swap3A_166 = vector.shape_cast %add3A_161 : vector<16xf32> to vector<1x16xf32>
        tpu.vector_store %arg12[%swap3A_162, %swap3A_163], %swap3A_166 {strides = array<i32>} : memref<80x96xf32, #tpu.memory_space<vmem>>, vector<1x16xf32>,
        %slice3A_167 = vector.extract_strided_slice %get3A_90 {offsets = [2], sizes = [1], strides = [1]} : vector<16xf32> to vector<1xf32>
        %squeeze3A_168 = vector.extract %slice3A_167[0] : f32 from vector<1xf32>
        %mul3A_169 = vector.broadcast %squeeze3A_168 : f32 to vector<16xf32>
        %mul3A_170 = arith.mulf %mul3A_78, %mul3A_169 : vector<16xf32>
        %mul3A_171 = arith.mulf %get3A_86, %get3A_155 : vector<16xf32>
        %add3A_172 = arith.addf %mul3A_170, %mul3A_171 : vector<16xf32>
        %swap3A_173 = arith.index_cast %scan3A_61 : i32 to index
        %swap3A_174 = arith.constant 80 : index
        %swap3A_175 = tpu.vector_load %arg12[%swap3A_173, %swap3A_174] {strides = array<i32>} : memref<80x96xf32, #tpu.memory_space<vmem>>, vector<1x16xf32>,
        %swap3A_176 = vector.shape_cast %swap3A_175 : vector<1x16xf32> to vector<16xf32>
        %swap3A_177 = vector.shape_cast %add3A_172 : vector<16xf32> to vector<1x16xf32>
        tpu.vector_store %arg12[%swap3A_173, %swap3A_174], %swap3A_177 {strides = array<i32>} : memref<80x96xf32, #tpu.memory_space<vmem>>, vector<1x16xf32>,
      }
      %scan3A_60 = arith.constant 80 : i32
      "tpu.region"() ({
        %run_scoped3A = tpu.sem_alloc : memref<!tpu.dma_semaphore, #tpu.memory_space<semaphore_mem>>
        %dma_start3A_61 = arith.constant 0 : i32
        %dma_start3A_62 = arith.constant 0 : i32
        %dma_start3A_63 = tpu.memref_slice %arg7[%dma_start3A_61, %dma_start3A_62] : memref<10240x96xf32, #tpu.memory_space<vmem_shared>> -> memref<10240x96xf32, #tpu.memory_space<vmem_shared>>
        tpu.enqueue_indirect_dma source(%arg12 : memref<80x96xf32, #tpu.memory_space<vmem>>) target(%dma_start3A_63 : memref<10240x96xf32, #tpu.memory_space<vmem_shared>>) offsets(%arg9 : memref<80xi32, #tpu.memory_space<vmem>>) semaphore(%run_scoped3A : memref<!tpu.dma_semaphore, #tpu.memory_space<semaphore_mem>>) {add = true}
        %dma_wait3A_64 = arith.constant 0 : i32
        %dma_wait3A_65 = arith.constant 0 : i32
        %dma_wait3A_66 = tpu.memref_slice %arg7[%dma_wait3A_64, %dma_wait3A_65] : memref<10240x96xf32, #tpu.memory_space<vmem_shared>> -> memref<10240x96xf32, #tpu.memory_space<vmem_shared>>
        tpu.wait_indirect_dma semaphore(%run_scoped3A : memref<!tpu.dma_semaphore, #tpu.memory_space<semaphore_mem>>) src(%arg12 : memref<80x96xf32, #tpu.memory_space<vmem>>) dst(%dma_wait3A_66 : memref<10240x96xf32, #tpu.memory_space<vmem_shared>>)
        tpu.yield
      }) : () -> ()
    }
    %scan3A_33 = arith.constant 125 : i32
    %barrier3A_34 = arith.constant 0 : index
    tpu.barrier barrier_id(%barrier3A_34)
    %mul3A_35 = arith.constant 640 : i32
    %mul3A_36 = arith.muli %arg1, %mul3A_35 : i32
    %mul3A_37 = arith.constant 640 : i32
    %mul3A_38 = arith.muli %arg1, %mul3A_37 : i32
    "tpu.region"() ({
      %run_scoped3A = tpu.sem_alloc : memref<!tpu.dma_semaphore, #tpu.memory_space<semaphore_mem>>
      %dma_start3A = arith.constant 0 : i32
      %dma_start3A_39 = tpu.memref_slice %arg6[%arg0, %mul3A_38, %dma_start3A] : memref<2x10240x96xf32, #tpu.memory_space<hbm>> -> memref<1x640x96xf32, #tpu.memory_space<hbm>>
      %dma_start3A_40 = tpu.memref_squeeze %dma_start3A_39 : memref<1x640x96xf32, #tpu.memory_space<hbm>> -> memref<640x96xf32, #tpu.memory_space<hbm>>
      %dma_start3A_41 = arith.constant 0 : i32
      %dma_start3A_42 = tpu.memref_slice %arg7[%mul3A_36, %dma_start3A_41] : memref<10240x96xf32, #tpu.memory_space<vmem_shared>> -> memref<640x96xf32, #tpu.memory_space<vmem_shared>>
      tpu.enqueue_dma source(%dma_start3A_42 : memref<640x96xf32, #tpu.memory_space<vmem_shared>>) target(%dma_start3A_40 : memref<640x96xf32, #tpu.memory_space<hbm>>) target_semaphore(%run_scoped3A : memref<!tpu.dma_semaphore, #tpu.memory_space<semaphore_mem>>)
      %dma_wait3A = arith.constant 0 : i32
      %dma_wait3A_43 = tpu.memref_slice %arg6[%arg0, %mul3A_38, %dma_wait3A] : memref<2x10240x96xf32, #tpu.memory_space<hbm>> -> memref<1x640x96xf32, #tpu.memory_space<hbm>>
      %dma_wait3A_44 = tpu.memref_squeeze %dma_wait3A_43 : memref<1x640x96xf32, #tpu.memory_space<hbm>> -> memref<640x96xf32, #tpu.memory_space<hbm>>
      %dma_wait3A_45 = arith.constant 0 : i32
      %dma_wait3A_46 = tpu.memref_slice %arg7[%mul3A_36, %dma_wait3A_45] : memref<10240x96xf32, #tpu.memory_space<vmem_shared>> -> memref<640x96xf32, #tpu.memory_space<vmem_shared>>
      tpu.wait_dma2 semaphore(%run_scoped3A : memref<!tpu.dma_semaphore, #tpu.memory_space<semaphore_mem>>) src(%dma_wait3A_46 : memref<640x96xf32, #tpu.memory_space<vmem_shared>>) dst(%dma_wait3A_44 : memref<640x96xf32, #tpu.memory_space<hbm>>)
      tpu.yield
    }) : () -> ()
    return
  }
}

#map = affine_map<(d0, d1) -> (0, 0)>
#map1 = affine_map<(d0, d1) -> (0)>
module attributes {stable_mosaic.version = 14 : i64} {
  func.func @_sc_gather_pos(%arg0: i32, %arg1: i32, %arg2: memref<10000x16xf32, #tpu.memory_space<hbm>>, %arg3: memref<320000xi32, #tpu.memory_space<hbm>>, %arg4: memref<320000xi32, #tpu.memory_space<hbm>>, %arg5: memref<320000x16xf32, #tpu.memory_space<hbm>>, %arg6: memref<320000x16xf32, #tpu.memory_space<hbm>>, %arg7: memref<80xi32, #tpu.memory_space<vmem>>, %arg8: memref<80xi32, #tpu.memory_space<vmem>>, %arg9: memref<80x16xf32, #tpu.memory_space<vmem>>, %arg10: memref<80x16xf32, #tpu.memory_space<vmem>>, %arg11: memref<!tpu.dma_semaphore, #tpu.memory_space<semaphore_mem>>, %arg12: memref<!tpu.dma_semaphore, #tpu.memory_space<semaphore_mem>>) attributes {dimension_semantics = [#tpu.dimension_semantics<core_parallel>, #tpu.dimension_semantics<subcore_parallel>], iteration_bounds = array<i64: 2, 16>, scalar_prefetch = 0 : i64, scratch_operands = 6 : i64, tpu.core_type = #tpu.core_type<sc_vector_subcore>, window_params = [{transform_indices = #map}, {transform_indices = #map1}, {transform_indices = #map1}, {transform_indices = #map}, {transform_indices = #map}]} {
    %mul3A = arith.constant 16 : i32
    %mul3A_0 = arith.muli %arg0, %mul3A : i32
    %add3A = arith.addi %mul3A_0, %arg1 : i32
    %mul3A_1 = arith.constant 10000 : i32
    %mul3A_2 = arith.muli %add3A, %mul3A_1 : i32
    %scan3A = arith.constant 0 : i32
    %scan3A_3 = arith.constant 0 : i32
    %scan3A_4 = arith.constant 125 : i32
    %scan3A_5 = arith.addi %scan3A_3, %scan3A_4 : i32
    %scan3A_6 = arith.constant 1 : i32
    scf.for %scan3A_8 = %scan3A_3 to %scan3A_5 step %scan3A_6  : i32 {
      %mul3A_9 = arith.constant 80 : i32
      %mul3A_10 = arith.muli %scan3A_8, %mul3A_9 : i32
      %add3A_11 = arith.addi %mul3A_2, %mul3A_10 : i32
      %multiple_of3A = tpu.assume_multiple %add3A_11, 8 : i32
      "tpu.region"() ({
        %run_scoped3A = tpu.sem_alloc : memref<!tpu.dma_semaphore, #tpu.memory_space<semaphore_mem>>
        %dma_start3A_22 = tpu.memref_slice %arg3[%multiple_of3A] : memref<320000xi32, #tpu.memory_space<hbm>> -> memref<80xi32, #tpu.memory_space<hbm>>
        %dma_start3A_23 = tpu.memref_slice %arg3[%multiple_of3A] : memref<320000xi32, #tpu.memory_space<hbm>> -> memref<80xi32, #tpu.memory_space<hbm>>
        tpu.enqueue_dma source(%dma_start3A_23 : memref<80xi32, #tpu.memory_space<hbm>>) target(%arg7 : memref<80xi32, #tpu.memory_space<vmem>>) target_semaphore(%run_scoped3A : memref<!tpu.dma_semaphore, #tpu.memory_space<semaphore_mem>>)
        %dma_wait3A_24 = tpu.memref_slice %arg3[%multiple_of3A] : memref<320000xi32, #tpu.memory_space<hbm>> -> memref<80xi32, #tpu.memory_space<hbm>>
        %dma_wait3A_25 = tpu.memref_slice %arg3[%multiple_of3A] : memref<320000xi32, #tpu.memory_space<hbm>> -> memref<80xi32, #tpu.memory_space<hbm>>
        tpu.wait_dma2 semaphore(%run_scoped3A : memref<!tpu.dma_semaphore, #tpu.memory_space<semaphore_mem>>) src(%dma_wait3A_25 : memref<80xi32, #tpu.memory_space<hbm>>) dst(%arg7 : memref<80xi32, #tpu.memory_space<vmem>>)
        tpu.yield
      }) : () -> ()
      %dma_start3A = arith.constant 0 : i32
      %dma_start3A_12 = arith.constant 0 : i32
      %dma_start3A_13 = tpu.memref_slice %arg2[%dma_start3A, %dma_start3A_12] : memref<10000x16xf32, #tpu.memory_space<hbm>> -> memref<10000x16xf32, #tpu.memory_space<hbm>>
      tpu.enqueue_indirect_dma source(%dma_start3A_13 : memref<10000x16xf32, #tpu.memory_space<hbm>>) target(%arg9 : memref<80x16xf32, #tpu.memory_space<vmem>>) offsets(%arg7 : memref<80xi32, #tpu.memory_space<vmem>>) semaphore(%arg11 : memref<!tpu.dma_semaphore, #tpu.memory_space<semaphore_mem>>)
      "tpu.region"() ({
        %run_scoped3A = tpu.sem_alloc : memref<!tpu.dma_semaphore, #tpu.memory_space<semaphore_mem>>
        %dma_start3A_22 = tpu.memref_slice %arg4[%multiple_of3A] : memref<320000xi32, #tpu.memory_space<hbm>> -> memref<80xi32, #tpu.memory_space<hbm>>
        %dma_start3A_23 = tpu.memref_slice %arg4[%multiple_of3A] : memref<320000xi32, #tpu.memory_space<hbm>> -> memref<80xi32, #tpu.memory_space<hbm>>
        tpu.enqueue_dma source(%dma_start3A_23 : memref<80xi32, #tpu.memory_space<hbm>>) target(%arg8 : memref<80xi32, #tpu.memory_space<vmem>>) target_semaphore(%run_scoped3A : memref<!tpu.dma_semaphore, #tpu.memory_space<semaphore_mem>>)
        %dma_wait3A_24 = tpu.memref_slice %arg4[%multiple_of3A] : memref<320000xi32, #tpu.memory_space<hbm>> -> memref<80xi32, #tpu.memory_space<hbm>>
        %dma_wait3A_25 = tpu.memref_slice %arg4[%multiple_of3A] : memref<320000xi32, #tpu.memory_space<hbm>> -> memref<80xi32, #tpu.memory_space<hbm>>
        tpu.wait_dma2 semaphore(%run_scoped3A : memref<!tpu.dma_semaphore, #tpu.memory_space<semaphore_mem>>) src(%dma_wait3A_25 : memref<80xi32, #tpu.memory_space<hbm>>) dst(%arg8 : memref<80xi32, #tpu.memory_space<vmem>>)
        tpu.yield
      }) : () -> ()
      %dma_start3A_14 = arith.constant 0 : i32
      %dma_start3A_15 = arith.constant 0 : i32
      %dma_start3A_16 = tpu.memref_slice %arg2[%dma_start3A_14, %dma_start3A_15] : memref<10000x16xf32, #tpu.memory_space<hbm>> -> memref<10000x16xf32, #tpu.memory_space<hbm>>
      tpu.enqueue_indirect_dma source(%dma_start3A_16 : memref<10000x16xf32, #tpu.memory_space<hbm>>) target(%arg10 : memref<80x16xf32, #tpu.memory_space<vmem>>) offsets(%arg8 : memref<80xi32, #tpu.memory_space<vmem>>) semaphore(%arg12 : memref<!tpu.dma_semaphore, #tpu.memory_space<semaphore_mem>>)
      %dma_wait3A = arith.constant 0 : i32
      %dma_wait3A_17 = arith.constant 0 : i32
      %dma_wait3A_18 = tpu.memref_slice %arg2[%dma_wait3A, %dma_wait3A_17] : memref<10000x16xf32, #tpu.memory_space<hbm>> -> memref<10000x16xf32, #tpu.memory_space<hbm>>
      tpu.wait_indirect_dma semaphore(%arg11 : memref<!tpu.dma_semaphore, #tpu.memory_space<semaphore_mem>>) src(%dma_wait3A_18 : memref<10000x16xf32, #tpu.memory_space<hbm>>) dst(%arg9 : memref<80x16xf32, #tpu.memory_space<vmem>>)
      "tpu.region"() ({
        %run_scoped3A = tpu.sem_alloc : memref<!tpu.dma_semaphore, #tpu.memory_space<semaphore_mem>>
        %dma_start3A_22 = arith.constant 0 : i32
        %dma_start3A_23 = tpu.memref_slice %arg5[%multiple_of3A, %dma_start3A_22] : memref<320000x16xf32, #tpu.memory_space<hbm>> -> memref<80x16xf32, #tpu.memory_space<hbm>>
        %dma_start3A_24 = arith.constant 0 : i32
        %dma_start3A_25 = tpu.memref_slice %arg5[%multiple_of3A, %dma_start3A_24] : memref<320000x16xf32, #tpu.memory_space<hbm>> -> memref<80x16xf32, #tpu.memory_space<hbm>>
        tpu.enqueue_dma source(%arg9 : memref<80x16xf32, #tpu.memory_space<vmem>>) target(%dma_start3A_25 : memref<80x16xf32, #tpu.memory_space<hbm>>) target_semaphore(%run_scoped3A : memref<!tpu.dma_semaphore, #tpu.memory_space<semaphore_mem>>)
        %dma_wait3A_26 = arith.constant 0 : i32
        %dma_wait3A_27 = tpu.memref_slice %arg5[%multiple_of3A, %dma_wait3A_26] : memref<320000x16xf32, #tpu.memory_space<hbm>> -> memref<80x16xf32, #tpu.memory_space<hbm>>
        %dma_wait3A_28 = arith.constant 0 : i32
        %dma_wait3A_29 = tpu.memref_slice %arg5[%multiple_of3A, %dma_wait3A_28] : memref<320000x16xf32, #tpu.memory_space<hbm>> -> memref<80x16xf32, #tpu.memory_space<hbm>>
        tpu.wait_dma2 semaphore(%run_scoped3A : memref<!tpu.dma_semaphore, #tpu.memory_space<semaphore_mem>>) src(%arg9 : memref<80x16xf32, #tpu.memory_space<vmem>>) dst(%dma_wait3A_29 : memref<80x16xf32, #tpu.memory_space<hbm>>)
        tpu.yield
      }) : () -> ()
      %dma_wait3A_19 = arith.constant 0 : i32
      %dma_wait3A_20 = arith.constant 0 : i32
      %dma_wait3A_21 = tpu.memref_slice %arg2[%dma_wait3A_19, %dma_wait3A_20] : memref<10000x16xf32, #tpu.memory_space<hbm>> -> memref<10000x16xf32, #tpu.memory_space<hbm>>
      tpu.wait_indirect_dma semaphore(%arg12 : memref<!tpu.dma_semaphore, #tpu.memory_space<semaphore_mem>>) src(%dma_wait3A_21 : memref<10000x16xf32, #tpu.memory_space<hbm>>) dst(%arg10 : memref<80x16xf32, #tpu.memory_space<vmem>>)
      "tpu.region"() ({
        %run_scoped3A = tpu.sem_alloc : memref<!tpu.dma_semaphore, #tpu.memory_space<semaphore_mem>>
        %dma_start3A_22 = arith.constant 0 : i32
        %dma_start3A_23 = tpu.memref_slice %arg6[%multiple_of3A, %dma_start3A_22] : memref<320000x16xf32, #tpu.memory_space<hbm>> -> memref<80x16xf32, #tpu.memory_space<hbm>>
        %dma_start3A_24 = arith.constant 0 : i32
        %dma_start3A_25 = tpu.memref_slice %arg6[%multiple_of3A, %dma_start3A_24] : memref<320000x16xf32, #tpu.memory_space<hbm>> -> memref<80x16xf32, #tpu.memory_space<hbm>>
        tpu.enqueue_dma source(%arg10 : memref<80x16xf32, #tpu.memory_space<vmem>>) target(%dma_start3A_25 : memref<80x16xf32, #tpu.memory_space<hbm>>) target_semaphore(%run_scoped3A : memref<!tpu.dma_semaphore, #tpu.memory_space<semaphore_mem>>)
        %dma_wait3A_26 = arith.constant 0 : i32
        %dma_wait3A_27 = tpu.memref_slice %arg6[%multiple_of3A, %dma_wait3A_26] : memref<320000x16xf32, #tpu.memory_space<hbm>> -> memref<80x16xf32, #tpu.memory_space<hbm>>
        %dma_wait3A_28 = arith.constant 0 : i32
        %dma_wait3A_29 = tpu.memref_slice %arg6[%multiple_of3A, %dma_wait3A_28] : memref<320000x16xf32, #tpu.memory_space<hbm>> -> memref<80x16xf32, #tpu.memory_space<hbm>>
        tpu.wait_dma2 semaphore(%run_scoped3A : memref<!tpu.dma_semaphore, #tpu.memory_space<semaphore_mem>>) src(%arg10 : memref<80x16xf32, #tpu.memory_space<vmem>>) dst(%dma_wait3A_29 : memref<80x16xf32, #tpu.memory_space<hbm>>)
        tpu.yield
      }) : () -> ()
    }
    %scan3A_7 = arith.constant 125 : i32
    return
  }
}

#map = affine_map<(d0, d1) -> (0, 0)>
#map1 = affine_map<(d0, d1) -> (0)>
#map2 = affine_map<(d0, d1) -> (0, 0, 0)>
module attributes {stable_mosaic.version = 14 : i64} {
  func.func @edge_pass(%arg0: i32, %arg1: i32, %arg2: memref<10000x64xf32, #tpu.memory_space<hbm>>, %arg3: memref<320000x64xf32, #tpu.memory_space<hbm>>, %arg4: memref<320000xi32, #tpu.memory_space<hbm>>, %arg5: memref<320000xi32, #tpu.memory_space<hbm>>, %arg6: memref<2x10240x64xf32, #tpu.memory_space<hbm>>, %arg7: memref<10240x64xf32, #tpu.memory_space<vmem_shared>>, %arg8: memref<80xi32, #tpu.memory_space<vmem>>, %arg9: memref<80xi32, #tpu.memory_space<vmem>>, %arg10: memref<80x64xf32, #tpu.memory_space<vmem>>, %arg11: memref<80x64xf32, #tpu.memory_space<vmem>>, %arg12: memref<80x64xf32, #tpu.memory_space<vmem>>, %arg13: memref<128x64xf32, #tpu.memory_space<vmem>>, %arg14: memref<!tpu.dma_semaphore, #tpu.memory_space<semaphore_mem>>, %arg15: memref<!tpu.dma_semaphore, #tpu.memory_space<semaphore_mem>>) attributes {dimension_semantics = [#tpu.dimension_semantics<core_parallel>, #tpu.dimension_semantics<subcore_parallel>], iteration_bounds = array<i64: 2, 16>, scalar_prefetch = 0 : i64, scratch_operands = 9 : i64, tpu.core_type = #tpu.core_type<sc_vector_subcore>, window_params = [{transform_indices = #map}, {transform_indices = #map}, {transform_indices = #map1}, {transform_indices = #map1}, {transform_indices = #map2}]} {
    %mul3A = arith.constant 16 : i32
    %mul3A_0 = arith.muli %arg0, %mul3A : i32
    %add3A = arith.addi %mul3A_0, %arg1 : i32
    %scan3A = arith.constant 0 : i32
    %scan3A_1 = arith.constant 0 : i32
    %scan3A_2 = arith.constant 128 : i32
    %scan3A_3 = arith.addi %scan3A_1, %scan3A_2 : i32
    %scan3A_4 = arith.constant 1 : i32
    scf.for %scan3A_39 = %scan3A_1 to %scan3A_3 step %scan3A_4  : i32 {
      %broadcast_in_dim3A = arith.constant 0.000000e+00 : f32
      %broadcast_in_dim3A_40 = vector.broadcast %broadcast_in_dim3A : f32 to vector<16xf32>
      %swap3A = arith.index_cast %scan3A_39 : i32 to index
      %swap3A_41 = arith.constant 0 : index
      %swap3A_42 = tpu.vector_load %arg13[%swap3A, %swap3A_41] {strides = array<i32>} : memref<128x64xf32, #tpu.memory_space<vmem>>, vector<1x16xf32>,
      %swap3A_43 = vector.shape_cast %swap3A_42 : vector<1x16xf32> to vector<16xf32>
      %swap3A_44 = vector.shape_cast %broadcast_in_dim3A_40 : vector<16xf32> to vector<1x16xf32>
      tpu.vector_store %arg13[%swap3A, %swap3A_41], %swap3A_44 {strides = array<i32>} : memref<128x64xf32, #tpu.memory_space<vmem>>, vector<1x16xf32>,
      %broadcast_in_dim3A_45 = arith.constant 0.000000e+00 : f32
      %broadcast_in_dim3A_46 = vector.broadcast %broadcast_in_dim3A_45 : f32 to vector<16xf32>
      %swap3A_47 = arith.index_cast %scan3A_39 : i32 to index
      %swap3A_48 = arith.constant 16 : index
      %swap3A_49 = tpu.vector_load %arg13[%swap3A_47, %swap3A_48] {strides = array<i32>} : memref<128x64xf32, #tpu.memory_space<vmem>>, vector<1x16xf32>,
      %swap3A_50 = vector.shape_cast %swap3A_49 : vector<1x16xf32> to vector<16xf32>
      %swap3A_51 = vector.shape_cast %broadcast_in_dim3A_46 : vector<16xf32> to vector<1x16xf32>
      tpu.vector_store %arg13[%swap3A_47, %swap3A_48], %swap3A_51 {strides = array<i32>} : memref<128x64xf32, #tpu.memory_space<vmem>>, vector<1x16xf32>,
      %broadcast_in_dim3A_52 = arith.constant 0.000000e+00 : f32
      %broadcast_in_dim3A_53 = vector.broadcast %broadcast_in_dim3A_52 : f32 to vector<16xf32>
      %swap3A_54 = arith.index_cast %scan3A_39 : i32 to index
      %swap3A_55 = arith.constant 32 : index
      %swap3A_56 = tpu.vector_load %arg13[%swap3A_54, %swap3A_55] {strides = array<i32>} : memref<128x64xf32, #tpu.memory_space<vmem>>, vector<1x16xf32>,
      %swap3A_57 = vector.shape_cast %swap3A_56 : vector<1x16xf32> to vector<16xf32>
      %swap3A_58 = vector.shape_cast %broadcast_in_dim3A_53 : vector<16xf32> to vector<1x16xf32>
      tpu.vector_store %arg13[%swap3A_54, %swap3A_55], %swap3A_58 {strides = array<i32>} : memref<128x64xf32, #tpu.memory_space<vmem>>, vector<1x16xf32>,
      %broadcast_in_dim3A_59 = arith.constant 0.000000e+00 : f32
      %broadcast_in_dim3A_60 = vector.broadcast %broadcast_in_dim3A_59 : f32 to vector<16xf32>
      %swap3A_61 = arith.index_cast %scan3A_39 : i32 to index
      %swap3A_62 = arith.constant 48 : index
      %swap3A_63 = tpu.vector_load %arg13[%swap3A_61, %swap3A_62] {strides = array<i32>} : memref<128x64xf32, #tpu.memory_space<vmem>>, vector<1x16xf32>,
      %swap3A_64 = vector.shape_cast %swap3A_63 : vector<1x16xf32> to vector<16xf32>
      %swap3A_65 = vector.shape_cast %broadcast_in_dim3A_60 : vector<16xf32> to vector<1x16xf32>
      tpu.vector_store %arg13[%swap3A_61, %swap3A_62], %swap3A_65 {strides = array<i32>} : memref<128x64xf32, #tpu.memory_space<vmem>>, vector<1x16xf32>,
    }
    %scan3A_5 = arith.constant 128 : i32
    %mul3A_6 = arith.constant 640 : i32
    %mul3A_7 = arith.muli %arg1, %mul3A_6 : i32
    %add3A_8 = arith.constant 0 : i32
    %add3A_9 = arith.addi %mul3A_7, %add3A_8 : i32
    "tpu.region"() ({
      %run_scoped3A = tpu.sem_alloc : memref<!tpu.dma_semaphore, #tpu.memory_space<semaphore_mem>>
      %dma_start3A = arith.constant 0 : i32
      %dma_start3A_39 = tpu.memref_slice %arg7[%add3A_9, %dma_start3A] : memref<10240x64xf32, #tpu.memory_space<vmem_shared>> -> memref<128x64xf32, #tpu.memory_space<vmem_shared>>
      %dma_start3A_40 = arith.constant 0 : i32
      %dma_start3A_41 = tpu.memref_slice %arg7[%add3A_9, %dma_start3A_40] : memref<10240x64xf32, #tpu.memory_space<vmem_shared>> -> memref<128x64xf32, #tpu.memory_space<vmem_shared>>
      tpu.enqueue_dma source(%arg13 : memref<128x64xf32, #tpu.memory_space<vmem>>) target(%dma_start3A_41 : memref<128x64xf32, #tpu.memory_space<vmem_shared>>) target_semaphore(%run_scoped3A : memref<!tpu.dma_semaphore, #tpu.memory_space<semaphore_mem>>)
      %dma_wait3A = arith.constant 0 : i32
      %dma_wait3A_42 = tpu.memref_slice %arg7[%add3A_9, %dma_wait3A] : memref<10240x64xf32, #tpu.memory_space<vmem_shared>> -> memref<128x64xf32, #tpu.memory_space<vmem_shared>>
      %dma_wait3A_43 = arith.constant 0 : i32
      %dma_wait3A_44 = tpu.memref_slice %arg7[%add3A_9, %dma_wait3A_43] : memref<10240x64xf32, #tpu.memory_space<vmem_shared>> -> memref<128x64xf32, #tpu.memory_space<vmem_shared>>
      tpu.wait_dma2 semaphore(%run_scoped3A : memref<!tpu.dma_semaphore, #tpu.memory_space<semaphore_mem>>) src(%arg13 : memref<128x64xf32, #tpu.memory_space<vmem>>) dst(%dma_wait3A_44 : memref<128x64xf32, #tpu.memory_space<vmem_shared>>)
      tpu.yield
    }) : () -> ()
    %mul3A_10 = arith.constant 640 : i32
    %mul3A_11 = arith.muli %arg1, %mul3A_10 : i32
    %add3A_12 = arith.constant 128 : i32
    %add3A_13 = arith.addi %mul3A_11, %add3A_12 : i32
    "tpu.region"() ({
      %run_scoped3A = tpu.sem_alloc : memref<!tpu.dma_semaphore, #tpu.memory_space<semaphore_mem>>
      %dma_start3A = arith.constant 0 : i32
      %dma_start3A_39 = tpu.memref_slice %arg7[%add3A_13, %dma_start3A] : memref<10240x64xf32, #tpu.memory_space<vmem_shared>> -> memref<128x64xf32, #tpu.memory_space<vmem_shared>>
      %dma_start3A_40 = arith.constant 0 : i32
      %dma_start3A_41 = tpu.memref_slice %arg7[%add3A_13, %dma_start3A_40] : memref<10240x64xf32, #tpu.memory_space<vmem_shared>> -> memref<128x64xf32, #tpu.memory_space<vmem_shared>>
      tpu.enqueue_dma source(%arg13 : memref<128x64xf32, #tpu.memory_space<vmem>>) target(%dma_start3A_41 : memref<128x64xf32, #tpu.memory_space<vmem_shared>>) target_semaphore(%run_scoped3A : memref<!tpu.dma_semaphore, #tpu.memory_space<semaphore_mem>>)
      %dma_wait3A = arith.constant 0 : i32
      %dma_wait3A_42 = tpu.memref_slice %arg7[%add3A_13, %dma_wait3A] : memref<10240x64xf32, #tpu.memory_space<vmem_shared>> -> memref<128x64xf32, #tpu.memory_space<vmem_shared>>
      %dma_wait3A_43 = arith.constant 0 : i32
      %dma_wait3A_44 = tpu.memref_slice %arg7[%add3A_13, %dma_wait3A_43] : memref<10240x64xf32, #tpu.memory_space<vmem_shared>> -> memref<128x64xf32, #tpu.memory_space<vmem_shared>>
      tpu.wait_dma2 semaphore(%run_scoped3A : memref<!tpu.dma_semaphore, #tpu.memory_space<semaphore_mem>>) src(%arg13 : memref<128x64xf32, #tpu.memory_space<vmem>>) dst(%dma_wait3A_44 : memref<128x64xf32, #tpu.memory_space<vmem_shared>>)
      tpu.yield
    }) : () -> ()
    %mul3A_14 = arith.constant 640 : i32
    %mul3A_15 = arith.muli %arg1, %mul3A_14 : i32
    %add3A_16 = arith.constant 256 : i32
    %add3A_17 = arith.addi %mul3A_15, %add3A_16 : i32
    "tpu.region"() ({
      %run_scoped3A = tpu.sem_alloc : memref<!tpu.dma_semaphore, #tpu.memory_space<semaphore_mem>>
      %dma_start3A = arith.constant 0 : i32
      %dma_start3A_39 = tpu.memref_slice %arg7[%add3A_17, %dma_start3A] : memref<10240x64xf32, #tpu.memory_space<vmem_shared>> -> memref<128x64xf32, #tpu.memory_space<vmem_shared>>
      %dma_start3A_40 = arith.constant 0 : i32
      %dma_start3A_41 = tpu.memref_slice %arg7[%add3A_17, %dma_start3A_40] : memref<10240x64xf32, #tpu.memory_space<vmem_shared>> -> memref<128x64xf32, #tpu.memory_space<vmem_shared>>
      tpu.enqueue_dma source(%arg13 : memref<128x64xf32, #tpu.memory_space<vmem>>) target(%dma_start3A_41 : memref<128x64xf32, #tpu.memory_space<vmem_shared>>) target_semaphore(%run_scoped3A : memref<!tpu.dma_semaphore, #tpu.memory_space<semaphore_mem>>)
      %dma_wait3A = arith.constant 0 : i32
      %dma_wait3A_42 = tpu.memref_slice %arg7[%add3A_17, %dma_wait3A] : memref<10240x64xf32, #tpu.memory_space<vmem_shared>> -> memref<128x64xf32, #tpu.memory_space<vmem_shared>>
      %dma_wait3A_43 = arith.constant 0 : i32
      %dma_wait3A_44 = tpu.memref_slice %arg7[%add3A_17, %dma_wait3A_43] : memref<10240x64xf32, #tpu.memory_space<vmem_shared>> -> memref<128x64xf32, #tpu.memory_space<vmem_shared>>
      tpu.wait_dma2 semaphore(%run_scoped3A : memref<!tpu.dma_semaphore, #tpu.memory_space<semaphore_mem>>) src(%arg13 : memref<128x64xf32, #tpu.memory_space<vmem>>) dst(%dma_wait3A_44 : memref<128x64xf32, #tpu.memory_space<vmem_shared>>)
      tpu.yield
    }) : () -> ()
    %mul3A_18 = arith.constant 640 : i32
    %mul3A_19 = arith.muli %arg1, %mul3A_18 : i32
    %add3A_20 = arith.constant 384 : i32
    %add3A_21 = arith.addi %mul3A_19, %add3A_20 : i32
    "tpu.region"() ({
      %run_scoped3A = tpu.sem_alloc : memref<!tpu.dma_semaphore, #tpu.memory_space<semaphore_mem>>
      %dma_start3A = arith.constant 0 : i32
      %dma_start3A_39 = tpu.memref_slice %arg7[%add3A_21, %dma_start3A] : memref<10240x64xf32, #tpu.memory_space<vmem_shared>> -> memref<128x64xf32, #tpu.memory_space<vmem_shared>>
      %dma_start3A_40 = arith.constant 0 : i32
      %dma_start3A_41 = tpu.memref_slice %arg7[%add3A_21, %dma_start3A_40] : memref<10240x64xf32, #tpu.memory_space<vmem_shared>> -> memref<128x64xf32, #tpu.memory_space<vmem_shared>>
      tpu.enqueue_dma source(%arg13 : memref<128x64xf32, #tpu.memory_space<vmem>>) target(%dma_start3A_41 : memref<128x64xf32, #tpu.memory_space<vmem_shared>>) target_semaphore(%run_scoped3A : memref<!tpu.dma_semaphore, #tpu.memory_space<semaphore_mem>>)
      %dma_wait3A = arith.constant 0 : i32
      %dma_wait3A_42 = tpu.memref_slice %arg7[%add3A_21, %dma_wait3A] : memref<10240x64xf32, #tpu.memory_space<vmem_shared>> -> memref<128x64xf32, #tpu.memory_space<vmem_shared>>
      %dma_wait3A_43 = arith.constant 0 : i32
      %dma_wait3A_44 = tpu.memref_slice %arg7[%add3A_21, %dma_wait3A_43] : memref<10240x64xf32, #tpu.memory_space<vmem_shared>> -> memref<128x64xf32, #tpu.memory_space<vmem_shared>>
      tpu.wait_dma2 semaphore(%run_scoped3A : memref<!tpu.dma_semaphore, #tpu.memory_space<semaphore_mem>>) src(%arg13 : memref<128x64xf32, #tpu.memory_space<vmem>>) dst(%dma_wait3A_44 : memref<128x64xf32, #tpu.memory_space<vmem_shared>>)
      tpu.yield
    }) : () -> ()
    %mul3A_22 = arith.constant 640 : i32
    %mul3A_23 = arith.muli %arg1, %mul3A_22 : i32
    %add3A_24 = arith.constant 512 : i32
    %add3A_25 = arith.addi %mul3A_23, %add3A_24 : i32
    "tpu.region"() ({
      %run_scoped3A = tpu.sem_alloc : memref<!tpu.dma_semaphore, #tpu.memory_space<semaphore_mem>>
      %dma_start3A = arith.constant 0 : i32
      %dma_start3A_39 = tpu.memref_slice %arg7[%add3A_25, %dma_start3A] : memref<10240x64xf32, #tpu.memory_space<vmem_shared>> -> memref<128x64xf32, #tpu.memory_space<vmem_shared>>
      %dma_start3A_40 = arith.constant 0 : i32
      %dma_start3A_41 = tpu.memref_slice %arg7[%add3A_25, %dma_start3A_40] : memref<10240x64xf32, #tpu.memory_space<vmem_shared>> -> memref<128x64xf32, #tpu.memory_space<vmem_shared>>
      tpu.enqueue_dma source(%arg13 : memref<128x64xf32, #tpu.memory_space<vmem>>) target(%dma_start3A_41 : memref<128x64xf32, #tpu.memory_space<vmem_shared>>) target_semaphore(%run_scoped3A : memref<!tpu.dma_semaphore, #tpu.memory_space<semaphore_mem>>)
      %dma_wait3A = arith.constant 0 : i32
      %dma_wait3A_42 = tpu.memref_slice %arg7[%add3A_25, %dma_wait3A] : memref<10240x64xf32, #tpu.memory_space<vmem_shared>> -> memref<128x64xf32, #tpu.memory_space<vmem_shared>>
      %dma_wait3A_43 = arith.constant 0 : i32
      %dma_wait3A_44 = tpu.memref_slice %arg7[%add3A_25, %dma_wait3A_43] : memref<10240x64xf32, #tpu.memory_space<vmem_shared>> -> memref<128x64xf32, #tpu.memory_space<vmem_shared>>
      tpu.wait_dma2 semaphore(%run_scoped3A : memref<!tpu.dma_semaphore, #tpu.memory_space<semaphore_mem>>) src(%arg13 : memref<128x64xf32, #tpu.memory_space<vmem>>) dst(%dma_wait3A_44 : memref<128x64xf32, #tpu.memory_space<vmem_shared>>)
      tpu.yield
    }) : () -> ()
    %barrier3A = arith.constant 0 : index
    tpu.barrier barrier_id(%barrier3A)
    %mul3A_26 = arith.constant 10000 : i32
    %mul3A_27 = arith.muli %add3A, %mul3A_26 : i32
    %scan3A_28 = arith.constant 0 : i32
    %scan3A_29 = arith.constant 0 : i32
    %scan3A_30 = arith.constant 125 : i32
    %scan3A_31 = arith.addi %scan3A_29, %scan3A_30 : i32
    %scan3A_32 = arith.constant 1 : i32
    scf.for %scan3A_39 = %scan3A_29 to %scan3A_31 step %scan3A_32  : i32 {
      %mul3A_40 = arith.constant 80 : i32
      %mul3A_41 = arith.muli %scan3A_39, %mul3A_40 : i32
      %add3A_42 = arith.addi %mul3A_27, %mul3A_41 : i32
      %multiple_of3A = tpu.assume_multiple %add3A_42, 8 : i32
      %dma_start3A = arith.constant 0 : i32
      %dma_start3A_43 = tpu.memref_slice %arg3[%multiple_of3A, %dma_start3A] : memref<320000x64xf32, #tpu.memory_space<hbm>> -> memref<80x64xf32, #tpu.memory_space<hbm>>
      %dma_start3A_44 = arith.constant 0 : i32
      %dma_start3A_45 = tpu.memref_slice %arg3[%multiple_of3A, %dma_start3A_44] : memref<320000x64xf32, #tpu.memory_space<hbm>> -> memref<80x64xf32, #tpu.memory_space<hbm>>
      tpu.enqueue_dma source(%dma_start3A_45 : memref<80x64xf32, #tpu.memory_space<hbm>>) target(%arg11 : memref<80x64xf32, #tpu.memory_space<vmem>>) target_semaphore(%arg15 : memref<!tpu.dma_semaphore, #tpu.memory_space<semaphore_mem>>)
      "tpu.region"() ({
        %run_scoped3A = tpu.sem_alloc : memref<!tpu.dma_semaphore, #tpu.memory_space<semaphore_mem>>
        %dma_start3A_61 = tpu.memref_slice %arg4[%multiple_of3A] : memref<320000xi32, #tpu.memory_space<hbm>> -> memref<80xi32, #tpu.memory_space<hbm>>
        %dma_start3A_62 = tpu.memref_slice %arg4[%multiple_of3A] : memref<320000xi32, #tpu.memory_space<hbm>> -> memref<80xi32, #tpu.memory_space<hbm>>
        tpu.enqueue_dma source(%dma_start3A_62 : memref<80xi32, #tpu.memory_space<hbm>>) target(%arg8 : memref<80xi32, #tpu.memory_space<vmem>>) target_semaphore(%run_scoped3A : memref<!tpu.dma_semaphore, #tpu.memory_space<semaphore_mem>>)
        %dma_wait3A_63 = tpu.memref_slice %arg4[%multiple_of3A] : memref<320000xi32, #tpu.memory_space<hbm>> -> memref<80xi32, #tpu.memory_space<hbm>>
        %dma_wait3A_64 = tpu.memref_slice %arg4[%multiple_of3A] : memref<320000xi32, #tpu.memory_space<hbm>> -> memref<80xi32, #tpu.memory_space<hbm>>
        tpu.wait_dma2 semaphore(%run_scoped3A : memref<!tpu.dma_semaphore, #tpu.memory_space<semaphore_mem>>) src(%dma_wait3A_64 : memref<80xi32, #tpu.memory_space<hbm>>) dst(%arg8 : memref<80xi32, #tpu.memory_space<vmem>>)
        tpu.yield
      }) : () -> ()
      "tpu.region"() ({
        %run_scoped3A = tpu.sem_alloc : memref<!tpu.dma_semaphore, #tpu.memory_space<semaphore_mem>>
        %dma_start3A_61 = tpu.memref_slice %arg5[%multiple_of3A] : memref<320000xi32, #tpu.memory_space<hbm>> -> memref<80xi32, #tpu.memory_space<hbm>>
        %dma_start3A_62 = tpu.memref_slice %arg5[%multiple_of3A] : memref<320000xi32, #tpu.memory_space<hbm>> -> memref<80xi32, #tpu.memory_space<hbm>>
        tpu.enqueue_dma source(%dma_start3A_62 : memref<80xi32, #tpu.memory_space<hbm>>) target(%arg9 : memref<80xi32, #tpu.memory_space<vmem>>) target_semaphore(%run_scoped3A : memref<!tpu.dma_semaphore, #tpu.memory_space<semaphore_mem>>)
        %dma_wait3A_63 = tpu.memref_slice %arg5[%multiple_of3A] : memref<320000xi32, #tpu.memory_space<hbm>> -> memref<80xi32, #tpu.memory_space<hbm>>
        %dma_wait3A_64 = tpu.memref_slice %arg5[%multiple_of3A] : memref<320000xi32, #tpu.memory_space<hbm>> -> memref<80xi32, #tpu.memory_space<hbm>>
        tpu.wait_dma2 semaphore(%run_scoped3A : memref<!tpu.dma_semaphore, #tpu.memory_space<semaphore_mem>>) src(%dma_wait3A_64 : memref<80xi32, #tpu.memory_space<hbm>>) dst(%arg9 : memref<80xi32, #tpu.memory_space<vmem>>)
        tpu.yield
      }) : () -> ()
      %dma_start3A_46 = arith.constant 0 : i32
      %dma_start3A_47 = arith.constant 0 : i32
      %dma_start3A_48 = tpu.memref_slice %arg2[%dma_start3A_46, %dma_start3A_47] : memref<10000x64xf32, #tpu.memory_space<hbm>> -> memref<10000x64xf32, #tpu.memory_space<hbm>>
      tpu.enqueue_indirect_dma source(%dma_start3A_48 : memref<10000x64xf32, #tpu.memory_space<hbm>>) target(%arg10 : memref<80x64xf32, #tpu.memory_space<vmem>>) offsets(%arg8 : memref<80xi32, #tpu.memory_space<vmem>>) semaphore(%arg14 : memref<!tpu.dma_semaphore, #tpu.memory_space<semaphore_mem>>)
      %dma_wait3A = arith.constant 0 : i32
      %dma_wait3A_49 = arith.constant 0 : i32
      %dma_wait3A_50 = tpu.memref_slice %arg2[%dma_wait3A, %dma_wait3A_49] : memref<10000x64xf32, #tpu.memory_space<hbm>> -> memref<10000x64xf32, #tpu.memory_space<hbm>>
      tpu.wait_indirect_dma semaphore(%arg14 : memref<!tpu.dma_semaphore, #tpu.memory_space<semaphore_mem>>) src(%dma_wait3A_50 : memref<10000x64xf32, #tpu.memory_space<hbm>>) dst(%arg10 : memref<80x64xf32, #tpu.memory_space<vmem>>)
      %dma_wait3A_51 = arith.constant 0 : i32
      %dma_wait3A_52 = tpu.memref_slice %arg3[%multiple_of3A, %dma_wait3A_51] : memref<320000x64xf32, #tpu.memory_space<hbm>> -> memref<80x64xf32, #tpu.memory_space<hbm>>
      %dma_wait3A_53 = arith.constant 0 : i32
      %dma_wait3A_54 = tpu.memref_slice %arg3[%multiple_of3A, %dma_wait3A_53] : memref<320000x64xf32, #tpu.memory_space<hbm>> -> memref<80x64xf32, #tpu.memory_space<hbm>>
      tpu.wait_dma2 semaphore(%arg15 : memref<!tpu.dma_semaphore, #tpu.memory_space<semaphore_mem>>) src(%dma_wait3A_54 : memref<80x64xf32, #tpu.memory_space<hbm>>) dst(%arg11 : memref<80x64xf32, #tpu.memory_space<vmem>>)
      %scan3A_55 = arith.constant 0 : i32
      %scan3A_56 = arith.constant 0 : i32
      %scan3A_57 = arith.constant 80 : i32
      %scan3A_58 = arith.addi %scan3A_56, %scan3A_57 : i32
      %scan3A_59 = arith.constant 1 : i32
      scf.for %scan3A_61 = %scan3A_56 to %scan3A_58 step %scan3A_59  : i32 {
        %get3A = arith.index_cast %scan3A_61 : i32 to index
        %get3A_62 = arith.constant 0 : index
        %get3A_63 = tpu.vector_load %arg11[%get3A, %get3A_62] {strides = array<i32>} : memref<80x64xf32, #tpu.memory_space<vmem>>, vector<1x16xf32>,
        %get3A_64 = vector.shape_cast %get3A_63 : vector<1x16xf32> to vector<16xf32>
        %get3A_65 = arith.index_cast %scan3A_61 : i32 to index
        %get3A_66 = arith.constant 0 : index
        %get3A_67 = tpu.vector_load %arg10[%get3A_65, %get3A_66] {strides = array<i32>} : memref<80x64xf32, #tpu.memory_space<vmem>>, vector<1x16xf32>,
        %get3A_68 = vector.shape_cast %get3A_67 : vector<1x16xf32> to vector<16xf32>
        %mul3A_69 = arith.mulf %get3A_64, %get3A_68 : vector<16xf32>
        %swap3A = arith.index_cast %scan3A_61 : i32 to index
        %swap3A_70 = arith.constant 0 : index
        %swap3A_71 = tpu.vector_load %arg12[%swap3A, %swap3A_70] {strides = array<i32>} : memref<80x64xf32, #tpu.memory_space<vmem>>, vector<1x16xf32>,
        %swap3A_72 = vector.shape_cast %swap3A_71 : vector<1x16xf32> to vector<16xf32>
        %swap3A_73 = vector.shape_cast %mul3A_69 : vector<16xf32> to vector<1x16xf32>
        tpu.vector_store %arg12[%swap3A, %swap3A_70], %swap3A_73 {strides = array<i32>} : memref<80x64xf32, #tpu.memory_space<vmem>>, vector<1x16xf32>,
        %get3A_74 = arith.index_cast %scan3A_61 : i32 to index
        %get3A_75 = arith.constant 16 : index
        %get3A_76 = tpu.vector_load %arg11[%get3A_74, %get3A_75] {strides = array<i32>} : memref<80x64xf32, #tpu.memory_space<vmem>>, vector<1x16xf32>,
        %get3A_77 = vector.shape_cast %get3A_76 : vector<1x16xf32> to vector<16xf32>
        %get3A_78 = arith.index_cast %scan3A_61 : i32 to index
        %get3A_79 = arith.constant 16 : index
        %get3A_80 = tpu.vector_load %arg10[%get3A_78, %get3A_79] {strides = array<i32>} : memref<80x64xf32, #tpu.memory_space<vmem>>, vector<1x16xf32>,
        %get3A_81 = vector.shape_cast %get3A_80 : vector<1x16xf32> to vector<16xf32>
        %mul3A_82 = arith.mulf %get3A_77, %get3A_81 : vector<16xf32>
        %swap3A_83 = arith.index_cast %scan3A_61 : i32 to index
        %swap3A_84 = arith.constant 16 : index
        %swap3A_85 = tpu.vector_load %arg12[%swap3A_83, %swap3A_84] {strides = array<i32>} : memref<80x64xf32, #tpu.memory_space<vmem>>, vector<1x16xf32>,
        %swap3A_86 = vector.shape_cast %swap3A_85 : vector<1x16xf32> to vector<16xf32>
        %swap3A_87 = vector.shape_cast %mul3A_82 : vector<16xf32> to vector<1x16xf32>
        tpu.vector_store %arg12[%swap3A_83, %swap3A_84], %swap3A_87 {strides = array<i32>} : memref<80x64xf32, #tpu.memory_space<vmem>>, vector<1x16xf32>,
        %get3A_88 = arith.index_cast %scan3A_61 : i32 to index
        %get3A_89 = arith.constant 32 : index
        %get3A_90 = tpu.vector_load %arg11[%get3A_88, %get3A_89] {strides = array<i32>} : memref<80x64xf32, #tpu.memory_space<vmem>>, vector<1x16xf32>,
        %get3A_91 = vector.shape_cast %get3A_90 : vector<1x16xf32> to vector<16xf32>
        %get3A_92 = arith.index_cast %scan3A_61 : i32 to index
        %get3A_93 = arith.constant 32 : index
        %get3A_94 = tpu.vector_load %arg10[%get3A_92, %get3A_93] {strides = array<i32>} : memref<80x64xf32, #tpu.memory_space<vmem>>, vector<1x16xf32>,
        %get3A_95 = vector.shape_cast %get3A_94 : vector<1x16xf32> to vector<16xf32>
        %mul3A_96 = arith.mulf %get3A_91, %get3A_95 : vector<16xf32>
        %swap3A_97 = arith.index_cast %scan3A_61 : i32 to index
        %swap3A_98 = arith.constant 32 : index
        %swap3A_99 = tpu.vector_load %arg12[%swap3A_97, %swap3A_98] {strides = array<i32>} : memref<80x64xf32, #tpu.memory_space<vmem>>, vector<1x16xf32>,
        %swap3A_100 = vector.shape_cast %swap3A_99 : vector<1x16xf32> to vector<16xf32>
        %swap3A_101 = vector.shape_cast %mul3A_96 : vector<16xf32> to vector<1x16xf32>
        tpu.vector_store %arg12[%swap3A_97, %swap3A_98], %swap3A_101 {strides = array<i32>} : memref<80x64xf32, #tpu.memory_space<vmem>>, vector<1x16xf32>,
        %get3A_102 = arith.index_cast %scan3A_61 : i32 to index
        %get3A_103 = arith.constant 48 : index
        %get3A_104 = tpu.vector_load %arg11[%get3A_102, %get3A_103] {strides = array<i32>} : memref<80x64xf32, #tpu.memory_space<vmem>>, vector<1x16xf32>,
        %get3A_105 = vector.shape_cast %get3A_104 : vector<1x16xf32> to vector<16xf32>
        %get3A_106 = arith.index_cast %scan3A_61 : i32 to index
        %get3A_107 = arith.constant 48 : index
        %get3A_108 = tpu.vector_load %arg10[%get3A_106, %get3A_107] {strides = array<i32>} : memref<80x64xf32, #tpu.memory_space<vmem>>, vector<1x16xf32>,
        %get3A_109 = vector.shape_cast %get3A_108 : vector<1x16xf32> to vector<16xf32>
        %mul3A_110 = arith.mulf %get3A_105, %get3A_109 : vector<16xf32>
        %swap3A_111 = arith.index_cast %scan3A_61 : i32 to index
        %swap3A_112 = arith.constant 48 : index
        %swap3A_113 = tpu.vector_load %arg12[%swap3A_111, %swap3A_112] {strides = array<i32>} : memref<80x64xf32, #tpu.memory_space<vmem>>, vector<1x16xf32>,
        %swap3A_114 = vector.shape_cast %swap3A_113 : vector<1x16xf32> to vector<16xf32>
        %swap3A_115 = vector.shape_cast %mul3A_110 : vector<16xf32> to vector<1x16xf32>
        tpu.vector_store %arg12[%swap3A_111, %swap3A_112], %swap3A_115 {strides = array<i32>} : memref<80x64xf32, #tpu.memory_space<vmem>>, vector<1x16xf32>,
      }
      %scan3A_60 = arith.constant 80 : i32
      "tpu.region"() ({
        %run_scoped3A = tpu.sem_alloc : memref<!tpu.dma_semaphore, #tpu.memory_space<semaphore_mem>>
        %dma_start3A_61 = arith.constant 0 : i32
        %dma_start3A_62 = arith.constant 0 : i32
        %dma_start3A_63 = tpu.memref_slice %arg7[%dma_start3A_61, %dma_start3A_62] : memref<10240x64xf32, #tpu.memory_space<vmem_shared>> -> memref<10240x64xf32, #tpu.memory_space<vmem_shared>>
        tpu.enqueue_indirect_dma source(%arg12 : memref<80x64xf32, #tpu.memory_space<vmem>>) target(%dma_start3A_63 : memref<10240x64xf32, #tpu.memory_space<vmem_shared>>) offsets(%arg9 : memref<80xi32, #tpu.memory_space<vmem>>) semaphore(%run_scoped3A : memref<!tpu.dma_semaphore, #tpu.memory_space<semaphore_mem>>) {add = true}
        %dma_wait3A_64 = arith.constant 0 : i32
        %dma_wait3A_65 = arith.constant 0 : i32
        %dma_wait3A_66 = tpu.memref_slice %arg7[%dma_wait3A_64, %dma_wait3A_65] : memref<10240x64xf32, #tpu.memory_space<vmem_shared>> -> memref<10240x64xf32, #tpu.memory_space<vmem_shared>>
        tpu.wait_indirect_dma semaphore(%run_scoped3A : memref<!tpu.dma_semaphore, #tpu.memory_space<semaphore_mem>>) src(%arg12 : memref<80x64xf32, #tpu.memory_space<vmem>>) dst(%dma_wait3A_66 : memref<10240x64xf32, #tpu.memory_space<vmem_shared>>)
        tpu.yield
      }) : () -> ()
    }
    %scan3A_33 = arith.constant 125 : i32
    %barrier3A_34 = arith.constant 0 : index
    tpu.barrier barrier_id(%barrier3A_34)
    %mul3A_35 = arith.constant 640 : i32
    %mul3A_36 = arith.muli %arg1, %mul3A_35 : i32
    %mul3A_37 = arith.constant 640 : i32
    %mul3A_38 = arith.muli %arg1, %mul3A_37 : i32
    "tpu.region"() ({
      %run_scoped3A = tpu.sem_alloc : memref<!tpu.dma_semaphore, #tpu.memory_space<semaphore_mem>>
      %dma_start3A = arith.constant 0 : i32
      %dma_start3A_39 = tpu.memref_slice %arg6[%arg0, %mul3A_38, %dma_start3A] : memref<2x10240x64xf32, #tpu.memory_space<hbm>> -> memref<1x640x64xf32, #tpu.memory_space<hbm>>
      %dma_start3A_40 = tpu.memref_squeeze %dma_start3A_39 : memref<1x640x64xf32, #tpu.memory_space<hbm>> -> memref<640x64xf32, #tpu.memory_space<hbm>>
      %dma_start3A_41 = arith.constant 0 : i32
      %dma_start3A_42 = tpu.memref_slice %arg7[%mul3A_36, %dma_start3A_41] : memref<10240x64xf32, #tpu.memory_space<vmem_shared>> -> memref<640x64xf32, #tpu.memory_space<vmem_shared>>
      tpu.enqueue_dma source(%dma_start3A_42 : memref<640x64xf32, #tpu.memory_space<vmem_shared>>) target(%dma_start3A_40 : memref<640x64xf32, #tpu.memory_space<hbm>>) target_semaphore(%run_scoped3A : memref<!tpu.dma_semaphore, #tpu.memory_space<semaphore_mem>>)
      %dma_wait3A = arith.constant 0 : i32
      %dma_wait3A_43 = tpu.memref_slice %arg6[%arg0, %mul3A_38, %dma_wait3A] : memref<2x10240x64xf32, #tpu.memory_space<hbm>> -> memref<1x640x64xf32, #tpu.memory_space<hbm>>
      %dma_wait3A_44 = tpu.memref_squeeze %dma_wait3A_43 : memref<1x640x64xf32, #tpu.memory_space<hbm>> -> memref<640x64xf32, #tpu.memory_space<hbm>>
      %dma_wait3A_45 = arith.constant 0 : i32
      %dma_wait3A_46 = tpu.memref_slice %arg7[%mul3A_36, %dma_wait3A_45] : memref<10240x64xf32, #tpu.memory_space<vmem_shared>> -> memref<640x64xf32, #tpu.memory_space<vmem_shared>>
      tpu.wait_dma2 semaphore(%run_scoped3A : memref<!tpu.dma_semaphore, #tpu.memory_space<semaphore_mem>>) src(%dma_wait3A_46 : memref<640x64xf32, #tpu.memory_space<vmem_shared>>) dst(%dma_wait3A_44 : memref<640x64xf32, #tpu.memory_space<hbm>>)
      tpu.yield
    }) : () -> ()
    return
  }
}

#map = affine_map<(d0, d1) -> (0, 0)>
#map1 = affine_map<(d0, d1) -> (0)>
#map2 = affine_map<(d0, d1) -> (0, 0, 0)>
module attributes {stable_mosaic.version = 14 : i64} {
  func.func @edge_pass(%arg0: i32, %arg1: i32, %arg2: memref<10000x128xf32, #tpu.memory_space<hbm>>, %arg3: memref<320000x80xf32, #tpu.memory_space<hbm>>, %arg4: memref<320000xi32, #tpu.memory_space<hbm>>, %arg5: memref<320000xi32, #tpu.memory_space<hbm>>, %arg6: memref<2x10240x96xf32, #tpu.memory_space<hbm>>, %arg7: memref<10240x96xf32, #tpu.memory_space<vmem_shared>>, %arg8: memref<80xi32, #tpu.memory_space<vmem>>, %arg9: memref<80xi32, #tpu.memory_space<vmem>>, %arg10: memref<80x128xf32, #tpu.memory_space<vmem>>, %arg11: memref<80x80xf32, #tpu.memory_space<vmem>>, %arg12: memref<80x96xf32, #tpu.memory_space<vmem>>, %arg13: memref<128x96xf32, #tpu.memory_space<vmem>>, %arg14: memref<!tpu.dma_semaphore, #tpu.memory_space<semaphore_mem>>, %arg15: memref<!tpu.dma_semaphore, #tpu.memory_space<semaphore_mem>>) attributes {dimension_semantics = [#tpu.dimension_semantics<core_parallel>, #tpu.dimension_semantics<subcore_parallel>], iteration_bounds = array<i64: 2, 16>, scalar_prefetch = 0 : i64, scratch_operands = 9 : i64, tpu.core_type = #tpu.core_type<sc_vector_subcore>, window_params = [{transform_indices = #map}, {transform_indices = #map}, {transform_indices = #map1}, {transform_indices = #map1}, {transform_indices = #map2}]} {
    %mul3A = arith.constant 16 : i32
    %mul3A_0 = arith.muli %arg0, %mul3A : i32
    %add3A = arith.addi %mul3A_0, %arg1 : i32
    %scan3A = arith.constant 0 : i32
    %scan3A_1 = arith.constant 0 : i32
    %scan3A_2 = arith.constant 128 : i32
    %scan3A_3 = arith.addi %scan3A_1, %scan3A_2 : i32
    %scan3A_4 = arith.constant 1 : i32
    scf.for %scan3A_39 = %scan3A_1 to %scan3A_3 step %scan3A_4  : i32 {
      %broadcast_in_dim3A = arith.constant 0.000000e+00 : f32
      %broadcast_in_dim3A_40 = vector.broadcast %broadcast_in_dim3A : f32 to vector<16xf32>
      %swap3A = arith.index_cast %scan3A_39 : i32 to index
      %swap3A_41 = arith.constant 0 : index
      %swap3A_42 = tpu.vector_load %arg13[%swap3A, %swap3A_41] {strides = array<i32>} : memref<128x96xf32, #tpu.memory_space<vmem>>, vector<1x16xf32>,
      %swap3A_43 = vector.shape_cast %swap3A_42 : vector<1x16xf32> to vector<16xf32>
      %swap3A_44 = vector.shape_cast %broadcast_in_dim3A_40 : vector<16xf32> to vector<1x16xf32>
      tpu.vector_store %arg13[%swap3A, %swap3A_41], %swap3A_44 {strides = array<i32>} : memref<128x96xf32, #tpu.memory_space<vmem>>, vector<1x16xf32>,
      %broadcast_in_dim3A_45 = arith.constant 0.000000e+00 : f32
      %broadcast_in_dim3A_46 = vector.broadcast %broadcast_in_dim3A_45 : f32 to vector<16xf32>
      %swap3A_47 = arith.index_cast %scan3A_39 : i32 to index
      %swap3A_48 = arith.constant 16 : index
      %swap3A_49 = tpu.vector_load %arg13[%swap3A_47, %swap3A_48] {strides = array<i32>} : memref<128x96xf32, #tpu.memory_space<vmem>>, vector<1x16xf32>,
      %swap3A_50 = vector.shape_cast %swap3A_49 : vector<1x16xf32> to vector<16xf32>
      %swap3A_51 = vector.shape_cast %broadcast_in_dim3A_46 : vector<16xf32> to vector<1x16xf32>
      tpu.vector_store %arg13[%swap3A_47, %swap3A_48], %swap3A_51 {strides = array<i32>} : memref<128x96xf32, #tpu.memory_space<vmem>>, vector<1x16xf32>,
      %broadcast_in_dim3A_52 = arith.constant 0.000000e+00 : f32
      %broadcast_in_dim3A_53 = vector.broadcast %broadcast_in_dim3A_52 : f32 to vector<16xf32>
      %swap3A_54 = arith.index_cast %scan3A_39 : i32 to index
      %swap3A_55 = arith.constant 32 : index
      %swap3A_56 = tpu.vector_load %arg13[%swap3A_54, %swap3A_55] {strides = array<i32>} : memref<128x96xf32, #tpu.memory_space<vmem>>, vector<1x16xf32>,
      %swap3A_57 = vector.shape_cast %swap3A_56 : vector<1x16xf32> to vector<16xf32>
      %swap3A_58 = vector.shape_cast %broadcast_in_dim3A_53 : vector<16xf32> to vector<1x16xf32>
      tpu.vector_store %arg13[%swap3A_54, %swap3A_55], %swap3A_58 {strides = array<i32>} : memref<128x96xf32, #tpu.memory_space<vmem>>, vector<1x16xf32>,
      %broadcast_in_dim3A_59 = arith.constant 0.000000e+00 : f32
      %broadcast_in_dim3A_60 = vector.broadcast %broadcast_in_dim3A_59 : f32 to vector<16xf32>
      %swap3A_61 = arith.index_cast %scan3A_39 : i32 to index
      %swap3A_62 = arith.constant 48 : index
      %swap3A_63 = tpu.vector_load %arg13[%swap3A_61, %swap3A_62] {strides = array<i32>} : memref<128x96xf32, #tpu.memory_space<vmem>>, vector<1x16xf32>,
      %swap3A_64 = vector.shape_cast %swap3A_63 : vector<1x16xf32> to vector<16xf32>
      %swap3A_65 = vector.shape_cast %broadcast_in_dim3A_60 : vector<16xf32> to vector<1x16xf32>
      tpu.vector_store %arg13[%swap3A_61, %swap3A_62], %swap3A_65 {strides = array<i32>} : memref<128x96xf32, #tpu.memory_space<vmem>>, vector<1x16xf32>,
      %broadcast_in_dim3A_66 = arith.constant 0.000000e+00 : f32
      %broadcast_in_dim3A_67 = vector.broadcast %broadcast_in_dim3A_66 : f32 to vector<16xf32>
      %swap3A_68 = arith.index_cast %scan3A_39 : i32 to index
      %swap3A_69 = arith.constant 64 : index
      %swap3A_70 = tpu.vector_load %arg13[%swap3A_68, %swap3A_69] {strides = array<i32>} : memref<128x96xf32, #tpu.memory_space<vmem>>, vector<1x16xf32>,
      %swap3A_71 = vector.shape_cast %swap3A_70 : vector<1x16xf32> to vector<16xf32>
      %swap3A_72 = vector.shape_cast %broadcast_in_dim3A_67 : vector<16xf32> to vector<1x16xf32>
      tpu.vector_store %arg13[%swap3A_68, %swap3A_69], %swap3A_72 {strides = array<i32>} : memref<128x96xf32, #tpu.memory_space<vmem>>, vector<1x16xf32>,
      %broadcast_in_dim3A_73 = arith.constant 0.000000e+00 : f32
      %broadcast_in_dim3A_74 = vector.broadcast %broadcast_in_dim3A_73 : f32 to vector<16xf32>
      %swap3A_75 = arith.index_cast %scan3A_39 : i32 to index
      %swap3A_76 = arith.constant 80 : index
      %swap3A_77 = tpu.vector_load %arg13[%swap3A_75, %swap3A_76] {strides = array<i32>} : memref<128x96xf32, #tpu.memory_space<vmem>>, vector<1x16xf32>,
      %swap3A_78 = vector.shape_cast %swap3A_77 : vector<1x16xf32> to vector<16xf32>
      %swap3A_79 = vector.shape_cast %broadcast_in_dim3A_74 : vector<16xf32> to vector<1x16xf32>
      tpu.vector_store %arg13[%swap3A_75, %swap3A_76], %swap3A_79 {strides = array<i32>} : memref<128x96xf32, #tpu.memory_space<vmem>>, vector<1x16xf32>,
    }
    %scan3A_5 = arith.constant 128 : i32
    %mul3A_6 = arith.constant 640 : i32
    %mul3A_7 = arith.muli %arg1, %mul3A_6 : i32
    %add3A_8 = arith.constant 0 : i32
    %add3A_9 = arith.addi %mul3A_7, %add3A_8 : i32
    "tpu.region"() ({
      %run_scoped3A = tpu.sem_alloc : memref<!tpu.dma_semaphore, #tpu.memory_space<semaphore_mem>>
      %dma_start3A = arith.constant 0 : i32
      %dma_start3A_39 = tpu.memref_slice %arg7[%add3A_9, %dma_start3A] : memref<10240x96xf32, #tpu.memory_space<vmem_shared>> -> memref<128x96xf32, #tpu.memory_space<vmem_shared>>
      %dma_start3A_40 = arith.constant 0 : i32
      %dma_start3A_41 = tpu.memref_slice %arg7[%add3A_9, %dma_start3A_40] : memref<10240x96xf32, #tpu.memory_space<vmem_shared>> -> memref<128x96xf32, #tpu.memory_space<vmem_shared>>
      tpu.enqueue_dma source(%arg13 : memref<128x96xf32, #tpu.memory_space<vmem>>) target(%dma_start3A_41 : memref<128x96xf32, #tpu.memory_space<vmem_shared>>) target_semaphore(%run_scoped3A : memref<!tpu.dma_semaphore, #tpu.memory_space<semaphore_mem>>)
      %dma_wait3A = arith.constant 0 : i32
      %dma_wait3A_42 = tpu.memref_slice %arg7[%add3A_9, %dma_wait3A] : memref<10240x96xf32, #tpu.memory_space<vmem_shared>> -> memref<128x96xf32, #tpu.memory_space<vmem_shared>>
      %dma_wait3A_43 = arith.constant 0 : i32
      %dma_wait3A_44 = tpu.memref_slice %arg7[%add3A_9, %dma_wait3A_43] : memref<10240x96xf32, #tpu.memory_space<vmem_shared>> -> memref<128x96xf32, #tpu.memory_space<vmem_shared>>
      tpu.wait_dma2 semaphore(%run_scoped3A : memref<!tpu.dma_semaphore, #tpu.memory_space<semaphore_mem>>) src(%arg13 : memref<128x96xf32, #tpu.memory_space<vmem>>) dst(%dma_wait3A_44 : memref<128x96xf32, #tpu.memory_space<vmem_shared>>)
      tpu.yield
    }) : () -> ()
    %mul3A_10 = arith.constant 640 : i32
    %mul3A_11 = arith.muli %arg1, %mul3A_10 : i32
    %add3A_12 = arith.constant 128 : i32
    %add3A_13 = arith.addi %mul3A_11, %add3A_12 : i32
    "tpu.region"() ({
      %run_scoped3A = tpu.sem_alloc : memref<!tpu.dma_semaphore, #tpu.memory_space<semaphore_mem>>
      %dma_start3A = arith.constant 0 : i32
      %dma_start3A_39 = tpu.memref_slice %arg7[%add3A_13, %dma_start3A] : memref<10240x96xf32, #tpu.memory_space<vmem_shared>> -> memref<128x96xf32, #tpu.memory_space<vmem_shared>>
      %dma_start3A_40 = arith.constant 0 : i32
      %dma_start3A_41 = tpu.memref_slice %arg7[%add3A_13, %dma_start3A_40] : memref<10240x96xf32, #tpu.memory_space<vmem_shared>> -> memref<128x96xf32, #tpu.memory_space<vmem_shared>>
      tpu.enqueue_dma source(%arg13 : memref<128x96xf32, #tpu.memory_space<vmem>>) target(%dma_start3A_41 : memref<128x96xf32, #tpu.memory_space<vmem_shared>>) target_semaphore(%run_scoped3A : memref<!tpu.dma_semaphore, #tpu.memory_space<semaphore_mem>>)
      %dma_wait3A = arith.constant 0 : i32
      %dma_wait3A_42 = tpu.memref_slice %arg7[%add3A_13, %dma_wait3A] : memref<10240x96xf32, #tpu.memory_space<vmem_shared>> -> memref<128x96xf32, #tpu.memory_space<vmem_shared>>
      %dma_wait3A_43 = arith.constant 0 : i32
      %dma_wait3A_44 = tpu.memref_slice %arg7[%add3A_13, %dma_wait3A_43] : memref<10240x96xf32, #tpu.memory_space<vmem_shared>> -> memref<128x96xf32, #tpu.memory_space<vmem_shared>>
      tpu.wait_dma2 semaphore(%run_scoped3A : memref<!tpu.dma_semaphore, #tpu.memory_space<semaphore_mem>>) src(%arg13 : memref<128x96xf32, #tpu.memory_space<vmem>>) dst(%dma_wait3A_44 : memref<128x96xf32, #tpu.memory_space<vmem_shared>>)
      tpu.yield
    }) : () -> ()
    %mul3A_14 = arith.constant 640 : i32
    %mul3A_15 = arith.muli %arg1, %mul3A_14 : i32
    %add3A_16 = arith.constant 256 : i32
    %add3A_17 = arith.addi %mul3A_15, %add3A_16 : i32
    "tpu.region"() ({
      %run_scoped3A = tpu.sem_alloc : memref<!tpu.dma_semaphore, #tpu.memory_space<semaphore_mem>>
      %dma_start3A = arith.constant 0 : i32
      %dma_start3A_39 = tpu.memref_slice %arg7[%add3A_17, %dma_start3A] : memref<10240x96xf32, #tpu.memory_space<vmem_shared>> -> memref<128x96xf32, #tpu.memory_space<vmem_shared>>
      %dma_start3A_40 = arith.constant 0 : i32
      %dma_start3A_41 = tpu.memref_slice %arg7[%add3A_17, %dma_start3A_40] : memref<10240x96xf32, #tpu.memory_space<vmem_shared>> -> memref<128x96xf32, #tpu.memory_space<vmem_shared>>
      tpu.enqueue_dma source(%arg13 : memref<128x96xf32, #tpu.memory_space<vmem>>) target(%dma_start3A_41 : memref<128x96xf32, #tpu.memory_space<vmem_shared>>) target_semaphore(%run_scoped3A : memref<!tpu.dma_semaphore, #tpu.memory_space<semaphore_mem>>)
      %dma_wait3A = arith.constant 0 : i32
      %dma_wait3A_42 = tpu.memref_slice %arg7[%add3A_17, %dma_wait3A] : memref<10240x96xf32, #tpu.memory_space<vmem_shared>> -> memref<128x96xf32, #tpu.memory_space<vmem_shared>>
      %dma_wait3A_43 = arith.constant 0 : i32
      %dma_wait3A_44 = tpu.memref_slice %arg7[%add3A_17, %dma_wait3A_43] : memref<10240x96xf32, #tpu.memory_space<vmem_shared>> -> memref<128x96xf32, #tpu.memory_space<vmem_shared>>
      tpu.wait_dma2 semaphore(%run_scoped3A : memref<!tpu.dma_semaphore, #tpu.memory_space<semaphore_mem>>) src(%arg13 : memref<128x96xf32, #tpu.memory_space<vmem>>) dst(%dma_wait3A_44 : memref<128x96xf32, #tpu.memory_space<vmem_shared>>)
      tpu.yield
    }) : () -> ()
    %mul3A_18 = arith.constant 640 : i32
    %mul3A_19 = arith.muli %arg1, %mul3A_18 : i32
    %add3A_20 = arith.constant 384 : i32
    %add3A_21 = arith.addi %mul3A_19, %add3A_20 : i32
    "tpu.region"() ({
      %run_scoped3A = tpu.sem_alloc : memref<!tpu.dma_semaphore, #tpu.memory_space<semaphore_mem>>
      %dma_start3A = arith.constant 0 : i32
      %dma_start3A_39 = tpu.memref_slice %arg7[%add3A_21, %dma_start3A] : memref<10240x96xf32, #tpu.memory_space<vmem_shared>> -> memref<128x96xf32, #tpu.memory_space<vmem_shared>>
      %dma_start3A_40 = arith.constant 0 : i32
      %dma_start3A_41 = tpu.memref_slice %arg7[%add3A_21, %dma_start3A_40] : memref<10240x96xf32, #tpu.memory_space<vmem_shared>> -> memref<128x96xf32, #tpu.memory_space<vmem_shared>>
      tpu.enqueue_dma source(%arg13 : memref<128x96xf32, #tpu.memory_space<vmem>>) target(%dma_start3A_41 : memref<128x96xf32, #tpu.memory_space<vmem_shared>>) target_semaphore(%run_scoped3A : memref<!tpu.dma_semaphore, #tpu.memory_space<semaphore_mem>>)
      %dma_wait3A = arith.constant 0 : i32
      %dma_wait3A_42 = tpu.memref_slice %arg7[%add3A_21, %dma_wait3A] : memref<10240x96xf32, #tpu.memory_space<vmem_shared>> -> memref<128x96xf32, #tpu.memory_space<vmem_shared>>
      %dma_wait3A_43 = arith.constant 0 : i32
      %dma_wait3A_44 = tpu.memref_slice %arg7[%add3A_21, %dma_wait3A_43] : memref<10240x96xf32, #tpu.memory_space<vmem_shared>> -> memref<128x96xf32, #tpu.memory_space<vmem_shared>>
      tpu.wait_dma2 semaphore(%run_scoped3A : memref<!tpu.dma_semaphore, #tpu.memory_space<semaphore_mem>>) src(%arg13 : memref<128x96xf32, #tpu.memory_space<vmem>>) dst(%dma_wait3A_44 : memref<128x96xf32, #tpu.memory_space<vmem_shared>>)
      tpu.yield
    }) : () -> ()
    %mul3A_22 = arith.constant 640 : i32
    %mul3A_23 = arith.muli %arg1, %mul3A_22 : i32
    %add3A_24 = arith.constant 512 : i32
    %add3A_25 = arith.addi %mul3A_23, %add3A_24 : i32
    "tpu.region"() ({
      %run_scoped3A = tpu.sem_alloc : memref<!tpu.dma_semaphore, #tpu.memory_space<semaphore_mem>>
      %dma_start3A = arith.constant 0 : i32
      %dma_start3A_39 = tpu.memref_slice %arg7[%add3A_25, %dma_start3A] : memref<10240x96xf32, #tpu.memory_space<vmem_shared>> -> memref<128x96xf32, #tpu.memory_space<vmem_shared>>
      %dma_start3A_40 = arith.constant 0 : i32
      %dma_start3A_41 = tpu.memref_slice %arg7[%add3A_25, %dma_start3A_40] : memref<10240x96xf32, #tpu.memory_space<vmem_shared>> -> memref<128x96xf32, #tpu.memory_space<vmem_shared>>
      tpu.enqueue_dma source(%arg13 : memref<128x96xf32, #tpu.memory_space<vmem>>) target(%dma_start3A_41 : memref<128x96xf32, #tpu.memory_space<vmem_shared>>) target_semaphore(%run_scoped3A : memref<!tpu.dma_semaphore, #tpu.memory_space<semaphore_mem>>)
      %dma_wait3A = arith.constant 0 : i32
      %dma_wait3A_42 = tpu.memref_slice %arg7[%add3A_25, %dma_wait3A] : memref<10240x96xf32, #tpu.memory_space<vmem_shared>> -> memref<128x96xf32, #tpu.memory_space<vmem_shared>>
      %dma_wait3A_43 = arith.constant 0 : i32
      %dma_wait3A_44 = tpu.memref_slice %arg7[%add3A_25, %dma_wait3A_43] : memref<10240x96xf32, #tpu.memory_space<vmem_shared>> -> memref<128x96xf32, #tpu.memory_space<vmem_shared>>
      tpu.wait_dma2 semaphore(%run_scoped3A : memref<!tpu.dma_semaphore, #tpu.memory_space<semaphore_mem>>) src(%arg13 : memref<128x96xf32, #tpu.memory_space<vmem>>) dst(%dma_wait3A_44 : memref<128x96xf32, #tpu.memory_space<vmem_shared>>)
      tpu.yield
    }) : () -> ()
    %barrier3A = arith.constant 0 : index
    tpu.barrier barrier_id(%barrier3A)
    %mul3A_26 = arith.constant 10000 : i32
    %mul3A_27 = arith.muli %add3A, %mul3A_26 : i32
    %scan3A_28 = arith.constant 0 : i32
    %scan3A_29 = arith.constant 0 : i32
    %scan3A_30 = arith.constant 125 : i32
    %scan3A_31 = arith.addi %scan3A_29, %scan3A_30 : i32
    %scan3A_32 = arith.constant 1 : i32
    scf.for %scan3A_39 = %scan3A_29 to %scan3A_31 step %scan3A_32  : i32 {
      %mul3A_40 = arith.constant 80 : i32
      %mul3A_41 = arith.muli %scan3A_39, %mul3A_40 : i32
      %add3A_42 = arith.addi %mul3A_27, %mul3A_41 : i32
      %multiple_of3A = tpu.assume_multiple %add3A_42, 8 : i32
      %dma_start3A = arith.constant 0 : i32
      %dma_start3A_43 = tpu.memref_slice %arg3[%multiple_of3A, %dma_start3A] : memref<320000x80xf32, #tpu.memory_space<hbm>> -> memref<80x80xf32, #tpu.memory_space<hbm>>
      %dma_start3A_44 = arith.constant 0 : i32
      %dma_start3A_45 = tpu.memref_slice %arg3[%multiple_of3A, %dma_start3A_44] : memref<320000x80xf32, #tpu.memory_space<hbm>> -> memref<80x80xf32, #tpu.memory_space<hbm>>
      tpu.enqueue_dma source(%dma_start3A_45 : memref<80x80xf32, #tpu.memory_space<hbm>>) target(%arg11 : memref<80x80xf32, #tpu.memory_space<vmem>>) target_semaphore(%arg15 : memref<!tpu.dma_semaphore, #tpu.memory_space<semaphore_mem>>)
      "tpu.region"() ({
        %run_scoped3A = tpu.sem_alloc : memref<!tpu.dma_semaphore, #tpu.memory_space<semaphore_mem>>
        %dma_start3A_61 = tpu.memref_slice %arg4[%multiple_of3A] : memref<320000xi32, #tpu.memory_space<hbm>> -> memref<80xi32, #tpu.memory_space<hbm>>
        %dma_start3A_62 = tpu.memref_slice %arg4[%multiple_of3A] : memref<320000xi32, #tpu.memory_space<hbm>> -> memref<80xi32, #tpu.memory_space<hbm>>
        tpu.enqueue_dma source(%dma_start3A_62 : memref<80xi32, #tpu.memory_space<hbm>>) target(%arg8 : memref<80xi32, #tpu.memory_space<vmem>>) target_semaphore(%run_scoped3A : memref<!tpu.dma_semaphore, #tpu.memory_space<semaphore_mem>>)
        %dma_wait3A_63 = tpu.memref_slice %arg4[%multiple_of3A] : memref<320000xi32, #tpu.memory_space<hbm>> -> memref<80xi32, #tpu.memory_space<hbm>>
        %dma_wait3A_64 = tpu.memref_slice %arg4[%multiple_of3A] : memref<320000xi32, #tpu.memory_space<hbm>> -> memref<80xi32, #tpu.memory_space<hbm>>
        tpu.wait_dma2 semaphore(%run_scoped3A : memref<!tpu.dma_semaphore, #tpu.memory_space<semaphore_mem>>) src(%dma_wait3A_64 : memref<80xi32, #tpu.memory_space<hbm>>) dst(%arg8 : memref<80xi32, #tpu.memory_space<vmem>>)
        tpu.yield
      }) : () -> ()
      "tpu.region"() ({
        %run_scoped3A = tpu.sem_alloc : memref<!tpu.dma_semaphore, #tpu.memory_space<semaphore_mem>>
        %dma_start3A_61 = tpu.memref_slice %arg5[%multiple_of3A] : memref<320000xi32, #tpu.memory_space<hbm>> -> memref<80xi32, #tpu.memory_space<hbm>>
        %dma_start3A_62 = tpu.memref_slice %arg5[%multiple_of3A] : memref<320000xi32, #tpu.memory_space<hbm>> -> memref<80xi32, #tpu.memory_space<hbm>>
        tpu.enqueue_dma source(%dma_start3A_62 : memref<80xi32, #tpu.memory_space<hbm>>) target(%arg9 : memref<80xi32, #tpu.memory_space<vmem>>) target_semaphore(%run_scoped3A : memref<!tpu.dma_semaphore, #tpu.memory_space<semaphore_mem>>)
        %dma_wait3A_63 = tpu.memref_slice %arg5[%multiple_of3A] : memref<320000xi32, #tpu.memory_space<hbm>> -> memref<80xi32, #tpu.memory_space<hbm>>
        %dma_wait3A_64 = tpu.memref_slice %arg5[%multiple_of3A] : memref<320000xi32, #tpu.memory_space<hbm>> -> memref<80xi32, #tpu.memory_space<hbm>>
        tpu.wait_dma2 semaphore(%run_scoped3A : memref<!tpu.dma_semaphore, #tpu.memory_space<semaphore_mem>>) src(%dma_wait3A_64 : memref<80xi32, #tpu.memory_space<hbm>>) dst(%arg9 : memref<80xi32, #tpu.memory_space<vmem>>)
        tpu.yield
      }) : () -> ()
      %dma_start3A_46 = arith.constant 0 : i32
      %dma_start3A_47 = arith.constant 0 : i32
      %dma_start3A_48 = tpu.memref_slice %arg2[%dma_start3A_46, %dma_start3A_47] : memref<10000x128xf32, #tpu.memory_space<hbm>> -> memref<10000x128xf32, #tpu.memory_space<hbm>>
      tpu.enqueue_indirect_dma source(%dma_start3A_48 : memref<10000x128xf32, #tpu.memory_space<hbm>>) target(%arg10 : memref<80x128xf32, #tpu.memory_space<vmem>>) offsets(%arg8 : memref<80xi32, #tpu.memory_space<vmem>>) semaphore(%arg14 : memref<!tpu.dma_semaphore, #tpu.memory_space<semaphore_mem>>)
      %dma_wait3A = arith.constant 0 : i32
      %dma_wait3A_49 = arith.constant 0 : i32
      %dma_wait3A_50 = tpu.memref_slice %arg2[%dma_wait3A, %dma_wait3A_49] : memref<10000x128xf32, #tpu.memory_space<hbm>> -> memref<10000x128xf32, #tpu.memory_space<hbm>>
      tpu.wait_indirect_dma semaphore(%arg14 : memref<!tpu.dma_semaphore, #tpu.memory_space<semaphore_mem>>) src(%dma_wait3A_50 : memref<10000x128xf32, #tpu.memory_space<hbm>>) dst(%arg10 : memref<80x128xf32, #tpu.memory_space<vmem>>)
      %dma_wait3A_51 = arith.constant 0 : i32
      %dma_wait3A_52 = tpu.memref_slice %arg3[%multiple_of3A, %dma_wait3A_51] : memref<320000x80xf32, #tpu.memory_space<hbm>> -> memref<80x80xf32, #tpu.memory_space<hbm>>
      %dma_wait3A_53 = arith.constant 0 : i32
      %dma_wait3A_54 = tpu.memref_slice %arg3[%multiple_of3A, %dma_wait3A_53] : memref<320000x80xf32, #tpu.memory_space<hbm>> -> memref<80x80xf32, #tpu.memory_space<hbm>>
      tpu.wait_dma2 semaphore(%arg15 : memref<!tpu.dma_semaphore, #tpu.memory_space<semaphore_mem>>) src(%dma_wait3A_54 : memref<80x80xf32, #tpu.memory_space<hbm>>) dst(%arg11 : memref<80x80xf32, #tpu.memory_space<vmem>>)
      %scan3A_55 = arith.constant 0 : i32
      %scan3A_56 = arith.constant 0 : i32
      %scan3A_57 = arith.constant 80 : i32
      %scan3A_58 = arith.addi %scan3A_56, %scan3A_57 : i32
      %scan3A_59 = arith.constant 1 : i32
      scf.for %scan3A_61 = %scan3A_56 to %scan3A_58 step %scan3A_59  : i32 {
        %get3A = arith.index_cast %scan3A_61 : i32 to index
        %get3A_62 = arith.constant 0 : index
        %get3A_63 = tpu.vector_load %arg11[%get3A, %get3A_62] {strides = array<i32>} : memref<80x80xf32, #tpu.memory_space<vmem>>, vector<1x16xf32>,
        %get3A_64 = vector.shape_cast %get3A_63 : vector<1x16xf32> to vector<16xf32>
        %get3A_65 = arith.index_cast %scan3A_61 : i32 to index
        %get3A_66 = arith.constant 0 : index
        %get3A_67 = tpu.vector_load %arg10[%get3A_65, %get3A_66] {strides = array<i32>} : memref<80x128xf32, #tpu.memory_space<vmem>>, vector<1x16xf32>,
        %get3A_68 = vector.shape_cast %get3A_67 : vector<1x16xf32> to vector<16xf32>
        %mul3A_69 = arith.mulf %get3A_64, %get3A_68 : vector<16xf32>
        %get3A_70 = arith.index_cast %scan3A_61 : i32 to index
        %get3A_71 = arith.constant 16 : index
        %get3A_72 = tpu.vector_load %arg11[%get3A_70, %get3A_71] {strides = array<i32>} : memref<80x80xf32, #tpu.memory_space<vmem>>, vector<1x16xf32>,
        %get3A_73 = vector.shape_cast %get3A_72 : vector<1x16xf32> to vector<16xf32>
        %get3A_74 = arith.index_cast %scan3A_61 : i32 to index
        %get3A_75 = arith.constant 16 : index
        %get3A_76 = tpu.vector_load %arg10[%get3A_74, %get3A_75] {strides = array<i32>} : memref<80x128xf32, #tpu.memory_space<vmem>>, vector<1x16xf32>,
        %get3A_77 = vector.shape_cast %get3A_76 : vector<1x16xf32> to vector<16xf32>
        %mul3A_78 = arith.mulf %get3A_73, %get3A_77 : vector<16xf32>
        %get3A_79 = arith.index_cast %scan3A_61 : i32 to index
        %get3A_80 = arith.constant 32 : index
        %get3A_81 = tpu.vector_load %arg11[%get3A_79, %get3A_80] {strides = array<i32>} : memref<80x80xf32, #tpu.memory_space<vmem>>, vector<1x16xf32>,
        %get3A_82 = vector.shape_cast %get3A_81 : vector<1x16xf32> to vector<16xf32>
        %get3A_83 = arith.index_cast %scan3A_61 : i32 to index
        %get3A_84 = arith.constant 48 : index
        %get3A_85 = tpu.vector_load %arg11[%get3A_83, %get3A_84] {strides = array<i32>} : memref<80x80xf32, #tpu.memory_space<vmem>>, vector<1x16xf32>,
        %get3A_86 = vector.shape_cast %get3A_85 : vector<1x16xf32> to vector<16xf32>
        %get3A_87 = arith.index_cast %scan3A_61 : i32 to index
        %get3A_88 = arith.constant 64 : index
        %get3A_89 = tpu.vector_load %arg11[%get3A_87, %get3A_88] {strides = array<i32>} : memref<80x80xf32, #tpu.memory_space<vmem>>, vector<1x16xf32>,
        %get3A_90 = vector.shape_cast %get3A_89 : vector<1x16xf32> to vector<16xf32>
        %get3A_91 = arith.index_cast %scan3A_61 : i32 to index
        %get3A_92 = arith.constant 32 : index
        %get3A_93 = tpu.vector_load %arg10[%get3A_91, %get3A_92] {strides = array<i32>} : memref<80x128xf32, #tpu.memory_space<vmem>>, vector<1x16xf32>,
        %get3A_94 = vector.shape_cast %get3A_93 : vector<1x16xf32> to vector<16xf32>
        %get3A_95 = arith.index_cast %scan3A_61 : i32 to index
        %get3A_96 = arith.constant 48 : index
        %get3A_97 = tpu.vector_load %arg10[%get3A_95, %get3A_96] {strides = array<i32>} : memref<80x128xf32, #tpu.memory_space<vmem>>, vector<1x16xf32>,
        %get3A_98 = vector.shape_cast %get3A_97 : vector<1x16xf32> to vector<16xf32>
        %slice3A = vector.extract_strided_slice %get3A_90 {offsets = [0], sizes = [1], strides = [1]} : vector<16xf32> to vector<1xf32>
        %squeeze3A = vector.extract %slice3A[0] : f32 from vector<1xf32>
        %mul3A_99 = vector.broadcast %squeeze3A : f32 to vector<16xf32>
        %mul3A_100 = arith.mulf %mul3A_69, %mul3A_99 : vector<16xf32>
        %mul3A_101 = arith.mulf %get3A_82, %get3A_94 : vector<16xf32>
        %add3A_102 = arith.addf %mul3A_100, %mul3A_101 : vector<16xf32>
        %swap3A = arith.index_cast %scan3A_61 : i32 to index
        %swap3A_103 = arith.constant 0 : index
        %swap3A_104 = tpu.vector_load %arg12[%swap3A, %swap3A_103] {strides = array<i32>} : memref<80x96xf32, #tpu.memory_space<vmem>>, vector<1x16xf32>,
        %swap3A_105 = vector.shape_cast %swap3A_104 : vector<1x16xf32> to vector<16xf32>
        %swap3A_106 = vector.shape_cast %add3A_102 : vector<16xf32> to vector<1x16xf32>
        tpu.vector_store %arg12[%swap3A, %swap3A_103], %swap3A_106 {strides = array<i32>} : memref<80x96xf32, #tpu.memory_space<vmem>>, vector<1x16xf32>,
        %slice3A_107 = vector.extract_strided_slice %get3A_90 {offsets = [0], sizes = [1], strides = [1]} : vector<16xf32> to vector<1xf32>
        %squeeze3A_108 = vector.extract %slice3A_107[0] : f32 from vector<1xf32>
        %mul3A_109 = vector.broadcast %squeeze3A_108 : f32 to vector<16xf32>
        %mul3A_110 = arith.mulf %mul3A_78, %mul3A_109 : vector<16xf32>
        %mul3A_111 = arith.mulf %get3A_86, %get3A_98 : vector<16xf32>
        %add3A_112 = arith.addf %mul3A_110, %mul3A_111 : vector<16xf32>
        %swap3A_113 = arith.index_cast %scan3A_61 : i32 to index
        %swap3A_114 = arith.constant 16 : index
        %swap3A_115 = tpu.vector_load %arg12[%swap3A_113, %swap3A_114] {strides = array<i32>} : memref<80x96xf32, #tpu.memory_space<vmem>>, vector<1x16xf32>,
        %swap3A_116 = vector.shape_cast %swap3A_115 : vector<1x16xf32> to vector<16xf32>
        %swap3A_117 = vector.shape_cast %add3A_112 : vector<16xf32> to vector<1x16xf32>
        tpu.vector_store %arg12[%swap3A_113, %swap3A_114], %swap3A_117 {strides = array<i32>} : memref<80x96xf32, #tpu.memory_space<vmem>>, vector<1x16xf32>,
        %get3A_118 = arith.index_cast %scan3A_61 : i32 to index
        %get3A_119 = arith.constant 64 : index
        %get3A_120 = tpu.vector_load %arg10[%get3A_118, %get3A_119] {strides = array<i32>} : memref<80x128xf32, #tpu.memory_space<vmem>>, vector<1x16xf32>,
        %get3A_121 = vector.shape_cast %get3A_120 : vector<1x16xf32> to vector<16xf32>
        %get3A_122 = arith.index_cast %scan3A_61 : i32 to index
        %get3A_123 = arith.constant 80 : index
        %get3A_124 = tpu.vector_load %arg10[%get3A_122, %get3A_123] {strides = array<i32>} : memref<80x128xf32, #tpu.memory_space<vmem>>, vector<1x16xf32>,
        %get3A_125 = vector.shape_cast %get3A_124 : vector<1x16xf32> to vector<16xf32>
        %slice3A_126 = vector.extract_strided_slice %get3A_90 {offsets = [1], sizes = [1], strides = [1]} : vector<16xf32> to vector<1xf32>
        %squeeze3A_127 = vector.extract %slice3A_126[0] : f32 from vector<1xf32>
        %mul3A_128 = vector.broadcast %squeeze3A_127 : f32 to vector<16xf32>
        %mul3A_129 = arith.mulf %mul3A_69, %mul3A_128 : vector<16xf32>
        %mul3A_130 = arith.mulf %get3A_82, %get3A_121 : vector<16xf32>
        %add3A_131 = arith.addf %mul3A_129, %mul3A_130 : vector<16xf32>
        %swap3A_132 = arith.index_cast %scan3A_61 : i32 to index
        %swap3A_133 = arith.constant 32 : index
        %swap3A_134 = tpu.vector_load %arg12[%swap3A_132, %swap3A_133] {strides = array<i32>} : memref<80x96xf32, #tpu.memory_space<vmem>>, vector<1x16xf32>,
        %swap3A_135 = vector.shape_cast %swap3A_134 : vector<1x16xf32> to vector<16xf32>
        %swap3A_136 = vector.shape_cast %add3A_131 : vector<16xf32> to vector<1x16xf32>
        tpu.vector_store %arg12[%swap3A_132, %swap3A_133], %swap3A_136 {strides = array<i32>} : memref<80x96xf32, #tpu.memory_space<vmem>>, vector<1x16xf32>,
        %slice3A_137 = vector.extract_strided_slice %get3A_90 {offsets = [1], sizes = [1], strides = [1]} : vector<16xf32> to vector<1xf32>
        %squeeze3A_138 = vector.extract %slice3A_137[0] : f32 from vector<1xf32>
        %mul3A_139 = vector.broadcast %squeeze3A_138 : f32 to vector<16xf32>
        %mul3A_140 = arith.mulf %mul3A_78, %mul3A_139 : vector<16xf32>
        %mul3A_141 = arith.mulf %get3A_86, %get3A_125 : vector<16xf32>
        %add3A_142 = arith.addf %mul3A_140, %mul3A_141 : vector<16xf32>
        %swap3A_143 = arith.index_cast %scan3A_61 : i32 to index
        %swap3A_144 = arith.constant 48 : index
        %swap3A_145 = tpu.vector_load %arg12[%swap3A_143, %swap3A_144] {strides = array<i32>} : memref<80x96xf32, #tpu.memory_space<vmem>>, vector<1x16xf32>,
        %swap3A_146 = vector.shape_cast %swap3A_145 : vector<1x16xf32> to vector<16xf32>
        %swap3A_147 = vector.shape_cast %add3A_142 : vector<16xf32> to vector<1x16xf32>
        tpu.vector_store %arg12[%swap3A_143, %swap3A_144], %swap3A_147 {strides = array<i32>} : memref<80x96xf32, #tpu.memory_space<vmem>>, vector<1x16xf32>,
        %get3A_148 = arith.index_cast %scan3A_61 : i32 to index
        %get3A_149 = arith.constant 96 : index
        %get3A_150 = tpu.vector_load %arg10[%get3A_148, %get3A_149] {strides = array<i32>} : memref<80x128xf32, #tpu.memory_space<vmem>>, vector<1x16xf32>,
        %get3A_151 = vector.shape_cast %get3A_150 : vector<1x16xf32> to vector<16xf32>
        %get3A_152 = arith.index_cast %scan3A_61 : i32 to index
        %get3A_153 = arith.constant 112 : index
        %get3A_154 = tpu.vector_load %arg10[%get3A_152, %get3A_153] {strides = array<i32>} : memref<80x128xf32, #tpu.memory_space<vmem>>, vector<1x16xf32>,
        %get3A_155 = vector.shape_cast %get3A_154 : vector<1x16xf32> to vector<16xf32>
        %slice3A_156 = vector.extract_strided_slice %get3A_90 {offsets = [2], sizes = [1], strides = [1]} : vector<16xf32> to vector<1xf32>
        %squeeze3A_157 = vector.extract %slice3A_156[0] : f32 from vector<1xf32>
        %mul3A_158 = vector.broadcast %squeeze3A_157 : f32 to vector<16xf32>
        %mul3A_159 = arith.mulf %mul3A_69, %mul3A_158 : vector<16xf32>
        %mul3A_160 = arith.mulf %get3A_82, %get3A_151 : vector<16xf32>
        %add3A_161 = arith.addf %mul3A_159, %mul3A_160 : vector<16xf32>
        %swap3A_162 = arith.index_cast %scan3A_61 : i32 to index
        %swap3A_163 = arith.constant 64 : index
        %swap3A_164 = tpu.vector_load %arg12[%swap3A_162, %swap3A_163] {strides = array<i32>} : memref<80x96xf32, #tpu.memory_space<vmem>>, vector<1x16xf32>,
        %swap3A_165 = vector.shape_cast %swap3A_164 : vector<1x16xf32> to vector<16xf32>
        %swap3A_166 = vector.shape_cast %add3A_161 : vector<16xf32> to vector<1x16xf32>
        tpu.vector_store %arg12[%swap3A_162, %swap3A_163], %swap3A_166 {strides = array<i32>} : memref<80x96xf32, #tpu.memory_space<vmem>>, vector<1x16xf32>,
        %slice3A_167 = vector.extract_strided_slice %get3A_90 {offsets = [2], sizes = [1], strides = [1]} : vector<16xf32> to vector<1xf32>
        %squeeze3A_168 = vector.extract %slice3A_167[0] : f32 from vector<1xf32>
        %mul3A_169 = vector.broadcast %squeeze3A_168 : f32 to vector<16xf32>
        %mul3A_170 = arith.mulf %mul3A_78, %mul3A_169 : vector<16xf32>
        %mul3A_171 = arith.mulf %get3A_86, %get3A_155 : vector<16xf32>
        %add3A_172 = arith.addf %mul3A_170, %mul3A_171 : vector<16xf32>
        %swap3A_173 = arith.index_cast %scan3A_61 : i32 to index
        %swap3A_174 = arith.constant 80 : index
        %swap3A_175 = tpu.vector_load %arg12[%swap3A_173, %swap3A_174] {strides = array<i32>} : memref<80x96xf32, #tpu.memory_space<vmem>>, vector<1x16xf32>,
        %swap3A_176 = vector.shape_cast %swap3A_175 : vector<1x16xf32> to vector<16xf32>
        %swap3A_177 = vector.shape_cast %add3A_172 : vector<16xf32> to vector<1x16xf32>
        tpu.vector_store %arg12[%swap3A_173, %swap3A_174], %swap3A_177 {strides = array<i32>} : memref<80x96xf32, #tpu.memory_space<vmem>>, vector<1x16xf32>,
      }
      %scan3A_60 = arith.constant 80 : i32
      "tpu.region"() ({
        %run_scoped3A = tpu.sem_alloc : memref<!tpu.dma_semaphore, #tpu.memory_space<semaphore_mem>>
        %dma_start3A_61 = arith.constant 0 : i32
        %dma_start3A_62 = arith.constant 0 : i32
        %dma_start3A_63 = tpu.memref_slice %arg7[%dma_start3A_61, %dma_start3A_62] : memref<10240x96xf32, #tpu.memory_space<vmem_shared>> -> memref<10240x96xf32, #tpu.memory_space<vmem_shared>>
        tpu.enqueue_indirect_dma source(%arg12 : memref<80x96xf32, #tpu.memory_space<vmem>>) target(%dma_start3A_63 : memref<10240x96xf32, #tpu.memory_space<vmem_shared>>) offsets(%arg9 : memref<80xi32, #tpu.memory_space<vmem>>) semaphore(%run_scoped3A : memref<!tpu.dma_semaphore, #tpu.memory_space<semaphore_mem>>) {add = true}
        %dma_wait3A_64 = arith.constant 0 : i32
        %dma_wait3A_65 = arith.constant 0 : i32
        %dma_wait3A_66 = tpu.memref_slice %arg7[%dma_wait3A_64, %dma_wait3A_65] : memref<10240x96xf32, #tpu.memory_space<vmem_shared>> -> memref<10240x96xf32, #tpu.memory_space<vmem_shared>>
        tpu.wait_indirect_dma semaphore(%run_scoped3A : memref<!tpu.dma_semaphore, #tpu.memory_space<semaphore_mem>>) src(%arg12 : memref<80x96xf32, #tpu.memory_space<vmem>>) dst(%dma_wait3A_66 : memref<10240x96xf32, #tpu.memory_space<vmem_shared>>)
        tpu.yield
      }) : () -> ()
    }
    %scan3A_33 = arith.constant 125 : i32
    %barrier3A_34 = arith.constant 0 : index
    tpu.barrier barrier_id(%barrier3A_34)
    %mul3A_35 = arith.constant 640 : i32
    %mul3A_36 = arith.muli %arg1, %mul3A_35 : i32
    %mul3A_37 = arith.constant 640 : i32
    %mul3A_38 = arith.muli %arg1, %mul3A_37 : i32
    "tpu.region"() ({
      %run_scoped3A = tpu.sem_alloc : memref<!tpu.dma_semaphore, #tpu.memory_space<semaphore_mem>>
      %dma_start3A = arith.constant 0 : i32
      %dma_start3A_39 = tpu.memref_slice %arg6[%arg0, %mul3A_38, %dma_start3A] : memref<2x10240x96xf32, #tpu.memory_space<hbm>> -> memref<1x640x96xf32, #tpu.memory_space<hbm>>
      %dma_start3A_40 = tpu.memref_squeeze %dma_start3A_39 : memref<1x640x96xf32, #tpu.memory_space<hbm>> -> memref<640x96xf32, #tpu.memory_space<hbm>>
      %dma_start3A_41 = arith.constant 0 : i32
      %dma_start3A_42 = tpu.memref_slice %arg7[%mul3A_36, %dma_start3A_41] : memref<10240x96xf32, #tpu.memory_space<vmem_shared>> -> memref<640x96xf32, #tpu.memory_space<vmem_shared>>
      tpu.enqueue_dma source(%dma_start3A_42 : memref<640x96xf32, #tpu.memory_space<vmem_shared>>) target(%dma_start3A_40 : memref<640x96xf32, #tpu.memory_space<hbm>>) target_semaphore(%run_scoped3A : memref<!tpu.dma_semaphore, #tpu.memory_space<semaphore_mem>>)
      %dma_wait3A = arith.constant 0 : i32
      %dma_wait3A_43 = tpu.memref_slice %arg6[%arg0, %mul3A_38, %dma_wait3A] : memref<2x10240x96xf32, #tpu.memory_space<hbm>> -> memref<1x640x96xf32, #tpu.memory_space<hbm>>
      %dma_wait3A_44 = tpu.memref_squeeze %dma_wait3A_43 : memref<1x640x96xf32, #tpu.memory_space<hbm>> -> memref<640x96xf32, #tpu.memory_space<hbm>>
      %dma_wait3A_45 = arith.constant 0 : i32
      %dma_wait3A_46 = tpu.memref_slice %arg7[%mul3A_36, %dma_wait3A_45] : memref<10240x96xf32, #tpu.memory_space<vmem_shared>> -> memref<640x96xf32, #tpu.memory_space<vmem_shared>>
      tpu.wait_dma2 semaphore(%run_scoped3A : memref<!tpu.dma_semaphore, #tpu.memory_space<semaphore_mem>>) src(%dma_wait3A_46 : memref<640x96xf32, #tpu.memory_space<vmem_shared>>) dst(%dma_wait3A_44 : memref<640x96xf32, #tpu.memory_space<hbm>>)
      tpu.yield
    }) : () -> ()
    return
  }
}

#map = affine_map<(d0, d1) -> (0, 0)>
#map1 = affine_map<(d0, d1) -> (0)>
#map2 = affine_map<(d0, d1) -> (0, 0, 0)>
module attributes {stable_mosaic.version = 14 : i64} {
  func.func @edge_pass(%arg0: i32, %arg1: i32, %arg2: memref<10000x128xf32, #tpu.memory_space<hbm>>, %arg3: memref<320000x80xf32, #tpu.memory_space<hbm>>, %arg4: memref<320000xi32, #tpu.memory_space<hbm>>, %arg5: memref<320000xi32, #tpu.memory_space<hbm>>, %arg6: memref<2x10240x96xf32, #tpu.memory_space<hbm>>, %arg7: memref<10240x96xf32, #tpu.memory_space<vmem_shared>>, %arg8: memref<80xi32, #tpu.memory_space<vmem>>, %arg9: memref<80xi32, #tpu.memory_space<vmem>>, %arg10: memref<80x128xf32, #tpu.memory_space<vmem>>, %arg11: memref<80x80xf32, #tpu.memory_space<vmem>>, %arg12: memref<80x96xf32, #tpu.memory_space<vmem>>, %arg13: memref<128x96xf32, #tpu.memory_space<vmem>>, %arg14: memref<!tpu.dma_semaphore, #tpu.memory_space<semaphore_mem>>, %arg15: memref<!tpu.dma_semaphore, #tpu.memory_space<semaphore_mem>>) attributes {dimension_semantics = [#tpu.dimension_semantics<core_parallel>, #tpu.dimension_semantics<subcore_parallel>], iteration_bounds = array<i64: 2, 16>, scalar_prefetch = 0 : i64, scratch_operands = 9 : i64, tpu.core_type = #tpu.core_type<sc_vector_subcore>, window_params = [{transform_indices = #map}, {transform_indices = #map}, {transform_indices = #map1}, {transform_indices = #map1}, {transform_indices = #map2}]} {
    %mul3A = arith.constant 16 : i32
    %mul3A_0 = arith.muli %arg0, %mul3A : i32
    %add3A = arith.addi %mul3A_0, %arg1 : i32
    %scan3A = arith.constant 0 : i32
    %scan3A_1 = arith.constant 0 : i32
    %scan3A_2 = arith.constant 128 : i32
    %scan3A_3 = arith.addi %scan3A_1, %scan3A_2 : i32
    %scan3A_4 = arith.constant 1 : i32
    scf.for %scan3A_39 = %scan3A_1 to %scan3A_3 step %scan3A_4  : i32 {
      %broadcast_in_dim3A = arith.constant 0.000000e+00 : f32
      %broadcast_in_dim3A_40 = vector.broadcast %broadcast_in_dim3A : f32 to vector<16xf32>
      %swap3A = arith.index_cast %scan3A_39 : i32 to index
      %swap3A_41 = arith.constant 0 : index
      %swap3A_42 = tpu.vector_load %arg13[%swap3A, %swap3A_41] {strides = array<i32>} : memref<128x96xf32, #tpu.memory_space<vmem>>, vector<1x16xf32>,
      %swap3A_43 = vector.shape_cast %swap3A_42 : vector<1x16xf32> to vector<16xf32>
      %swap3A_44 = vector.shape_cast %broadcast_in_dim3A_40 : vector<16xf32> to vector<1x16xf32>
      tpu.vector_store %arg13[%swap3A, %swap3A_41], %swap3A_44 {strides = array<i32>} : memref<128x96xf32, #tpu.memory_space<vmem>>, vector<1x16xf32>,
      %broadcast_in_dim3A_45 = arith.constant 0.000000e+00 : f32
      %broadcast_in_dim3A_46 = vector.broadcast %broadcast_in_dim3A_45 : f32 to vector<16xf32>
      %swap3A_47 = arith.index_cast %scan3A_39 : i32 to index
      %swap3A_48 = arith.constant 16 : index
      %swap3A_49 = tpu.vector_load %arg13[%swap3A_47, %swap3A_48] {strides = array<i32>} : memref<128x96xf32, #tpu.memory_space<vmem>>, vector<1x16xf32>,
      %swap3A_50 = vector.shape_cast %swap3A_49 : vector<1x16xf32> to vector<16xf32>
      %swap3A_51 = vector.shape_cast %broadcast_in_dim3A_46 : vector<16xf32> to vector<1x16xf32>
      tpu.vector_store %arg13[%swap3A_47, %swap3A_48], %swap3A_51 {strides = array<i32>} : memref<128x96xf32, #tpu.memory_space<vmem>>, vector<1x16xf32>,
      %broadcast_in_dim3A_52 = arith.constant 0.000000e+00 : f32
      %broadcast_in_dim3A_53 = vector.broadcast %broadcast_in_dim3A_52 : f32 to vector<16xf32>
      %swap3A_54 = arith.index_cast %scan3A_39 : i32 to index
      %swap3A_55 = arith.constant 32 : index
      %swap3A_56 = tpu.vector_load %arg13[%swap3A_54, %swap3A_55] {strides = array<i32>} : memref<128x96xf32, #tpu.memory_space<vmem>>, vector<1x16xf32>,
      %swap3A_57 = vector.shape_cast %swap3A_56 : vector<1x16xf32> to vector<16xf32>
      %swap3A_58 = vector.shape_cast %broadcast_in_dim3A_53 : vector<16xf32> to vector<1x16xf32>
      tpu.vector_store %arg13[%swap3A_54, %swap3A_55], %swap3A_58 {strides = array<i32>} : memref<128x96xf32, #tpu.memory_space<vmem>>, vector<1x16xf32>,
      %broadcast_in_dim3A_59 = arith.constant 0.000000e+00 : f32
      %broadcast_in_dim3A_60 = vector.broadcast %broadcast_in_dim3A_59 : f32 to vector<16xf32>
      %swap3A_61 = arith.index_cast %scan3A_39 : i32 to index
      %swap3A_62 = arith.constant 48 : index
      %swap3A_63 = tpu.vector_load %arg13[%swap3A_61, %swap3A_62] {strides = array<i32>} : memref<128x96xf32, #tpu.memory_space<vmem>>, vector<1x16xf32>,
      %swap3A_64 = vector.shape_cast %swap3A_63 : vector<1x16xf32> to vector<16xf32>
      %swap3A_65 = vector.shape_cast %broadcast_in_dim3A_60 : vector<16xf32> to vector<1x16xf32>
      tpu.vector_store %arg13[%swap3A_61, %swap3A_62], %swap3A_65 {strides = array<i32>} : memref<128x96xf32, #tpu.memory_space<vmem>>, vector<1x16xf32>,
      %broadcast_in_dim3A_66 = arith.constant 0.000000e+00 : f32
      %broadcast_in_dim3A_67 = vector.broadcast %broadcast_in_dim3A_66 : f32 to vector<16xf32>
      %swap3A_68 = arith.index_cast %scan3A_39 : i32 to index
      %swap3A_69 = arith.constant 64 : index
      %swap3A_70 = tpu.vector_load %arg13[%swap3A_68, %swap3A_69] {strides = array<i32>} : memref<128x96xf32, #tpu.memory_space<vmem>>, vector<1x16xf32>,
      %swap3A_71 = vector.shape_cast %swap3A_70 : vector<1x16xf32> to vector<16xf32>
      %swap3A_72 = vector.shape_cast %broadcast_in_dim3A_67 : vector<16xf32> to vector<1x16xf32>
      tpu.vector_store %arg13[%swap3A_68, %swap3A_69], %swap3A_72 {strides = array<i32>} : memref<128x96xf32, #tpu.memory_space<vmem>>, vector<1x16xf32>,
      %broadcast_in_dim3A_73 = arith.constant 0.000000e+00 : f32
      %broadcast_in_dim3A_74 = vector.broadcast %broadcast_in_dim3A_73 : f32 to vector<16xf32>
      %swap3A_75 = arith.index_cast %scan3A_39 : i32 to index
      %swap3A_76 = arith.constant 80 : index
      %swap3A_77 = tpu.vector_load %arg13[%swap3A_75, %swap3A_76] {strides = array<i32>} : memref<128x96xf32, #tpu.memory_space<vmem>>, vector<1x16xf32>,
      %swap3A_78 = vector.shape_cast %swap3A_77 : vector<1x16xf32> to vector<16xf32>
      %swap3A_79 = vector.shape_cast %broadcast_in_dim3A_74 : vector<16xf32> to vector<1x16xf32>
      tpu.vector_store %arg13[%swap3A_75, %swap3A_76], %swap3A_79 {strides = array<i32>} : memref<128x96xf32, #tpu.memory_space<vmem>>, vector<1x16xf32>,
    }
    %scan3A_5 = arith.constant 128 : i32
    %mul3A_6 = arith.constant 640 : i32
    %mul3A_7 = arith.muli %arg1, %mul3A_6 : i32
    %add3A_8 = arith.constant 0 : i32
    %add3A_9 = arith.addi %mul3A_7, %add3A_8 : i32
    "tpu.region"() ({
      %run_scoped3A = tpu.sem_alloc : memref<!tpu.dma_semaphore, #tpu.memory_space<semaphore_mem>>
      %dma_start3A = arith.constant 0 : i32
      %dma_start3A_39 = tpu.memref_slice %arg7[%add3A_9, %dma_start3A] : memref<10240x96xf32, #tpu.memory_space<vmem_shared>> -> memref<128x96xf32, #tpu.memory_space<vmem_shared>>
      %dma_start3A_40 = arith.constant 0 : i32
      %dma_start3A_41 = tpu.memref_slice %arg7[%add3A_9, %dma_start3A_40] : memref<10240x96xf32, #tpu.memory_space<vmem_shared>> -> memref<128x96xf32, #tpu.memory_space<vmem_shared>>
      tpu.enqueue_dma source(%arg13 : memref<128x96xf32, #tpu.memory_space<vmem>>) target(%dma_start3A_41 : memref<128x96xf32, #tpu.memory_space<vmem_shared>>) target_semaphore(%run_scoped3A : memref<!tpu.dma_semaphore, #tpu.memory_space<semaphore_mem>>)
      %dma_wait3A = arith.constant 0 : i32
      %dma_wait3A_42 = tpu.memref_slice %arg7[%add3A_9, %dma_wait3A] : memref<10240x96xf32, #tpu.memory_space<vmem_shared>> -> memref<128x96xf32, #tpu.memory_space<vmem_shared>>
      %dma_wait3A_43 = arith.constant 0 : i32
      %dma_wait3A_44 = tpu.memref_slice %arg7[%add3A_9, %dma_wait3A_43] : memref<10240x96xf32, #tpu.memory_space<vmem_shared>> -> memref<128x96xf32, #tpu.memory_space<vmem_shared>>
      tpu.wait_dma2 semaphore(%run_scoped3A : memref<!tpu.dma_semaphore, #tpu.memory_space<semaphore_mem>>) src(%arg13 : memref<128x96xf32, #tpu.memory_space<vmem>>) dst(%dma_wait3A_44 : memref<128x96xf32, #tpu.memory_space<vmem_shared>>)
      tpu.yield
    }) : () -> ()
    %mul3A_10 = arith.constant 640 : i32
    %mul3A_11 = arith.muli %arg1, %mul3A_10 : i32
    %add3A_12 = arith.constant 128 : i32
    %add3A_13 = arith.addi %mul3A_11, %add3A_12 : i32
    "tpu.region"() ({
      %run_scoped3A = tpu.sem_alloc : memref<!tpu.dma_semaphore, #tpu.memory_space<semaphore_mem>>
      %dma_start3A = arith.constant 0 : i32
      %dma_start3A_39 = tpu.memref_slice %arg7[%add3A_13, %dma_start3A] : memref<10240x96xf32, #tpu.memory_space<vmem_shared>> -> memref<128x96xf32, #tpu.memory_space<vmem_shared>>
      %dma_start3A_40 = arith.constant 0 : i32
      %dma_start3A_41 = tpu.memref_slice %arg7[%add3A_13, %dma_start3A_40] : memref<10240x96xf32, #tpu.memory_space<vmem_shared>> -> memref<128x96xf32, #tpu.memory_space<vmem_shared>>
      tpu.enqueue_dma source(%arg13 : memref<128x96xf32, #tpu.memory_space<vmem>>) target(%dma_start3A_41 : memref<128x96xf32, #tpu.memory_space<vmem_shared>>) target_semaphore(%run_scoped3A : memref<!tpu.dma_semaphore, #tpu.memory_space<semaphore_mem>>)
      %dma_wait3A = arith.constant 0 : i32
      %dma_wait3A_42 = tpu.memref_slice %arg7[%add3A_13, %dma_wait3A] : memref<10240x96xf32, #tpu.memory_space<vmem_shared>> -> memref<128x96xf32, #tpu.memory_space<vmem_shared>>
      %dma_wait3A_43 = arith.constant 0 : i32
      %dma_wait3A_44 = tpu.memref_slice %arg7[%add3A_13, %dma_wait3A_43] : memref<10240x96xf32, #tpu.memory_space<vmem_shared>> -> memref<128x96xf32, #tpu.memory_space<vmem_shared>>
      tpu.wait_dma2 semaphore(%run_scoped3A : memref<!tpu.dma_semaphore, #tpu.memory_space<semaphore_mem>>) src(%arg13 : memref<128x96xf32, #tpu.memory_space<vmem>>) dst(%dma_wait3A_44 : memref<128x96xf32, #tpu.memory_space<vmem_shared>>)
      tpu.yield
    }) : () -> ()
    %mul3A_14 = arith.constant 640 : i32
    %mul3A_15 = arith.muli %arg1, %mul3A_14 : i32
    %add3A_16 = arith.constant 256 : i32
    %add3A_17 = arith.addi %mul3A_15, %add3A_16 : i32
    "tpu.region"() ({
      %run_scoped3A = tpu.sem_alloc : memref<!tpu.dma_semaphore, #tpu.memory_space<semaphore_mem>>
      %dma_start3A = arith.constant 0 : i32
      %dma_start3A_39 = tpu.memref_slice %arg7[%add3A_17, %dma_start3A] : memref<10240x96xf32, #tpu.memory_space<vmem_shared>> -> memref<128x96xf32, #tpu.memory_space<vmem_shared>>
      %dma_start3A_40 = arith.constant 0 : i32
      %dma_start3A_41 = tpu.memref_slice %arg7[%add3A_17, %dma_start3A_40] : memref<10240x96xf32, #tpu.memory_space<vmem_shared>> -> memref<128x96xf32, #tpu.memory_space<vmem_shared>>
      tpu.enqueue_dma source(%arg13 : memref<128x96xf32, #tpu.memory_space<vmem>>) target(%dma_start3A_41 : memref<128x96xf32, #tpu.memory_space<vmem_shared>>) target_semaphore(%run_scoped3A : memref<!tpu.dma_semaphore, #tpu.memory_space<semaphore_mem>>)
      %dma_wait3A = arith.constant 0 : i32
      %dma_wait3A_42 = tpu.memref_slice %arg7[%add3A_17, %dma_wait3A] : memref<10240x96xf32, #tpu.memory_space<vmem_shared>> -> memref<128x96xf32, #tpu.memory_space<vmem_shared>>
      %dma_wait3A_43 = arith.constant 0 : i32
      %dma_wait3A_44 = tpu.memref_slice %arg7[%add3A_17, %dma_wait3A_43] : memref<10240x96xf32, #tpu.memory_space<vmem_shared>> -> memref<128x96xf32, #tpu.memory_space<vmem_shared>>
      tpu.wait_dma2 semaphore(%run_scoped3A : memref<!tpu.dma_semaphore, #tpu.memory_space<semaphore_mem>>) src(%arg13 : memref<128x96xf32, #tpu.memory_space<vmem>>) dst(%dma_wait3A_44 : memref<128x96xf32, #tpu.memory_space<vmem_shared>>)
      tpu.yield
    }) : () -> ()
    %mul3A_18 = arith.constant 640 : i32
    %mul3A_19 = arith.muli %arg1, %mul3A_18 : i32
    %add3A_20 = arith.constant 384 : i32
    %add3A_21 = arith.addi %mul3A_19, %add3A_20 : i32
    "tpu.region"() ({
      %run_scoped3A = tpu.sem_alloc : memref<!tpu.dma_semaphore, #tpu.memory_space<semaphore_mem>>
      %dma_start3A = arith.constant 0 : i32
      %dma_start3A_39 = tpu.memref_slice %arg7[%add3A_21, %dma_start3A] : memref<10240x96xf32, #tpu.memory_space<vmem_shared>> -> memref<128x96xf32, #tpu.memory_space<vmem_shared>>
      %dma_start3A_40 = arith.constant 0 : i32
      %dma_start3A_41 = tpu.memref_slice %arg7[%add3A_21, %dma_start3A_40] : memref<10240x96xf32, #tpu.memory_space<vmem_shared>> -> memref<128x96xf32, #tpu.memory_space<vmem_shared>>
      tpu.enqueue_dma source(%arg13 : memref<128x96xf32, #tpu.memory_space<vmem>>) target(%dma_start3A_41 : memref<128x96xf32, #tpu.memory_space<vmem_shared>>) target_semaphore(%run_scoped3A : memref<!tpu.dma_semaphore, #tpu.memory_space<semaphore_mem>>)
      %dma_wait3A = arith.constant 0 : i32
      %dma_wait3A_42 = tpu.memref_slice %arg7[%add3A_21, %dma_wait3A] : memref<10240x96xf32, #tpu.memory_space<vmem_shared>> -> memref<128x96xf32, #tpu.memory_space<vmem_shared>>
      %dma_wait3A_43 = arith.constant 0 : i32
      %dma_wait3A_44 = tpu.memref_slice %arg7[%add3A_21, %dma_wait3A_43] : memref<10240x96xf32, #tpu.memory_space<vmem_shared>> -> memref<128x96xf32, #tpu.memory_space<vmem_shared>>
      tpu.wait_dma2 semaphore(%run_scoped3A : memref<!tpu.dma_semaphore, #tpu.memory_space<semaphore_mem>>) src(%arg13 : memref<128x96xf32, #tpu.memory_space<vmem>>) dst(%dma_wait3A_44 : memref<128x96xf32, #tpu.memory_space<vmem_shared>>)
      tpu.yield
    }) : () -> ()
    %mul3A_22 = arith.constant 640 : i32
    %mul3A_23 = arith.muli %arg1, %mul3A_22 : i32
    %add3A_24 = arith.constant 512 : i32
    %add3A_25 = arith.addi %mul3A_23, %add3A_24 : i32
    "tpu.region"() ({
      %run_scoped3A = tpu.sem_alloc : memref<!tpu.dma_semaphore, #tpu.memory_space<semaphore_mem>>
      %dma_start3A = arith.constant 0 : i32
      %dma_start3A_39 = tpu.memref_slice %arg7[%add3A_25, %dma_start3A] : memref<10240x96xf32, #tpu.memory_space<vmem_shared>> -> memref<128x96xf32, #tpu.memory_space<vmem_shared>>
      %dma_start3A_40 = arith.constant 0 : i32
      %dma_start3A_41 = tpu.memref_slice %arg7[%add3A_25, %dma_start3A_40] : memref<10240x96xf32, #tpu.memory_space<vmem_shared>> -> memref<128x96xf32, #tpu.memory_space<vmem_shared>>
      tpu.enqueue_dma source(%arg13 : memref<128x96xf32, #tpu.memory_space<vmem>>) target(%dma_start3A_41 : memref<128x96xf32, #tpu.memory_space<vmem_shared>>) target_semaphore(%run_scoped3A : memref<!tpu.dma_semaphore, #tpu.memory_space<semaphore_mem>>)
      %dma_wait3A = arith.constant 0 : i32
      %dma_wait3A_42 = tpu.memref_slice %arg7[%add3A_25, %dma_wait3A] : memref<10240x96xf32, #tpu.memory_space<vmem_shared>> -> memref<128x96xf32, #tpu.memory_space<vmem_shared>>
      %dma_wait3A_43 = arith.constant 0 : i32
      %dma_wait3A_44 = tpu.memref_slice %arg7[%add3A_25, %dma_wait3A_43] : memref<10240x96xf32, #tpu.memory_space<vmem_shared>> -> memref<128x96xf32, #tpu.memory_space<vmem_shared>>
      tpu.wait_dma2 semaphore(%run_scoped3A : memref<!tpu.dma_semaphore, #tpu.memory_space<semaphore_mem>>) src(%arg13 : memref<128x96xf32, #tpu.memory_space<vmem>>) dst(%dma_wait3A_44 : memref<128x96xf32, #tpu.memory_space<vmem_shared>>)
      tpu.yield
    }) : () -> ()
    %barrier3A = arith.constant 0 : index
    tpu.barrier barrier_id(%barrier3A)
    %mul3A_26 = arith.constant 10000 : i32
    %mul3A_27 = arith.muli %add3A, %mul3A_26 : i32
    %scan3A_28 = arith.constant 0 : i32
    %scan3A_29 = arith.constant 0 : i32
    %scan3A_30 = arith.constant 125 : i32
    %scan3A_31 = arith.addi %scan3A_29, %scan3A_30 : i32
    %scan3A_32 = arith.constant 1 : i32
    scf.for %scan3A_39 = %scan3A_29 to %scan3A_31 step %scan3A_32  : i32 {
      %mul3A_40 = arith.constant 80 : i32
      %mul3A_41 = arith.muli %scan3A_39, %mul3A_40 : i32
      %add3A_42 = arith.addi %mul3A_27, %mul3A_41 : i32
      %multiple_of3A = tpu.assume_multiple %add3A_42, 8 : i32
      %dma_start3A = arith.constant 0 : i32
      %dma_start3A_43 = tpu.memref_slice %arg3[%multiple_of3A, %dma_start3A] : memref<320000x80xf32, #tpu.memory_space<hbm>> -> memref<80x80xf32, #tpu.memory_space<hbm>>
      %dma_start3A_44 = arith.constant 0 : i32
      %dma_start3A_45 = tpu.memref_slice %arg3[%multiple_of3A, %dma_start3A_44] : memref<320000x80xf32, #tpu.memory_space<hbm>> -> memref<80x80xf32, #tpu.memory_space<hbm>>
      tpu.enqueue_dma source(%dma_start3A_45 : memref<80x80xf32, #tpu.memory_space<hbm>>) target(%arg11 : memref<80x80xf32, #tpu.memory_space<vmem>>) target_semaphore(%arg15 : memref<!tpu.dma_semaphore, #tpu.memory_space<semaphore_mem>>)
      "tpu.region"() ({
        %run_scoped3A = tpu.sem_alloc : memref<!tpu.dma_semaphore, #tpu.memory_space<semaphore_mem>>
        %dma_start3A_61 = tpu.memref_slice %arg4[%multiple_of3A] : memref<320000xi32, #tpu.memory_space<hbm>> -> memref<80xi32, #tpu.memory_space<hbm>>
        %dma_start3A_62 = tpu.memref_slice %arg4[%multiple_of3A] : memref<320000xi32, #tpu.memory_space<hbm>> -> memref<80xi32, #tpu.memory_space<hbm>>
        tpu.enqueue_dma source(%dma_start3A_62 : memref<80xi32, #tpu.memory_space<hbm>>) target(%arg8 : memref<80xi32, #tpu.memory_space<vmem>>) target_semaphore(%run_scoped3A : memref<!tpu.dma_semaphore, #tpu.memory_space<semaphore_mem>>)
        %dma_wait3A_63 = tpu.memref_slice %arg4[%multiple_of3A] : memref<320000xi32, #tpu.memory_space<hbm>> -> memref<80xi32, #tpu.memory_space<hbm>>
        %dma_wait3A_64 = tpu.memref_slice %arg4[%multiple_of3A] : memref<320000xi32, #tpu.memory_space<hbm>> -> memref<80xi32, #tpu.memory_space<hbm>>
        tpu.wait_dma2 semaphore(%run_scoped3A : memref<!tpu.dma_semaphore, #tpu.memory_space<semaphore_mem>>) src(%dma_wait3A_64 : memref<80xi32, #tpu.memory_space<hbm>>) dst(%arg8 : memref<80xi32, #tpu.memory_space<vmem>>)
        tpu.yield
      }) : () -> ()
      "tpu.region"() ({
        %run_scoped3A = tpu.sem_alloc : memref<!tpu.dma_semaphore, #tpu.memory_space<semaphore_mem>>
        %dma_start3A_61 = tpu.memref_slice %arg5[%multiple_of3A] : memref<320000xi32, #tpu.memory_space<hbm>> -> memref<80xi32, #tpu.memory_space<hbm>>
        %dma_start3A_62 = tpu.memref_slice %arg5[%multiple_of3A] : memref<320000xi32, #tpu.memory_space<hbm>> -> memref<80xi32, #tpu.memory_space<hbm>>
        tpu.enqueue_dma source(%dma_start3A_62 : memref<80xi32, #tpu.memory_space<hbm>>) target(%arg9 : memref<80xi32, #tpu.memory_space<vmem>>) target_semaphore(%run_scoped3A : memref<!tpu.dma_semaphore, #tpu.memory_space<semaphore_mem>>)
        %dma_wait3A_63 = tpu.memref_slice %arg5[%multiple_of3A] : memref<320000xi32, #tpu.memory_space<hbm>> -> memref<80xi32, #tpu.memory_space<hbm>>
        %dma_wait3A_64 = tpu.memref_slice %arg5[%multiple_of3A] : memref<320000xi32, #tpu.memory_space<hbm>> -> memref<80xi32, #tpu.memory_space<hbm>>
        tpu.wait_dma2 semaphore(%run_scoped3A : memref<!tpu.dma_semaphore, #tpu.memory_space<semaphore_mem>>) src(%dma_wait3A_64 : memref<80xi32, #tpu.memory_space<hbm>>) dst(%arg9 : memref<80xi32, #tpu.memory_space<vmem>>)
        tpu.yield
      }) : () -> ()
      %dma_start3A_46 = arith.constant 0 : i32
      %dma_start3A_47 = arith.constant 0 : i32
      %dma_start3A_48 = tpu.memref_slice %arg2[%dma_start3A_46, %dma_start3A_47] : memref<10000x128xf32, #tpu.memory_space<hbm>> -> memref<10000x128xf32, #tpu.memory_space<hbm>>
      tpu.enqueue_indirect_dma source(%dma_start3A_48 : memref<10000x128xf32, #tpu.memory_space<hbm>>) target(%arg10 : memref<80x128xf32, #tpu.memory_space<vmem>>) offsets(%arg8 : memref<80xi32, #tpu.memory_space<vmem>>) semaphore(%arg14 : memref<!tpu.dma_semaphore, #tpu.memory_space<semaphore_mem>>)
      %dma_wait3A = arith.constant 0 : i32
      %dma_wait3A_49 = arith.constant 0 : i32
      %dma_wait3A_50 = tpu.memref_slice %arg2[%dma_wait3A, %dma_wait3A_49] : memref<10000x128xf32, #tpu.memory_space<hbm>> -> memref<10000x128xf32, #tpu.memory_space<hbm>>
      tpu.wait_indirect_dma semaphore(%arg14 : memref<!tpu.dma_semaphore, #tpu.memory_space<semaphore_mem>>) src(%dma_wait3A_50 : memref<10000x128xf32, #tpu.memory_space<hbm>>) dst(%arg10 : memref<80x128xf32, #tpu.memory_space<vmem>>)
      %dma_wait3A_51 = arith.constant 0 : i32
      %dma_wait3A_52 = tpu.memref_slice %arg3[%multiple_of3A, %dma_wait3A_51] : memref<320000x80xf32, #tpu.memory_space<hbm>> -> memref<80x80xf32, #tpu.memory_space<hbm>>
      %dma_wait3A_53 = arith.constant 0 : i32
      %dma_wait3A_54 = tpu.memref_slice %arg3[%multiple_of3A, %dma_wait3A_53] : memref<320000x80xf32, #tpu.memory_space<hbm>> -> memref<80x80xf32, #tpu.memory_space<hbm>>
      tpu.wait_dma2 semaphore(%arg15 : memref<!tpu.dma_semaphore, #tpu.memory_space<semaphore_mem>>) src(%dma_wait3A_54 : memref<80x80xf32, #tpu.memory_space<hbm>>) dst(%arg11 : memref<80x80xf32, #tpu.memory_space<vmem>>)
      %scan3A_55 = arith.constant 0 : i32
      %scan3A_56 = arith.constant 0 : i32
      %scan3A_57 = arith.constant 80 : i32
      %scan3A_58 = arith.addi %scan3A_56, %scan3A_57 : i32
      %scan3A_59 = arith.constant 1 : i32
      scf.for %scan3A_61 = %scan3A_56 to %scan3A_58 step %scan3A_59  : i32 {
        %get3A = arith.index_cast %scan3A_61 : i32 to index
        %get3A_62 = arith.constant 0 : index
        %get3A_63 = tpu.vector_load %arg11[%get3A, %get3A_62] {strides = array<i32>} : memref<80x80xf32, #tpu.memory_space<vmem>>, vector<1x16xf32>,
        %get3A_64 = vector.shape_cast %get3A_63 : vector<1x16xf32> to vector<16xf32>
        %get3A_65 = arith.index_cast %scan3A_61 : i32 to index
        %get3A_66 = arith.constant 0 : index
        %get3A_67 = tpu.vector_load %arg10[%get3A_65, %get3A_66] {strides = array<i32>} : memref<80x128xf32, #tpu.memory_space<vmem>>, vector<1x16xf32>,
        %get3A_68 = vector.shape_cast %get3A_67 : vector<1x16xf32> to vector<16xf32>
        %mul3A_69 = arith.mulf %get3A_64, %get3A_68 : vector<16xf32>
        %get3A_70 = arith.index_cast %scan3A_61 : i32 to index
        %get3A_71 = arith.constant 16 : index
        %get3A_72 = tpu.vector_load %arg11[%get3A_70, %get3A_71] {strides = array<i32>} : memref<80x80xf32, #tpu.memory_space<vmem>>, vector<1x16xf32>,
        %get3A_73 = vector.shape_cast %get3A_72 : vector<1x16xf32> to vector<16xf32>
        %get3A_74 = arith.index_cast %scan3A_61 : i32 to index
        %get3A_75 = arith.constant 16 : index
        %get3A_76 = tpu.vector_load %arg10[%get3A_74, %get3A_75] {strides = array<i32>} : memref<80x128xf32, #tpu.memory_space<vmem>>, vector<1x16xf32>,
        %get3A_77 = vector.shape_cast %get3A_76 : vector<1x16xf32> to vector<16xf32>
        %mul3A_78 = arith.mulf %get3A_73, %get3A_77 : vector<16xf32>
        %get3A_79 = arith.index_cast %scan3A_61 : i32 to index
        %get3A_80 = arith.constant 32 : index
        %get3A_81 = tpu.vector_load %arg11[%get3A_79, %get3A_80] {strides = array<i32>} : memref<80x80xf32, #tpu.memory_space<vmem>>, vector<1x16xf32>,
        %get3A_82 = vector.shape_cast %get3A_81 : vector<1x16xf32> to vector<16xf32>
        %get3A_83 = arith.index_cast %scan3A_61 : i32 to index
        %get3A_84 = arith.constant 48 : index
        %get3A_85 = tpu.vector_load %arg11[%get3A_83, %get3A_84] {strides = array<i32>} : memref<80x80xf32, #tpu.memory_space<vmem>>, vector<1x16xf32>,
        %get3A_86 = vector.shape_cast %get3A_85 : vector<1x16xf32> to vector<16xf32>
        %get3A_87 = arith.index_cast %scan3A_61 : i32 to index
        %get3A_88 = arith.constant 64 : index
        %get3A_89 = tpu.vector_load %arg11[%get3A_87, %get3A_88] {strides = array<i32>} : memref<80x80xf32, #tpu.memory_space<vmem>>, vector<1x16xf32>,
        %get3A_90 = vector.shape_cast %get3A_89 : vector<1x16xf32> to vector<16xf32>
        %get3A_91 = arith.index_cast %scan3A_61 : i32 to index
        %get3A_92 = arith.constant 32 : index
        %get3A_93 = tpu.vector_load %arg10[%get3A_91, %get3A_92] {strides = array<i32>} : memref<80x128xf32, #tpu.memory_space<vmem>>, vector<1x16xf32>,
        %get3A_94 = vector.shape_cast %get3A_93 : vector<1x16xf32> to vector<16xf32>
        %get3A_95 = arith.index_cast %scan3A_61 : i32 to index
        %get3A_96 = arith.constant 48 : index
        %get3A_97 = tpu.vector_load %arg10[%get3A_95, %get3A_96] {strides = array<i32>} : memref<80x128xf32, #tpu.memory_space<vmem>>, vector<1x16xf32>,
        %get3A_98 = vector.shape_cast %get3A_97 : vector<1x16xf32> to vector<16xf32>
        %slice3A = vector.extract_strided_slice %get3A_90 {offsets = [0], sizes = [1], strides = [1]} : vector<16xf32> to vector<1xf32>
        %squeeze3A = vector.extract %slice3A[0] : f32 from vector<1xf32>
        %mul3A_99 = vector.broadcast %squeeze3A : f32 to vector<16xf32>
        %mul3A_100 = arith.mulf %mul3A_69, %mul3A_99 : vector<16xf32>
        %mul3A_101 = arith.mulf %get3A_82, %get3A_94 : vector<16xf32>
        %add3A_102 = arith.addf %mul3A_100, %mul3A_101 : vector<16xf32>
        %swap3A = arith.index_cast %scan3A_61 : i32 to index
        %swap3A_103 = arith.constant 0 : index
        %swap3A_104 = tpu.vector_load %arg12[%swap3A, %swap3A_103] {strides = array<i32>} : memref<80x96xf32, #tpu.memory_space<vmem>>, vector<1x16xf32>,
        %swap3A_105 = vector.shape_cast %swap3A_104 : vector<1x16xf32> to vector<16xf32>
        %swap3A_106 = vector.shape_cast %add3A_102 : vector<16xf32> to vector<1x16xf32>
        tpu.vector_store %arg12[%swap3A, %swap3A_103], %swap3A_106 {strides = array<i32>} : memref<80x96xf32, #tpu.memory_space<vmem>>, vector<1x16xf32>,
        %slice3A_107 = vector.extract_strided_slice %get3A_90 {offsets = [0], sizes = [1], strides = [1]} : vector<16xf32> to vector<1xf32>
        %squeeze3A_108 = vector.extract %slice3A_107[0] : f32 from vector<1xf32>
        %mul3A_109 = vector.broadcast %squeeze3A_108 : f32 to vector<16xf32>
        %mul3A_110 = arith.mulf %mul3A_78, %mul3A_109 : vector<16xf32>
        %mul3A_111 = arith.mulf %get3A_86, %get3A_98 : vector<16xf32>
        %add3A_112 = arith.addf %mul3A_110, %mul3A_111 : vector<16xf32>
        %swap3A_113 = arith.index_cast %scan3A_61 : i32 to index
        %swap3A_114 = arith.constant 16 : index
        %swap3A_115 = tpu.vector_load %arg12[%swap3A_113, %swap3A_114] {strides = array<i32>} : memref<80x96xf32, #tpu.memory_space<vmem>>, vector<1x16xf32>,
        %swap3A_116 = vector.shape_cast %swap3A_115 : vector<1x16xf32> to vector<16xf32>
        %swap3A_117 = vector.shape_cast %add3A_112 : vector<16xf32> to vector<1x16xf32>
        tpu.vector_store %arg12[%swap3A_113, %swap3A_114], %swap3A_117 {strides = array<i32>} : memref<80x96xf32, #tpu.memory_space<vmem>>, vector<1x16xf32>,
        %get3A_118 = arith.index_cast %scan3A_61 : i32 to index
        %get3A_119 = arith.constant 64 : index
        %get3A_120 = tpu.vector_load %arg10[%get3A_118, %get3A_119] {strides = array<i32>} : memref<80x128xf32, #tpu.memory_space<vmem>>, vector<1x16xf32>,
        %get3A_121 = vector.shape_cast %get3A_120 : vector<1x16xf32> to vector<16xf32>
        %get3A_122 = arith.index_cast %scan3A_61 : i32 to index
        %get3A_123 = arith.constant 80 : index
        %get3A_124 = tpu.vector_load %arg10[%get3A_122, %get3A_123] {strides = array<i32>} : memref<80x128xf32, #tpu.memory_space<vmem>>, vector<1x16xf32>,
        %get3A_125 = vector.shape_cast %get3A_124 : vector<1x16xf32> to vector<16xf32>
        %slice3A_126 = vector.extract_strided_slice %get3A_90 {offsets = [1], sizes = [1], strides = [1]} : vector<16xf32> to vector<1xf32>
        %squeeze3A_127 = vector.extract %slice3A_126[0] : f32 from vector<1xf32>
        %mul3A_128 = vector.broadcast %squeeze3A_127 : f32 to vector<16xf32>
        %mul3A_129 = arith.mulf %mul3A_69, %mul3A_128 : vector<16xf32>
        %mul3A_130 = arith.mulf %get3A_82, %get3A_121 : vector<16xf32>
        %add3A_131 = arith.addf %mul3A_129, %mul3A_130 : vector<16xf32>
        %swap3A_132 = arith.index_cast %scan3A_61 : i32 to index
        %swap3A_133 = arith.constant 32 : index
        %swap3A_134 = tpu.vector_load %arg12[%swap3A_132, %swap3A_133] {strides = array<i32>} : memref<80x96xf32, #tpu.memory_space<vmem>>, vector<1x16xf32>,
        %swap3A_135 = vector.shape_cast %swap3A_134 : vector<1x16xf32> to vector<16xf32>
        %swap3A_136 = vector.shape_cast %add3A_131 : vector<16xf32> to vector<1x16xf32>
        tpu.vector_store %arg12[%swap3A_132, %swap3A_133], %swap3A_136 {strides = array<i32>} : memref<80x96xf32, #tpu.memory_space<vmem>>, vector<1x16xf32>,
        %slice3A_137 = vector.extract_strided_slice %get3A_90 {offsets = [1], sizes = [1], strides = [1]} : vector<16xf32> to vector<1xf32>
        %squeeze3A_138 = vector.extract %slice3A_137[0] : f32 from vector<1xf32>
        %mul3A_139 = vector.broadcast %squeeze3A_138 : f32 to vector<16xf32>
        %mul3A_140 = arith.mulf %mul3A_78, %mul3A_139 : vector<16xf32>
        %mul3A_141 = arith.mulf %get3A_86, %get3A_125 : vector<16xf32>
        %add3A_142 = arith.addf %mul3A_140, %mul3A_141 : vector<16xf32>
        %swap3A_143 = arith.index_cast %scan3A_61 : i32 to index
        %swap3A_144 = arith.constant 48 : index
        %swap3A_145 = tpu.vector_load %arg12[%swap3A_143, %swap3A_144] {strides = array<i32>} : memref<80x96xf32, #tpu.memory_space<vmem>>, vector<1x16xf32>,
        %swap3A_146 = vector.shape_cast %swap3A_145 : vector<1x16xf32> to vector<16xf32>
        %swap3A_147 = vector.shape_cast %add3A_142 : vector<16xf32> to vector<1x16xf32>
        tpu.vector_store %arg12[%swap3A_143, %swap3A_144], %swap3A_147 {strides = array<i32>} : memref<80x96xf32, #tpu.memory_space<vmem>>, vector<1x16xf32>,
        %get3A_148 = arith.index_cast %scan3A_61 : i32 to index
        %get3A_149 = arith.constant 96 : index
        %get3A_150 = tpu.vector_load %arg10[%get3A_148, %get3A_149] {strides = array<i32>} : memref<80x128xf32, #tpu.memory_space<vmem>>, vector<1x16xf32>,
        %get3A_151 = vector.shape_cast %get3A_150 : vector<1x16xf32> to vector<16xf32>
        %get3A_152 = arith.index_cast %scan3A_61 : i32 to index
        %get3A_153 = arith.constant 112 : index
        %get3A_154 = tpu.vector_load %arg10[%get3A_152, %get3A_153] {strides = array<i32>} : memref<80x128xf32, #tpu.memory_space<vmem>>, vector<1x16xf32>,
        %get3A_155 = vector.shape_cast %get3A_154 : vector<1x16xf32> to vector<16xf32>
        %slice3A_156 = vector.extract_strided_slice %get3A_90 {offsets = [2], sizes = [1], strides = [1]} : vector<16xf32> to vector<1xf32>
        %squeeze3A_157 = vector.extract %slice3A_156[0] : f32 from vector<1xf32>
        %mul3A_158 = vector.broadcast %squeeze3A_157 : f32 to vector<16xf32>
        %mul3A_159 = arith.mulf %mul3A_69, %mul3A_158 : vector<16xf32>
        %mul3A_160 = arith.mulf %get3A_82, %get3A_151 : vector<16xf32>
        %add3A_161 = arith.addf %mul3A_159, %mul3A_160 : vector<16xf32>
        %swap3A_162 = arith.index_cast %scan3A_61 : i32 to index
        %swap3A_163 = arith.constant 64 : index
        %swap3A_164 = tpu.vector_load %arg12[%swap3A_162, %swap3A_163] {strides = array<i32>} : memref<80x96xf32, #tpu.memory_space<vmem>>, vector<1x16xf32>,
        %swap3A_165 = vector.shape_cast %swap3A_164 : vector<1x16xf32> to vector<16xf32>
        %swap3A_166 = vector.shape_cast %add3A_161 : vector<16xf32> to vector<1x16xf32>
        tpu.vector_store %arg12[%swap3A_162, %swap3A_163], %swap3A_166 {strides = array<i32>} : memref<80x96xf32, #tpu.memory_space<vmem>>, vector<1x16xf32>,
        %slice3A_167 = vector.extract_strided_slice %get3A_90 {offsets = [2], sizes = [1], strides = [1]} : vector<16xf32> to vector<1xf32>
        %squeeze3A_168 = vector.extract %slice3A_167[0] : f32 from vector<1xf32>
        %mul3A_169 = vector.broadcast %squeeze3A_168 : f32 to vector<16xf32>
        %mul3A_170 = arith.mulf %mul3A_78, %mul3A_169 : vector<16xf32>
        %mul3A_171 = arith.mulf %get3A_86, %get3A_155 : vector<16xf32>
        %add3A_172 = arith.addf %mul3A_170, %mul3A_171 : vector<16xf32>
        %swap3A_173 = arith.index_cast %scan3A_61 : i32 to index
        %swap3A_174 = arith.constant 80 : index
        %swap3A_175 = tpu.vector_load %arg12[%swap3A_173, %swap3A_174] {strides = array<i32>} : memref<80x96xf32, #tpu.memory_space<vmem>>, vector<1x16xf32>,
        %swap3A_176 = vector.shape_cast %swap3A_175 : vector<1x16xf32> to vector<16xf32>
        %swap3A_177 = vector.shape_cast %add3A_172 : vector<16xf32> to vector<1x16xf32>
        tpu.vector_store %arg12[%swap3A_173, %swap3A_174], %swap3A_177 {strides = array<i32>} : memref<80x96xf32, #tpu.memory_space<vmem>>, vector<1x16xf32>,
      }
      %scan3A_60 = arith.constant 80 : i32
      "tpu.region"() ({
        %run_scoped3A = tpu.sem_alloc : memref<!tpu.dma_semaphore, #tpu.memory_space<semaphore_mem>>
        %dma_start3A_61 = arith.constant 0 : i32
        %dma_start3A_62 = arith.constant 0 : i32
        %dma_start3A_63 = tpu.memref_slice %arg7[%dma_start3A_61, %dma_start3A_62] : memref<10240x96xf32, #tpu.memory_space<vmem_shared>> -> memref<10240x96xf32, #tpu.memory_space<vmem_shared>>
        tpu.enqueue_indirect_dma source(%arg12 : memref<80x96xf32, #tpu.memory_space<vmem>>) target(%dma_start3A_63 : memref<10240x96xf32, #tpu.memory_space<vmem_shared>>) offsets(%arg9 : memref<80xi32, #tpu.memory_space<vmem>>) semaphore(%run_scoped3A : memref<!tpu.dma_semaphore, #tpu.memory_space<semaphore_mem>>) {add = true}
        %dma_wait3A_64 = arith.constant 0 : i32
        %dma_wait3A_65 = arith.constant 0 : i32
        %dma_wait3A_66 = tpu.memref_slice %arg7[%dma_wait3A_64, %dma_wait3A_65] : memref<10240x96xf32, #tpu.memory_space<vmem_shared>> -> memref<10240x96xf32, #tpu.memory_space<vmem_shared>>
        tpu.wait_indirect_dma semaphore(%run_scoped3A : memref<!tpu.dma_semaphore, #tpu.memory_space<semaphore_mem>>) src(%arg12 : memref<80x96xf32, #tpu.memory_space<vmem>>) dst(%dma_wait3A_66 : memref<10240x96xf32, #tpu.memory_space<vmem_shared>>)
        tpu.yield
      }) : () -> ()
    }
    %scan3A_33 = arith.constant 125 : i32
    %barrier3A_34 = arith.constant 0 : index
    tpu.barrier barrier_id(%barrier3A_34)
    %mul3A_35 = arith.constant 640 : i32
    %mul3A_36 = arith.muli %arg1, %mul3A_35 : i32
    %mul3A_37 = arith.constant 640 : i32
    %mul3A_38 = arith.muli %arg1, %mul3A_37 : i32
    "tpu.region"() ({
      %run_scoped3A = tpu.sem_alloc : memref<!tpu.dma_semaphore, #tpu.memory_space<semaphore_mem>>
      %dma_start3A = arith.constant 0 : i32
      %dma_start3A_39 = tpu.memref_slice %arg6[%arg0, %mul3A_38, %dma_start3A] : memref<2x10240x96xf32, #tpu.memory_space<hbm>> -> memref<1x640x96xf32, #tpu.memory_space<hbm>>
      %dma_start3A_40 = tpu.memref_squeeze %dma_start3A_39 : memref<1x640x96xf32, #tpu.memory_space<hbm>> -> memref<640x96xf32, #tpu.memory_space<hbm>>
      %dma_start3A_41 = arith.constant 0 : i32
      %dma_start3A_42 = tpu.memref_slice %arg7[%mul3A_36, %dma_start3A_41] : memref<10240x96xf32, #tpu.memory_space<vmem_shared>> -> memref<640x96xf32, #tpu.memory_space<vmem_shared>>
      tpu.enqueue_dma source(%dma_start3A_42 : memref<640x96xf32, #tpu.memory_space<vmem_shared>>) target(%dma_start3A_40 : memref<640x96xf32, #tpu.memory_space<hbm>>) target_semaphore(%run_scoped3A : memref<!tpu.dma_semaphore, #tpu.memory_space<semaphore_mem>>)
      %dma_wait3A = arith.constant 0 : i32
      %dma_wait3A_43 = tpu.memref_slice %arg6[%arg0, %mul3A_38, %dma_wait3A] : memref<2x10240x96xf32, #tpu.memory_space<hbm>> -> memref<1x640x96xf32, #tpu.memory_space<hbm>>
      %dma_wait3A_44 = tpu.memref_squeeze %dma_wait3A_43 : memref<1x640x96xf32, #tpu.memory_space<hbm>> -> memref<640x96xf32, #tpu.memory_space<hbm>>
      %dma_wait3A_45 = arith.constant 0 : i32
      %dma_wait3A_46 = tpu.memref_slice %arg7[%mul3A_36, %dma_wait3A_45] : memref<10240x96xf32, #tpu.memory_space<vmem_shared>> -> memref<640x96xf32, #tpu.memory_space<vmem_shared>>
      tpu.wait_dma2 semaphore(%run_scoped3A : memref<!tpu.dma_semaphore, #tpu.memory_space<semaphore_mem>>) src(%dma_wait3A_46 : memref<640x96xf32, #tpu.memory_space<vmem_shared>>) dst(%dma_wait3A_44 : memref<640x96xf32, #tpu.memory_space<hbm>>)
      tpu.yield
    }) : () -> ()
    return
  }
}

module attributes {stable_mosaic.version = 14 : i64} {
  func.func @_t0_body(%arg0: i32, %arg1: memref<1000x1xi32, #tpu.memory_space<vmem>>, %arg2: memref<1000x12xf32, #tpu.memory_space<vmem>>, %arg3: memref<128x64xf32, #tpu.memory_space<vmem>>, %arg4: memref<8x64xf32, #tpu.memory_space<vmem>>, %arg5: memref<128x32xf32, #tpu.memory_space<vmem>>, %arg6: memref<8x32xf32, #tpu.memory_space<vmem>>, %arg7: memref<12x96xf32, #tpu.memory_space<vmem>>, %arg8: memref<128x64xf32, #tpu.memory_space<vmem>>, %arg9: memref<8x64xf32, #tpu.memory_space<vmem>>, %arg10: memref<12x96xf32, #tpu.memory_space<vmem>>, %arg11: memref<1000x64xf32, #tpu.memory_space<vmem>>, %arg12: memref<1000x128xf32, #tpu.memory_space<vmem>>, %arg13: memref<1000x160xf32, #tpu.memory_space<vmem>>) attributes {dimension_semantics = [#tpu.dimension_semantics<arbitrary>], iteration_bounds = array<i64: 10>, scalar_prefetch = 0 : i64, scratch_operands = 0 : i64, tpu.core_type = #tpu.core_type<tc>, window_params = [{transform_indices = @transform_0, window_bounds = array<i64: 1000, 1>}, {transform_indices = @transform_1, window_bounds = array<i64: 1000, 12>}, {pipeline_mode = #tpu.pipeline_mode<synchronous>, transform_indices = @transform_2, window_bounds = array<i64: 128, 64>}, {pipeline_mode = #tpu.pipeline_mode<synchronous>, transform_indices = @transform_3, window_bounds = array<i64: 8, 64>}, {pipeline_mode = #tpu.pipeline_mode<synchronous>, transform_indices = @transform_4, window_bounds = array<i64: 128, 32>}, {pipeline_mode = #tpu.pipeline_mode<synchronous>, transform_indices = @transform_5, window_bounds = array<i64: 8, 32>}, {pipeline_mode = #tpu.pipeline_mode<synchronous>, transform_indices = @transform_6, window_bounds = array<i64: 12, 96>}, {pipeline_mode = #tpu.pipeline_mode<synchronous>, transform_indices = @transform_7, window_bounds = array<i64: 128, 64>}, {pipeline_mode = #tpu.pipeline_mode<synchronous>, transform_indices = @transform_8, window_bounds = array<i64: 8, 64>}, {pipeline_mode = #tpu.pipeline_mode<synchronous>, transform_indices = @transform_9, window_bounds = array<i64: 12, 96>}, {transform_indices = @transform_10, window_bounds = array<i64: 1000, 64>}, {transform_indices = @transform_11, window_bounds = array<i64: 1000, 128>}, {transform_indices = @transform_12, window_bounds = array<i64: 1000, 160>}]} {
    %iota3A = tpu.iota {dimensions = array<i32: 1>} : vector<1000x128xi32>
    %get3A = arith.constant 0 : index
    %get3A_0 = arith.constant 0 : index
    %get3A_1 = vector.load %arg1[%get3A, %get3A_0] : memref<1000x1xi32, #tpu.memory_space<vmem>>, vector<1000x1xi32>
    %eq3A = vector.broadcast %get3A_1 : vector<1000x1xi32> to vector<1000x128xi32>
    %eq3A_2 = arith.cmpi eq, %iota3A, %eq3A : vector<1000x128xi32>
    %convert_element_type3A = arith.extui %eq3A_2 : vector<1000x128xi1> to vector<1000x128xi32>
    %convert_element_type3A_3 = arith.sitofp %convert_element_type3A : vector<1000x128xi32> to vector<1000x128xf32>
    %get3A_4 = arith.constant 0 : index
    %get3A_5 = arith.constant 0 : index
    %get3A_6 = vector.load %arg2[%get3A_4, %get3A_5] : memref<1000x12xf32, #tpu.memory_space<vmem>>, vector<1000x12xf32>
    %mul3A = arith.mulf %get3A_6, %get3A_6 : vector<1000x12xf32>
    %slice3A = vector.extract_strided_slice %mul3A {offsets = [0, 0], sizes = [1000, 1], strides = [1, 1]} : vector<1000x12xf32> to vector<1000x1xf32>
    %slice3A_7 = vector.extract_strided_slice %mul3A {offsets = [0, 1], sizes = [1000, 1], strides = [1, 1]} : vector<1000x12xf32> to vector<1000x1xf32>
    %add3A = arith.addf %slice3A, %slice3A_7 : vector<1000x1xf32>
    %slice3A_8 = vector.extract_strided_slice %mul3A {offsets = [0, 2], sizes = [1000, 1], strides = [1, 1]} : vector<1000x12xf32> to vector<1000x1xf32>
    %add3A_9 = arith.addf %add3A, %slice3A_8 : vector<1000x1xf32>
    %add3A_10 = arith.constant 9.99999996E-13 : f32
    %add3A_11 = vector.broadcast %add3A_10 : f32 to vector<1000x1xf32>
    %add3A_12 = arith.addf %add3A_9, %add3A_11 : vector<1000x1xf32>
    %sqrt3A = math.sqrt %add3A_12 : vector<1000x1xf32>
    %slice3A_13 = vector.extract_strided_slice %mul3A {offsets = [0, 3], sizes = [1000, 1], strides = [1, 1]} : vector<1000x12xf32> to vector<1000x1xf32>
    %slice3A_14 = vector.extract_strided_slice %mul3A {offsets = [0, 4], sizes = [1000, 1], strides = [1, 1]} : vector<1000x12xf32> to vector<1000x1xf32>
    %add3A_15 = arith.addf %slice3A_13, %slice3A_14 : vector<1000x1xf32>
    %slice3A_16 = vector.extract_strided_slice %mul3A {offsets = [0, 5], sizes = [1000, 1], strides = [1, 1]} : vector<1000x12xf32> to vector<1000x1xf32>
    %add3A_17 = arith.addf %add3A_15, %slice3A_16 : vector<1000x1xf32>
    %add3A_18 = arith.constant 9.99999996E-13 : f32
    %add3A_19 = vector.broadcast %add3A_18 : f32 to vector<1000x1xf32>
    %add3A_20 = arith.addf %add3A_17, %add3A_19 : vector<1000x1xf32>
    %sqrt3A_21 = math.sqrt %add3A_20 : vector<1000x1xf32>
    %slice3A_22 = vector.extract_strided_slice %mul3A {offsets = [0, 6], sizes = [1000, 1], strides = [1, 1]} : vector<1000x12xf32> to vector<1000x1xf32>
    %slice3A_23 = vector.extract_strided_slice %mul3A {offsets = [0, 7], sizes = [1000, 1], strides = [1, 1]} : vector<1000x12xf32> to vector<1000x1xf32>
    %add3A_24 = arith.addf %slice3A_22, %slice3A_23 : vector<1000x1xf32>
    %slice3A_25 = vector.extract_strided_slice %mul3A {offsets = [0, 8], sizes = [1000, 1], strides = [1, 1]} : vector<1000x12xf32> to vector<1000x1xf32>
    %add3A_26 = arith.addf %add3A_24, %slice3A_25 : vector<1000x1xf32>
    %add3A_27 = arith.constant 9.99999996E-13 : f32
    %add3A_28 = vector.broadcast %add3A_27 : f32 to vector<1000x1xf32>
    %add3A_29 = arith.addf %add3A_26, %add3A_28 : vector<1000x1xf32>
    %sqrt3A_30 = math.sqrt %add3A_29 : vector<1000x1xf32>
    %slice3A_31 = vector.extract_strided_slice %mul3A {offsets = [0, 9], sizes = [1000, 1], strides = [1, 1]} : vector<1000x12xf32> to vector<1000x1xf32>
    %slice3A_32 = vector.extract_strided_slice %mul3A {offsets = [0, 10], sizes = [1000, 1], strides = [1, 1]} : vector<1000x12xf32> to vector<1000x1xf32>
    %add3A_33 = arith.addf %slice3A_31, %slice3A_32 : vector<1000x1xf32>
    %slice3A_34 = vector.extract_strided_slice %mul3A {offsets = [0, 11], sizes = [1000, 1], strides = [1, 1]} : vector<1000x12xf32> to vector<1000x1xf32>
    %add3A_35 = arith.addf %add3A_33, %slice3A_34 : vector<1000x1xf32>
    %add3A_36 = arith.constant 9.99999996E-13 : f32
    %add3A_37 = vector.broadcast %add3A_36 : f32 to vector<1000x1xf32>
    %add3A_38 = arith.addf %add3A_35, %add3A_37 : vector<1000x1xf32>
    %sqrt3A_39 = math.sqrt %add3A_38 : vector<1000x1xf32>
    %concatenate3A = tpu.concatenate %sqrt3A, %sqrt3A_21, %sqrt3A_30, %sqrt3A_39 in 1 : vector<1000x1xf32>, vector<1000x1xf32>, vector<1000x1xf32>, vector<1000x1xf32> -> vector<1000x4xf32>
    %reduce_sum3A = arith.constant dense<0.000000e+00> : vector<1000xf32>
    %reduce_sum3A_40 = vector.multi_reduction <add>, %concatenate3A, %reduce_sum3A [1] : vector<1000x4xf32> to vector<1000xf32>
    %broadcast_in_dim3A = vector.shape_cast %reduce_sum3A_40 : vector<1000xf32> to vector<1000x1xf32>
    %div3A = arith.constant 4.000000e+00 : f32
    %div3A_41 = vector.broadcast %div3A : f32 to vector<1000x1xf32>
    %div3A_42 = arith.divf %broadcast_in_dim3A, %div3A_41 : vector<1000x1xf32>
    %sub3A = vector.broadcast %div3A_42 : vector<1000x1xf32> to vector<1000x4xf32>
    %sub3A_43 = arith.subf %concatenate3A, %sub3A : vector<1000x4xf32>
    %integer_pow3A = arith.mulf %sub3A_43, %sub3A_43 : vector<1000x4xf32>
    %reduce_sum3A_44 = arith.constant dense<0.000000e+00> : vector<1000xf32>
    %reduce_sum3A_45 = vector.multi_reduction <add>, %integer_pow3A, %reduce_sum3A_44 [1] : vector<1000x4xf32> to vector<1000xf32>
    %broadcast_in_dim3A_46 = vector.shape_cast %reduce_sum3A_45 : vector<1000xf32> to vector<1000x1xf32>
    %div3A_47 = arith.constant 4.000000e+00 : f32
    %div3A_48 = vector.broadcast %div3A_47 : f32 to vector<1000x1xf32>
    %div3A_49 = arith.divf %broadcast_in_dim3A_46, %div3A_48 : vector<1000x1xf32>
    %sqrt3A_50 = math.sqrt %div3A_49 : vector<1000x1xf32>
    %broadcast_in_dim3A_51 = arith.constant 0.000000e+00 : f32
    %broadcast_in_dim3A_52 = vector.broadcast %broadcast_in_dim3A_51 : f32 to vector<1000x2xf32>
    %concatenate3A_53 = tpu.concatenate %concatenate3A, %div3A_42, %sqrt3A_50, %broadcast_in_dim3A_52 in 1 : vector<1000x4xf32>, vector<1000x1xf32>, vector<1000x1xf32>, vector<1000x2xf32> -> vector<1000x8xf32>
    %get3A_54 = arith.constant 0 : index
    %get3A_55 = arith.constant 0 : index
    %get3A_56 = vector.load %arg3[%get3A_54, %get3A_55] : memref<128x64xf32, #tpu.memory_space<vmem>>, vector<128x64xf32>
    %dot_general3A = arith.constant dense<0.000000e+00> : vector<1000x64xf32>
    %dot_general3A_57 = tpu.matmul %convert_element_type3A_3, %get3A_56, %dot_general3A {dimension_numbers = #tpu.dot_dimension_numbers<[1], [0], [0], [1], [0, 0, 1, 1], [], []>, transpose_lhs_hint = false} : vector<1000x128xf32>, vector<128x64xf32>, vector<1000x64xf32> -> vector<1000x64xf32>
    %get3A_58 = arith.constant 0 : index
    %get3A_59 = arith.constant 0 : index
    %get3A_60 = vector.load %arg4[%get3A_58, %get3A_59] : memref<8x64xf32, #tpu.memory_space<vmem>>, vector<8x64xf32>
    %dot_general3A_61 = arith.constant dense<0.000000e+00> : vector<1000x64xf32>
    %dot_general3A_62 = tpu.matmul %concatenate3A_53, %get3A_60, %dot_general3A_61 {dimension_numbers = #tpu.dot_dimension_numbers<[1], [0], [0], [1], [0, 0, 1, 1], [], []>, transpose_lhs_hint = false} : vector<1000x8xf32>, vector<8x64xf32>, vector<1000x64xf32> -> vector<1000x64xf32>
    %add3A_63 = arith.addf %dot_general3A_57, %dot_general3A_62 : vector<1000x64xf32>
    %swap3A = arith.constant 0 : index
    %swap3A_64 = arith.constant 0 : index
    %swap3A_65 = vector.load %arg11[%swap3A, %swap3A_64] : memref<1000x64xf32, #tpu.memory_space<vmem>>, vector<1000x64xf32>
    tpu.vector_store %arg11[%swap3A, %swap3A_64], %add3A_63 {strides = array<i32>} : memref<1000x64xf32, #tpu.memory_space<vmem>>, vector<1000x64xf32>,
    %get3A_66 = arith.constant 0 : index
    %get3A_67 = arith.constant 0 : index
    %get3A_68 = vector.load %arg5[%get3A_66, %get3A_67] : memref<128x32xf32, #tpu.memory_space<vmem>>, vector<128x32xf32>
    %dot_general3A_69 = arith.constant dense<0.000000e+00> : vector<1000x32xf32>
    %dot_general3A_70 = tpu.matmul %convert_element_type3A_3, %get3A_68, %dot_general3A_69 {dimension_numbers = #tpu.dot_dimension_numbers<[1], [0], [0], [1], [0, 0, 1, 1], [], []>, transpose_lhs_hint = false} : vector<1000x128xf32>, vector<128x32xf32>, vector<1000x32xf32> -> vector<1000x32xf32>
    %get3A_71 = arith.constant 0 : index
    %get3A_72 = arith.constant 0 : index
    %get3A_73 = vector.load %arg6[%get3A_71, %get3A_72] : memref<8x32xf32, #tpu.memory_space<vmem>>, vector<8x32xf32>
    %dot_general3A_74 = arith.constant dense<0.000000e+00> : vector<1000x32xf32>
    %dot_general3A_75 = tpu.matmul %concatenate3A_53, %get3A_73, %dot_general3A_74 {dimension_numbers = #tpu.dot_dimension_numbers<[1], [0], [0], [1], [0, 0, 1, 1], [], []>, transpose_lhs_hint = false} : vector<1000x8xf32>, vector<8x32xf32>, vector<1000x32xf32> -> vector<1000x32xf32>
    %add3A_76 = arith.addf %dot_general3A_70, %dot_general3A_75 : vector<1000x32xf32>
    %get3A_77 = arith.constant 0 : index
    %get3A_78 = arith.constant 0 : index
    %get3A_79 = vector.load %arg7[%get3A_77, %get3A_78] : memref<12x96xf32, #tpu.memory_space<vmem>>, vector<12x96xf32>
    %dot_general3A_80 = arith.constant dense<0.000000e+00> : vector<1000x96xf32>
    %dot_general3A_81 = tpu.matmul %get3A_6, %get3A_79, %dot_general3A_80 {dimension_numbers = #tpu.dot_dimension_numbers<[1], [0], [0], [1], [0, 0, 1, 1], [], []>, transpose_lhs_hint = false} : vector<1000x12xf32>, vector<12x96xf32>, vector<1000x96xf32> -> vector<1000x96xf32>
    %concatenate3A_82 = tpu.concatenate %add3A_76, %dot_general3A_81 in 1 : vector<1000x32xf32>, vector<1000x96xf32> -> vector<1000x128xf32>
    %swap3A_83 = arith.constant 0 : index
    %swap3A_84 = arith.constant 0 : index
    %swap3A_85 = vector.load %arg12[%swap3A_83, %swap3A_84] : memref<1000x128xf32, #tpu.memory_space<vmem>>, vector<1000x128xf32>
    tpu.vector_store %arg12[%swap3A_83, %swap3A_84], %concatenate3A_82 {strides = array<i32>} : memref<1000x128xf32, #tpu.memory_space<vmem>>, vector<1000x128xf32>,
    %get3A_86 = arith.constant 0 : index
    %get3A_87 = arith.constant 0 : index
    %get3A_88 = vector.load %arg8[%get3A_86, %get3A_87] : memref<128x64xf32, #tpu.memory_space<vmem>>, vector<128x64xf32>
    %dot_general3A_89 = arith.constant dense<0.000000e+00> : vector<1000x64xf32>
    %dot_general3A_90 = tpu.matmul %convert_element_type3A_3, %get3A_88, %dot_general3A_89 {dimension_numbers = #tpu.dot_dimension_numbers<[1], [0], [0], [1], [0, 0, 1, 1], [], []>, transpose_lhs_hint = false} : vector<1000x128xf32>, vector<128x64xf32>, vector<1000x64xf32> -> vector<1000x64xf32>
    %get3A_91 = arith.constant 0 : index
    %get3A_92 = arith.constant 0 : index
    %get3A_93 = vector.load %arg9[%get3A_91, %get3A_92] : memref<8x64xf32, #tpu.memory_space<vmem>>, vector<8x64xf32>
    %dot_general3A_94 = arith.constant dense<0.000000e+00> : vector<1000x64xf32>
    %dot_general3A_95 = tpu.matmul %concatenate3A_53, %get3A_93, %dot_general3A_94 {dimension_numbers = #tpu.dot_dimension_numbers<[1], [0], [0], [1], [0, 0, 1, 1], [], []>, transpose_lhs_hint = false} : vector<1000x8xf32>, vector<8x64xf32>, vector<1000x64xf32> -> vector<1000x64xf32>
    %add3A_96 = arith.addf %dot_general3A_90, %dot_general3A_95 : vector<1000x64xf32>
    %get3A_97 = arith.constant 0 : index
    %get3A_98 = arith.constant 0 : index
    %get3A_99 = vector.load %arg10[%get3A_97, %get3A_98] : memref<12x96xf32, #tpu.memory_space<vmem>>, vector<12x96xf32>
    %dot_general3A_100 = arith.constant dense<0.000000e+00> : vector<1000x96xf32>
    %dot_general3A_101 = tpu.matmul %get3A_6, %get3A_99, %dot_general3A_100 {dimension_numbers = #tpu.dot_dimension_numbers<[1], [0], [0], [1], [0, 0, 1, 1], [], []>, transpose_lhs_hint = false} : vector<1000x12xf32>, vector<12x96xf32>, vector<1000x96xf32> -> vector<1000x96xf32>
    %concatenate3A_102 = tpu.concatenate %add3A_96, %dot_general3A_101 in 1 : vector<1000x64xf32>, vector<1000x96xf32> -> vector<1000x160xf32>
    %swap3A_103 = arith.constant 0 : index
    %swap3A_104 = arith.constant 0 : index
    %swap3A_105 = vector.load %arg13[%swap3A_103, %swap3A_104] : memref<1000x160xf32, #tpu.memory_space<vmem>>, vector<1000x160xf32>
    tpu.vector_store %arg13[%swap3A_103, %swap3A_104], %concatenate3A_102 {strides = array<i32>} : memref<1000x160xf32, #tpu.memory_space<vmem>>, vector<1000x160xf32>,
    return
  }
  func.func @transform_0(%arg0: i32) -> (i32, i32) {
    %c0_i32 = arith.constant 0 : i32
    %c0_i32_0 = arith.constant 0 : i32
    return %arg0, %c0_i32 : i32, i32
  }
  func.func @transform_1(%arg0: i32) -> (i32, i32) {
    %c0_i32 = arith.constant 0 : i32
    %c0_i32_0 = arith.constant 0 : i32
    return %arg0, %c0_i32 : i32, i32
  }
  func.func @transform_2(%arg0: i32) -> (i32, i32) {
    %c0_i32 = arith.constant 0 : i32
    %c0_i32_0 = arith.constant 0 : i32
    %c0_i32_1 = arith.constant 0 : i32
    return %c0_i32, %c0_i32_0 : i32, i32
  }
  func.func @transform_3(%arg0: i32) -> (i32, i32) {
    %c0_i32 = arith.constant 0 : i32
    %c0_i32_0 = arith.constant 0 : i32
    %c0_i32_1 = arith.constant 0 : i32
    return %c0_i32, %c0_i32_0 : i32, i32
  }
  func.func @transform_4(%arg0: i32) -> (i32, i32) {
    %c0_i32 = arith.constant 0 : i32
    %c0_i32_0 = arith.constant 0 : i32
    %c0_i32_1 = arith.constant 0 : i32
    return %c0_i32, %c0_i32_0 : i32, i32
  }
  func.func @transform_5(%arg0: i32) -> (i32, i32) {
    %c0_i32 = arith.constant 0 : i32
    %c0_i32_0 = arith.constant 0 : i32
    %c0_i32_1 = arith.constant 0 : i32
    return %c0_i32, %c0_i32_0 : i32, i32
  }
  func.func @transform_6(%arg0: i32) -> (i32, i32) {
    %c0_i32 = arith.constant 0 : i32
    %c0_i32_0 = arith.constant 0 : i32
    %c0_i32_1 = arith.constant 0 : i32
    return %c0_i32, %c0_i32_0 : i32, i32
  }
  func.func @transform_7(%arg0: i32) -> (i32, i32) {
    %c0_i32 = arith.constant 0 : i32
    %c0_i32_0 = arith.constant 0 : i32
    %c0_i32_1 = arith.constant 0 : i32
    return %c0_i32, %c0_i32_0 : i32, i32
  }
  func.func @transform_8(%arg0: i32) -> (i32, i32) {
    %c0_i32 = arith.constant 0 : i32
    %c0_i32_0 = arith.constant 0 : i32
    %c0_i32_1 = arith.constant 0 : i32
    return %c0_i32, %c0_i32_0 : i32, i32
  }
  func.func @transform_9(%arg0: i32) -> (i32, i32) {
    %c0_i32 = arith.constant 0 : i32
    %c0_i32_0 = arith.constant 0 : i32
    %c0_i32_1 = arith.constant 0 : i32
    return %c0_i32, %c0_i32_0 : i32, i32
  }
  func.func @transform_10(%arg0: i32) -> (i32, i32) {
    %c0_i32 = arith.constant 0 : i32
    %c0_i32_0 = arith.constant 0 : i32
    return %arg0, %c0_i32 : i32, i32
  }
  func.func @transform_11(%arg0: i32) -> (i32, i32) {
    %c0_i32 = arith.constant 0 : i32
    %c0_i32_0 = arith.constant 0 : i32
    return %arg0, %c0_i32 : i32, i32
  }
  func.func @transform_12(%arg0: i32) -> (i32, i32) {
    %c0_i32 = arith.constant 0 : i32
    %c0_i32_0 = arith.constant 0 : i32
    return %arg0, %c0_i32 : i32, i32
  }
}

module attributes {stable_mosaic.version = 14 : i64} {
  func.func @_geom_body(%arg0: i32, %arg1: memref<2000x16xf32, #tpu.memory_space<vmem>>, %arg2: memref<2000x16xf32, #tpu.memory_space<vmem>>, %arg3: memref<2000x16xf32, #tpu.memory_space<vmem>>, %arg4: memref<16x16xf32, #tpu.memory_space<vmem>>, %arg5: memref<3x32x64xf32, #tpu.memory_space<vmem>>, %arg6: memref<3x8x64xf32, #tpu.memory_space<vmem>>, %arg7: memref<3x64x128xf32, #tpu.memory_space<vmem>>, %arg8: memref<2000x64xf32, #tpu.memory_space<vmem>>, %arg9: memref<2000x64xf32, #tpu.memory_space<vmem>>, %arg10: memref<2000x64xf32, #tpu.memory_space<vmem>>, %arg11: memref<2000x80xf32, #tpu.memory_space<vmem>>, %arg12: memref<2000x80xf32, #tpu.memory_space<vmem>>, %arg13: memref<2000x80xf32, #tpu.memory_space<vmem>>) attributes {dimension_semantics = [#tpu.dimension_semantics<arbitrary>], iteration_bounds = array<i64: 160>, scalar_prefetch = 0 : i64, scratch_operands = 0 : i64, tpu.core_type = #tpu.core_type<tc>, window_params = [{transform_indices = @transform_0, window_bounds = array<i64: 2000, 16>}, {transform_indices = @transform_1, window_bounds = array<i64: 2000, 16>}, {transform_indices = @transform_2, window_bounds = array<i64: 2000, 16>}, {pipeline_mode = #tpu.pipeline_mode<synchronous>, transform_indices = @transform_3, window_bounds = array<i64: 16, 16>}, {pipeline_mode = #tpu.pipeline_mode<synchronous>, transform_indices = @transform_4, window_bounds = array<i64: 3, 32, 64>}, {pipeline_mode = #tpu.pipeline_mode<synchronous>, transform_indices = @transform_5, window_bounds = array<i64: 3, 8, 64>}, {pipeline_mode = #tpu.pipeline_mode<synchronous>, transform_indices = @transform_6, window_bounds = array<i64: 3, 64, 128>}, {transform_indices = @transform_7, window_bounds = array<i64: 2000, 64>}, {transform_indices = @transform_8, window_bounds = array<i64: 2000, 64>}, {transform_indices = @transform_9, window_bounds = array<i64: 2000, 64>}, {transform_indices = @transform_10, window_bounds = array<i64: 2000, 80>}, {transform_indices = @transform_11, window_bounds = array<i64: 2000, 80>}, {transform_indices = @transform_12, window_bounds = array<i64: 2000, 80>}]} {
    %get3A = arith.constant 0 : index
    %get3A_0 = arith.constant 0 : index
    %get3A_1 = vector.load %arg2[%get3A, %get3A_0] : memref<2000x16xf32, #tpu.memory_space<vmem>>, vector<2000x16xf32>
    %get3A_2 = arith.constant 0 : index
    %get3A_3 = arith.constant 0 : index
    %get3A_4 = vector.load %arg1[%get3A_2, %get3A_3] : memref<2000x16xf32, #tpu.memory_space<vmem>>, vector<2000x16xf32>
    %sub3A = arith.subf %get3A_1, %get3A_4 : vector<2000x16xf32>
    %get3A_5 = arith.constant 0 : index
    %get3A_6 = arith.constant 0 : index
    %get3A_7 = vector.load %arg3[%get3A_5, %get3A_6] : memref<2000x16xf32, #tpu.memory_space<vmem>>, vector<2000x16xf32>
    %get3A_8 = arith.constant 0 : index
    %get3A_9 = arith.constant 0 : index
    %get3A_10 = vector.load %arg4[%get3A_8, %get3A_9] : memref<16x16xf32, #tpu.memory_space<vmem>>, vector<16x16xf32>
    %dot_general3A = arith.constant dense<0.000000e+00> : vector<2000x16xf32>
    %dot_general3A_11 = tpu.matmul %get3A_7, %get3A_10, %dot_general3A {dimension_numbers = #tpu.dot_dimension_numbers<[1], [0], [0], [1], [0, 0, 1, 1], [], []>, transpose_lhs_hint = false} : vector<2000x16xf32>, vector<16x16xf32>, vector<2000x16xf32> -> vector<2000x16xf32>
    %add3A = arith.addf %sub3A, %dot_general3A_11 : vector<2000x16xf32>
    %mul3A = arith.mulf %add3A, %add3A : vector<2000x16xf32>
    %reduce_sum3A = arith.constant dense<0.000000e+00> : vector<2000xf32>
    %reduce_sum3A_12 = vector.multi_reduction <add>, %mul3A, %reduce_sum3A [1] : vector<2000x16xf32> to vector<2000xf32>
    %broadcast_in_dim3A = vector.shape_cast %reduce_sum3A_12 : vector<2000xf32> to vector<2000x1xf32>
    %add3A_13 = arith.constant 9.99999996E-13 : f32
    %add3A_14 = vector.broadcast %add3A_13 : f32 to vector<2000x1xf32>
    %add3A_15 = arith.addf %broadcast_in_dim3A, %add3A_14 : vector<2000x1xf32>
    %sqrt3A = math.sqrt %add3A_15 : vector<2000x1xf32>
    %max3A = arith.constant 9.99999993E-9 : f32
    %max3A_16 = vector.broadcast %max3A : f32 to vector<2000x1xf32>
    %max3A_17 = arith.maximumf %sqrt3A, %max3A_16 : vector<2000x1xf32>
    %div3A = arith.constant 1.000000e+00 : f32
    %div3A_18 = vector.broadcast %div3A : f32 to vector<2000x1xf32>
    %div3A_19 = arith.divf %div3A_18, %max3A_17 : vector<2000x1xf32>
    %mul3A_20 = vector.broadcast %div3A_19 : vector<2000x1xf32> to vector<2000x16xf32>
    %mul3A_21 = arith.mulf %add3A, %mul3A_20 : vector<2000x16xf32>
    %sqrt3A_22 = arith.constant 3.000000e+00 : f32
    %sqrt3A_23 = math.sqrt %sqrt3A_22 : f32
    %mul3A_24 = vector.broadcast %sqrt3A_23 : f32 to vector<2000x16xf32>
    %mul3A_25 = arith.mulf %mul3A_24, %mul3A_21 : vector<2000x16xf32>
    %div3A_26 = arith.constant 5.000000e+00 : f32
    %div3A_27 = vector.broadcast %div3A_26 : f32 to vector<2000x1xf32>
    %div3A_28 = arith.divf %sqrt3A, %div3A_27 : vector<2000x1xf32>
    %jit3A = arith.constant 0.000000e+00 : f32
    %jit3A_29 = arith.constant 0.999998986 : f32
    %max3A_30 = vector.broadcast %jit3A : f32 to vector<2000x1xf32>
    %max3A_31 = arith.maximumf %max3A_30, %div3A_28 : vector<2000x1xf32>
    %min3A = vector.broadcast %jit3A_29 : f32 to vector<2000x1xf32>
    %min3A_32 = arith.minimumf %min3A, %max3A_31 : vector<2000x1xf32>
    %lt3A = arith.constant 5.000000e+00 : f32
    %lt3A_33 = vector.broadcast %lt3A : f32 to vector<2000x1xf32>
    %lt3A_34 = arith.cmpf olt, %sqrt3A, %lt3A_33 : vector<2000x1xf32>
    %mul3A_35 = arith.mulf %min3A_32, %min3A_32 : vector<2000x1xf32>
    %sub3A_36 = arith.constant 1.000000e+00 : f32
    %sub3A_37 = vector.broadcast %sub3A_36 : f32 to vector<2000x1xf32>
    %sub3A_38 = arith.subf %sub3A_37, %mul3A_35 : vector<2000x1xf32>
    %div3A_39 = arith.constant 1.000000e+00 : f32
    %div3A_40 = vector.broadcast %div3A_39 : f32 to vector<2000x1xf32>
    %div3A_41 = arith.divf %div3A_40, %sub3A_38 : vector<2000x1xf32>
    %sub3A_42 = arith.constant 1.000000e+00 : f32
    %sub3A_43 = vector.broadcast %sub3A_42 : f32 to vector<2000x1xf32>
    %sub3A_44 = arith.subf %sub3A_43, %div3A_41 : vector<2000x1xf32>
    %exp3A = math.exp %sub3A_44 : vector<2000x1xf32>
    %jit3A_45 = arith.constant 0.000000e+00 : f32
    %broadcast_in_dim3A_46 = vector.broadcast %jit3A_45 : f32 to vector<2000x1xf32>
    %select_n3A = arith.select %lt3A_34, %exp3A, %broadcast_in_dim3A_46 : vector<2000x1xi1>, vector<2000x1xf32>
    %iota3A = tpu.iota {dimensions = array<i32: 1>} : vector<1x32xi32>
    %convert_element_type3A = arith.sitofp %iota3A : vector<1x32xi32> to vector<1x32xf32>
    %mul3A_47 = arith.constant 0.161290318 : f32
    %mul3A_48 = vector.broadcast %mul3A_47 : f32 to vector<1x32xf32>
    %mul3A_49 = arith.mulf %convert_element_type3A, %mul3A_48 : vector<1x32xf32>
    %sub3A_50 = vector.broadcast %sqrt3A : vector<2000x1xf32> to vector<2000x32xf32>
    %sub3A_51 = vector.broadcast %mul3A_49 : vector<1x32xf32> to vector<2000x32xf32>
    %sub3A_52 = arith.subf %sub3A_50, %sub3A_51 : vector<2000x32xf32>
    %div3A_53 = arith.constant 1.562500e-01 : f32
    %div3A_54 = vector.broadcast %div3A_53 : f32 to vector<2000x32xf32>
    %div3A_55 = arith.divf %sub3A_52, %div3A_54 : vector<2000x32xf32>
    %mul3A_56 = arith.constant -5.000000e-01 : f32
    %mul3A_57 = vector.broadcast %mul3A_56 : f32 to vector<2000x32xf32>
    %mul3A_58 = arith.mulf %mul3A_57, %div3A_55 : vector<2000x32xf32>
    %mul3A_59 = arith.mulf %mul3A_58, %div3A_55 : vector<2000x32xf32>
    %exp3A_60 = math.exp %mul3A_59 : vector<2000x32xf32>
    %mul3A_61 = vector.broadcast %select_n3A : vector<2000x1xf32> to vector<2000x32xf32>
    %mul3A_62 = arith.mulf %exp3A_60, %mul3A_61 : vector<2000x32xf32>
    %get3A_63 = arith.constant 0 : index
    %get3A_64 = arith.constant 0 : index
    %get3A_65 = arith.constant 0 : index
    %get3A_66 = vector.load %arg5[%get3A_63, %get3A_64, %get3A_65] : memref<3x32x64xf32, #tpu.memory_space<vmem>>, vector<1x32x64xf32>
    %get3A_67 = vector.shape_cast %get3A_66 : vector<1x32x64xf32> to vector<32x64xf32>
    %dot_general3A_68 = arith.constant dense<0.000000e+00> : vector<2000x64xf32>
    %dot_general3A_69 = tpu.matmul %mul3A_62, %get3A_67, %dot_general3A_68 {dimension_numbers = #tpu.dot_dimension_numbers<[1], [0], [0], [1], [0, 0, 1, 1], [], []>, transpose_lhs_hint = false} : vector<2000x32xf32>, vector<32x64xf32>, vector<2000x64xf32> -> vector<2000x64xf32>
    %get3A_70 = arith.constant 0 : index
    %get3A_71 = arith.constant 0 : index
    %get3A_72 = arith.constant 0 : index
    %get3A_73 = vector.load %arg6[%get3A_70, %get3A_71, %get3A_72] : memref<3x8x64xf32, #tpu.memory_space<vmem>>, vector<1x1x64xf32>
    %get3A_74 = vector.shape_cast %get3A_73 : vector<1x1x64xf32> to vector<1x64xf32>
    %add3A_75 = vector.broadcast %get3A_74 : vector<1x64xf32> to vector<2000x64xf32>
    %add3A_76 = arith.addf %dot_general3A_69, %add3A_75 : vector<2000x64xf32>
    %neg3A = arith.constant 0.000000e+00 : f32
    %neg3A_77 = vector.broadcast %neg3A : f32 to vector<2000x64xf32>
    %neg3A_78 = arith.subf %neg3A_77, %add3A_76 : vector<2000x64xf32>
    %exp3A_79 = math.exp %neg3A_78 : vector<2000x64xf32>
    %add3A_80 = arith.constant 1.000000e+00 : f32
    %add3A_81 = vector.broadcast %add3A_80 : f32 to vector<2000x64xf32>
    %add3A_82 = arith.addf %add3A_81, %exp3A_79 : vector<2000x64xf32>
    %div3A_83 = arith.divf %add3A_76, %add3A_82 : vector<2000x64xf32>
    %get3A_84 = arith.constant 0 : index
    %get3A_85 = arith.constant 0 : index
    %get3A_86 = arith.constant 0 : index
    %get3A_87 = vector.load %arg7[%get3A_84, %get3A_85, %get3A_86] : memref<3x64x128xf32, #tpu.memory_space<vmem>>, vector<1x64x128xf32>
    %get3A_88 = vector.shape_cast %get3A_87 : vector<1x64x128xf32> to vector<64x128xf32>
    %dot_general3A_89 = arith.constant dense<0.000000e+00> : vector<2000x128xf32>
    %dot_general3A_90 = tpu.matmul %div3A_83, %get3A_88, %dot_general3A_89 {dimension_numbers = #tpu.dot_dimension_numbers<[1], [0], [0], [1], [0, 0, 1, 1], [], []>, transpose_lhs_hint = false} : vector<2000x64xf32>, vector<64x128xf32>, vector<2000x128xf32> -> vector<2000x128xf32>
    %mul3A_91 = vector.broadcast %select_n3A : vector<2000x1xf32> to vector<2000x128xf32>
    %mul3A_92 = arith.mulf %dot_general3A_90, %mul3A_91 : vector<2000x128xf32>
    %slice3A = vector.extract_strided_slice %mul3A_92 {offsets = [0, 0], sizes = [2000, 64], strides = [1, 1]} : vector<2000x128xf32> to vector<2000x64xf32>
    %swap3A = arith.constant 0 : index
    %swap3A_93 = arith.constant 0 : index
    %swap3A_94 = vector.load %arg8[%swap3A, %swap3A_93] : memref<2000x64xf32, #tpu.memory_space<vmem>>, vector<2000x64xf32>
    tpu.vector_store %arg8[%swap3A, %swap3A_93], %slice3A {strides = array<i32>} : memref<2000x64xf32, #tpu.memory_space<vmem>>, vector<2000x64xf32>,
    %slice3A_95 = vector.extract_strided_slice %mul3A_92 {offsets = [0, 64], sizes = [2000, 64], strides = [1, 1]} : vector<2000x128xf32> to vector<2000x64xf32>
    %concatenate3A = tpu.concatenate %slice3A_95, %mul3A_25 in 1 : vector<2000x64xf32>, vector<2000x16xf32> -> vector<2000x80xf32>
    %swap3A_96 = arith.constant 0 : index
    %swap3A_97 = arith.constant 0 : index
    %swap3A_98 = vector.load %arg11[%swap3A_96, %swap3A_97] : memref<2000x80xf32, #tpu.memory_space<vmem>>, vector<2000x80xf32>
    tpu.vector_store %arg11[%swap3A_96, %swap3A_97], %concatenate3A {strides = array<i32>} : memref<2000x80xf32, #tpu.memory_space<vmem>>, vector<2000x80xf32>,
    %get3A_99 = arith.constant 1 : index
    %get3A_100 = arith.constant 0 : index
    %get3A_101 = arith.constant 0 : index
    %get3A_102 = vector.load %arg5[%get3A_99, %get3A_100, %get3A_101] : memref<3x32x64xf32, #tpu.memory_space<vmem>>, vector<1x32x64xf32>
    %get3A_103 = vector.shape_cast %get3A_102 : vector<1x32x64xf32> to vector<32x64xf32>
    %dot_general3A_104 = arith.constant dense<0.000000e+00> : vector<2000x64xf32>
    %dot_general3A_105 = tpu.matmul %mul3A_62, %get3A_103, %dot_general3A_104 {dimension_numbers = #tpu.dot_dimension_numbers<[1], [0], [0], [1], [0, 0, 1, 1], [], []>, transpose_lhs_hint = false} : vector<2000x32xf32>, vector<32x64xf32>, vector<2000x64xf32> -> vector<2000x64xf32>
    %get3A_106 = arith.constant 1 : index
    %get3A_107 = arith.constant 0 : index
    %get3A_108 = arith.constant 0 : index
    %get3A_109 = vector.load %arg6[%get3A_106, %get3A_107, %get3A_108] : memref<3x8x64xf32, #tpu.memory_space<vmem>>, vector<1x1x64xf32>
    %get3A_110 = vector.shape_cast %get3A_109 : vector<1x1x64xf32> to vector<1x64xf32>
    %add3A_111 = vector.broadcast %get3A_110 : vector<1x64xf32> to vector<2000x64xf32>
    %add3A_112 = arith.addf %dot_general3A_105, %add3A_111 : vector<2000x64xf32>
    %neg3A_113 = arith.constant 0.000000e+00 : f32
    %neg3A_114 = vector.broadcast %neg3A_113 : f32 to vector<2000x64xf32>
    %neg3A_115 = arith.subf %neg3A_114, %add3A_112 : vector<2000x64xf32>
    %exp3A_116 = math.exp %neg3A_115 : vector<2000x64xf32>
    %add3A_117 = arith.constant 1.000000e+00 : f32
    %add3A_118 = vector.broadcast %add3A_117 : f32 to vector<2000x64xf32>
    %add3A_119 = arith.addf %add3A_118, %exp3A_116 : vector<2000x64xf32>
    %div3A_120 = arith.divf %add3A_112, %add3A_119 : vector<2000x64xf32>
    %get3A_121 = arith.constant 1 : index
    %get3A_122 = arith.constant 0 : index
    %get3A_123 = arith.constant 0 : index
    %get3A_124 = vector.load %arg7[%get3A_121, %get3A_122, %get3A_123] : memref<3x64x128xf32, #tpu.memory_space<vmem>>, vector<1x64x128xf32>
    %get3A_125 = vector.shape_cast %get3A_124 : vector<1x64x128xf32> to vector<64x128xf32>
    %dot_general3A_126 = arith.constant dense<0.000000e+00> : vector<2000x128xf32>
    %dot_general3A_127 = tpu.matmul %div3A_120, %get3A_125, %dot_general3A_126 {dimension_numbers = #tpu.dot_dimension_numbers<[1], [0], [0], [1], [0, 0, 1, 1], [], []>, transpose_lhs_hint = false} : vector<2000x64xf32>, vector<64x128xf32>, vector<2000x128xf32> -> vector<2000x128xf32>
    %mul3A_128 = vector.broadcast %select_n3A : vector<2000x1xf32> to vector<2000x128xf32>
    %mul3A_129 = arith.mulf %dot_general3A_127, %mul3A_128 : vector<2000x128xf32>
    %slice3A_130 = vector.extract_strided_slice %mul3A_129 {offsets = [0, 0], sizes = [2000, 64], strides = [1, 1]} : vector<2000x128xf32> to vector<2000x64xf32>
    %swap3A_131 = arith.constant 0 : index
    %swap3A_132 = arith.constant 0 : index
    %swap3A_133 = vector.load %arg9[%swap3A_131, %swap3A_132] : memref<2000x64xf32, #tpu.memory_space<vmem>>, vector<2000x64xf32>
    tpu.vector_store %arg9[%swap3A_131, %swap3A_132], %slice3A_130 {strides = array<i32>} : memref<2000x64xf32, #tpu.memory_space<vmem>>, vector<2000x64xf32>,
    %slice3A_134 = vector.extract_strided_slice %mul3A_129 {offsets = [0, 64], sizes = [2000, 64], strides = [1, 1]} : vector<2000x128xf32> to vector<2000x64xf32>
    %concatenate3A_135 = tpu.concatenate %slice3A_134, %mul3A_25 in 1 : vector<2000x64xf32>, vector<2000x16xf32> -> vector<2000x80xf32>
    %swap3A_136 = arith.constant 0 : index
    %swap3A_137 = arith.constant 0 : index
    %swap3A_138 = vector.load %arg12[%swap3A_136, %swap3A_137] : memref<2000x80xf32, #tpu.memory_space<vmem>>, vector<2000x80xf32>
    tpu.vector_store %arg12[%swap3A_136, %swap3A_137], %concatenate3A_135 {strides = array<i32>} : memref<2000x80xf32, #tpu.memory_space<vmem>>, vector<2000x80xf32>,
    %get3A_139 = arith.constant 2 : index
    %get3A_140 = arith.constant 0 : index
    %get3A_141 = arith.constant 0 : index
    %get3A_142 = vector.load %arg5[%get3A_139, %get3A_140, %get3A_141] : memref<3x32x64xf32, #tpu.memory_space<vmem>>, vector<1x32x64xf32>
    %get3A_143 = vector.shape_cast %get3A_142 : vector<1x32x64xf32> to vector<32x64xf32>
    %dot_general3A_144 = arith.constant dense<0.000000e+00> : vector<2000x64xf32>
    %dot_general3A_145 = tpu.matmul %mul3A_62, %get3A_143, %dot_general3A_144 {dimension_numbers = #tpu.dot_dimension_numbers<[1], [0], [0], [1], [0, 0, 1, 1], [], []>, transpose_lhs_hint = false} : vector<2000x32xf32>, vector<32x64xf32>, vector<2000x64xf32> -> vector<2000x64xf32>
    %get3A_146 = arith.constant 2 : index
    %get3A_147 = arith.constant 0 : index
    %get3A_148 = arith.constant 0 : index
    %get3A_149 = vector.load %arg6[%get3A_146, %get3A_147, %get3A_148] : memref<3x8x64xf32, #tpu.memory_space<vmem>>, vector<1x1x64xf32>
    %get3A_150 = vector.shape_cast %get3A_149 : vector<1x1x64xf32> to vector<1x64xf32>
    %add3A_151 = vector.broadcast %get3A_150 : vector<1x64xf32> to vector<2000x64xf32>
    %add3A_152 = arith.addf %dot_general3A_145, %add3A_151 : vector<2000x64xf32>
    %neg3A_153 = arith.constant 0.000000e+00 : f32
    %neg3A_154 = vector.broadcast %neg3A_153 : f32 to vector<2000x64xf32>
    %neg3A_155 = arith.subf %neg3A_154, %add3A_152 : vector<2000x64xf32>
    %exp3A_156 = math.exp %neg3A_155 : vector<2000x64xf32>
    %add3A_157 = arith.constant 1.000000e+00 : f32
    %add3A_158 = vector.broadcast %add3A_157 : f32 to vector<2000x64xf32>
    %add3A_159 = arith.addf %add3A_158, %exp3A_156 : vector<2000x64xf32>
    %div3A_160 = arith.divf %add3A_152, %add3A_159 : vector<2000x64xf32>
    %get3A_161 = arith.constant 2 : index
    %get3A_162 = arith.constant 0 : index
    %get3A_163 = arith.constant 0 : index
    %get3A_164 = vector.load %arg7[%get3A_161, %get3A_162, %get3A_163] : memref<3x64x128xf32, #tpu.memory_space<vmem>>, vector<1x64x128xf32>
    %get3A_165 = vector.shape_cast %get3A_164 : vector<1x64x128xf32> to vector<64x128xf32>
    %dot_general3A_166 = arith.constant dense<0.000000e+00> : vector<2000x128xf32>
    %dot_general3A_167 = tpu.matmul %div3A_160, %get3A_165, %dot_general3A_166 {dimension_numbers = #tpu.dot_dimension_numbers<[1], [0], [0], [1], [0, 0, 1, 1], [], []>, transpose_lhs_hint = false} : vector<2000x64xf32>, vector<64x128xf32>, vector<2000x128xf32> -> vector<2000x128xf32>
    %mul3A_168 = vector.broadcast %select_n3A : vector<2000x1xf32> to vector<2000x128xf32>
    %mul3A_169 = arith.mulf %dot_general3A_167, %mul3A_168 : vector<2000x128xf32>
    %slice3A_170 = vector.extract_strided_slice %mul3A_169 {offsets = [0, 0], sizes = [2000, 64], strides = [1, 1]} : vector<2000x128xf32> to vector<2000x64xf32>
    %swap3A_171 = arith.constant 0 : index
    %swap3A_172 = arith.constant 0 : index
    %swap3A_173 = vector.load %arg10[%swap3A_171, %swap3A_172] : memref<2000x64xf32, #tpu.memory_space<vmem>>, vector<2000x64xf32>
    tpu.vector_store %arg10[%swap3A_171, %swap3A_172], %slice3A_170 {strides = array<i32>} : memref<2000x64xf32, #tpu.memory_space<vmem>>, vector<2000x64xf32>,
    %slice3A_174 = vector.extract_strided_slice %mul3A_169 {offsets = [0, 64], sizes = [2000, 64], strides = [1, 1]} : vector<2000x128xf32> to vector<2000x64xf32>
    %concatenate3A_175 = tpu.concatenate %slice3A_174, %mul3A_25 in 1 : vector<2000x64xf32>, vector<2000x16xf32> -> vector<2000x80xf32>
    %swap3A_176 = arith.constant 0 : index
    %swap3A_177 = arith.constant 0 : index
    %swap3A_178 = vector.load %arg13[%swap3A_176, %swap3A_177] : memref<2000x80xf32, #tpu.memory_space<vmem>>, vector<2000x80xf32>
    tpu.vector_store %arg13[%swap3A_176, %swap3A_177], %concatenate3A_175 {strides = array<i32>} : memref<2000x80xf32, #tpu.memory_space<vmem>>, vector<2000x80xf32>,
    return
  }
  func.func @transform_0(%arg0: i32) -> (i32, i32) {
    %c0_i32 = arith.constant 0 : i32
    %c0_i32_0 = arith.constant 0 : i32
    return %arg0, %c0_i32 : i32, i32
  }
  func.func @transform_1(%arg0: i32) -> (i32, i32) {
    %c0_i32 = arith.constant 0 : i32
    %c0_i32_0 = arith.constant 0 : i32
    return %arg0, %c0_i32 : i32, i32
  }
  func.func @transform_2(%arg0: i32) -> (i32, i32) {
    %c0_i32 = arith.constant 0 : i32
    %c0_i32_0 = arith.constant 0 : i32
    return %arg0, %c0_i32 : i32, i32
  }
  func.func @transform_3(%arg0: i32) -> (i32, i32) {
    %c0_i32 = arith.constant 0 : i32
    %c0_i32_0 = arith.constant 0 : i32
    %c0_i32_1 = arith.constant 0 : i32
    return %c0_i32, %c0_i32_0 : i32, i32
  }
  func.func @transform_4(%arg0: i32) -> (i32, i32, i32) {
    %c0_i32 = arith.constant 0 : i32
    %c0_i32_0 = arith.constant 0 : i32
    %c0_i32_1 = arith.constant 0 : i32
    %c0_i32_2 = arith.constant 0 : i32
    return %c0_i32, %c0_i32_0, %c0_i32_1 : i32, i32, i32
  }
  func.func @transform_5(%arg0: i32) -> (i32, i32, i32) {
    %c0_i32 = arith.constant 0 : i32
    %c0_i32_0 = arith.constant 0 : i32
    %c0_i32_1 = arith.constant 0 : i32
    %c0_i32_2 = arith.constant 0 : i32
    return %c0_i32, %c0_i32_0, %c0_i32_1 : i32, i32, i32
  }
  func.func @transform_6(%arg0: i32) -> (i32, i32, i32) {
    %c0_i32 = arith.constant 0 : i32
    %c0_i32_0 = arith.constant 0 : i32
    %c0_i32_1 = arith.constant 0 : i32
    %c0_i32_2 = arith.constant 0 : i32
    return %c0_i32, %c0_i32_0, %c0_i32_1 : i32, i32, i32
  }
  func.func @transform_7(%arg0: i32) -> (i32, i32) {
    %c0_i32 = arith.constant 0 : i32
    %c0_i32_0 = arith.constant 0 : i32
    return %arg0, %c0_i32 : i32, i32
  }
  func.func @transform_8(%arg0: i32) -> (i32, i32) {
    %c0_i32 = arith.constant 0 : i32
    %c0_i32_0 = arith.constant 0 : i32
    return %arg0, %c0_i32 : i32, i32
  }
  func.func @transform_9(%arg0: i32) -> (i32, i32) {
    %c0_i32 = arith.constant 0 : i32
    %c0_i32_0 = arith.constant 0 : i32
    return %arg0, %c0_i32 : i32, i32
  }
  func.func @transform_10(%arg0: i32) -> (i32, i32) {
    %c0_i32 = arith.constant 0 : i32
    %c0_i32_0 = arith.constant 0 : i32
    return %arg0, %c0_i32 : i32, i32
  }
  func.func @transform_11(%arg0: i32) -> (i32, i32) {
    %c0_i32 = arith.constant 0 : i32
    %c0_i32_0 = arith.constant 0 : i32
    return %arg0, %c0_i32 : i32, i32
  }
  func.func @transform_12(%arg0: i32) -> (i32, i32) {
    %c0_i32 = arith.constant 0 : i32
    %c0_i32_0 = arith.constant 0 : i32
    return %arg0, %c0_i32 : i32, i32
  }
}

module attributes {stable_mosaic.version = 14 : i64} {
  func.func @_ct_body(%arg0: i32, %arg1: memref<2x1000x64xf32, #tpu.memory_space<vmem>>, %arg2: memref<2x1000x96xf32, #tpu.memory_space<vmem>>, %arg3: memref<1000x160xf32, #tpu.memory_space<vmem>>, %arg4: memref<64x64xf32, #tpu.memory_space<vmem>>, %arg5: memref<64x32xf32, #tpu.memory_space<vmem>>, %arg6: memref<96x96xf32, #tpu.memory_space<vmem>>, %arg7: memref<64x64xf32, #tpu.memory_space<vmem>>, %arg8: memref<96x96xf32, #tpu.memory_space<vmem>>, %arg9: memref<1000x64xf32, #tpu.memory_space<vmem>>, %arg10: memref<1000x128xf32, #tpu.memory_space<vmem>>, %arg11: memref<1000x160xf32, #tpu.memory_space<vmem>>) attributes {dimension_semantics = [#tpu.dimension_semantics<arbitrary>], iteration_bounds = array<i64: 10>, scalar_prefetch = 0 : i64, scratch_operands = 0 : i64, tpu.core_type = #tpu.core_type<tc>, window_params = [{transform_indices = @transform_0, window_bounds = array<i64: 2, 1000, 64>}, {transform_indices = @transform_1, window_bounds = array<i64: 2, 1000, 96>}, {transform_indices = @transform_2, window_bounds = array<i64: 1000, 160>}, {pipeline_mode = #tpu.pipeline_mode<synchronous>, transform_indices = @transform_3, window_bounds = array<i64: 64, 64>}, {pipeline_mode = #tpu.pipeline_mode<synchronous>, transform_indices = @transform_4, window_bounds = array<i64: 64, 32>}, {pipeline_mode = #tpu.pipeline_mode<synchronous>, transform_indices = @transform_5, window_bounds = array<i64: 96, 96>}, {pipeline_mode = #tpu.pipeline_mode<synchronous>, transform_indices = @transform_6, window_bounds = array<i64: 64, 64>}, {pipeline_mode = #tpu.pipeline_mode<synchronous>, transform_indices = @transform_7, window_bounds = array<i64: 96, 96>}, {transform_indices = @transform_8, window_bounds = array<i64: 1000, 64>}, {transform_indices = @transform_9, window_bounds = array<i64: 1000, 128>}, {transform_indices = @transform_10, window_bounds = array<i64: 1000, 160>}]} {
    %get3A = arith.constant 0 : index
    %get3A_0 = arith.constant 0 : index
    %get3A_1 = arith.constant 0 : index
    %get3A_2 = vector.load %arg1[%get3A, %get3A_0, %get3A_1] : memref<2x1000x64xf32, #tpu.memory_space<vmem>>, vector<1x1000x64xf32>
    %get3A_3 = vector.shape_cast %get3A_2 : vector<1x1000x64xf32> to vector<1000x64xf32>
    %get3A_4 = arith.constant 1 : index
    %get3A_5 = arith.constant 0 : index
    %get3A_6 = arith.constant 0 : index
    %get3A_7 = vector.load %arg1[%get3A_4, %get3A_5, %get3A_6] : memref<2x1000x64xf32, #tpu.memory_space<vmem>>, vector<1x1000x64xf32>
    %get3A_8 = vector.shape_cast %get3A_7 : vector<1x1000x64xf32> to vector<1000x64xf32>
    %add3A = arith.addf %get3A_3, %get3A_8 : vector<1000x64xf32>
    %mul3A = arith.constant 0.176776692 : f32
    %mul3A_9 = vector.broadcast %mul3A : f32 to vector<1000x64xf32>
    %mul3A_10 = arith.mulf %add3A, %mul3A_9 : vector<1000x64xf32>
    %get3A_11 = arith.constant 0 : index
    %get3A_12 = arith.constant 0 : index
    %get3A_13 = vector.load %arg3[%get3A_11, %get3A_12] : memref<1000x160xf32, #tpu.memory_space<vmem>>, vector<1000x64xf32>
    %add3A_14 = arith.addf %mul3A_10, %get3A_13 : vector<1000x64xf32>
    %get3A_15 = arith.constant 0 : index
    %get3A_16 = arith.constant 0 : index
    %get3A_17 = arith.constant 0 : index
    %get3A_18 = vector.load %arg2[%get3A_15, %get3A_16, %get3A_17] : memref<2x1000x96xf32, #tpu.memory_space<vmem>>, vector<1x1000x96xf32>
    %get3A_19 = vector.shape_cast %get3A_18 : vector<1x1000x96xf32> to vector<1000x96xf32>
    %get3A_20 = arith.constant 1 : index
    %get3A_21 = arith.constant 0 : index
    %get3A_22 = arith.constant 0 : index
    %get3A_23 = vector.load %arg2[%get3A_20, %get3A_21, %get3A_22] : memref<2x1000x96xf32, #tpu.memory_space<vmem>>, vector<1x1000x96xf32>
    %get3A_24 = vector.shape_cast %get3A_23 : vector<1x1000x96xf32> to vector<1000x96xf32>
    %add3A_25 = arith.addf %get3A_19, %get3A_24 : vector<1000x96xf32>
    %mul3A_26 = arith.constant 0.176776692 : f32
    %mul3A_27 = vector.broadcast %mul3A_26 : f32 to vector<1000x96xf32>
    %mul3A_28 = arith.mulf %add3A_25, %mul3A_27 : vector<1000x96xf32>
    %get3A_29 = arith.constant 0 : index
    %get3A_30 = arith.constant 64 : index
    %get3A_31 = vector.load %arg3[%get3A_29, %get3A_30] : memref<1000x160xf32, #tpu.memory_space<vmem>>, vector<1000x96xf32>
    %add3A_32 = arith.addf %mul3A_28, %get3A_31 : vector<1000x96xf32>
    %get3A_33 = arith.constant 0 : index
    %get3A_34 = arith.constant 0 : index
    %get3A_35 = vector.load %arg4[%get3A_33, %get3A_34] : memref<64x64xf32, #tpu.memory_space<vmem>>, vector<64x64xf32>
    %dot_general3A = arith.constant dense<0.000000e+00> : vector<1000x64xf32>
    %dot_general3A_36 = tpu.matmul %add3A_14, %get3A_35, %dot_general3A {dimension_numbers = #tpu.dot_dimension_numbers<[1], [0], [0], [1], [0, 0, 1, 1], [], []>, transpose_lhs_hint = false} : vector<1000x64xf32>, vector<64x64xf32>, vector<1000x64xf32> -> vector<1000x64xf32>
    %swap3A = arith.constant 0 : index
    %swap3A_37 = arith.constant 0 : index
    %swap3A_38 = vector.load %arg9[%swap3A, %swap3A_37] : memref<1000x64xf32, #tpu.memory_space<vmem>>, vector<1000x64xf32>
    tpu.vector_store %arg9[%swap3A, %swap3A_37], %dot_general3A_36 {strides = array<i32>} : memref<1000x64xf32, #tpu.memory_space<vmem>>, vector<1000x64xf32>,
    %get3A_39 = arith.constant 0 : index
    %get3A_40 = arith.constant 0 : index
    %get3A_41 = vector.load %arg5[%get3A_39, %get3A_40] : memref<64x32xf32, #tpu.memory_space<vmem>>, vector<64x32xf32>
    %dot_general3A_42 = arith.constant dense<0.000000e+00> : vector<1000x32xf32>
    %dot_general3A_43 = tpu.matmul %add3A_14, %get3A_41, %dot_general3A_42 {dimension_numbers = #tpu.dot_dimension_numbers<[1], [0], [0], [1], [0, 0, 1, 1], [], []>, transpose_lhs_hint = false} : vector<1000x64xf32>, vector<64x32xf32>, vector<1000x32xf32> -> vector<1000x32xf32>
    %get3A_44 = arith.constant 0 : index
    %get3A_45 = arith.constant 0 : index
    %get3A_46 = vector.load %arg6[%get3A_44, %get3A_45] : memref<96x96xf32, #tpu.memory_space<vmem>>, vector<96x96xf32>
    %dot_general3A_47 = arith.constant dense<0.000000e+00> : vector<1000x96xf32>
    %dot_general3A_48 = tpu.matmul %add3A_32, %get3A_46, %dot_general3A_47 {dimension_numbers = #tpu.dot_dimension_numbers<[1], [0], [0], [1], [0, 0, 1, 1], [], []>, transpose_lhs_hint = false} : vector<1000x96xf32>, vector<96x96xf32>, vector<1000x96xf32> -> vector<1000x96xf32>
    %concatenate3A = tpu.concatenate %dot_general3A_43, %dot_general3A_48 in 1 : vector<1000x32xf32>, vector<1000x96xf32> -> vector<1000x128xf32>
    %swap3A_49 = arith.constant 0 : index
    %swap3A_50 = arith.constant 0 : index
    %swap3A_51 = vector.load %arg10[%swap3A_49, %swap3A_50] : memref<1000x128xf32, #tpu.memory_space<vmem>>, vector<1000x128xf32>
    tpu.vector_store %arg10[%swap3A_49, %swap3A_50], %concatenate3A {strides = array<i32>} : memref<1000x128xf32, #tpu.memory_space<vmem>>, vector<1000x128xf32>,
    %get3A_52 = arith.constant 0 : index
    %get3A_53 = arith.constant 0 : index
    %get3A_54 = vector.load %arg7[%get3A_52, %get3A_53] : memref<64x64xf32, #tpu.memory_space<vmem>>, vector<64x64xf32>
    %dot_general3A_55 = arith.constant dense<0.000000e+00> : vector<1000x64xf32>
    %dot_general3A_56 = tpu.matmul %add3A_14, %get3A_54, %dot_general3A_55 {dimension_numbers = #tpu.dot_dimension_numbers<[1], [0], [0], [1], [0, 0, 1, 1], [], []>, transpose_lhs_hint = false} : vector<1000x64xf32>, vector<64x64xf32>, vector<1000x64xf32> -> vector<1000x64xf32>
    %get3A_57 = arith.constant 0 : index
    %get3A_58 = arith.constant 0 : index
    %get3A_59 = vector.load %arg8[%get3A_57, %get3A_58] : memref<96x96xf32, #tpu.memory_space<vmem>>, vector<96x96xf32>
    %dot_general3A_60 = arith.constant dense<0.000000e+00> : vector<1000x96xf32>
    %dot_general3A_61 = tpu.matmul %add3A_32, %get3A_59, %dot_general3A_60 {dimension_numbers = #tpu.dot_dimension_numbers<[1], [0], [0], [1], [0, 0, 1, 1], [], []>, transpose_lhs_hint = false} : vector<1000x96xf32>, vector<96x96xf32>, vector<1000x96xf32> -> vector<1000x96xf32>
    %concatenate3A_62 = tpu.concatenate %dot_general3A_56, %dot_general3A_61 in 1 : vector<1000x64xf32>, vector<1000x96xf32> -> vector<1000x160xf32>
    %swap3A_63 = arith.constant 0 : index
    %swap3A_64 = arith.constant 0 : index
    %swap3A_65 = vector.load %arg11[%swap3A_63, %swap3A_64] : memref<1000x160xf32, #tpu.memory_space<vmem>>, vector<1000x160xf32>
    tpu.vector_store %arg11[%swap3A_63, %swap3A_64], %concatenate3A_62 {strides = array<i32>} : memref<1000x160xf32, #tpu.memory_space<vmem>>, vector<1000x160xf32>,
    return
  }
  func.func @transform_0(%arg0: i32) -> (i32, i32, i32) {
    %c0_i32 = arith.constant 0 : i32
    %c0_i32_0 = arith.constant 0 : i32
    %c0_i32_1 = arith.constant 0 : i32
    return %c0_i32, %arg0, %c0_i32_0 : i32, i32, i32
  }
  func.func @transform_1(%arg0: i32) -> (i32, i32, i32) {
    %c0_i32 = arith.constant 0 : i32
    %c0_i32_0 = arith.constant 0 : i32
    %c0_i32_1 = arith.constant 0 : i32
    return %c0_i32, %arg0, %c0_i32_0 : i32, i32, i32
  }
  func.func @transform_2(%arg0: i32) -> (i32, i32) {
    %c0_i32 = arith.constant 0 : i32
    %c0_i32_0 = arith.constant 0 : i32
    return %arg0, %c0_i32 : i32, i32
  }
  func.func @transform_3(%arg0: i32) -> (i32, i32) {
    %c0_i32 = arith.constant 0 : i32
    %c0_i32_0 = arith.constant 0 : i32
    %c0_i32_1 = arith.constant 0 : i32
    return %c0_i32, %c0_i32_0 : i32, i32
  }
  func.func @transform_4(%arg0: i32) -> (i32, i32) {
    %c0_i32 = arith.constant 0 : i32
    %c0_i32_0 = arith.constant 0 : i32
    %c0_i32_1 = arith.constant 0 : i32
    return %c0_i32, %c0_i32_0 : i32, i32
  }
  func.func @transform_5(%arg0: i32) -> (i32, i32) {
    %c0_i32 = arith.constant 0 : i32
    %c0_i32_0 = arith.constant 0 : i32
    %c0_i32_1 = arith.constant 0 : i32
    return %c0_i32, %c0_i32_0 : i32, i32
  }
  func.func @transform_6(%arg0: i32) -> (i32, i32) {
    %c0_i32 = arith.constant 0 : i32
    %c0_i32_0 = arith.constant 0 : i32
    %c0_i32_1 = arith.constant 0 : i32
    return %c0_i32, %c0_i32_0 : i32, i32
  }
  func.func @transform_7(%arg0: i32) -> (i32, i32) {
    %c0_i32 = arith.constant 0 : i32
    %c0_i32_0 = arith.constant 0 : i32
    %c0_i32_1 = arith.constant 0 : i32
    return %c0_i32, %c0_i32_0 : i32, i32
  }
  func.func @transform_8(%arg0: i32) -> (i32, i32) {
    %c0_i32 = arith.constant 0 : i32
    %c0_i32_0 = arith.constant 0 : i32
    return %arg0, %c0_i32 : i32, i32
  }
  func.func @transform_9(%arg0: i32) -> (i32, i32) {
    %c0_i32 = arith.constant 0 : i32
    %c0_i32_0 = arith.constant 0 : i32
    return %arg0, %c0_i32 : i32, i32
  }
  func.func @transform_10(%arg0: i32) -> (i32, i32) {
    %c0_i32 = arith.constant 0 : i32
    %c0_i32_0 = arith.constant 0 : i32
    return %arg0, %c0_i32 : i32, i32
  }
}

module attributes {stable_mosaic.version = 14 : i64} {
  func.func @_ct_body(%arg0: i32, %arg1: memref<2x1000x64xf32, #tpu.memory_space<vmem>>, %arg2: memref<2x1000x96xf32, #tpu.memory_space<vmem>>, %arg3: memref<1000x160xf32, #tpu.memory_space<vmem>>, %arg4: memref<64x64xf32, #tpu.memory_space<vmem>>, %arg5: memref<64x32xf32, #tpu.memory_space<vmem>>, %arg6: memref<96x96xf32, #tpu.memory_space<vmem>>, %arg7: memref<64x64xf32, #tpu.memory_space<vmem>>, %arg8: memref<96x96xf32, #tpu.memory_space<vmem>>, %arg9: memref<1000x64xf32, #tpu.memory_space<vmem>>, %arg10: memref<1000x128xf32, #tpu.memory_space<vmem>>, %arg11: memref<1000x160xf32, #tpu.memory_space<vmem>>) attributes {dimension_semantics = [#tpu.dimension_semantics<arbitrary>], iteration_bounds = array<i64: 10>, scalar_prefetch = 0 : i64, scratch_operands = 0 : i64, tpu.core_type = #tpu.core_type<tc>, window_params = [{transform_indices = @transform_0, window_bounds = array<i64: 2, 1000, 64>}, {transform_indices = @transform_1, window_bounds = array<i64: 2, 1000, 96>}, {transform_indices = @transform_2, window_bounds = array<i64: 1000, 160>}, {pipeline_mode = #tpu.pipeline_mode<synchronous>, transform_indices = @transform_3, window_bounds = array<i64: 64, 64>}, {pipeline_mode = #tpu.pipeline_mode<synchronous>, transform_indices = @transform_4, window_bounds = array<i64: 64, 32>}, {pipeline_mode = #tpu.pipeline_mode<synchronous>, transform_indices = @transform_5, window_bounds = array<i64: 96, 96>}, {pipeline_mode = #tpu.pipeline_mode<synchronous>, transform_indices = @transform_6, window_bounds = array<i64: 64, 64>}, {pipeline_mode = #tpu.pipeline_mode<synchronous>, transform_indices = @transform_7, window_bounds = array<i64: 96, 96>}, {transform_indices = @transform_8, window_bounds = array<i64: 1000, 64>}, {transform_indices = @transform_9, window_bounds = array<i64: 1000, 128>}, {transform_indices = @transform_10, window_bounds = array<i64: 1000, 160>}]} {
    %get3A = arith.constant 0 : index
    %get3A_0 = arith.constant 0 : index
    %get3A_1 = arith.constant 0 : index
    %get3A_2 = vector.load %arg1[%get3A, %get3A_0, %get3A_1] : memref<2x1000x64xf32, #tpu.memory_space<vmem>>, vector<1x1000x64xf32>
    %get3A_3 = vector.shape_cast %get3A_2 : vector<1x1000x64xf32> to vector<1000x64xf32>
    %get3A_4 = arith.constant 1 : index
    %get3A_5 = arith.constant 0 : index
    %get3A_6 = arith.constant 0 : index
    %get3A_7 = vector.load %arg1[%get3A_4, %get3A_5, %get3A_6] : memref<2x1000x64xf32, #tpu.memory_space<vmem>>, vector<1x1000x64xf32>
    %get3A_8 = vector.shape_cast %get3A_7 : vector<1x1000x64xf32> to vector<1000x64xf32>
    %add3A = arith.addf %get3A_3, %get3A_8 : vector<1000x64xf32>
    %mul3A = arith.constant 0.176776692 : f32
    %mul3A_9 = vector.broadcast %mul3A : f32 to vector<1000x64xf32>
    %mul3A_10 = arith.mulf %add3A, %mul3A_9 : vector<1000x64xf32>
    %get3A_11 = arith.constant 0 : index
    %get3A_12 = arith.constant 0 : index
    %get3A_13 = vector.load %arg3[%get3A_11, %get3A_12] : memref<1000x160xf32, #tpu.memory_space<vmem>>, vector<1000x64xf32>
    %add3A_14 = arith.addf %mul3A_10, %get3A_13 : vector<1000x64xf32>
    %get3A_15 = arith.constant 0 : index
    %get3A_16 = arith.constant 0 : index
    %get3A_17 = arith.constant 0 : index
    %get3A_18 = vector.load %arg2[%get3A_15, %get3A_16, %get3A_17] : memref<2x1000x96xf32, #tpu.memory_space<vmem>>, vector<1x1000x96xf32>
    %get3A_19 = vector.shape_cast %get3A_18 : vector<1x1000x96xf32> to vector<1000x96xf32>
    %get3A_20 = arith.constant 1 : index
    %get3A_21 = arith.constant 0 : index
    %get3A_22 = arith.constant 0 : index
    %get3A_23 = vector.load %arg2[%get3A_20, %get3A_21, %get3A_22] : memref<2x1000x96xf32, #tpu.memory_space<vmem>>, vector<1x1000x96xf32>
    %get3A_24 = vector.shape_cast %get3A_23 : vector<1x1000x96xf32> to vector<1000x96xf32>
    %add3A_25 = arith.addf %get3A_19, %get3A_24 : vector<1000x96xf32>
    %mul3A_26 = arith.constant 0.176776692 : f32
    %mul3A_27 = vector.broadcast %mul3A_26 : f32 to vector<1000x96xf32>
    %mul3A_28 = arith.mulf %add3A_25, %mul3A_27 : vector<1000x96xf32>
    %get3A_29 = arith.constant 0 : index
    %get3A_30 = arith.constant 64 : index
    %get3A_31 = vector.load %arg3[%get3A_29, %get3A_30] : memref<1000x160xf32, #tpu.memory_space<vmem>>, vector<1000x96xf32>
    %add3A_32 = arith.addf %mul3A_28, %get3A_31 : vector<1000x96xf32>
    %get3A_33 = arith.constant 0 : index
    %get3A_34 = arith.constant 0 : index
    %get3A_35 = vector.load %arg4[%get3A_33, %get3A_34] : memref<64x64xf32, #tpu.memory_space<vmem>>, vector<64x64xf32>
    %dot_general3A = arith.constant dense<0.000000e+00> : vector<1000x64xf32>
    %dot_general3A_36 = tpu.matmul %add3A_14, %get3A_35, %dot_general3A {dimension_numbers = #tpu.dot_dimension_numbers<[1], [0], [0], [1], [0, 0, 1, 1], [], []>, transpose_lhs_hint = false} : vector<1000x64xf32>, vector<64x64xf32>, vector<1000x64xf32> -> vector<1000x64xf32>
    %swap3A = arith.constant 0 : index
    %swap3A_37 = arith.constant 0 : index
    %swap3A_38 = vector.load %arg9[%swap3A, %swap3A_37] : memref<1000x64xf32, #tpu.memory_space<vmem>>, vector<1000x64xf32>
    tpu.vector_store %arg9[%swap3A, %swap3A_37], %dot_general3A_36 {strides = array<i32>} : memref<1000x64xf32, #tpu.memory_space<vmem>>, vector<1000x64xf32>,
    %get3A_39 = arith.constant 0 : index
    %get3A_40 = arith.constant 0 : index
    %get3A_41 = vector.load %arg5[%get3A_39, %get3A_40] : memref<64x32xf32, #tpu.memory_space<vmem>>, vector<64x32xf32>
    %dot_general3A_42 = arith.constant dense<0.000000e+00> : vector<1000x32xf32>
    %dot_general3A_43 = tpu.matmul %add3A_14, %get3A_41, %dot_general3A_42 {dimension_numbers = #tpu.dot_dimension_numbers<[1], [0], [0], [1], [0, 0, 1, 1], [], []>, transpose_lhs_hint = false} : vector<1000x64xf32>, vector<64x32xf32>, vector<1000x32xf32> -> vector<1000x32xf32>
    %get3A_44 = arith.constant 0 : index
    %get3A_45 = arith.constant 0 : index
    %get3A_46 = vector.load %arg6[%get3A_44, %get3A_45] : memref<96x96xf32, #tpu.memory_space<vmem>>, vector<96x96xf32>
    %dot_general3A_47 = arith.constant dense<0.000000e+00> : vector<1000x96xf32>
    %dot_general3A_48 = tpu.matmul %add3A_32, %get3A_46, %dot_general3A_47 {dimension_numbers = #tpu.dot_dimension_numbers<[1], [0], [0], [1], [0, 0, 1, 1], [], []>, transpose_lhs_hint = false} : vector<1000x96xf32>, vector<96x96xf32>, vector<1000x96xf32> -> vector<1000x96xf32>
    %concatenate3A = tpu.concatenate %dot_general3A_43, %dot_general3A_48 in 1 : vector<1000x32xf32>, vector<1000x96xf32> -> vector<1000x128xf32>
    %swap3A_49 = arith.constant 0 : index
    %swap3A_50 = arith.constant 0 : index
    %swap3A_51 = vector.load %arg10[%swap3A_49, %swap3A_50] : memref<1000x128xf32, #tpu.memory_space<vmem>>, vector<1000x128xf32>
    tpu.vector_store %arg10[%swap3A_49, %swap3A_50], %concatenate3A {strides = array<i32>} : memref<1000x128xf32, #tpu.memory_space<vmem>>, vector<1000x128xf32>,
    %get3A_52 = arith.constant 0 : index
    %get3A_53 = arith.constant 0 : index
    %get3A_54 = vector.load %arg7[%get3A_52, %get3A_53] : memref<64x64xf32, #tpu.memory_space<vmem>>, vector<64x64xf32>
    %dot_general3A_55 = arith.constant dense<0.000000e+00> : vector<1000x64xf32>
    %dot_general3A_56 = tpu.matmul %add3A_14, %get3A_54, %dot_general3A_55 {dimension_numbers = #tpu.dot_dimension_numbers<[1], [0], [0], [1], [0, 0, 1, 1], [], []>, transpose_lhs_hint = false} : vector<1000x64xf32>, vector<64x64xf32>, vector<1000x64xf32> -> vector<1000x64xf32>
    %get3A_57 = arith.constant 0 : index
    %get3A_58 = arith.constant 0 : index
    %get3A_59 = vector.load %arg8[%get3A_57, %get3A_58] : memref<96x96xf32, #tpu.memory_space<vmem>>, vector<96x96xf32>
    %dot_general3A_60 = arith.constant dense<0.000000e+00> : vector<1000x96xf32>
    %dot_general3A_61 = tpu.matmul %add3A_32, %get3A_59, %dot_general3A_60 {dimension_numbers = #tpu.dot_dimension_numbers<[1], [0], [0], [1], [0, 0, 1, 1], [], []>, transpose_lhs_hint = false} : vector<1000x96xf32>, vector<96x96xf32>, vector<1000x96xf32> -> vector<1000x96xf32>
    %concatenate3A_62 = tpu.concatenate %dot_general3A_56, %dot_general3A_61 in 1 : vector<1000x64xf32>, vector<1000x96xf32> -> vector<1000x160xf32>
    %swap3A_63 = arith.constant 0 : index
    %swap3A_64 = arith.constant 0 : index
    %swap3A_65 = vector.load %arg11[%swap3A_63, %swap3A_64] : memref<1000x160xf32, #tpu.memory_space<vmem>>, vector<1000x160xf32>
    tpu.vector_store %arg11[%swap3A_63, %swap3A_64], %concatenate3A_62 {strides = array<i32>} : memref<1000x160xf32, #tpu.memory_space<vmem>>, vector<1000x160xf32>,
    return
  }
  func.func @transform_0(%arg0: i32) -> (i32, i32, i32) {
    %c0_i32 = arith.constant 0 : i32
    %c0_i32_0 = arith.constant 0 : i32
    %c0_i32_1 = arith.constant 0 : i32
    return %c0_i32, %arg0, %c0_i32_0 : i32, i32, i32
  }
  func.func @transform_1(%arg0: i32) -> (i32, i32, i32) {
    %c0_i32 = arith.constant 0 : i32
    %c0_i32_0 = arith.constant 0 : i32
    %c0_i32_1 = arith.constant 0 : i32
    return %c0_i32, %arg0, %c0_i32_0 : i32, i32, i32
  }
  func.func @transform_2(%arg0: i32) -> (i32, i32) {
    %c0_i32 = arith.constant 0 : i32
    %c0_i32_0 = arith.constant 0 : i32
    return %arg0, %c0_i32 : i32, i32
  }
  func.func @transform_3(%arg0: i32) -> (i32, i32) {
    %c0_i32 = arith.constant 0 : i32
    %c0_i32_0 = arith.constant 0 : i32
    %c0_i32_1 = arith.constant 0 : i32
    return %c0_i32, %c0_i32_0 : i32, i32
  }
  func.func @transform_4(%arg0: i32) -> (i32, i32) {
    %c0_i32 = arith.constant 0 : i32
    %c0_i32_0 = arith.constant 0 : i32
    %c0_i32_1 = arith.constant 0 : i32
    return %c0_i32, %c0_i32_0 : i32, i32
  }
  func.func @transform_5(%arg0: i32) -> (i32, i32) {
    %c0_i32 = arith.constant 0 : i32
    %c0_i32_0 = arith.constant 0 : i32
    %c0_i32_1 = arith.constant 0 : i32
    return %c0_i32, %c0_i32_0 : i32, i32
  }
  func.func @transform_6(%arg0: i32) -> (i32, i32) {
    %c0_i32 = arith.constant 0 : i32
    %c0_i32_0 = arith.constant 0 : i32
    %c0_i32_1 = arith.constant 0 : i32
    return %c0_i32, %c0_i32_0 : i32, i32
  }
  func.func @transform_7(%arg0: i32) -> (i32, i32) {
    %c0_i32 = arith.constant 0 : i32
    %c0_i32_0 = arith.constant 0 : i32
    %c0_i32_1 = arith.constant 0 : i32
    return %c0_i32, %c0_i32_0 : i32, i32
  }
  func.func @transform_8(%arg0: i32) -> (i32, i32) {
    %c0_i32 = arith.constant 0 : i32
    %c0_i32_0 = arith.constant 0 : i32
    return %arg0, %c0_i32 : i32, i32
  }
  func.func @transform_9(%arg0: i32) -> (i32, i32) {
    %c0_i32 = arith.constant 0 : i32
    %c0_i32_0 = arith.constant 0 : i32
    return %arg0, %c0_i32 : i32, i32
  }
  func.func @transform_10(%arg0: i32) -> (i32, i32) {
    %c0_i32 = arith.constant 0 : i32
    %c0_i32_0 = arith.constant 0 : i32
    return %arg0, %c0_i32 : i32, i32
  }
}

module attributes {stable_mosaic.version = 14 : i64} {
  func.func @_fin_body(%arg0: i32, %arg1: memref<2x1000x96xf32, #tpu.memory_space<vmem>>, %arg2: memref<1000x160xf32, #tpu.memory_space<vmem>>, %arg3: memref<96x8xf32, #tpu.memory_space<vmem>>, %arg4: memref<1000x8xf32, #tpu.memory_space<vmem>>) attributes {dimension_semantics = [#tpu.dimension_semantics<arbitrary>], iteration_bounds = array<i64: 10>, scalar_prefetch = 0 : i64, scratch_operands = 0 : i64, tpu.core_type = #tpu.core_type<tc>, window_params = [{transform_indices = @transform_0, window_bounds = array<i64: 2, 1000, 96>}, {transform_indices = @transform_1, window_bounds = array<i64: 1000, 160>}, {pipeline_mode = #tpu.pipeline_mode<synchronous>, transform_indices = @transform_2, window_bounds = array<i64: 96, 8>}, {transform_indices = @transform_3, window_bounds = array<i64: 1000, 8>}]} {
    %get3A = arith.constant 0 : index
    %get3A_0 = arith.constant 0 : index
    %get3A_1 = arith.constant 0 : index
    %get3A_2 = vector.load %arg1[%get3A, %get3A_0, %get3A_1] : memref<2x1000x96xf32, #tpu.memory_space<vmem>>, vector<1x1000x96xf32>
    %get3A_3 = vector.shape_cast %get3A_2 : vector<1x1000x96xf32> to vector<1000x96xf32>
    %get3A_4 = arith.constant 1 : index
    %get3A_5 = arith.constant 0 : index
    %get3A_6 = arith.constant 0 : index
    %get3A_7 = vector.load %arg1[%get3A_4, %get3A_5, %get3A_6] : memref<2x1000x96xf32, #tpu.memory_space<vmem>>, vector<1x1000x96xf32>
    %get3A_8 = vector.shape_cast %get3A_7 : vector<1x1000x96xf32> to vector<1000x96xf32>
    %add3A = arith.addf %get3A_3, %get3A_8 : vector<1000x96xf32>
    %mul3A = arith.constant 0.176776692 : f32
    %mul3A_9 = vector.broadcast %mul3A : f32 to vector<1000x96xf32>
    %mul3A_10 = arith.mulf %add3A, %mul3A_9 : vector<1000x96xf32>
    %get3A_11 = arith.constant 0 : index
    %get3A_12 = arith.constant 64 : index
    %get3A_13 = vector.load %arg2[%get3A_11, %get3A_12] : memref<1000x160xf32, #tpu.memory_space<vmem>>, vector<1000x96xf32>
    %add3A_14 = arith.addf %mul3A_10, %get3A_13 : vector<1000x96xf32>
    %get3A_15 = arith.constant 0 : index
    %get3A_16 = arith.constant 0 : index
    %get3A_17 = vector.load %arg3[%get3A_15, %get3A_16] : memref<96x8xf32, #tpu.memory_space<vmem>>, vector<96x8xf32>
    %dot_general3A = arith.constant dense<0.000000e+00> : vector<1000x8xf32>
    %dot_general3A_18 = tpu.matmul %add3A_14, %get3A_17, %dot_general3A {dimension_numbers = #tpu.dot_dimension_numbers<[1], [0], [0], [1], [0, 0, 1, 1], [], []>, transpose_lhs_hint = false} : vector<1000x96xf32>, vector<96x8xf32>, vector<1000x8xf32> -> vector<1000x8xf32>
    %swap3A = arith.constant 0 : index
    %swap3A_19 = arith.constant 0 : index
    %swap3A_20 = vector.load %arg4[%swap3A, %swap3A_19] : memref<1000x8xf32, #tpu.memory_space<vmem>>, vector<1000x8xf32>
    tpu.vector_store %arg4[%swap3A, %swap3A_19], %dot_general3A_18 {strides = array<i32>} : memref<1000x8xf32, #tpu.memory_space<vmem>>, vector<1000x8xf32>,
    return
  }
  func.func @transform_0(%arg0: i32) -> (i32, i32, i32) {
    %c0_i32 = arith.constant 0 : i32
    %c0_i32_0 = arith.constant 0 : i32
    %c0_i32_1 = arith.constant 0 : i32
    return %c0_i32, %arg0, %c0_i32_0 : i32, i32, i32
  }
  func.func @transform_1(%arg0: i32) -> (i32, i32) {
    %c0_i32 = arith.constant 0 : i32
    %c0_i32_0 = arith.constant 0 : i32
    return %arg0, %c0_i32 : i32, i32
  }
  func.func @transform_2(%arg0: i32) -> (i32, i32) {
    %c0_i32 = arith.constant 0 : i32
    %c0_i32_0 = arith.constant 0 : i32
    %c0_i32_1 = arith.constant 0 : i32
    return %c0_i32, %c0_i32_0 : i32, i32
  }
  func.func @transform_3(%arg0: i32) -> (i32, i32) {
    %c0_i32 = arith.constant 0 : i32
    %c0_i32_0 = arith.constant 0 : i32
    return %arg0, %c0_i32 : i32, i32
  }
}

</mosaic_0001>

<sc_bundles>
// kernel: kernel.13.cloned.1.call-start
scs
__scs_entry_jumppad:
0x0: {  	(pc) =	sbr.rel $0x88, $3  }
0x1: {  	(tag) =	ssettag $0x0;
	lr =	simm.s32 $0x1  }
0x2: {  	[smem:$0x3F80] =	sst lr;
	_ =	strace $0xD0000000  }
0x3: {  	_ = 	snop  }
0x4: {  	_ = 	snop  }
0x5: {  	_ = 	snop  }
0x6: {  	_ = 	snop  }
0x7: {  	_ = 	snop  }
__scs_overlays_trampoline_lowered:
0x8: {  	[smem:$0x3F8F] =	sst s0  }
0x9: {  	[smem:$0x3F90] =	sst s1  }
0xa: {  	[smem:$0x3F91] =	sst s2  }
0xb: {  	[smem:$0x3F92] =	sst s3  }
0xc: {  	[smem:$0x3F93] =	sst s4  }
0xd: {  	[smem:$0x3F94] =	sst s5  }
0xe: {  	[smem:$0x3F95] =	sst s6  }
0xf: {  	[smem:$0x3F96] =	sst s7  }
0x10: {  	[smem:$0x3F97] =	sst s8  }
0x11: {  	[smem:$0x3F98] =	sst s9;
	s0 =	simm.s32 @!p0 $0x0  }
0x12: {  	s1 =	sld [smem:$0x3F7E];
	s0 =	simm.s32 @p0 $0x1  }
0x13: {  	[smem:$0x3F99] =	sst s0;
	s0 =	simm.s32 @!p1 $0x0  }
0x14: {  	s2 =	sld [smem:$0x3F7D];
	s0 =	simm.s32 @p1 $0x1  }
0x15: {  	[smem:$0x3F9A] =	sst s0;
	s0 =	simm.s32 @!p2 $0x0  }
0x16: {  	s3 =	sld [smem:$0x3FDB];
	s0 =	simm.s32 @p2 $0x1  }
0x17: {  	s4 =	simm.s32 $0x1BF5;
	[smem:$0x3F9C] =	sst s0  }
0x18: {  	s0 =	sld [smem:$0x3F7F];
	_ =	swait.ge [sflag:s4], $0x0  }
0x19: {  	s7 =	sld [smem:$0x3F80]  }
0x1a: {  	s8 =	sadd.s32 $0xFFFFE003, lr  }
0x1b: {  	s9 =	sadd.s32 $0xFFFFFEF7, lr;
	s5 =	simm.s32 $0xFFFFFFFF;
	p2 =	slt.u32 s8, $0xFFFFF086  }
0x1c: {  	p1 =	slt.u32 s9, $0xF7A;
	s5 =	simm.s32 @!p2 $0x0  }
0x1d: {  	s5 =	simm.s32 @p1 $0x1;
	p0 =	seq.s32 s7, s2  }
0x1e: {  	s7 =	smul.u32 @!p0 $0xF7A, s2;
	p2 =	seq.s32 @!p0 s5, $0x0  }
0x1f: {  	s9 =	smul.u32 $0xF7A, s1;
	s8 =	simm.s32 @!p0 $0x1BF5;
	p2 =	por !p2, p0  }
0x20: {  	[sflag:s8] =	ssyncset.s32 @!p0 $0xFFFFF086;
	s6 =	sadd.s32 @!p0 s3, s7;
	s7 =	simm.s32 @!p0 $0x108  }
0x21: {  	s3 =	sadd.s32 s3, s9;
	s6 =	sadd.s32 @!p0 $0x88, s6;
	s7 =	simm.s32 @p2 $0x1082  }
0x22: {  	[simem:s7], [sflag:s8] =	dma.local @!p0 [hbm:s6], $0xF7A  }
0x23: {  	s9 =	sor.u32 $0xD0000000, s2;
	s6 =	simm.s32 $0x108;
	_ =	swait.ge @!p0 [sflag:s8], $0x0  }
0x24: {  	s3 =	sadd.s32 $0x88, s3;
	s6 =	simm.s32 @!p1 $0x1082;
	[sflag:s4] =	ssyncset.s32 $0xFFFFF086  }
0x25: {  	[simem:s6], [sflag:s4] =	dma.local [hbm:s3], $0xF7A  }
0x26: {  	[smem:$0x3F80] =	sst s1;
	(tag) =	ssettag s2;
	_ =	strace s9  }
0x27: {  	s1 =	sld [smem:$0x3F90]  }
0x28: {  	s2 =	sld [smem:$0x3F91]  }
0x29: {  	s4 =	sld [smem:$0x3F93]  }
0x2a: {  	p0 =	seq.s32 s5, $0x0;
	s5 =	sld [smem:$0x3F94]  }
0x2b: {  	s6 =	sld [smem:$0x3F95]  }
0x2c: {  	s7 =	sld [smem:$0x3F96]  }
0x2d: {  	s3 =	simm.s32 $0x108;
	s8 =	sld [smem:$0x3F97]  }
0x2e: {  	s3 =	simm.s32 @!p0 $0x1082;
	s9 =	sld [smem:$0x3F98]  }
0x2f: {  	lr =	sadd.s32 s0, s3;
	s0 =	sld [smem:$0x3F8F]  }
0x30: {  	s3 =	sld [smem:$0x3F92]  }
0x31: {  	[smem:$0x3F9B] =	sst s10  }
0x32: {  	s10 =	sld [smem:$0x3F99];
	_ =	sdelay $0x3  }
0x33: {  	p0 =	seq.s32 s10, $0x1;
	s10 =	sld [smem:$0x3F9B];
	_ =	sdelay $0x3  }
0x34: {  	[smem:$0x3F9B] =	sst s10  }
0x35: {  	s10 =	sld [smem:$0x3F9A];
	_ =	sdelay $0x3  }
0x36: {  	p1 =	seq.s32 s10, $0x1;
	s10 =	sld [smem:$0x3F9B];
	_ =	sdelay $0x3  }
0x37: {  	[smem:$0x3F9B] =	sst s10  }
0x38: {  	s10 =	sld [smem:$0x3F9C]  }
0x39: {  	_ = 	snop;
	(pc) =	sbr.ind lr, $3  }
0x3a: {  	_ = 	snop  }
0x3b: {  	_ = 	snop  }
0x3c: {  	p2 =	seq.s32 s10, $0x1;
	s10 =	sld [smem:$0x3F9B]  }
0x3d: {  	_ =	shalt  }
0x3e: {  	_ =	shalt  }
0x3f: {  	_ =	shalt  }
0x40: {  	_ =	shalt  }
0x41: {  	_ =	shalt  }
0x42: {  	_ =	shalt  }
0x43: {  	_ =	shalt  }
0x44: {  	_ =	shalt  }
0x45: {  	_ =	shalt  }
0x46: {  	_ =	shalt  }
0x47: {  	_ =	shalt  }
0x48: {  	_ =	shalt  }
0x49: {  	_ =	shalt  }
0x4a: {  	_ =	shalt  }
0x4b: {  	_ =	shalt  }
0x4c: {  	_ =	shalt  }
0x4d: {  	_ =	shalt  }
0x4e: {  	_ =	shalt  }
0x4f: {  	_ =	shalt  }
0x50: {  	_ =	shalt  }
0x51: {  	_ =	shalt  }
0x52: {  	_ =	shalt  }
0x53: {  	_ =	shalt  }
0x54: {  	_ =	shalt  }
0x55: {  	_ =	shalt  }
0x56: {  	_ =	shalt  }
0x57: {  	_ =	shalt  }
0x58: {  	_ =	shalt  }
0x59: {  	_ =	shalt  }
0x5a: {  	_ =	shalt  }
0x5b: {  	_ =	shalt  }
0x5c: {  	_ =	shalt  }
0x5d: {  	_ =	shalt  }
0x5e: {  	_ =	shalt  }
0x5f: {  	_ =	shalt  }
0x60: {  	_ =	shalt  }
0x61: {  	_ =	shalt  }
0x62: {  	_ =	shalt  }
0x63: {  	_ =	shalt  }
0x64: {  	_ =	shalt  }
0x65: {  	_ =	shalt  }
0x66: {  	_ =	shalt  }
0x67: {  	_ =	shalt  }
0x68: {  	_ =	shalt  }
0x69: {  	_ =	shalt  }
0x6a: {  	_ =	shalt  }
0x6b: {  	_ =	shalt  }
0x6c: {  	_ =	shalt  }
0x6d: {  	_ =	shalt  }
0x6e: {  	_ =	shalt  }
0x6f: {  	_ =	shalt  }
0x70: {  	_ =	shalt  }
0x71: {  	_ =	shalt  }
0x72: {  	_ =	shalt  }
0x73: {  	_ =	shalt  }
0x74: {  	_ =	shalt  }
0x75: {  	_ =	shalt  }
0x76: {  	_ =	shalt  }
0x77: {  	_ =	shalt  }
0x78: {  	_ =	shalt  }
0x79: {  	_ =	shalt  }
0x7a: {  	_ =	shalt  }
0x7b: {  	_ =	shalt  }
0x7c: {  	_ =	shalt  }
0x7d: {  	_ =	shalt  }
0x7e: {  	_ =	shalt  }
0x7f: {  	_ =	shalt  }
0x80: {  	_ =	shalt  }
0x81: {  	_ =	shalt  }
0x82: {  	_ =	shalt  }
0x83: {  	_ =	shalt  }
0x84: {  	_ =	shalt  }
0x85: {  	_ =	shalt  }
0x86: {  	_ =	shalt  }
0x87: {  	_ =	shalt  }
.Lfunc_end0:
.L_simem_size_0:
called_computation_lowered:
.L_overlay_start_0:
0x88: {  	s2 =	sld [smem:$0x3FD9]  }
0x89: {  	s3 =	sld [smem:$0x3FFE];
	_ =	sdelay $0x1  }
0x8a: {  	s1 =	srdreg.scid  }
0x8b: {  	s0 =	sand.u32 $0x1, s1  }
0x8c: {  	s16 =	sshll.u32 s0, $0xA;
	s2 =	sadd.s32 s3, s2  }
0x8d: {  	s2 =	sadd.s32 s2, s16  }
0x8e: {  	[smem:$0x3FA7] =	sst s2  }
0x8f: {  	_ = 	snop  }
0x90: {  	(tm) =	ssettm $0x1  }
0x91: {  	s17 =	sld [smem:$0x3FFB];
	_ =	sdelay $0x3  }
0x92: {  	_ =	strace s17  }
0x93: {  	s2 =	sld [smem:$0x3FFC];
	_ =	sdelay $0x3  }
0x94: {  	_ =	strace s2  }
0x95: {  	s2 =	sld [smem:$0x3FFD];
	_ =	sdelay $0x3  }
0x96: {  	_ =	strace s2  }
0x97: {  	_ =	strace $0x8FFFFFFF  }
0x98: {  	s18 =	sld [smem:$0x3FDB];
	_ =	sdelay $0x1  }
0x99: {  	s19 =	simm.s32 $_scs_section_size  }
0x9a: {  	s4 =	simm.s32 $_size__tile_overlayer_lowered;
	s5 =	simm.s32 $_tile_overlayer_lowered  }
0x9b: {  	s22 =	simm.s32 $0x1BFF;
	s21 =	sshll.u32 s5, $0x1;
	s2 =	sadd.s32 s19, s18  }
0x9c: {  	s6 =	simm.s32 $0x0;
	s20 =	sshll.u32 s4, $0x1;
	s4 =	sadd.s32 s21, s2  }
0x9d: {  	[timem:s6], [sflag:s22] =	dma.local [hbm:s4], s20  }
0x9e: {  	_ =	swait.ge [sflag:s22], s20  }
0x9f: {  	s3 =	ssub.s32 $0x0, s20;
	[sflag:s22] =	ssyncset.done $0x0  }
0xa0: {  	[sflag:s22] =	ssyncadd.s32 s3;
	_ =	sdelay $0x1  }
0xa1: {  	s23 =	simm.s32 $0x1B8B  }
0xa2: {  	_ =	swait.ge [sflag:s23], $0x1  }
0xa3: {  	[sflag:s23] =	ssyncset.done $0x0  }
0xa4: {  	s25 =	simm.s32 $0x1B8E;
	s24 =	sld [smem:$0x3FFE];
	[sflag:s23] =	ssyncadd.s32 $0xFFFFFFFF  }
0xa5: {  	s26 =	simm.s32 $execute0_lowered;
	[smem:$0x3FD2] =	sst s25  }
0xa6: {  	s4 =	sshll.u32 s26, $0x1;
	_ =	strace $0x80000046;
	[dreg:$0x1] =	wrdreg $0xFFFFFFFF  }
0xa7: {  	s28 =	simm.s32 $_size_execute0_lowered;
	s2 =	sadd.s32 s2, s4;
	[dreg:$0x0] =	wrdreg $0x0  }
0xa8: {  	s4 =	sshll.u32 s28, $0x1;
	[dreg:$0x2] =	wrdreg s2  }
0xa9: {  	[dreg:$0x3] =	wrdreg s4  }
0xaa: {  	[dreg:$0x4] =	wrdreg $0xC0  }
0xab: {  	_ =	task [dreg:s6], $0x5FFFF  }
0xac: {  	[dreg:$0x1] =	wrdreg $0xFFFFFFFF  }
0xad: {  	[dreg:$0x0] =	wrdreg $0x60  }
0xae: {  	[dreg:$0x2] =	wrdreg s24  }
0xaf: {  	[dreg:$0x3] =	wrdreg $0x9  }
0xb0: {  	_ =	task.clear_ibuf [dreg:s6], $0x4FFFF;
	_ =	strace $0x90000046  }
0xb1: {  	s29 =	simm.s32 $0x9;
	_ =	strace $0x80000048  }
0xb2: {  	_ =	swait.ge [sflag:s29], $0x1  }
0xb3: {  	[sflag:s29] =	ssyncadd.s32 $0xFFFFFFFF  }
0xb4: {  	_ =	strace $0x90000048  }
0xb5: {  	_ =	sfence  }
0xb6: {  	s30 =	sld [smem:$0x0];
	_ =	sdelay $0x2  }
0xb7: {  	s31 =	sshll.u32 s1, $0xD;
	s1 =	sshrl.u32 s1, $0x2  }
0xb8: {  	s3 =	sand.u32 $0x4000, s31;
	s1 =	sadd.s32 s1, s30  }
0xb9: {  	s0 =	sor.u32 s3, s0;
	s1 =	sshll.u32 s1, $0x11  }
0xba: {  	s0 =	sor.u32 s1, s0  }
0xbb: {  	s0 =	sadd.s32 $0x8F2B, s0  }
0xbc: {  	[sflag:s0] =	ssyncadd.remote.s32 $0x1  }
0xbd: {  	_ =	sfence.sel $0xFFFF  }
0xbe: {  	[dreg:$0x0] =	wrdreg $0xFFFFFFFF;
	(pc) =	sbr.abs _section_cstart, $3  }
0xbf: {  	[dreg:$0x1] =	wrdreg $0xFFFFFFFF  }
0xc0: {  	_ =	task.clear_ibuf [dreg:s6], $0x2FFFF;
	_ =	strace $0x9FFFFFFF  }
0xc1: {  	(tm) =	ssettm $0x7FFFFFFF  }
tec
execute0_lowered:
.L_overlay_start_1:
0x0: {  	(tag) =	ssettag $0x1  }
0x1: {  	s4 =	rddreg [dreg:$0x0]  }
0x2: {  	s1 =	srdreg.scid;
	s0 =	rddreg [dreg:$0x1]  }
0x3: {  	s2 =	simm.s32 $0x0;
	s11 =	simm.s32 $0xA0;
	s12 =	simm.s32 $0x5A0  }
0x4: {  	s13 =	simm.s32 $0x1;
	s14 =	simm.s32 $0x2;
	s5 =	sand.u32 $0x1, s1  }
0x5: {  	s15 =	simm.s32 $0x0;
	s1 =	stileid.u32;
	s6 =	smul.u32 $0x27100, s5  }
0x6: {  	[smem:$0x7FF] =	sst s2;
	s3 =	sadd.s32 $0x8200, s4;
	s7 =	smul.u32 $0x2710, s1  }
0x7: {  	_ =	strace $0x80000047;
	s8 =	smul.u32 $0x4E200, s5;
	s5 =	ssub.s32 $0x2, s5  }
0x8: {  	s29 =	smul.u32 $0x4E20, s1;
	s9 =	sshrl.u32 s5, $0x1;
	s6 =	sadd.s32 s7, s6  }
0x9: {  	s8 =	sadd.s32 s8, s4;
	s30 =	ssub.s32 s5, s9;
	s6 =	sshrl.u32 s6, $0x3  }
0xa: {  	s9 =	simm.s32 $0x3;
	s31 =	sadd.s32 s29, s8;
	s10 =	sadd.s32 s6, s4  }
0xb: {  	s4 =	smax.u32 s30, $0x1;
	s5 =	sadd.s32 $0xBD200, s31;
	s6 =	sadd.s32 $0x20E00, s31  }
0xc: {  	s7 =	sadd.s32 $0xD200, s10;
	s8 =	sadd.s32 $0x17000, s10;
	s10 =	simm.s32 $0x50  }
.LBB2_1:
0xd: {  	s16 =	sadd.s32 $0x0, s8  }
0xe: {  	[tilespmem:s2], [sflag:$0x3] =	stream.linear.gather [hbm4b:s16+s2], $0x50, $0x38;
	[tilespmem:$0xAA0] =	vst v63  }
0xf: {  	_ =	swait.ge [sflag:s9], $0x50  }
0x10: {  	[sflag:s9] =	ssyncset.done $0x0  }
0x11: {  	[sflag:s9] =	ssyncadd.s32 $0xFFFFFFB0  }
0x12: {  	[tilespmem:s11], [sflag:$0x1] =	stream.indirect.gather [hbm4b:s3+s10], $0x10, s2, s10, $0xb8;
	[tilespmem:$0xAA0] =	vst v63  }
0x13: {  	s31 =	sadd.s32 $0x0, s7  }
0x14: {  	[tilespmem:s10], [sflag:$0x3] =	stream.linear.gather [hbm4b:s31+s2], $0x50, $0x38;
	[tilespmem:$0xAA0] =	vst v63  }
0x15: {  	_ =	swait.ge [sflag:s9], $0x50  }
0x16: {  	[sflag:s9] =	ssyncset.done $0x0  }
0x17: {  	[sflag:s9] =	ssyncadd.s32 $0xFFFFFFB0  }
0x18: {  	[tilespmem:s12], [sflag:$0x2] =	stream.indirect.gather [hbm4b:s3+s10], $0x10, s10, s10, $0xb8;
	[tilespmem:$0xAA0] =	vst v63  }
0x19: {  	_ =	swait.ge [sflag:s13], $0x500  }
0x1a: {  	[sflag:s13] =	ssyncset.done $0x0  }
0x1b: {  	[sflag:s13] =	ssyncadd.s32 $0xFFFFFB00  }
0x1c: {  	[hbm4b:s6+s2] =	stream.linear.scatter [tilespmem:s11], [sflag:$0x3], $0x500, $0x38;
	[tilespmem:$0xAA0] =	vst v63  }
0x1d: {  	_ =	swait.ge [sflag:s9], $0x500  }
0x1e: {  	[sflag:s9] =	ssyncset.done $0x0  }
0x1f: {  	[sflag:s9] =	ssyncadd.s32 $0xFFFFFB00  }
0x20: {  	_ =	swait.ge [sflag:s14], $0x500  }
0x21: {  	[sflag:s14] =	ssyncset.done $0x0  }
0x22: {  	[sflag:s14] =	ssyncadd.s32 $0xFFFFFB00  }
0x23: {  	[hbm4b:s5+s2] =	stream.linear.scatter [tilespmem:s12], [sflag:$0x3], $0x500, $0x38;
	[tilespmem:$0xAA0] =	vst v63  }
0x24: {  	s18 =	simm.s32 $0xA;
	s19 =	simm.s32 $0x14;
	_ =	swait.ge [sflag:s9], $0x500  }
0x25: {  	s17 =	sadd.s32 $0xA0, s6;
	s16 =	sadd.s32 $0xA0, s5;
	[sflag:s9] =	ssyncset.done $0x0  }
.LBB2_2:
0x26: {  	s20 =	sadd.s32 s18, s8  }
0x27: {  	[sflag:s9] =	ssyncadd.s32 $0xFFFFFB00;
	s21 =	smov.u32 s19;
	s22 =	sadd.s32 $0xA, s19  }
0x28: {  	[tilespmem:s2], [sflag:$0x3] =	stream.linear.gather [hbm4b:s20+s2], $0x50, $0x38;
	[tilespmem:$0xAA0] =	vst v63  }
0x29: {  	p0 =	sne.s32 s19, $0x4D8;
	_ =	swait.ge [sflag:s9], $0x50  }
0x2a: {  	[sflag:s9] =	ssyncset.done $0x0  }
0x2b: {  	[sflag:s9] =	ssyncadd.s32 $0xFFFFFFB0  }
0x2c: {  	[tilespmem:s11], [sflag:$0x1] =	stream.indirect.gather [hbm4b:s3+s10], $0x10, s2, s10, $0xb8;
	[tilespmem:$0xAA0] =	vst v63  }
0x2d: {  	s19 =	sadd.s32 s18, s7;
	s18 =	smov.u32 s21  }
0x2e: {  	[tilespmem:s10], [sflag:$0x3] =	stream.linear.gather [hbm4b:s19+s2], $0x50, $0x38;
	[tilespmem:$0xAA0] =	vst v63  }
0x2f: {  	_ =	swait.ge [sflag:s9], $0x50  }
0x30: {  	[sflag:s9] =	ssyncset.done $0x0  }
0x31: {  	[sflag:s9] =	ssyncadd.s32 $0xFFFFFFB0  }
0x32: {  	[tilespmem:s12], [sflag:$0x2] =	stream.indirect.gather [hbm4b:s3+s10], $0x10, s10, s10, $0xb8;
	[tilespmem:$0xAA0] =	vst v63  }
0x33: {  	_ =	swait.ge [sflag:s13], $0x500  }
0x34: {  	[sflag:s13] =	ssyncset.done $0x0  }
0x35: {  	[sflag:s13] =	ssyncadd.s32 $0xFFFFFB00  }
0x36: {  	[hbm4b:s17+s2] =	stream.linear.scatter [tilespmem:s11], [sflag:$0x3], $0x500, $0x38;
	[tilespmem:$0xAA0] =	vst v63  }
0x37: {  	_ =	swait.ge [sflag:s9], $0x500  }
0x38: {  	[sflag:s9] =	ssyncset.done $0x0  }
0x39: {  	[sflag:s9] =	ssyncadd.s32 $0xFFFFFB00  }
0x3a: {  	_ =	swait.ge [sflag:s14], $0x500  }
.Ltmp0:
0x3b: {  	[sflag:s14] =	ssyncset.done $0x0;
	(pc) =	sbr.rel @p0 .LBB2_2-.Ltmp0, $4  }
0x3c: {  	[sflag:s14] =	ssyncadd.s32 $0xFFFFFB00  }
0x3d: {  	[hbm4b:s16+s2] =	stream.linear.scatter [tilespmem:s12], [sflag:$0x3], $0x500, $0x38;
	[tilespmem:$0xAA0] =	vst v63  }
0x3e: {  	s19 =	smov.u32 s22;
	_ =	swait.ge [sflag:s9], $0x500  }
0x3f: {  	s17 =	sadd.s32 $0xA0, s17;
	s16 =	sadd.s32 $0xA0, s16;
	[sflag:s9] =	ssyncset.done $0x0  }
0x40: {  	s19 =	sadd.s32 s18, s8;
	[sflag:s9] =	ssyncadd.s32 $0xFFFFFB00  }
0x41: {  	[tilespmem:s2], [sflag:$0x3] =	stream.linear.gather [hbm4b:s19+s2], $0x50, $0x38;
	[tilespmem:$0xAA0] =	vst v63  }
0x42: {  	_ =	swait.ge [sflag:s9], $0x50  }
0x43: {  	[sflag:s9] =	ssyncset.done $0x0  }
0x44: {  	[sflag:s9] =	ssyncadd.s32 $0xFFFFFFB0  }
0x45: {  	[tilespmem:s11], [sflag:$0x1] =	stream.indirect.gather [hbm4b:s3+s10], $0x10, s2, s10, $0xb8;
	[tilespmem:$0xAA0] =	vst v63  }
0x46: {  	s31 =	sadd.s32 s18, s7  }
0x47: {  	[tilespmem:s10], [sflag:$0x3] =	stream.linear.gather [hbm4b:s31+s2], $0x50, $0x38;
	[tilespmem:$0xAA0] =	vst v63  }
0x48: {  	_ =	swait.ge [sflag:s9], $0x50  }
0x49: {  	[sflag:s9] =	ssyncset.done $0x0  }
0x4a: {  	[sflag:s9] =	ssyncadd.s32 $0xFFFFFFB0  }
0x4b: {  	[tilespmem:s12], [sflag:$0x2] =	stream.indirect.gather [hbm4b:s3+s10], $0x10, s10, s10, $0xb8;
	[tilespmem:$0xAA0] =	vst v63  }
0x4c: {  	_ =	swait.ge [sflag:s13], $0x500  }
0x4d: {  	[sflag:s13] =	ssyncset.done $0x0  }
0x4e: {  	[sflag:s13] =	ssyncadd.s32 $0xFFFFFB00  }
0x4f: {  	[hbm4b:s17+s2] =	stream.linear.scatter [tilespmem:s11], [sflag:$0x3], $0x500, $0x38;
	[tilespmem:$0xAA0] =	vst v63  }
0x50: {  	_ =	swait.ge [sflag:s9], $0x500  }
0x51: {  	[sflag:s9] =	ssyncset.done $0x0  }
0x52: {  	[sflag:s9] =	ssyncadd.s32 $0xFFFFFB00  }
0x53: {  	s15 =	sadd.s32 $0x1, s15;
	_ =	swait.ge [sflag:s14], $0x500  }
0x54: {  	p0 =	sne.s32 s15, s4;
	[sflag:s14] =	ssyncset.done $0x0  }
.Ltmp1:
0x55: {  	[sflag:s14] =	ssyncadd.s32 $0xFFFFFB00;
	(pc) =	sbr.rel @p0 .LBB2_1-.Ltmp1, $4  }
0x56: {  	[hbm4b:s16+s2] =	stream.linear.scatter [tilespmem:s12], [sflag:$0x3], $0x500, $0x38;
	[tilespmem:$0xAA0] =	vst v63  }
0x57: {  	_ =	swait.ge [sflag:s9], $0x500  }
0x58: {  	[sflag:s9] =	ssyncset.done $0x0  }
0x59: {  	[sflag:s9] =	ssyncadd.s32 $0xFFFFFB00  }
0x5a: {  	_ =	sfence.sel $0x180000  }
0x5b: {  	[bflag:$0x0] =	sbarrier.arrive $0xFFFF  }
0x5c: {  	p0 =	sne.s32 s1, $0x0;
	_ =	strace $0x90000047  }
0x5d: {  	s0 =	sadd.s32 @!p0 $0x100000, s0;
	[bflag:$0x2] =	sbarrier.arrive $0xFFFF  }
0x5e: {  	[sflag:s0] =	ssyncadd.tile.s32 @!p0 $0x1;
	_ =	shalt  }
.Lfunc_end2:
_tile_overlayer_lowered:
.L_overlay_start_2:
0x5f: {  	(tag) =	ssettag $0x2  }
0x60: {  	s0 =	rddreg [dreg:$0x0];
	s2 =	stileid.u32  }
0x61: {  	s1 =	rddreg [dreg:$0x1];
	p0 =	sne.s32 s2, $0x0  }
0x62: {  	s3 =	rddreg [dreg:$0x2];
	[bflag:$0x3] =	sbarrier.arrive $0xFFFF;
	s2 =	simm.s32 @!p0 $0x1C03  }
0x63: {  	[timem:s3], [sflag:s2] =	dma.local @!p0 [hbm:s0], s1  }
0x64: {  	s0 =	simm.s32 @!p0 $0x3  }
0x65: {  	_ =	swait.ge @!p0 [sflag:s0], s1  }
0x66: {  	s1 =	ssub.s32 @!p0 $0x0, s1;
	[sflag:s0] =	ssyncset.done @!p0 $0x0  }
0x67: {  	[sflag:s0] =	ssyncadd.s32 @!p0 s1  }
0x68: {  	[bflag:$0x3] =	sbarrier.arrive $0xFFFF  }
0x69: {  	_ =	shalt  }

// kernel: kernel.16.cloned.1.call-start
scs
__scs_entry_jumppad:
0x0: {  	(pc) =	sbr.rel $0x88, $3  }
0x1: {  	(tag) =	ssettag $0x0;
	lr =	simm.s32 $0x1  }
0x2: {  	[smem:$0x3F80] =	sst lr;
	_ =	strace $0xD0000000  }
0x3: {  	_ = 	snop  }
0x4: {  	_ = 	snop  }
0x5: {  	_ = 	snop  }
0x6: {  	_ = 	snop  }
0x7: {  	_ = 	snop  }
__scs_overlays_trampoline_lowered:
0x8: {  	[smem:$0x3F8F] =	sst s0  }
0x9: {  	[smem:$0x3F90] =	sst s1  }
0xa: {  	[smem:$0x3F91] =	sst s2  }
0xb: {  	[smem:$0x3F92] =	sst s3  }
0xc: {  	[smem:$0x3F93] =	sst s4  }
0xd: {  	[smem:$0x3F94] =	sst s5  }
0xe: {  	[smem:$0x3F95] =	sst s6  }
0xf: {  	[smem:$0x3F96] =	sst s7  }
0x10: {  	[smem:$0x3F97] =	sst s8  }
0x11: {  	[smem:$0x3F98] =	sst s9;
	s0 =	simm.s32 @!p0 $0x0  }
0x12: {  	s1 =	sld [smem:$0x3F7E];
	s0 =	simm.s32 @p0 $0x1  }
0x13: {  	[smem:$0x3F99] =	sst s0;
	s0 =	simm.s32 @!p1 $0x0  }
0x14: {  	s2 =	sld [smem:$0x3F7D];
	s0 =	simm.s32 @p1 $0x1  }
0x15: {  	[smem:$0x3F9A] =	sst s0;
	s0 =	simm.s32 @!p2 $0x0  }
0x16: {  	s3 =	sld [smem:$0x3FDB];
	s0 =	simm.s32 @p2 $0x1  }
0x17: {  	s4 =	simm.s32 $0x1BF5;
	[smem:$0x3F9C] =	sst s0  }
0x18: {  	s0 =	sld [smem:$0x3F7F];
	_ =	swait.ge [sflag:s4], $0x0  }
0x19: {  	s7 =	sld [smem:$0x3F80]  }
0x1a: {  	s8 =	sadd.s32 $0xFFFFE003, lr  }
0x1b: {  	s9 =	sadd.s32 $0xFFFFFEF7, lr;
	s5 =	simm.s32 $0xFFFFFFFF;
	p2 =	slt.u32 s8, $0xFFFFF086  }
0x1c: {  	p1 =	slt.u32 s9, $0xF7A;
	s5 =	simm.s32 @!p2 $0x0  }
0x1d: {  	s5 =	simm.s32 @p1 $0x1;
	p0 =	seq.s32 s7, s2  }
0x1e: {  	s7 =	smul.u32 @!p0 $0xF7A, s2;
	p2 =	seq.s32 @!p0 s5, $0x0  }
0x1f: {  	s9 =	smul.u32 $0xF7A, s1;
	s8 =	simm.s32 @!p0 $0x1BF5;
	p2 =	por !p2, p0  }
0x20: {  	[sflag:s8] =	ssyncset.s32 @!p0 $0xFFFFF086;
	s6 =	sadd.s32 @!p0 s3, s7;
	s7 =	simm.s32 @!p0 $0x108  }
0x21: {  	s3 =	sadd.s32 s3, s9;
	s6 =	sadd.s32 @!p0 $0x88, s6;
	s7 =	simm.s32 @p2 $0x1082  }
0x22: {  	[simem:s7], [sflag:s8] =	dma.local @!p0 [hbm:s6], $0xF7A  }
0x23: {  	s9 =	sor.u32 $0xD0000000, s2;
	s6 =	simm.s32 $0x108;
	_ =	swait.ge @!p0 [sflag:s8], $0x0  }
0x24: {  	s3 =	sadd.s32 $0x88, s3;
	s6 =	simm.s32 @!p1 $0x1082;
	[sflag:s4] =	ssyncset.s32 $0xFFFFF086  }
0x25: {  	[simem:s6], [sflag:s4] =	dma.local [hbm:s3], $0xF7A  }
0x26: {  	[smem:$0x3F80] =	sst s1;
	(tag) =	ssettag s2;
	_ =	strace s9  }
0x27: {  	s1 =	sld [smem:$0x3F90]  }
0x28: {  	s2 =	sld [smem:$0x3F91]  }
0x29: {  	s4 =	sld [smem:$0x3F93]  }
0x2a: {  	p0 =	seq.s32 s5, $0x0;
	s5 =	sld [smem:$0x3F94]  }
0x2b: {  	s6 =	sld [smem:$0x3F95]  }
0x2c: {  	s7 =	sld [smem:$0x3F96]  }
0x2d: {  	s3 =	simm.s32 $0x108;
	s8 =	sld [smem:$0x3F97]  }
0x2e: {  	s3 =	simm.s32 @!p0 $0x1082;
	s9 =	sld [smem:$0x3F98]  }
0x2f: {  	lr =	sadd.s32 s0, s3;
	s0 =	sld [smem:$0x3F8F]  }
0x30: {  	s3 =	sld [smem:$0x3F92]  }
0x31: {  	[smem:$0x3F9B] =	sst s10  }
0x32: {  	s10 =	sld [smem:$0x3F99];
	_ =	sdelay $0x3  }
0x33: {  	p0 =	seq.s32 s10, $0x1;
	s10 =	sld [smem:$0x3F9B];
	_ =	sdelay $0x3  }
0x34: {  	[smem:$0x3F9B] =	sst s10  }
0x35: {  	s10 =	sld [smem:$0x3F9A];
	_ =	sdelay $0x3  }
0x36: {  	p1 =	seq.s32 s10, $0x1;
	s10 =	sld [smem:$0x3F9B];
	_ =	sdelay $0x3  }
0x37: {  	[smem:$0x3F9B] =	sst s10  }
0x38: {  	s10 =	sld [smem:$0x3F9C]  }
0x39: {  	_ = 	snop;
	(pc) =	sbr.ind lr, $3  }
0x3a: {  	_ = 	snop  }
0x3b: {  	_ = 	snop  }
0x3c: {  	p2 =	seq.s32 s10, $0x1;
	s10 =	sld [smem:$0x3F9B]  }
0x3d: {  	_ =	shalt  }
0x3e: {  	_ =	shalt  }
0x3f: {  	_ =	shalt  }
0x40: {  	_ =	shalt  }
0x41: {  	_ =	shalt  }
0x42: {  	_ =	shalt  }
0x43: {  	_ =	shalt  }
0x44: {  	_ =	shalt  }
0x45: {  	_ =	shalt  }
0x46: {  	_ =	shalt  }
0x47: {  	_ =	shalt  }
0x48: {  	_ =	shalt  }
0x49: {  	_ =	shalt  }
0x4a: {  	_ =	shalt  }
0x4b: {  	_ =	shalt  }
0x4c: {  	_ =	shalt  }
0x4d: {  	_ =	shalt  }
0x4e: {  	_ =	shalt  }
0x4f: {  	_ =	shalt  }
0x50: {  	_ =	shalt  }
0x51: {  	_ =	shalt  }
0x52: {  	_ =	shalt  }
0x53: {  	_ =	shalt  }
0x54: {  	_ =	shalt  }
0x55: {  	_ =	shalt  }
0x56: {  	_ =	shalt  }
0x57: {  	_ =	shalt  }
0x58: {  	_ =	shalt  }
0x59: {  	_ =	shalt  }
0x5a: {  	_ =	shalt  }
0x5b: {  	_ =	shalt  }
0x5c: {  	_ =	shalt  }
0x5d: {  	_ =	shalt  }
0x5e: {  	_ =	shalt  }
0x5f: {  	_ =	shalt  }
0x60: {  	_ =	shalt  }
0x61: {  	_ =	shalt  }
0x62: {  	_ =	shalt  }
0x63: {  	_ =	shalt  }
0x64: {  	_ =	shalt  }
0x65: {  	_ =	shalt  }
0x66: {  	_ =	shalt  }
0x67: {  	_ =	shalt  }
0x68: {  	_ =	shalt  }
0x69: {  	_ =	shalt  }
0x6a: {  	_ =	shalt  }
0x6b: {  	_ =	shalt  }
0x6c: {  	_ =	shalt  }
0x6d: {  	_ =	shalt  }
0x6e: {  	_ =	shalt  }
0x6f: {  	_ =	shalt  }
0x70: {  	_ =	shalt  }
0x71: {  	_ =	shalt  }
0x72: {  	_ =	shalt  }
0x73: {  	_ =	shalt  }
0x74: {  	_ =	shalt  }
0x75: {  	_ =	shalt  }
0x76: {  	_ =	shalt  }
0x77: {  	_ =	shalt  }
0x78: {  	_ =	shalt  }
0x79: {  	_ =	shalt  }
0x7a: {  	_ =	shalt  }
0x7b: {  	_ =	shalt  }
0x7c: {  	_ =	shalt  }
0x7d: {  	_ =	shalt  }
0x7e: {  	_ =	shalt  }
0x7f: {  	_ =	shalt  }
0x80: {  	_ =	shalt  }
0x81: {  	_ =	shalt  }
0x82: {  	_ =	shalt  }
0x83: {  	_ =	shalt  }
0x84: {  	_ =	shalt  }
0x85: {  	_ =	shalt  }
0x86: {  	_ =	shalt  }
0x87: {  	_ =	shalt  }
.Lfunc_end0:
.L_simem_size_0:
called_computation.1_lowered:
.L_overlay_start_0:
0x88: {  	s2 =	sld [smem:$0x3FD9]  }
0x89: {  	s3 =	sld [smem:$0x3FFE];
	_ =	sdelay $0x1  }
0x8a: {  	s1 =	srdreg.scid  }
0x8b: {  	s0 =	sand.u32 $0x1, s1  }
0x8c: {  	s16 =	sshll.u32 s0, $0xA;
	s2 =	sadd.s32 s3, s2  }
0x8d: {  	s2 =	sadd.s32 s2, s16  }
0x8e: {  	[smem:$0x3FA7] =	sst s2  }
0x8f: {  	_ = 	snop  }
0x90: {  	(tm) =	ssettm $0x1  }
0x91: {  	s17 =	sld [smem:$0x3FFB];
	_ =	sdelay $0x3  }
0x92: {  	_ =	strace s17  }
0x93: {  	s2 =	sld [smem:$0x3FFC];
	_ =	sdelay $0x3  }
0x94: {  	_ =	strace s2  }
0x95: {  	s2 =	sld [smem:$0x3FFD];
	_ =	sdelay $0x3  }
0x96: {  	_ =	strace s2  }
0x97: {  	_ =	strace $0x8FFFFFFF  }
0x98: {  	s18 =	sld [smem:$0x3FDB];
	_ =	sdelay $0x1  }
0x99: {  	s19 =	simm.s32 $_scs_section_size  }
0x9a: {  	s4 =	simm.s32 $_size__tile_overlayer_lowered;
	s5 =	simm.s32 $_tile_overlayer_lowered  }
0x9b: {  	s22 =	simm.s32 $0x1BFF;
	s21 =	sshll.u32 s5, $0x1;
	s2 =	sadd.s32 s19, s18  }
0x9c: {  	s6 =	simm.s32 $0x0;
	s20 =	sshll.u32 s4, $0x1;
	s4 =	sadd.s32 s21, s2  }
0x9d: {  	[timem:s6], [sflag:s22] =	dma.local [hbm:s4], s20  }
0x9e: {  	_ =	swait.ge [sflag:s22], s20  }
0x9f: {  	s3 =	ssub.s32 $0x0, s20;
	[sflag:s22] =	ssyncset.done $0x0  }
0xa0: {  	[sflag:s22] =	ssyncadd.s32 s3;
	_ =	sdelay $0x1  }
0xa1: {  	s23 =	simm.s32 $0x1B8B  }
0xa2: {  	_ =	swait.ge [sflag:s23], $0x1  }
0xa3: {  	[sflag:s23] =	ssyncset.done $0x0  }
0xa4: {  	s25 =	simm.s32 $0x1B8E;
	s24 =	sld [smem:$0x3FFE];
	[sflag:s23] =	ssyncadd.s32 $0xFFFFFFFF  }
0xa5: {  	s26 =	simm.s32 $execute0_lowered;
	[smem:$0x3FD2] =	sst s25  }
0xa6: {  	s4 =	sshll.u32 s26, $0x1;
	_ =	strace $0x80000049;
	[dreg:$0x1] =	wrdreg $0xFFFFFFFF  }
0xa7: {  	s28 =	simm.s32 $_size_execute0_lowered;
	s2 =	sadd.s32 s2, s4;
	[dreg:$0x0] =	wrdreg $0x0  }
0xa8: {  	s4 =	sshll.u32 s28, $0x1;
	[dreg:$0x2] =	wrdreg s2  }
0xa9: {  	[dreg:$0x3] =	wrdreg s4  }
0xaa: {  	[dreg:$0x4] =	wrdreg $0xC0  }
0xab: {  	_ =	task [dreg:s6], $0x5FFFF  }
0xac: {  	[dreg:$0x1] =	wrdreg $0xFFFFFFFF  }
0xad: {  	[dreg:$0x0] =	wrdreg $0x60  }
0xae: {  	[dreg:$0x2] =	wrdreg s24  }
0xaf: {  	[dreg:$0x3] =	wrdreg $0x0  }
0xb0: {  	[dreg:$0x4] =	wrdreg $0x9  }
0xb1: {  	_ =	task.clear_ibuf [dreg:s6], $0x5FFFF;
	_ =	strace $0x90000049  }
0xb2: {  	s29 =	simm.s32 $0x9;
	_ =	strace $0x8000004B  }
0xb3: {  	_ =	swait.ge [sflag:s29], $0x1  }
0xb4: {  	[sflag:s29] =	ssyncadd.s32 $0xFFFFFFFF  }
0xb5: {  	_ =	strace $0x9000004B  }
0xb6: {  	_ =	sfence  }
0xb7: {  	s30 =	sld [smem:$0x0];
	_ =	sdelay $0x2  }
0xb8: {  	s31 =	sshll.u32 s1, $0xD;
	s1 =	sshrl.u32 s1, $0x2  }
0xb9: {  	s3 =	sand.u32 $0x4000, s31;
	s1 =	sadd.s32 s1, s30  }
0xba: {  	s0 =	sor.u32 s3, s0;
	s1 =	sshll.u32 s1, $0x11  }
0xbb: {  	s0 =	sor.u32 s1, s0  }
0xbc: {  	s0 =	sadd.s32 $0x8F2B, s0  }
0xbd: {  	[sflag:s0] =	ssyncadd.remote.s32 $0x1  }
0xbe: {  	_ =	sfence.sel $0xFFFF  }
0xbf: {  	[dreg:$0x0] =	wrdreg $0xFFFFFFFF;
	(pc) =	sbr.abs _section_cstart, $3  }
0xc0: {  	[dreg:$0x1] =	wrdreg $0xFFFFFFFF  }
0xc1: {  	_ =	task.clear_ibuf [dreg:s6], $0x2FFFF;
	_ =	strace $0x9FFFFFFF  }
0xc2: {  	(tm) =	ssettm $0x7FFFFFFF  }
0xc3: {  	_ =	shalt  }
tec
execute0_lowered:
.L_overlay_start_1:
0x0: {  	(tag) =	ssettag $0x1  }
0x1: {  	s8 =	rddreg [dreg:$0x0]  }
0x2: {  	s2 =	rddreg [dreg:$0x1]  }
0x3: {  	s0 =	rddreg [dreg:$0x2]  }
0x4: {  	s4 =	srdreg.scid;
	s1 =	stileid.u32  }
0x5: {  	s3 =	simm.s32 $0x0;
	s16 =	simm.s32 $0xDCA0;
	s17 =	simm.s32 $0x3  }
0x6: {  	s18 =	simm.s32 $0xB4A0;
	s19 =	simm.s32 $0xA000;
	s20 =	simm.s32 $0xA050  }
0x7: {  	s21 =	simm.s32 $0x50;
	s22 =	simm.s32 $0xA0A0;
	s23 =	simm.s32 $0x1  }
0x8: {  	s24 =	simm.s32 $0x2;
	s25 =	simm.s32 $0xC8A0;
	s10 =	smul.u32 $0xA000, s1  }
0x9: {  	s9 =	sand.u32 $0x1, s4;
	s4 =	sadd.s32 $0x1CEA00, s8;
	s12 =	smul.u32 $0x28000, s1  }
0xa: {  	[smem:$0x7FF] =	sst s3;
	s5 =	sadd.s32 $0x1E2400, s8;
	s6 =	smul.u32 $0xA0000, s9  }
0xb: {  	_ =	strace $0x8000004A;
	s30 =	ssub.s32 $0x2, s9;
	s9 =	sshll.u32 s9, $0x4  }
0xc: {  	s31 =	sshrl.u32 s30, $0x1;
	s12 =	sshrl.u32 s12, $0x2;
	s13 =	sor.u32 s1, s9  }
0xd: {  	s7 =	sadd.s32 s10, s6;
	s6 =	sadd.s32 $0x17000, s8;
	s15 =	ssub.s32 s30, s31  }
0xe: {  	s12 =	sadd.s32 s12, s2;
	s13 =	smul.u32 $0x2710, s13;
	s11 =	sshrl.u32 s7, $0x3  }
0xf: {  	s7 =	sadd.s32 $0xD200, s8;
	s9 =	sadd.s32 $0x2000, s12;
	s15 =	smax.u32 s15, $0x1  }
0x10: {  	s14 =	sadd.s32 s11, s8;
	s8 =	sadd.s32 s10, s2;
	s10 =	sadd.s32 $0x4000, s12  }
0x11: {  	v0 =	vimm.f32 $0.0e+00;
	s11 =	sadd.s32 $0x6000, s12;
	s12 =	sadd.s32 $0x8000, s12;
	s14 =	sadd.s32 $0x20E00, s14  }
.LBB2_1:
0x12: {  	s28 =	simm.s32 $0x100;
	s26 =	simm.s32 $0x0  }
.LBB2_2:
0x13: {  	p0 =	sne.s32 s28, $0x7F00;
	[tilespmem:s26+$0xDCD0] =	vst v0;
	s29 =	smov.u32 s28;
	s28 =	sadd.s32 $0x100, s28  }
.Ltmp0:
0x14: {  	[tilespmem:s26+$0xDCC0] =	vst v0;
	(pc) =	sbr.rel @p0 .LBB2_2-.Ltmp0, $3  }
0x15: {  	[tilespmem:s26+$0xDCA0] =	vst v0  }
0x16: {  	[tilespmem:s26+$0xDCB0] =	vst v0;
	_ =	sdelay $0x1  }
0x17: {  	s26 =	sshra.s32 s29, $0x2  }
0x18: {  	[tilespmem:s26+$0xDCD0] =	vst v0  }
0x19: {  	[tilespmem:s26+$0xDCC0] =	vst v0  }
0x1a: {  	[tilespmem:s26+$0xDCA0] =	vst v0  }
0x1b: {  	[tilespmem:s26+$0xDCB0] =	vst v0  }
0x1c: {  	[spmem:s8] =	stream.linear.scatter [tilespmem:s16], [sflag:$0x3], $0x2000, $0x38;
	[tilespmem:$0xFCA0] =	vst v63  }
0x1d: {  	_ =	swait.ge [sflag:s17], $0x2000  }
0x1e: {  	[sflag:s17] =	ssyncset.done $0x0  }
0x1f: {  	[sflag:s17] =	ssyncadd.s32 $0xFFFFE000  }
0x20: {  	[spmem:s9] =	stream.linear.scatter [tilespmem:s16], [sflag:$0x3], $0x2000, $0x38;
	[tilespmem:$0xFCA0] =	vst v63  }
0x21: {  	_ =	swait.ge [sflag:s17], $0x2000  }
0x22: {  	[sflag:s17] =	ssyncset.done $0x0  }
0x23: {  	[sflag:s17] =	ssyncadd.s32 $0xFFFFE000  }
0x24: {  	[spmem:s10] =	stream.linear.scatter [tilespmem:s16], [sflag:$0x3], $0x2000, $0x38;
	[tilespmem:$0xFCA0] =	vst v63  }
0x25: {  	_ =	swait.ge [sflag:s17], $0x2000  }
0x26: {  	[sflag:s17] =	ssyncset.done $0x0  }
0x27: {  	[sflag:s17] =	ssyncadd.s32 $0xFFFFE000  }
0x28: {  	[spmem:s11] =	stream.linear.scatter [tilespmem:s16], [sflag:$0x3], $0x2000, $0x38;
	[tilespmem:$0xFCA0] =	vst v63  }
0x29: {  	_ =	swait.ge [sflag:s17], $0x2000  }
0x2a: {  	[sflag:s17] =	ssyncset.done $0x0  }
0x2b: {  	[sflag:s17] =	ssyncadd.s32 $0xFFFFE000  }
0x2c: {  	[spmem:s12] =	stream.linear.scatter [tilespmem:s16], [sflag:$0x3], $0x2000, $0x38;
	[tilespmem:$0xFCA0] =	vst v63  }
0x2d: {  	_ =	swait.ge [sflag:s17], $0x2000  }
0x2e: {  	[sflag:s17] =	ssyncset.done $0x0  }
0x2f: {  	[sflag:s17] =	ssyncadd.s32 $0xFFFFE000  }
0x30: {  	s26 =	simm.s32 $0x0;
	s28 =	simm.s32 $0x0;
	[bflag:$0x0] =	sbarrier.arrive $0xFFFF  }
.LBB2_4:
0x31: {  	s29 =	smul.u32 $0x50, s28;
	_ =	sdelay $0x1  }
0x32: {  	s29 =	sadd.s32 s13, s29  }
0x33: {  	s30 =	sshll.u32 s29, $0x3  }
0x34: {  	s29 =	sshrl.u32 s29, $0x3;
	s30 =	sadd.s32 s5, s30  }
0x35: {  	[tilespmem:s18], [sflag:$0x2] =	stream.linear.gather [hbm4b:s30+s26], $0x1400, $0x38;
	[tilespmem:$0xFCA0] =	vst v63  }
0x36: {  	s30 =	sadd.s32 s6, s29  }
0x37: {  	[tilespmem:s19], [sflag:$0x3] =	stream.linear.gather [hbm4b:s30+s26], $0x50, $0x38;
	[tilespmem:$0xFCA0] =	vst v63  }
0x38: {  	_ =	swait.ge [sflag:s17], $0x50  }
0x39: {  	[sflag:s17] =	ssyncset.done $0x0  }
0x3a: {  	s29 =	sadd.s32 s7, s29;
	[sflag:s17] =	ssyncadd.s32 $0xFFFFFFB0  }
0x3b: {  	[tilespmem:s20], [sflag:$0x3] =	stream.linear.gather [hbm4b:s29+s26], $0x50, $0x38;
	[tilespmem:$0xFCA0] =	vst v63  }
0x3c: {  	_ =	swait.ge [sflag:s17], $0x50  }
0x3d: {  	[sflag:s17] =	ssyncset.done $0x0  }
0x3e: {  	[sflag:s17] =	ssyncadd.s32 $0xFFFFFFB0  }
0x3f: {  	[tilespmem:s22], [sflag:$0x1] =	stream.indirect.gather [hbm4b:s4+s21], $0x40, s19, s21, $0xb8;
	[tilespmem:$0xFCA0] =	vst v63  }
0x40: {  	_ =	swait.ge [sflag:s23], $0x1400  }
0x41: {  	[sflag:s23] =	ssyncset.done $0x0  }
0x42: {  	[sflag:s23] =	ssyncadd.s32 $0xFFFFEC00  }
0x43: {  	_ =	swait.ge [sflag:s24], $0x1400  }
0x44: {  	[sflag:s24] =	ssyncset.done $0x0  }
0x45: {  	s29 =	simm.s32 $0x0;
	[sflag:s24] =	ssyncadd.s32 $0xFFFFEC00  }
0x46: {  	v3 =	vld [tilespmem:s29+$0xB4D0]  }
0x47: {  	v5 =	vld [tilespmem:s29+$0xA0D0]  }
0x48: {  	v6 =	vld [tilespmem:s29+$0xB4A0]  }
0x49: {  	v7 =	vld [tilespmem:s29+$0xA0A0]  }
0x4a: {  	v2 =	vld [tilespmem:s29+$0xB4B0]  }
0x4b: {  	v4 =	vld [tilespmem:s29+$0xA0B0]  }
0x4c: {  	v1 =	vld [tilespmem:s29+$0xB4C0];
	v8 =	vmul.f32 v5, v3  }
0x4d: {  	s30 =	simm.s32 $0x40;
	v5 =	vld [tilespmem:s29+$0xA0C0]  }
0x4e: {  	s31 =	simm.s32 $0x200;
	v3 =	vld [tilespmem:s30+$0xB4D0];
	v6 =	vmul.f32 v7, v6;
	[tilespmem:s29+$0xC8D0] =	vst v8  }
.LBB2_5:
0x4f: {  	p0 =	sne.s32 s31, $0x4F00;
	v7 =	vld [tilespmem:s30+$0xA0D0]  }
0x50: {  	v8 =	vld [tilespmem:s30+$0xB4A0];
	[tilespmem:s29+$0xC8A0] =	vst v6;
	v4 =	vmul.f32 v4, v2  }
0x51: {  	v6 =	vld [tilespmem:s30+$0xA0A0]  }
.Ltmp1:
0x52: {  	v2 =	vld [tilespmem:s30+$0xB4B0];
	[tilespmem:s29+$0xC8B0] =	vst v4;
	v5 =	vmul.f32 v5, v1;
	(pc) =	sbr.rel @p0 .LBB2_5-.Ltmp1, $4  }
0x53: {  	v4 =	vld [tilespmem:s30+$0xA0B0]  }
0x54: {  	v1 =	vld [tilespmem:s30+$0xB4C0];
	v7 =	vmul.f32 v7, v3;
	[tilespmem:s29+$0xC8C0] =	vst v5;
	s29 =	smov.u32 s30  }
0x55: {  	s30 =	sshra.s32 s31, $0x2;
	v5 =	vld [tilespmem:s29+$0xA0C0]  }
0x56: {  	s31 =	sadd.s32 $0x100, s31;
	v3 =	vld [tilespmem:s30+$0xB4D0];
	v6 =	vmul.f32 v6, v8;
	[tilespmem:s29+$0xC8D0] =	vst v7  }
0x57: {  	v7 =	vld [tilespmem:s30+$0xA0D0]  }
0x58: {  	v8 =	vld [tilespmem:s30+$0xB4A0];
	[tilespmem:s29+$0xC8A0] =	vst v6;
	v2 =	vmul.f32 v4, v2  }
0x59: {  	v62 =	vld [tilespmem:s30+$0xA0A0]  }
0x5a: {  	v6 =	vld [tilespmem:s30+$0xB4B0];
	[tilespmem:s29+$0xC8B0] =	vst v2;
	v1 =	vmul.f32 v5, v1  }
0x5b: {  	v2 =	vld [tilespmem:s30+$0xA0B0]  }
0x5c: {  	v63 =	vld [tilespmem:s30+$0xB4C0];
	[tilespmem:s29+$0xC8C0] =	vst v1  }
0x5d: {  	v1 =	vld [tilespmem:s30+$0xA0C0];
	_ =	sdelay $0x1  }
0x5e: {  	v3 =	vmul.f32 v7, v3  }
0x5f: {  	v4 =	vmul.f32 v62, v8  }
0x60: {  	[tilespmem:s30+$0xC8D0] =	vst v3;
	v2 =	vmul.f32 v2, v6  }
0x61: {  	s28 =	sadd.s32 $0x1, s28;
	[tilespmem:s30+$0xC8A0] =	vst v4;
	v1 =	vmul.f32 v1, v63  }
0x62: {  	p0 =	sne.s32 s28, $0x7D;
	[tilespmem:s30+$0xC8B0] =	vst v2  }
.Ltmp2:
0x63: {  	[tilespmem:s30+$0xC8C0] =	vst v1;
	(pc) =	sbr.rel @p0 .LBB2_4-.Ltmp2, $4  }
0x64: {  	[spmem:s2] =	stream.indirect.scatter.add.f32 [tilespmem:s25], [sflag:$0x3], $0x40, s20, s21, $0xb8;
	[tilespmem:$0xFCA0] =	vst v63  }
0x65: {  	_ =	swait.ge [sflag:s17], $0x1400  }
0x66: {  	[sflag:s17] =	ssyncset.done $0x0  }
0x67: {  	[sflag:s17] =	ssyncadd.s32 $0xFFFFEC00  }
0x68: {  	s3 =	sadd.s32 $0x1, s3  }
0x69: {  	s26 =	sshll.u32 s1, $0x6;
	[bflag:$0x0] =	sbarrier.arrive $0xFFFF;
	p0 =	sne.s32 s3, s15  }
.Ltmp3:
0x6a: {  	s28 =	sshrl.u32 s8, $0x3;
	s26 =	sor.u32 $0x1C03, s26;
	(pc) =	sbr.rel @p0 .LBB2_1-.Ltmp3, $4  }
0x6b: {  	[hbm:s14], [sflag:s26] =	dma.local [spmem:s28], $0x1400  }
0x6c: {  	_ =	swait.ge [sflag:s17], $0x1400  }
0x6d: {  	[sflag:s17] =	ssyncset.done $0x0  }
0x6e: {  	[sflag:s17] =	ssyncadd.s32 $0xFFFFEC00  }
0x6f: {  	_ =	sfence.sel $0x180000  }
0x70: {  	[bflag:$0x0] =	sbarrier.arrive $0xFFFF  }
0x71: {  	p0 =	sne.s32 s1, $0x0;
	_ =	strace $0x9000004A  }
0x72: {  	s0 =	sadd.s32 @!p0 $0x100000, s0;
	[bflag:$0x2] =	sbarrier.arrive $0xFFFF  }
0x73: {  	[sflag:s0] =	ssyncadd.tile.s32 @!p0 $0x1;
	_ =	shalt  }
.Lfunc_end2:
_tile_overlayer_lowered:
.L_overlay_start_2:
0x74: {  	(tag) =	ssettag $0x2  }
0x75: {  	s0 =	rddreg [dreg:$0x0];
	s2 =	stileid.u32  }
0x76: {  	s1 =	rddreg [dreg:$0x1];
	p0 =	sne.s32 s2, $0x0  }
0x77: {  	s3 =	rddreg [dreg:$0x2];
	[bflag:$0x3] =	sbarrier.arrive $0xFFFF;
	s2 =	simm.s32 @!p0 $0x1C03  }
0x78: {  	[timem:s3], [sflag:s2] =	dma.local @!p0 [hbm:s0], s1  }
0x79: {  	s0 =	simm.s32 @!p0 $0x3  }
0x7a: {  	_ =	swait.ge @!p0 [sflag:s0], s1  }
0x7b: {  	s1 =	ssub.s32 @!p0 $0x0, s1;
	[sflag:s0] =	ssyncset.done @!p0 $0x0  }
0x7c: {  	[sflag:s0] =	ssyncadd.s32 @!p0 s1  }
0x7d: {  	[bflag:$0x3] =	sbarrier.arrive $0xFFFF  }
0x7e: {  	_ =	shalt  }

// kernel: kernel.19.cloned.1.call-start
scs
__scs_entry_jumppad:
0x0: {  	(pc) =	sbr.rel $0x88, $3  }
0x1: {  	(tag) =	ssettag $0x0;
	lr =	simm.s32 $0x1  }
0x2: {  	[smem:$0x3F80] =	sst lr;
	_ =	strace $0xD0000000  }
0x3: {  	_ = 	snop  }
0x4: {  	_ = 	snop  }
0x5: {  	_ = 	snop  }
0x6: {  	_ = 	snop  }
0x7: {  	_ = 	snop  }
__scs_overlays_trampoline_lowered:
0x8: {  	[smem:$0x3F8F] =	sst s0  }
0x9: {  	[smem:$0x3F90] =	sst s1  }
0xa: {  	[smem:$0x3F91] =	sst s2  }
0xb: {  	[smem:$0x3F92] =	sst s3  }
0xc: {  	[smem:$0x3F93] =	sst s4  }
0xd: {  	[smem:$0x3F94] =	sst s5  }
0xe: {  	[smem:$0x3F95] =	sst s6  }
0xf: {  	[smem:$0x3F96] =	sst s7  }
0x10: {  	[smem:$0x3F97] =	sst s8  }
0x11: {  	[smem:$0x3F98] =	sst s9;
	s0 =	simm.s32 @!p0 $0x0  }
0x12: {  	s1 =	sld [smem:$0x3F7E];
	s0 =	simm.s32 @p0 $0x1  }
0x13: {  	[smem:$0x3F99] =	sst s0;
	s0 =	simm.s32 @!p1 $0x0  }
0x14: {  	s2 =	sld [smem:$0x3F7D];
	s0 =	simm.s32 @p1 $0x1  }
0x15: {  	[smem:$0x3F9A] =	sst s0;
	s0 =	simm.s32 @!p2 $0x0  }
0x16: {  	s3 =	sld [smem:$0x3FDB];
	s0 =	simm.s32 @p2 $0x1  }
0x17: {  	s4 =	simm.s32 $0x1BF5;
	[smem:$0x3F9C] =	sst s0  }
0x18: {  	s0 =	sld [smem:$0x3F7F];
	_ =	swait.ge [sflag:s4], $0x0  }
0x19: {  	s7 =	sld [smem:$0x3F80]  }
0x1a: {  	s8 =	sadd.s32 $0xFFFFE003, lr  }
0x1b: {  	s9 =	sadd.s32 $0xFFFFFEF7, lr;
	s5 =	simm.s32 $0xFFFFFFFF;
	p2 =	slt.u32 s8, $0xFFFFF086  }
0x1c: {  	p1 =	slt.u32 s9, $0xF7A;
	s5 =	simm.s32 @!p2 $0x0  }
0x1d: {  	s5 =	simm.s32 @p1 $0x1;
	p0 =	seq.s32 s7, s2  }
0x1e: {  	s7 =	smul.u32 @!p0 $0xF7A, s2;
	p2 =	seq.s32 @!p0 s5, $0x0  }
0x1f: {  	s9 =	smul.u32 $0xF7A, s1;
	s8 =	simm.s32 @!p0 $0x1BF5;
	p2 =	por !p2, p0  }
0x20: {  	[sflag:s8] =	ssyncset.s32 @!p0 $0xFFFFF086;
	s6 =	sadd.s32 @!p0 s3, s7;
	s7 =	simm.s32 @!p0 $0x108  }
0x21: {  	s3 =	sadd.s32 s3, s9;
	s6 =	sadd.s32 @!p0 $0x88, s6;
	s7 =	simm.s32 @p2 $0x1082  }
0x22: {  	[simem:s7], [sflag:s8] =	dma.local @!p0 [hbm:s6], $0xF7A  }
0x23: {  	s9 =	sor.u32 $0xD0000000, s2;
	s6 =	simm.s32 $0x108;
	_ =	swait.ge @!p0 [sflag:s8], $0x0  }
0x24: {  	s3 =	sadd.s32 $0x88, s3;
	s6 =	simm.s32 @!p1 $0x1082;
	[sflag:s4] =	ssyncset.s32 $0xFFFFF086  }
0x25: {  	[simem:s6], [sflag:s4] =	dma.local [hbm:s3], $0xF7A  }
0x26: {  	[smem:$0x3F80] =	sst s1;
	(tag) =	ssettag s2;
	_ =	strace s9  }
0x27: {  	s1 =	sld [smem:$0x3F90]  }
0x28: {  	s2 =	sld [smem:$0x3F91]  }
0x29: {  	s4 =	sld [smem:$0x3F93]  }
0x2a: {  	p0 =	seq.s32 s5, $0x0;
	s5 =	sld [smem:$0x3F94]  }
0x2b: {  	s6 =	sld [smem:$0x3F95]  }
0x2c: {  	s7 =	sld [smem:$0x3F96]  }
0x2d: {  	s3 =	simm.s32 $0x108;
	s8 =	sld [smem:$0x3F97]  }
0x2e: {  	s3 =	simm.s32 @!p0 $0x1082;
	s9 =	sld [smem:$0x3F98]  }
0x2f: {  	lr =	sadd.s32 s0, s3;
	s0 =	sld [smem:$0x3F8F]  }
0x30: {  	s3 =	sld [smem:$0x3F92]  }
0x31: {  	[smem:$0x3F9B] =	sst s10  }
0x32: {  	s10 =	sld [smem:$0x3F99];
	_ =	sdelay $0x3  }
0x33: {  	p0 =	seq.s32 s10, $0x1;
	s10 =	sld [smem:$0x3F9B];
	_ =	sdelay $0x3  }
0x34: {  	[smem:$0x3F9B] =	sst s10  }
0x35: {  	s10 =	sld [smem:$0x3F9A];
	_ =	sdelay $0x3  }
0x36: {  	p1 =	seq.s32 s10, $0x1;
	s10 =	sld [smem:$0x3F9B];
	_ =	sdelay $0x3  }
0x37: {  	[smem:$0x3F9B] =	sst s10  }
0x38: {  	s10 =	sld [smem:$0x3F9C]  }
0x39: {  	_ = 	snop;
	(pc) =	sbr.ind lr, $3  }
0x3a: {  	_ = 	snop  }
0x3b: {  	_ = 	snop  }
0x3c: {  	p2 =	seq.s32 s10, $0x1;
	s10 =	sld [smem:$0x3F9B]  }
0x3d: {  	_ =	shalt  }
0x3e: {  	_ =	shalt  }
0x3f: {  	_ =	shalt  }
0x40: {  	_ =	shalt  }
0x41: {  	_ =	shalt  }
0x42: {  	_ =	shalt  }
0x43: {  	_ =	shalt  }
0x44: {  	_ =	shalt  }
0x45: {  	_ =	shalt  }
0x46: {  	_ =	shalt  }
0x47: {  	_ =	shalt  }
0x48: {  	_ =	shalt  }
0x49: {  	_ =	shalt  }
0x4a: {  	_ =	shalt  }
0x4b: {  	_ =	shalt  }
0x4c: {  	_ =	shalt  }
0x4d: {  	_ =	shalt  }
0x4e: {  	_ =	shalt  }
0x4f: {  	_ =	shalt  }
0x50: {  	_ =	shalt  }
0x51: {  	_ =	shalt  }
0x52: {  	_ =	shalt  }
0x53: {  	_ =	shalt  }
0x54: {  	_ =	shalt  }
0x55: {  	_ =	shalt  }
0x56: {  	_ =	shalt  }
0x57: {  	_ =	shalt  }
0x58: {  	_ =	shalt  }
0x59: {  	_ =	shalt  }
0x5a: {  	_ =	shalt  }
0x5b: {  	_ =	shalt  }
0x5c: {  	_ =	shalt  }
0x5d: {  	_ =	shalt  }
0x5e: {  	_ =	shalt  }
0x5f: {  	_ =	shalt  }
0x60: {  	_ =	shalt  }
0x61: {  	_ =	shalt  }
0x62: {  	_ =	shalt  }
0x63: {  	_ =	shalt  }
0x64: {  	_ =	shalt  }
0x65: {  	_ =	shalt  }
0x66: {  	_ =	shalt  }
0x67: {  	_ =	shalt  }
0x68: {  	_ =	shalt  }
0x69: {  	_ =	shalt  }
0x6a: {  	_ =	shalt  }
0x6b: {  	_ =	shalt  }
0x6c: {  	_ =	shalt  }
0x6d: {  	_ =	shalt  }
0x6e: {  	_ =	shalt  }
0x6f: {  	_ =	shalt  }
0x70: {  	_ =	shalt  }
0x71: {  	_ =	shalt  }
0x72: {  	_ =	shalt  }
0x73: {  	_ =	shalt  }
0x74: {  	_ =	shalt  }
0x75: {  	_ =	shalt  }
0x76: {  	_ =	shalt  }
0x77: {  	_ =	shalt  }
0x78: {  	_ =	shalt  }
0x79: {  	_ =	shalt  }
0x7a: {  	_ =	shalt  }
0x7b: {  	_ =	shalt  }
0x7c: {  	_ =	shalt  }
0x7d: {  	_ =	shalt  }
0x7e: {  	_ =	shalt  }
0x7f: {  	_ =	shalt  }
0x80: {  	_ =	shalt  }
0x81: {  	_ =	shalt  }
0x82: {  	_ =	shalt  }
0x83: {  	_ =	shalt  }
0x84: {  	_ =	shalt  }
0x85: {  	_ =	shalt  }
0x86: {  	_ =	shalt  }
0x87: {  	_ =	shalt  }
.Lfunc_end0:
.L_simem_size_0:
called_computation.2_lowered:
.L_overlay_start_0:
0x88: {  	s2 =	sld [smem:$0x3FD9]  }
0x89: {  	s3 =	sld [smem:$0x3FFE];
	_ =	sdelay $0x1  }
0x8a: {  	s1 =	srdreg.scid  }
0x8b: {  	s0 =	sand.u32 $0x1, s1  }
0x8c: {  	s17 =	sshll.u32 s0, $0xA;
	s2 =	sadd.s32 s3, s2  }
0x8d: {  	s2 =	sadd.s32 s2, s17  }
0x8e: {  	[smem:$0x3FA7] =	sst s2  }
0x8f: {  	_ = 	snop  }
0x90: {  	(tm) =	ssettm $0x1  }
0x91: {  	s18 =	sld [smem:$0x3FFB];
	_ =	sdelay $0x3  }
0x92: {  	_ =	strace s18  }
0x93: {  	s2 =	sld [smem:$0x3FFC];
	_ =	sdelay $0x3  }
0x94: {  	_ =	strace s2  }
0x95: {  	s2 =	sld [smem:$0x3FFD];
	_ =	sdelay $0x3  }
0x96: {  	_ =	strace s2  }
0x97: {  	_ =	strace $0x8FFFFFFF  }
0x98: {  	s19 =	sld [smem:$0x3FDB];
	_ =	sdelay $0x1  }
0x99: {  	s20 =	simm.s32 $_scs_section_size  }
0x9a: {  	s4 =	simm.s32 $_size__tile_overlayer_lowered;
	s5 =	simm.s32 $_tile_overlayer_lowered  }
0x9b: {  	s6 =	simm.s32 $0x1BFF;
	s21 =	sshll.u32 s5, $0x1;
	s3 =	sadd.s32 s20, s19  }
0x9c: {  	s22 =	simm.s32 $0x0;
	s4 =	sshll.u32 s4, $0x1;
	s5 =	sadd.s32 s21, s3  }
0x9d: {  	[timem:s22], [sflag:s6] =	dma.local [hbm:s5], s4  }
0x9e: {  	_ =	swait.ge [sflag:s6], s4  }
0x9f: {  	s4 =	ssub.s32 $0x0, s4;
	[sflag:s6] =	ssyncset.done $0x0  }
0xa0: {  	[sflag:s6] =	ssyncadd.s32 s4;
	_ =	sdelay $0x1  }
0xa1: {  	s23 =	simm.s32 $0x1B8B  }
0xa2: {  	_ =	swait.ge [sflag:s23], $0x1  }
0xa3: {  	[sflag:s23] =	ssyncset.done $0x0  }
0xa4: {  	[sflag:s23] =	ssyncadd.s32 $0xFFFFFFFF  }
0xa5: {  	s4 =	sld [smem:$0x0]  }
0xa6: {  	s5 =	sand.u32 $0xFFFFFFFE, s1  }
0xa7: {  	p0 =	sne.s32 s1, s5  }
0xa8: {  	s5 =	sshll.u32 @p0 s5, $0xE  }
0xa9: {  	s5 =	sadd.s32 @p0 $0x11B8D, s5;
	s6 =	sshll.u32 @p0 s4, $0x11  }
0xaa: {  	s5 =	sor.u32 @p0 s6, s5  }
0xab: {  	[sflag:s5] =	ssyncadd.remote.s32 @p0 $0x1;
	_ =	sdelay $0x1  }
0xac: {  	s5 =	simm.s32 @p0 $0x1B8D  }
0xad: {  	_ =	swait.eq @p0 [sflag:s5], $0x1  }
0xae: {  	[sflag:s5] =	ssyncadd.s32 @p0 $0xFFFFFFFF  }
0xaf: {  	s6 =	sshll.u32 @!p0 s1, $0xE  }
0xb0: {  	s6 =	sor.u32 @!p0 $0x4000, s6;
	s5 =	simm.s32 @!p0 $0x1B8D  }
0xb1: {  	s4 =	sshll.u32 @!p0 s4, $0x11;
	s6 =	sadd.s32 @!p0 $0x11B8D, s6;
	_ =	swait.eq @!p0 [sflag:s5], $0x1  }
0xb2: {  	s4 =	sor.u32 @!p0 s4, s6;
	[sflag:s5] =	ssyncadd.s32 @!p0 $0xFFFFFFFF  }
0xb3: {  	s25 =	simm.s32 $0x1B8E;
	s24 =	sld [smem:$0x3FFE];
	[sflag:s4] =	ssyncadd.remote.s32 @!p0 $0x1  }
0xb4: {  	s26 =	simm.s32 $execute0_lowered;
	[smem:$0x3FD2] =	sst s25  }
0xb5: {  	s5 =	sshll.u32 s26, $0x1;
	_ =	strace $0x8000004C;
	[dreg:$0x1] =	wrdreg $0xFFFFFFFF  }
0xb6: {  	s28 =	simm.s32 $_size_execute0_lowered;
	s3 =	sadd.s32 s3, s5;
	[dreg:$0x0] =	wrdreg $0x0  }
0xb7: {  	s5 =	sshll.u32 s28, $0x1;
	[dreg:$0x2] =	wrdreg s3  }
0xb8: {  	[dreg:$0x3] =	wrdreg s5  }
0xb9: {  	[dreg:$0x4] =	wrdreg $0xC0  }
0xba: {  	_ =	task [dreg:s22], $0x5FFFF  }
0xbb: {  	[dreg:$0x1] =	wrdreg $0xFFFFFFFF  }
0xbc: {  	[dreg:$0x0] =	wrdreg $0x60  }
0xbd: {  	[dreg:$0x2] =	wrdreg s24  }
0xbe: {  	[dreg:$0x3] =	wrdreg $0x0  }
0xbf: {  	[dreg:$0x4] =	wrdreg $0xA  }
0xc0: {  	_ =	task.clear_ibuf [dreg:s22], $0x5FFFF;
	_ =	strace $0x9000004C  }
0xc1: {  	s29 =	simm.s32 $0xA;
	_ =	strace $0x8000004E  }
0xc2: {  	_ =	swait.ge [sflag:s29], $0x1  }
0xc3: {  	[sflag:s29] =	ssyncadd.s32 $0xFFFFFFFF  }
0xc4: {  	_ =	strace $0x9000004E  }
0xc5: {  	_ =	sfence  }
0xc6: {  	s30 =	sld [smem:$0x0];
	_ =	sdelay $0x2  }
0xc7: {  	s31 =	sshll.u32 s1, $0xD;
	s1 =	sshrl.u32 s1, $0x2  }
0xc8: {  	s4 =	sand.u32 $0x4000, s31;
	s1 =	sadd.s32 s1, s30  }
0xc9: {  	s0 =	sor.u32 s4, s0;
	s1 =	sshll.u32 s1, $0x11  }
0xca: {  	s0 =	sor.u32 s1, s0  }
0xcb: {  	s0 =	sadd.s32 $0x8F2B, s0  }
0xcc: {  	[sflag:s0] =	ssyncadd.remote.s32 $0x1  }
0xcd: {  	_ =	sfence.sel $0xFFFF  }
0xce: {  	[dreg:$0x0] =	wrdreg $0xFFFFFFFF;
	(pc) =	sbr.abs _section_cstart, $3  }
0xcf: {  	[dreg:$0x1] =	wrdreg $0xFFFFFFFF  }
0xd0: {  	_ =	task.clear_ibuf [dreg:s22], $0x2FFFF;
	_ =	strace $0x9FFFFFFF  }
0xd1: {  	(tm) =	ssettm $0x7FFFFFFF  }
tec
execute0_lowered:
.L_overlay_start_1:
0x0: {  	(tag) =	ssettag $0x1  }
0x1: {  	s0 =	rddreg [dreg:$0x0]  }
0x2: {  	s2 =	rddreg [dreg:$0x1]  }
0x3: {  	s4 =	srdreg.scid;
	s1 =	stileid.u32;
	s3 =	simm.s32 $0x0  }
0x4: {  	s16 =	simm.s32 $0x14FA0;
	s17 =	simm.s32 $0x3;
	s18 =	simm.s32 $0x118A0  }
0x5: {  	s19 =	simm.s32 $0xF000;
	s20 =	simm.s32 $0xF050;
	s21 =	simm.s32 $0x50  }
0x6: {  	s22 =	simm.s32 $0xF0A0;
	s23 =	simm.s32 $0x1;
	s24 =	simm.s32 $0x2  }
0x7: {  	s25 =	simm.s32 $0x131A0;
	s26 =	simm.s32 $0x0;
	s8 =	sand.u32 $0x1, s4  }
0x8: {  	s9 =	smul.u32 $0xF000, s1;
	[smem:$0x7FF] =	sst s3;
	s4 =	sadd.s32 $0x1A7800, s0  }
0x9: {  	s5 =	sadd.s32 $0x453400, s0;
	s6 =	sadd.s32 $0x17000, s0;
	s12 =	smul.u32 $0x3C000, s1  }
0xa: {  	s7 =	smul.u32 $0xF0000, s8;
	_ =	strace $0x8000004D;
	s11 =	ssub.s32 $0x2, s8  }
0xb: {  	s8 =	sshll.u32 s8, $0x4;
	s30 =	sshrl.u32 s11, $0x1;
	s31 =	sshrl.u32 s12, $0x2  }
0xc: {  	s13 =	sor.u32 s1, s8;
	s8 =	sadd.s32 s9, s2;
	s7 =	sadd.s32 s9, s7  }
0xd: {  	s15 =	ssub.s32 s11, s30;
	s12 =	sadd.s32 s31, s2;
	s13 =	smul.u32 $0x2710, s13  }
0xe: {  	s10 =	sshrl.u32 s7, $0x3;
	s7 =	sadd.s32 $0xD200, s0;
	s9 =	sadd.s32 $0x3000, s12  }
0xf: {  	s11 =	sadd.s32 $0x9000, s12;
	s15 =	smax.u32 s15, $0x1;
	s0 =	sadd.s32 s10, s0  }
0x10: {  	v0 =	vimm.f32 $0.0e+00;
	s10 =	sadd.s32 $0x6000, s12;
	s12 =	sadd.s32 $0xC000, s12;
	s14 =	sadd.s32 $0x48E00, s0  }
.LBB2_1:
0x11: {  	s0 =	simm.s32 $0x0  }
0x12: {  	[tilespmem:s0+$0x14FF0] =	vst v0  }
0x13: {  	[tilespmem:s0+$0x14FA0] =	vst v0  }
0x14: {  	[tilespmem:s0+$0x14FB0] =	vst v0  }
0x15: {  	[tilespmem:s0+$0x14FC0] =	vst v0  }
0x16: {  	s28 =	simm.s32 $0x180;
	[tilespmem:s0+$0x14FD0] =	vst v0  }
.LBB2_2:
0x17: {  	p0 =	sne.s32 s28, $0xBE80;
	[tilespmem:s0+$0x14FE0] =	vst v0;
	s0 =	sshra.s32 s28, $0x2;
	s28 =	sadd.s32 $0x180, s28  }
.Ltmp0:
0x18: {  	[tilespmem:s0+$0x14FF0] =	vst v0;
	(pc) =	sbr.rel @p0 .LBB2_2-.Ltmp0, $4  }
0x19: {  	[tilespmem:s0+$0x14FA0] =	vst v0  }
0x1a: {  	[tilespmem:s0+$0x14FB0] =	vst v0  }
0x1b: {  	[tilespmem:s0+$0x14FC0] =	vst v0  }
0x1c: {  	[tilespmem:s0+$0x14FD0] =	vst v0  }
0x1d: {  	[tilespmem:s0+$0x14FE0] =	vst v0  }
0x1e: {  	[spmem:s8] =	stream.linear.scatter [tilespmem:s16], [sflag:$0x3], $0x3000, $0x38;
	[tilespmem:$0x17FA0] =	vst v63  }
0x1f: {  	_ =	swait.ge [sflag:s17], $0x3000  }
0x20: {  	[sflag:s17] =	ssyncset.done $0x0  }
0x21: {  	[sflag:s17] =	ssyncadd.s32 $0xFFFFD000  }
0x22: {  	[spmem:s9] =	stream.linear.scatter [tilespmem:s16], [sflag:$0x3], $0x3000, $0x38;
	[tilespmem:$0x17FA0] =	vst v63  }
0x23: {  	_ =	swait.ge [sflag:s17], $0x3000  }
0x24: {  	[sflag:s17] =	ssyncset.done $0x0  }
0x25: {  	[sflag:s17] =	ssyncadd.s32 $0xFFFFD000  }
0x26: {  	[spmem:s10] =	stream.linear.scatter [tilespmem:s16], [sflag:$0x3], $0x3000, $0x38;
	[tilespmem:$0x17FA0] =	vst v63  }
0x27: {  	_ =	swait.ge [sflag:s17], $0x3000  }
0x28: {  	[sflag:s17] =	ssyncset.done $0x0  }
0x29: {  	[sflag:s17] =	ssyncadd.s32 $0xFFFFD000  }
0x2a: {  	[spmem:s11] =	stream.linear.scatter [tilespmem:s16], [sflag:$0x3], $0x3000, $0x38;
	[tilespmem:$0x17FA0] =	vst v63  }
0x2b: {  	_ =	swait.ge [sflag:s17], $0x3000  }
0x2c: {  	[sflag:s17] =	ssyncset.done $0x0  }
0x2d: {  	[sflag:s17] =	ssyncadd.s32 $0xFFFFD000  }
0x2e: {  	[spmem:s12] =	stream.linear.scatter [tilespmem:s16], [sflag:$0x3], $0x3000, $0x38;
	[tilespmem:$0x17FA0] =	vst v63  }
0x2f: {  	_ =	swait.ge [sflag:s17], $0x3000  }
0x30: {  	[sflag:s17] =	ssyncset.done $0x0  }
0x31: {  	[sflag:s17] =	ssyncadd.s32 $0xFFFFD000  }
0x32: {  	s28 =	simm.s32 $0x0;
	[bflag:$0x0] =	sbarrier.arrive $0xFFFF  }
.LBB2_4:
0x33: {  	s0 =	smul.u32 $0x50, s28;
	_ =	sdelay $0x1  }
0x34: {  	s0 =	sadd.s32 s13, s0  }
0x35: {  	s29 =	smul.u32 $0xA, s0;
	_ =	sdelay $0x1  }
0x36: {  	s0 =	sshrl.u32 s0, $0x3;
	s29 =	sadd.s32 s5, s29  }
0x37: {  	[tilespmem:s18], [sflag:$0x2] =	stream.linear.gather [hbm4b:s29+s3], $0x1900, $0x38;
	[tilespmem:$0x17FA0] =	vst v63  }
0x38: {  	s29 =	sadd.s32 s6, s0  }
0x39: {  	[tilespmem:s19], [sflag:$0x3] =	stream.linear.gather [hbm4b:s29+s3], $0x50, $0x38;
	[tilespmem:$0x17FA0] =	vst v63  }
0x3a: {  	_ =	swait.ge [sflag:s17], $0x50  }
0x3b: {  	[sflag:s17] =	ssyncset.done $0x0  }
0x3c: {  	s0 =	sadd.s32 s7, s0;
	[sflag:s17] =	ssyncadd.s32 $0xFFFFFFB0  }
0x3d: {  	[tilespmem:s20], [sflag:$0x3] =	stream.linear.gather [hbm4b:s0+s3], $0x50, $0x38;
	[tilespmem:$0x17FA0] =	vst v63  }
0x3e: {  	_ =	swait.ge [sflag:s17], $0x50  }
0x3f: {  	[sflag:s17] =	ssyncset.done $0x0  }
0x40: {  	[sflag:s17] =	ssyncadd.s32 $0xFFFFFFB0  }
0x41: {  	[tilespmem:s22], [sflag:$0x1] =	stream.indirect.gather [hbm4b:s4+s21], $0x80, s19, s21, $0xb8;
	[tilespmem:$0x17FA0] =	vst v63  }
0x42: {  	_ =	swait.ge [sflag:s23], $0x2800  }
0x43: {  	[sflag:s23] =	ssyncset.done $0x0  }
0x44: {  	[sflag:s23] =	ssyncadd.s32 $0xFFFFD800  }
0x45: {  	_ =	swait.ge [sflag:s24], $0x1900  }
0x46: {  	[sflag:s24] =	ssyncset.done $0x0  }
0x47: {  	s29 =	simm.s32 $0xF0E0;
	[sflag:s24] =	ssyncadd.s32 $0xFFFFE700  }
0x48: {  	v2 =	vld [tilespmem:s29+$0xFFFFFFF0]  }
0x49: {  	v3 =	vld [tilespmem:s29+$0xFFFFFFE0]  }
0x4a: {  	v4 =	vld [tilespmem:s29+$0xFFFFFFD0]  }
0x4b: {  	s1 =	simm.s32 $0x40;
	v5 =	vld [tilespmem:s29+$0xFFFFFFC0]  }
0x4c: {  	v6 =	vld [tilespmem:s1+$0x118A0]  }
0x4d: {  	v7 =	vld [tilespmem:s1+$0x11860]  }
0x4e: {  	v8 =	vld [tilespmem:s1+$0x11870]  }
0x4f: {  	v9 =	vld [tilespmem:s1+$0x11880]  }
0x50: {  	v1 =	vld [tilespmem:s1+$0x11890];
	_ =	sdelay $0x1  }
0x51: {  	v10 =	vbroadcast v6, $0x0;
	v5 =	vmul.f32 v5, v7  }
0x52: {  	v4 =	vmul.f32 v4, v8  }
0x53: {  	v3 =	vmul.f32 v3, v9;
	v7 =	vmul.f32 v10, v5  }
0x54: {  	v2 =	vmul.f32 v2, v1;
	v8 =	vmul.f32 v10, v4  }
0x55: {  	v3 =	vadd.f32 v3, v7  }
0x56: {  	s30 =	simm.s32 $0x131D0;
	v2 =	vadd.f32 v2, v8  }
0x57: {  	[tilespmem:s30+$0xFFFFFFD0] =	vst v3  }
0x58: {  	[tilespmem:s30+$0xFFFFFFE0] =	vst v2  }
0x59: {  	v2 =	vld [tilespmem:s29+$0x0]  }
0x5a: {  	v3 =	vld [tilespmem:s29+$0x10];
	_ =	sdelay $0x1  }
0x5b: {  	v7 =	vbroadcast v6, $0x1;
	_ =	sdelay $0x1  }
0x5c: {  	v63 =	vmul.f32 v7, v5;
	v2 =	vmul.f32 v2, v9  }
0x5d: {  	v7 =	vmul.f32 v7, v4;
	v3 =	vmul.f32 v3, v1  }
0x5e: {  	v2 =	vadd.f32 v2, v63  }
0x5f: {  	v3 =	vadd.f32 v3, v7  }
0x60: {  	[tilespmem:s30+$0xFFFFFFF0] =	vst v2  }
0x61: {  	[tilespmem:s30+$0x0] =	vst v3  }
0x62: {  	v7 =	vld [tilespmem:s29+$0x20]  }
0x63: {  	v3 =	vld [tilespmem:s29+$0x30]  }
0x64: {  	v6 =	vbroadcast v6, $0x2;
	_ =	sdelay $0x1  }
0x65: {  	v2 =	vmul.f32 v6, v4  }
0x66: {  	s31 =	simm.s32 $0x131D0;
	s0 =	simm.s32 $0x240;
	v4 =	vmul.f32 v6, v5;
	v5 =	vmul.f32 v7, v9  }
.LBB2_5:
0x67: {  	p0 =	sne.s32 s0, $0x63C0;
	v1 =	vmul.f32 v3, v1;
	s30 =	sadd.s32 $0x60, s30;
	s29 =	sadd.s32 $0x80, s29  }
0x68: {  	s1 =	smov.u32 s0;
	s0 =	sadd.s32 $0x140, s0;
	v3 =	vadd.f32 v5, v4  }
0x69: {  	v1 =	vadd.f32 v1, v2  }
0x6a: {  	[tilespmem:s31+$0x10] =	vst v3  }
0x6b: {  	[tilespmem:s31+$0x20] =	vst v1;
	s31 =	smov.u32 s30  }
0x6c: {  	v2 =	vld [tilespmem:s29+$0xFFFFFFF0]  }
0x6d: {  	v3 =	vld [tilespmem:s29+$0xFFFFFFE0]  }
0x6e: {  	v4 =	vld [tilespmem:s29+$0xFFFFFFD0]  }
0x6f: {  	s1 =	sshra.s32 s1, $0x2;
	v5 =	vld [tilespmem:s29+$0xFFFFFFC0]  }
0x70: {  	v6 =	vld [tilespmem:s1+$0x118A0]  }
0x71: {  	v7 =	vld [tilespmem:s1+$0x11860]  }
0x72: {  	v8 =	vld [tilespmem:s1+$0x11870]  }
0x73: {  	v9 =	vld [tilespmem:s1+$0x11880]  }
0x74: {  	v1 =	vld [tilespmem:s1+$0x11890]  }
0x75: {  	v10 =	vbroadcast v6, $0x0  }
0x76: {  	v5 =	vmul.f32 v5, v7  }
0x77: {  	v7 =	vbroadcast v6, $0x2;
	v4 =	vmul.f32 v4, v8  }
0x78: {  	v8 =	vmul.f32 v10, v5;
	v3 =	vmul.f32 v3, v9  }
0x79: {  	v10 =	vmul.f32 v10, v4;
	v11 =	vmul.f32 v2, v1  }
0x7a: {  	v2 =	vmul.f32 v7, v4;
	v3 =	vadd.f32 v3, v8  }
0x7b: {  	v8 =	vadd.f32 v11, v10  }
0x7c: {  	[tilespmem:s30+$0xFFFFFFD0] =	vst v3  }
0x7d: {  	[tilespmem:s30+$0xFFFFFFE0] =	vst v8  }
0x7e: {  	v3 =	vld [tilespmem:s29+$0x0]  }
0x7f: {  	v8 =	vld [tilespmem:s29+$0x10];
	_ =	sdelay $0x1  }
0x80: {  	v6 =	vbroadcast v6, $0x1;
	_ =	sdelay $0x1  }
0x81: {  	v10 =	vmul.f32 v6, v5;
	v3 =	vmul.f32 v3, v9  }
0x82: {  	v4 =	vmul.f32 v6, v4;
	v6 =	vmul.f32 v8, v1  }
0x83: {  	v3 =	vadd.f32 v3, v10  }
0x84: {  	v4 =	vadd.f32 v6, v4  }
0x85: {  	[tilespmem:s30+$0xFFFFFFF0] =	vst v3  }
0x86: {  	[tilespmem:s30+$0x0] =	vst v4  }
0x87: {  	v6 =	vld [tilespmem:s29+$0x20]  }
.Ltmp1:
0x88: {  	v3 =	vld [tilespmem:s29+$0x30];
	(pc) =	sbr.rel @p0 .LBB2_5-.Ltmp1, $2  }
0x89: {  	_ =	sdelay $0x2  }
0x8a: {  	v4 =	vmul.f32 v7, v5;
	v5 =	vmul.f32 v6, v9  }
0x8b: {  	v1 =	vmul.f32 v3, v1  }
0x8c: {  	v3 =	vadd.f32 v5, v4  }
0x8d: {  	s28 =	sadd.s32 $0x1, s28;
	v1 =	vadd.f32 v1, v2  }
0x8e: {  	p0 =	sne.s32 s28, $0x7D;
	[tilespmem:s31+$0x10] =	vst v3  }
.Ltmp2:
0x8f: {  	[tilespmem:s31+$0x20] =	vst v1;
	(pc) =	sbr.rel @p0 .LBB2_4-.Ltmp2, $4  }
0x90: {  	[spmem:s2] =	stream.indirect.scatter.add.f32 [tilespmem:s25], [sflag:$0x3], $0x60, s20, s21, $0xb8;
	[tilespmem:$0x17FA0] =	vst v63  }
0x91: {  	_ =	swait.ge [sflag:s17], $0x1E00  }
0x92: {  	[sflag:s17] =	ssyncset.done $0x0  }
0x93: {  	[sflag:s17] =	ssyncadd.s32 $0xFFFFE200  }
0x94: {  	s0 =	stileid.u32;
	s26 =	sadd.s32 $0x1, s26  }
0x95: {  	[bflag:$0x0] =	sbarrier.arrive $0xFFFF;
	s0 =	sshll.u32 s0, $0x6;
	p0 =	sne.s32 s26, s15  }
.Ltmp3:
0x96: {  	s1 =	sshrl.u32 s8, $0x3;
	s0 =	sor.u32 $0x1C03, s0;
	(pc) =	sbr.rel @p0 .LBB2_1-.Ltmp3, $4  }
0x97: {  	[hbm:s14], [sflag:s0] =	dma.local [spmem:s1], $0x1E00  }
0x98: {  	_ =	swait.ge [sflag:s17], $0x1E00  }
0x99: {  	[sflag:s17] =	ssyncset.done $0x0  }
0x9a: {  	[sflag:s17] =	ssyncadd.s32 $0xFFFFE200  }
0x9b: {  	_ =	sfence.sel $0x180000  }
0x9c: {  	[bflag:$0x0] =	sbarrier.arrive $0xFFFF  }
0x9d: {  	_ =	strace $0x9000004D  }
0x9e: {  	s0 =	stileid.u32;
	[bflag:$0x2] =	sbarrier.arrive $0xFFFF  }
0x9f: {  	p0 =	sne.s32 s0, $0x0;
	s0 =	rddreg [dreg:$0x2]  }
0xa0: {  	s0 =	sadd.s32 @!p0 $0x100000, s0  }
0xa1: {  	[sflag:s0] =	ssyncadd.tile.s32 @!p0 $0x1;
	_ =	shalt  }
.Lfunc_end2:
_tile_overlayer_lowered:
.L_overlay_start_2:
0xa2: {  	(tag) =	ssettag $0x2  }
0xa3: {  	s0 =	rddreg [dreg:$0x0];
	s2 =	stileid.u32  }
0xa4: {  	s1 =	rddreg [dreg:$0x1];
	p0 =	sne.s32 s2, $0x0  }
0xa5: {  	s3 =	rddreg [dreg:$0x2];
	[bflag:$0x3] =	sbarrier.arrive $0xFFFF;
	s2 =	simm.s32 @!p0 $0x1C03  }
0xa6: {  	[timem:s3], [sflag:s2] =	dma.local @!p0 [hbm:s0], s1  }
0xa7: {  	s0 =	simm.s32 @!p0 $0x3  }
0xa8: {  	_ =	swait.ge @!p0 [sflag:s0], s1  }
0xa9: {  	s1 =	ssub.s32 @!p0 $0x0, s1;
	[sflag:s0] =	ssyncset.done @!p0 $0x0  }
0xaa: {  	[sflag:s0] =	ssyncadd.s32 @!p0 s1  }
0xab: {  	[bflag:$0x3] =	sbarrier.arrive $0xFFFF  }
0xac: {  	_ =	shalt  }

// kernel: kernel.22.cloned.1.call-start
scs
__scs_entry_jumppad:
0x0: {  	(pc) =	sbr.rel $0x88, $3  }
0x1: {  	(tag) =	ssettag $0x0;
	lr =	simm.s32 $0x1  }
0x2: {  	[smem:$0x3F80] =	sst lr;
	_ =	strace $0xD0000000  }
0x3: {  	_ = 	snop  }
0x4: {  	_ = 	snop  }
0x5: {  	_ = 	snop  }
0x6: {  	_ = 	snop  }
0x7: {  	_ = 	snop  }
__scs_overlays_trampoline_lowered:
0x8: {  	[smem:$0x3F8F] =	sst s0  }
0x9: {  	[smem:$0x3F90] =	sst s1  }
0xa: {  	[smem:$0x3F91] =	sst s2  }
0xb: {  	[smem:$0x3F92] =	sst s3  }
0xc: {  	[smem:$0x3F93] =	sst s4  }
0xd: {  	[smem:$0x3F94] =	sst s5  }
0xe: {  	[smem:$0x3F95] =	sst s6  }
0xf: {  	[smem:$0x3F96] =	sst s7  }
0x10: {  	[smem:$0x3F97] =	sst s8  }
0x11: {  	[smem:$0x3F98] =	sst s9;
	s0 =	simm.s32 @!p0 $0x0  }
0x12: {  	s1 =	sld [smem:$0x3F7E];
	s0 =	simm.s32 @p0 $0x1  }
0x13: {  	[smem:$0x3F99] =	sst s0;
	s0 =	simm.s32 @!p1 $0x0  }
0x14: {  	s2 =	sld [smem:$0x3F7D];
	s0 =	simm.s32 @p1 $0x1  }
0x15: {  	[smem:$0x3F9A] =	sst s0;
	s0 =	simm.s32 @!p2 $0x0  }
0x16: {  	s3 =	sld [smem:$0x3FDB];
	s0 =	simm.s32 @p2 $0x1  }
0x17: {  	s4 =	simm.s32 $0x1BF5;
	[smem:$0x3F9C] =	sst s0  }
0x18: {  	s0 =	sld [smem:$0x3F7F];
	_ =	swait.ge [sflag:s4], $0x0  }
0x19: {  	s7 =	sld [smem:$0x3F80]  }
0x1a: {  	s8 =	sadd.s32 $0xFFFFE003, lr  }
0x1b: {  	s9 =	sadd.s32 $0xFFFFFEF7, lr;
	s5 =	simm.s32 $0xFFFFFFFF;
	p2 =	slt.u32 s8, $0xFFFFF086  }
0x1c: {  	p1 =	slt.u32 s9, $0xF7A;
	s5 =	simm.s32 @!p2 $0x0  }
0x1d: {  	s5 =	simm.s32 @p1 $0x1;
	p0 =	seq.s32 s7, s2  }
0x1e: {  	s7 =	smul.u32 @!p0 $0xF7A, s2;
	p2 =	seq.s32 @!p0 s5, $0x0  }
0x1f: {  	s9 =	smul.u32 $0xF7A, s1;
	s8 =	simm.s32 @!p0 $0x1BF5;
	p2 =	por !p2, p0  }
0x20: {  	[sflag:s8] =	ssyncset.s32 @!p0 $0xFFFFF086;
	s6 =	sadd.s32 @!p0 s3, s7;
	s7 =	simm.s32 @!p0 $0x108  }
0x21: {  	s3 =	sadd.s32 s3, s9;
	s6 =	sadd.s32 @!p0 $0x88, s6;
	s7 =	simm.s32 @p2 $0x1082  }
0x22: {  	[simem:s7], [sflag:s8] =	dma.local @!p0 [hbm:s6], $0xF7A  }
0x23: {  	s9 =	sor.u32 $0xD0000000, s2;
	s6 =	simm.s32 $0x108;
	_ =	swait.ge @!p0 [sflag:s8], $0x0  }
0x24: {  	s3 =	sadd.s32 $0x88, s3;
	s6 =	simm.s32 @!p1 $0x1082;
	[sflag:s4] =	ssyncset.s32 $0xFFFFF086  }
0x25: {  	[simem:s6], [sflag:s4] =	dma.local [hbm:s3], $0xF7A  }
0x26: {  	[smem:$0x3F80] =	sst s1;
	(tag) =	ssettag s2;
	_ =	strace s9  }
0x27: {  	s1 =	sld [smem:$0x3F90]  }
0x28: {  	s2 =	sld [smem:$0x3F91]  }
0x29: {  	s4 =	sld [smem:$0x3F93]  }
0x2a: {  	p0 =	seq.s32 s5, $0x0;
	s5 =	sld [smem:$0x3F94]  }
0x2b: {  	s6 =	sld [smem:$0x3F95]  }
0x2c: {  	s7 =	sld [smem:$0x3F96]  }
0x2d: {  	s3 =	simm.s32 $0x108;
	s8 =	sld [smem:$0x3F97]  }
0x2e: {  	s3 =	simm.s32 @!p0 $0x1082;
	s9 =	sld [smem:$0x3F98]  }
0x2f: {  	lr =	sadd.s32 s0, s3;
	s0 =	sld [smem:$0x3F8F]  }
0x30: {  	s3 =	sld [smem:$0x3F92]  }
0x31: {  	[smem:$0x3F9B] =	sst s10  }
0x32: {  	s10 =	sld [smem:$0x3F99];
	_ =	sdelay $0x3  }
0x33: {  	p0 =	seq.s32 s10, $0x1;
	s10 =	sld [smem:$0x3F9B];
	_ =	sdelay $0x3  }
0x34: {  	[smem:$0x3F9B] =	sst s10  }
0x35: {  	s10 =	sld [smem:$0x3F9A];
	_ =	sdelay $0x3  }
0x36: {  	p1 =	seq.s32 s10, $0x1;
	s10 =	sld [smem:$0x3F9B];
	_ =	sdelay $0x3  }
0x37: {  	[smem:$0x3F9B] =	sst s10  }
0x38: {  	s10 =	sld [smem:$0x3F9C]  }
0x39: {  	_ = 	snop;
	(pc) =	sbr.ind lr, $3  }
0x3a: {  	_ = 	snop  }
0x3b: {  	_ = 	snop  }
0x3c: {  	p2 =	seq.s32 s10, $0x1;
	s10 =	sld [smem:$0x3F9B]  }
0x3d: {  	_ =	shalt  }
0x3e: {  	_ =	shalt  }
0x3f: {  	_ =	shalt  }
0x40: {  	_ =	shalt  }
0x41: {  	_ =	shalt  }
0x42: {  	_ =	shalt  }
0x43: {  	_ =	shalt  }
0x44: {  	_ =	shalt  }
0x45: {  	_ =	shalt  }
0x46: {  	_ =	shalt  }
0x47: {  	_ =	shalt  }
0x48: {  	_ =	shalt  }
0x49: {  	_ =	shalt  }
0x4a: {  	_ =	shalt  }
0x4b: {  	_ =	shalt  }
0x4c: {  	_ =	shalt  }
0x4d: {  	_ =	shalt  }
0x4e: {  	_ =	shalt  }
0x4f: {  	_ =	shalt  }
0x50: {  	_ =	shalt  }
0x51: {  	_ =	shalt  }
0x52: {  	_ =	shalt  }
0x53: {  	_ =	shalt  }
0x54: {  	_ =	shalt  }
0x55: {  	_ =	shalt  }
0x56: {  	_ =	shalt  }
0x57: {  	_ =	shalt  }
0x58: {  	_ =	shalt  }
0x59: {  	_ =	shalt  }
0x5a: {  	_ =	shalt  }
0x5b: {  	_ =	shalt  }
0x5c: {  	_ =	shalt  }
0x5d: {  	_ =	shalt  }
0x5e: {  	_ =	shalt  }
0x5f: {  	_ =	shalt  }
0x60: {  	_ =	shalt  }
0x61: {  	_ =	shalt  }
0x62: {  	_ =	shalt  }
0x63: {  	_ =	shalt  }
0x64: {  	_ =	shalt  }
0x65: {  	_ =	shalt  }
0x66: {  	_ =	shalt  }
0x67: {  	_ =	shalt  }
0x68: {  	_ =	shalt  }
0x69: {  	_ =	shalt  }
0x6a: {  	_ =	shalt  }
0x6b: {  	_ =	shalt  }
0x6c: {  	_ =	shalt  }
0x6d: {  	_ =	shalt  }
0x6e: {  	_ =	shalt  }
0x6f: {  	_ =	shalt  }
0x70: {  	_ =	shalt  }
0x71: {  	_ =	shalt  }
0x72: {  	_ =	shalt  }
0x73: {  	_ =	shalt  }
0x74: {  	_ =	shalt  }
0x75: {  	_ =	shalt  }
0x76: {  	_ =	shalt  }
0x77: {  	_ =	shalt  }
0x78: {  	_ =	shalt  }
0x79: {  	_ =	shalt  }
0x7a: {  	_ =	shalt  }
0x7b: {  	_ =	shalt  }
0x7c: {  	_ =	shalt  }
0x7d: {  	_ =	shalt  }
0x7e: {  	_ =	shalt  }
0x7f: {  	_ =	shalt  }
0x80: {  	_ =	shalt  }
0x81: {  	_ =	shalt  }
0x82: {  	_ =	shalt  }
0x83: {  	_ =	shalt  }
0x84: {  	_ =	shalt  }
0x85: {  	_ =	shalt  }
0x86: {  	_ =	shalt  }
0x87: {  	_ =	shalt  }
.Lfunc_end0:
.L_simem_size_0:
called_computation.3_lowered:
.L_overlay_start_0:
0x88: {  	s2 =	sld [smem:$0x3FD9]  }
0x89: {  	s3 =	sld [smem:$0x3FFE];
	_ =	sdelay $0x1  }
0x8a: {  	s1 =	srdreg.scid  }
0x8b: {  	s0 =	sand.u32 $0x1, s1  }
0x8c: {  	s16 =	sshll.u32 s0, $0xA;
	s2 =	sadd.s32 s3, s2  }
0x8d: {  	s2 =	sadd.s32 s2, s16  }
0x8e: {  	[smem:$0x3FA7] =	sst s2  }
0x8f: {  	_ = 	snop  }
0x90: {  	(tm) =	ssettm $0x1  }
0x91: {  	s17 =	sld [smem:$0x3FFB];
	_ =	sdelay $0x3  }
0x92: {  	_ =	strace s17  }
0x93: {  	s2 =	sld [smem:$0x3FFC];
	_ =	sdelay $0x3  }
0x94: {  	_ =	strace s2  }
0x95: {  	s2 =	sld [smem:$0x3FFD];
	_ =	sdelay $0x3  }
0x96: {  	_ =	strace s2  }
0x97: {  	_ =	strace $0x8FFFFFFF  }
0x98: {  	s18 =	sld [smem:$0x3FDB];
	_ =	sdelay $0x1  }
0x99: {  	s19 =	simm.s32 $_scs_section_size  }
0x9a: {  	s4 =	simm.s32 $_size__tile_overlayer_lowered;
	s5 =	simm.s32 $_tile_overlayer_lowered  }
0x9b: {  	s22 =	simm.s32 $0x1BFF;
	s21 =	sshll.u32 s5, $0x1;
	s2 =	sadd.s32 s19, s18  }
0x9c: {  	s6 =	simm.s32 $0x0;
	s20 =	sshll.u32 s4, $0x1;
	s4 =	sadd.s32 s21, s2  }
0x9d: {  	[timem:s6], [sflag:s22] =	dma.local [hbm:s4], s20  }
0x9e: {  	_ =	swait.ge [sflag:s22], s20  }
0x9f: {  	s3 =	ssub.s32 $0x0, s20;
	[sflag:s22] =	ssyncset.done $0x0  }
0xa0: {  	[sflag:s22] =	ssyncadd.s32 s3;
	_ =	sdelay $0x1  }
0xa1: {  	s23 =	simm.s32 $0x1B8B  }
0xa2: {  	_ =	swait.ge [sflag:s23], $0x1  }
0xa3: {  	[sflag:s23] =	ssyncset.done $0x0  }
0xa4: {  	s25 =	simm.s32 $0x1B8E;
	s24 =	sld [smem:$0x3FFE];
	[sflag:s23] =	ssyncadd.s32 $0xFFFFFFFF  }
0xa5: {  	s26 =	simm.s32 $execute0_lowered;
	[smem:$0x3FD2] =	sst s25  }
0xa6: {  	s4 =	sshll.u32 s26, $0x1;
	_ =	strace $0x8000004F;
	[dreg:$0x1] =	wrdreg $0xFFFFFFFF  }
0xa7: {  	s28 =	simm.s32 $_size_execute0_lowered;
	s2 =	sadd.s32 s2, s4;
	[dreg:$0x0] =	wrdreg $0x0  }
0xa8: {  	s4 =	sshll.u32 s28, $0x1;
	[dreg:$0x2] =	wrdreg s2  }
0xa9: {  	[dreg:$0x3] =	wrdreg s4  }
0xaa: {  	[dreg:$0x4] =	wrdreg $0xC0  }
0xab: {  	_ =	task [dreg:s6], $0x5FFFF  }
0xac: {  	[dreg:$0x1] =	wrdreg $0xFFFFFFFF  }
0xad: {  	[dreg:$0x0] =	wrdreg $0x60  }
0xae: {  	[dreg:$0x2] =	wrdreg s24  }
0xaf: {  	[dreg:$0x3] =	wrdreg $0x0  }
0xb0: {  	[dreg:$0x4] =	wrdreg $0x9  }
0xb1: {  	_ =	task.clear_ibuf [dreg:s6], $0x5FFFF;
	_ =	strace $0x9000004F  }
0xb2: {  	s29 =	simm.s32 $0x9;
	_ =	strace $0x80000051  }
0xb3: {  	_ =	swait.ge [sflag:s29], $0x1  }
0xb4: {  	[sflag:s29] =	ssyncadd.s32 $0xFFFFFFFF  }
0xb5: {  	_ =	strace $0x90000051  }
0xb6: {  	_ =	sfence  }
0xb7: {  	s30 =	sld [smem:$0x0];
	_ =	sdelay $0x2  }
0xb8: {  	s31 =	sshll.u32 s1, $0xD;
	s1 =	sshrl.u32 s1, $0x2  }
0xb9: {  	s3 =	sand.u32 $0x4000, s31;
	s1 =	sadd.s32 s1, s30  }
0xba: {  	s0 =	sor.u32 s3, s0;
	s1 =	sshll.u32 s1, $0x11  }
0xbb: {  	s0 =	sor.u32 s1, s0  }
0xbc: {  	s0 =	sadd.s32 $0x8F2B, s0  }
0xbd: {  	[sflag:s0] =	ssyncadd.remote.s32 $0x1  }
0xbe: {  	_ =	sfence.sel $0xFFFF  }
0xbf: {  	[dreg:$0x0] =	wrdreg $0xFFFFFFFF;
	(pc) =	sbr.abs _section_cstart, $3  }
0xc0: {  	[dreg:$0x1] =	wrdreg $0xFFFFFFFF  }
0xc1: {  	_ =	task.clear_ibuf [dreg:s6], $0x2FFFF;
	_ =	strace $0x9FFFFFFF  }
0xc2: {  	(tm) =	ssettm $0x7FFFFFFF  }
0xc3: {  	_ =	shalt  }
tec
execute0_lowered:
.L_overlay_start_1:
0x0: {  	(tag) =	ssettag $0x1  }
0x1: {  	s8 =	rddreg [dreg:$0x0]  }
0x2: {  	s2 =	rddreg [dreg:$0x1]  }
0x3: {  	s0 =	rddreg [dreg:$0x2]  }
0x4: {  	s4 =	srdreg.scid;
	s1 =	stileid.u32  }
0x5: {  	s3 =	simm.s32 $0x0;
	s16 =	simm.s32 $0xDCA0;
	s17 =	simm.s32 $0x3  }
0x6: {  	s18 =	simm.s32 $0xB4A0;
	s19 =	simm.s32 $0xA000;
	s20 =	simm.s32 $0xA050  }
0x7: {  	s21 =	simm.s32 $0x50;
	s22 =	simm.s32 $0xA0A0;
	s23 =	simm.s32 $0x1  }
0x8: {  	s24 =	simm.s32 $0x2;
	s25 =	simm.s32 $0xC8A0;
	s10 =	smul.u32 $0xA000, s1  }
0x9: {  	s9 =	sand.u32 $0x1, s4;
	[smem:$0x7FF] =	sst s3;
	s12 =	smul.u32 $0x28000, s1  }
0xa: {  	s4 =	sadd.s32 $0x96200, s8;
	s5 =	sadd.s32 $0x760800, s8;
	s6 =	smul.u32 $0xA0000, s9  }
0xb: {  	_ =	strace $0x80000050;
	s30 =	ssub.s32 $0x2, s9;
	s9 =	sshll.u32 s9, $0x4  }
0xc: {  	s31 =	sshrl.u32 s30, $0x1;
	s12 =	sshrl.u32 s12, $0x2;
	s13 =	sor.u32 s1, s9  }
0xd: {  	s7 =	sadd.s32 s10, s6;
	s6 =	sadd.s32 $0x17000, s8;
	s15 =	ssub.s32 s30, s31  }
0xe: {  	s12 =	sadd.s32 s12, s2;
	s13 =	smul.u32 $0x2710, s13;
	s11 =	sshrl.u32 s7, $0x3  }
0xf: {  	s7 =	sadd.s32 $0xD200, s8;
	s9 =	sadd.s32 $0x2000, s12;
	s15 =	smax.u32 s15, $0x1  }
0x10: {  	s14 =	sadd.s32 s11, s8;
	s8 =	sadd.s32 s10, s2;
	s10 =	sadd.s32 $0x4000, s12  }
0x11: {  	v0 =	vimm.f32 $0.0e+00;
	s11 =	sadd.s32 $0x6000, s12;
	s12 =	sadd.s32 $0x8000, s12;
	s14 =	sadd.s32 $0xA9C00, s14  }
.LBB2_1:
0x12: {  	s28 =	simm.s32 $0x100;
	s26 =	simm.s32 $0x0  }
.LBB2_2:
0x13: {  	p0 =	sne.s32 s28, $0x7F00;
	[tilespmem:s26+$0xDCD0] =	vst v0;
	s29 =	smov.u32 s28;
	s28 =	sadd.s32 $0x100, s28  }
.Ltmp0:
0x14: {  	[tilespmem:s26+$0xDCC0] =	vst v0;
	(pc) =	sbr.rel @p0 .LBB2_2-.Ltmp0, $3  }
0x15: {  	[tilespmem:s26+$0xDCA0] =	vst v0  }
0x16: {  	[tilespmem:s26+$0xDCB0] =	vst v0;
	_ =	sdelay $0x1  }
0x17: {  	s26 =	sshra.s32 s29, $0x2  }
0x18: {  	[tilespmem:s26+$0xDCD0] =	vst v0  }
0x19: {  	[tilespmem:s26+$0xDCC0] =	vst v0  }
0x1a: {  	[tilespmem:s26+$0xDCA0] =	vst v0  }
0x1b: {  	[tilespmem:s26+$0xDCB0] =	vst v0  }
0x1c: {  	[spmem:s8] =	stream.linear.scatter [tilespmem:s16], [sflag:$0x3], $0x2000, $0x38;
	[tilespmem:$0xFCA0] =	vst v63  }
0x1d: {  	_ =	swait.ge [sflag:s17], $0x2000  }
0x1e: {  	[sflag:s17] =	ssyncset.done $0x0  }
0x1f: {  	[sflag:s17] =	ssyncadd.s32 $0xFFFFE000  }
0x20: {  	[spmem:s9] =	stream.linear.scatter [tilespmem:s16], [sflag:$0x3], $0x2000, $0x38;
	[tilespmem:$0xFCA0] =	vst v63  }
0x21: {  	_ =	swait.ge [sflag:s17], $0x2000  }
0x22: {  	[sflag:s17] =	ssyncset.done $0x0  }
0x23: {  	[sflag:s17] =	ssyncadd.s32 $0xFFFFE000  }
0x24: {  	[spmem:s10] =	stream.linear.scatter [tilespmem:s16], [sflag:$0x3], $0x2000, $0x38;
	[tilespmem:$0xFCA0] =	vst v63  }
0x25: {  	_ =	swait.ge [sflag:s17], $0x2000  }
0x26: {  	[sflag:s17] =	ssyncset.done $0x0  }
0x27: {  	[sflag:s17] =	ssyncadd.s32 $0xFFFFE000  }
0x28: {  	[spmem:s11] =	stream.linear.scatter [tilespmem:s16], [sflag:$0x3], $0x2000, $0x38;
	[tilespmem:$0xFCA0] =	vst v63  }
0x29: {  	_ =	swait.ge [sflag:s17], $0x2000  }
0x2a: {  	[sflag:s17] =	ssyncset.done $0x0  }
0x2b: {  	[sflag:s17] =	ssyncadd.s32 $0xFFFFE000  }
0x2c: {  	[spmem:s12] =	stream.linear.scatter [tilespmem:s16], [sflag:$0x3], $0x2000, $0x38;
	[tilespmem:$0xFCA0] =	vst v63  }
0x2d: {  	_ =	swait.ge [sflag:s17], $0x2000  }
0x2e: {  	[sflag:s17] =	ssyncset.done $0x0  }
0x2f: {  	[sflag:s17] =	ssyncadd.s32 $0xFFFFE000  }
0x30: {  	s26 =	simm.s32 $0x0;
	s28 =	simm.s32 $0x0;
	[bflag:$0x0] =	sbarrier.arrive $0xFFFF  }
.LBB2_4:
0x31: {  	s29 =	smul.u32 $0x50, s28;
	_ =	sdelay $0x1  }
0x32: {  	s29 =	sadd.s32 s13, s29  }
0x33: {  	s30 =	sshll.u32 s29, $0x3  }
0x34: {  	s29 =	sshrl.u32 s29, $0x3;
	s30 =	sadd.s32 s5, s30  }
0x35: {  	[tilespmem:s18], [sflag:$0x2] =	stream.linear.gather [hbm4b:s30+s26], $0x1400, $0x38;
	[tilespmem:$0xFCA0] =	vst v63  }
0x36: {  	s30 =	sadd.s32 s6, s29  }
0x37: {  	[tilespmem:s19], [sflag:$0x3] =	stream.linear.gather [hbm4b:s30+s26], $0x50, $0x38;
	[tilespmem:$0xFCA0] =	vst v63  }
0x38: {  	_ =	swait.ge [sflag:s17], $0x50  }
0x39: {  	[sflag:s17] =	ssyncset.done $0x0  }
0x3a: {  	s29 =	sadd.s32 s7, s29;
	[sflag:s17] =	ssyncadd.s32 $0xFFFFFFB0  }
0x3b: {  	[tilespmem:s20], [sflag:$0x3] =	stream.linear.gather [hbm4b:s29+s26], $0x50, $0x38;
	[tilespmem:$0xFCA0] =	vst v63  }
0x3c: {  	_ =	swait.ge [sflag:s17], $0x50  }
0x3d: {  	[sflag:s17] =	ssyncset.done $0x0  }
0x3e: {  	[sflag:s17] =	ssyncadd.s32 $0xFFFFFFB0  }
0x3f: {  	[tilespmem:s22], [sflag:$0x1] =	stream.indirect.gather [hbm4b:s4+s21], $0x40, s19, s21, $0xb8;
	[tilespmem:$0xFCA0] =	vst v63  }
0x40: {  	_ =	swait.ge [sflag:s23], $0x1400  }
0x41: {  	[sflag:s23] =	ssyncset.done $0x0  }
0x42: {  	[sflag:s23] =	ssyncadd.s32 $0xFFFFEC00  }
0x43: {  	_ =	swait.ge [sflag:s24], $0x1400  }
0x44: {  	[sflag:s24] =	ssyncset.done $0x0  }
0x45: {  	s29 =	simm.s32 $0x0;
	[sflag:s24] =	ssyncadd.s32 $0xFFFFEC00  }
0x46: {  	v3 =	vld [tilespmem:s29+$0xB4D0]  }
0x47: {  	v5 =	vld [tilespmem:s29+$0xA0D0]  }
0x48: {  	v6 =	vld [tilespmem:s29+$0xB4A0]  }
0x49: {  	v7 =	vld [tilespmem:s29+$0xA0A0]  }
0x4a: {  	v2 =	vld [tilespmem:s29+$0xB4B0]  }
0x4b: {  	v4 =	vld [tilespmem:s29+$0xA0B0]  }
0x4c: {  	v1 =	vld [tilespmem:s29+$0xB4C0];
	v8 =	vmul.f32 v5, v3  }
0x4d: {  	s30 =	simm.s32 $0x40;
	v5 =	vld [tilespmem:s29+$0xA0C0]  }
0x4e: {  	s31 =	simm.s32 $0x200;
	v3 =	vld [tilespmem:s30+$0xB4D0];
	v6 =	vmul.f32 v7, v6;
	[tilespmem:s29+$0xC8D0] =	vst v8  }
.LBB2_5:
0x4f: {  	p0 =	sne.s32 s31, $0x4F00;
	v7 =	vld [tilespmem:s30+$0xA0D0]  }
0x50: {  	v8 =	vld [tilespmem:s30+$0xB4A0];
	[tilespmem:s29+$0xC8A0] =	vst v6;
	v4 =	vmul.f32 v4, v2  }
0x51: {  	v6 =	vld [tilespmem:s30+$0xA0A0]  }
.Ltmp1:
0x52: {  	v2 =	vld [tilespmem:s30+$0xB4B0];
	[tilespmem:s29+$0xC8B0] =	vst v4;
	v5 =	vmul.f32 v5, v1;
	(pc) =	sbr.rel @p0 .LBB2_5-.Ltmp1, $4  }
0x53: {  	v4 =	vld [tilespmem:s30+$0xA0B0]  }
0x54: {  	v1 =	vld [tilespmem:s30+$0xB4C0];
	v7 =	vmul.f32 v7, v3;
	[tilespmem:s29+$0xC8C0] =	vst v5;
	s29 =	smov.u32 s30  }
0x55: {  	s30 =	sshra.s32 s31, $0x2;
	v5 =	vld [tilespmem:s29+$0xA0C0]  }
0x56: {  	s31 =	sadd.s32 $0x100, s31;
	v3 =	vld [tilespmem:s30+$0xB4D0];
	v6 =	vmul.f32 v6, v8;
	[tilespmem:s29+$0xC8D0] =	vst v7  }
0x57: {  	v7 =	vld [tilespmem:s30+$0xA0D0]  }
0x58: {  	v8 =	vld [tilespmem:s30+$0xB4A0];
	[tilespmem:s29+$0xC8A0] =	vst v6;
	v2 =	vmul.f32 v4, v2  }
0x59: {  	v62 =	vld [tilespmem:s30+$0xA0A0]  }
0x5a: {  	v6 =	vld [tilespmem:s30+$0xB4B0];
	[tilespmem:s29+$0xC8B0] =	vst v2;
	v1 =	vmul.f32 v5, v1  }
0x5b: {  	v2 =	vld [tilespmem:s30+$0xA0B0]  }
0x5c: {  	v63 =	vld [tilespmem:s30+$0xB4C0];
	[tilespmem:s29+$0xC8C0] =	vst v1  }
0x5d: {  	v1 =	vld [tilespmem:s30+$0xA0C0];
	_ =	sdelay $0x1  }
0x5e: {  	v3 =	vmul.f32 v7, v3  }
0x5f: {  	v4 =	vmul.f32 v62, v8  }
0x60: {  	[tilespmem:s30+$0xC8D0] =	vst v3;
	v2 =	vmul.f32 v2, v6  }
0x61: {  	s28 =	sadd.s32 $0x1, s28;
	[tilespmem:s30+$0xC8A0] =	vst v4;
	v1 =	vmul.f32 v1, v63  }
0x62: {  	p0 =	sne.s32 s28, $0x7D;
	[tilespmem:s30+$0xC8B0] =	vst v2  }
.Ltmp2:
0x63: {  	[tilespmem:s30+$0xC8C0] =	vst v1;
	(pc) =	sbr.rel @p0 .LBB2_4-.Ltmp2, $4  }
0x64: {  	[spmem:s2] =	stream.indirect.scatter.add.f32 [tilespmem:s25], [sflag:$0x3], $0x40, s20, s21, $0xb8;
	[tilespmem:$0xFCA0] =	vst v63  }
0x65: {  	_ =	swait.ge [sflag:s17], $0x1400  }
0x66: {  	[sflag:s17] =	ssyncset.done $0x0  }
0x67: {  	[sflag:s17] =	ssyncadd.s32 $0xFFFFEC00  }
0x68: {  	s3 =	sadd.s32 $0x1, s3  }
0x69: {  	s26 =	sshll.u32 s1, $0x6;
	[bflag:$0x0] =	sbarrier.arrive $0xFFFF;
	p0 =	sne.s32 s3, s15  }
.Ltmp3:
0x6a: {  	s28 =	sshrl.u32 s8, $0x3;
	s26 =	sor.u32 $0x1C03, s26;
	(pc) =	sbr.rel @p0 .LBB2_1-.Ltmp3, $4  }
0x6b: {  	[hbm:s14], [sflag:s26] =	dma.local [spmem:s28], $0x1400  }
0x6c: {  	_ =	swait.ge [sflag:s17], $0x1400  }
0x6d: {  	[sflag:s17] =	ssyncset.done $0x0  }
0x6e: {  	[sflag:s17] =	ssyncadd.s32 $0xFFFFEC00  }
0x6f: {  	_ =	sfence.sel $0x180000  }
0x70: {  	[bflag:$0x0] =	sbarrier.arrive $0xFFFF  }
0x71: {  	p0 =	sne.s32 s1, $0x0;
	_ =	strace $0x90000050  }
0x72: {  	s0 =	sadd.s32 @!p0 $0x100000, s0;
	[bflag:$0x2] =	sbarrier.arrive $0xFFFF  }
0x73: {  	[sflag:s0] =	ssyncadd.tile.s32 @!p0 $0x1;
	_ =	shalt  }
.Lfunc_end2:
_tile_overlayer_lowered:
.L_overlay_start_2:
0x74: {  	(tag) =	ssettag $0x2  }
0x75: {  	s0 =	rddreg [dreg:$0x0];
	s2 =	stileid.u32  }
0x76: {  	s1 =	rddreg [dreg:$0x1];
	p0 =	sne.s32 s2, $0x0  }
0x77: {  	s3 =	rddreg [dreg:$0x2];
	[bflag:$0x3] =	sbarrier.arrive $0xFFFF;
	s2 =	simm.s32 @!p0 $0x1C03  }
0x78: {  	[timem:s3], [sflag:s2] =	dma.local @!p0 [hbm:s0], s1  }
0x79: {  	s0 =	simm.s32 @!p0 $0x3  }
0x7a: {  	_ =	swait.ge @!p0 [sflag:s0], s1  }
0x7b: {  	s1 =	ssub.s32 @!p0 $0x0, s1;
	[sflag:s0] =	ssyncset.done @!p0 $0x0  }
0x7c: {  	[sflag:s0] =	ssyncadd.s32 @!p0 s1  }
0x7d: {  	[bflag:$0x3] =	sbarrier.arrive $0xFFFF  }
0x7e: {  	_ =	shalt  }

// kernel: kernel.25.cloned.1.call-start
scs
__scs_entry_jumppad:
0x0: {  	(pc) =	sbr.rel $0x88, $3  }
0x1: {  	(tag) =	ssettag $0x0;
	lr =	simm.s32 $0x1  }
0x2: {  	[smem:$0x3F80] =	sst lr;
	_ =	strace $0xD0000000  }
0x3: {  	_ = 	snop  }
0x4: {  	_ = 	snop  }
0x5: {  	_ = 	snop  }
0x6: {  	_ = 	snop  }
0x7: {  	_ = 	snop  }
__scs_overlays_trampoline_lowered:
0x8: {  	[smem:$0x3F8F] =	sst s0  }
0x9: {  	[smem:$0x3F90] =	sst s1  }
0xa: {  	[smem:$0x3F91] =	sst s2  }
0xb: {  	[smem:$0x3F92] =	sst s3  }
0xc: {  	[smem:$0x3F93] =	sst s4  }
0xd: {  	[smem:$0x3F94] =	sst s5  }
0xe: {  	[smem:$0x3F95] =	sst s6  }
0xf: {  	[smem:$0x3F96] =	sst s7  }
0x10: {  	[smem:$0x3F97] =	sst s8  }
0x11: {  	[smem:$0x3F98] =	sst s9;
	s0 =	simm.s32 @!p0 $0x0  }
0x12: {  	s1 =	sld [smem:$0x3F7E];
	s0 =	simm.s32 @p0 $0x1  }
0x13: {  	[smem:$0x3F99] =	sst s0;
	s0 =	simm.s32 @!p1 $0x0  }
0x14: {  	s2 =	sld [smem:$0x3F7D];
	s0 =	simm.s32 @p1 $0x1  }
0x15: {  	[smem:$0x3F9A] =	sst s0;
	s0 =	simm.s32 @!p2 $0x0  }
0x16: {  	s3 =	sld [smem:$0x3FDB];
	s0 =	simm.s32 @p2 $0x1  }
0x17: {  	s4 =	simm.s32 $0x1BF5;
	[smem:$0x3F9C] =	sst s0  }
0x18: {  	s0 =	sld [smem:$0x3F7F];
	_ =	swait.ge [sflag:s4], $0x0  }
0x19: {  	s7 =	sld [smem:$0x3F80]  }
0x1a: {  	s8 =	sadd.s32 $0xFFFFE003, lr  }
0x1b: {  	s9 =	sadd.s32 $0xFFFFFEF7, lr;
	s5 =	simm.s32 $0xFFFFFFFF;
	p2 =	slt.u32 s8, $0xFFFFF086  }
0x1c: {  	p1 =	slt.u32 s9, $0xF7A;
	s5 =	simm.s32 @!p2 $0x0  }
0x1d: {  	s5 =	simm.s32 @p1 $0x1;
	p0 =	seq.s32 s7, s2  }
0x1e: {  	s7 =	smul.u32 @!p0 $0xF7A, s2;
	p2 =	seq.s32 @!p0 s5, $0x0  }
0x1f: {  	s9 =	smul.u32 $0xF7A, s1;
	s8 =	simm.s32 @!p0 $0x1BF5;
	p2 =	por !p2, p0  }
0x20: {  	[sflag:s8] =	ssyncset.s32 @!p0 $0xFFFFF086;
	s6 =	sadd.s32 @!p0 s3, s7;
	s7 =	simm.s32 @!p0 $0x108  }
0x21: {  	s3 =	sadd.s32 s3, s9;
	s6 =	sadd.s32 @!p0 $0x88, s6;
	s7 =	simm.s32 @p2 $0x1082  }
0x22: {  	[simem:s7], [sflag:s8] =	dma.local @!p0 [hbm:s6], $0xF7A  }
0x23: {  	s9 =	sor.u32 $0xD0000000, s2;
	s6 =	simm.s32 $0x108;
	_ =	swait.ge @!p0 [sflag:s8], $0x0  }
0x24: {  	s3 =	sadd.s32 $0x88, s3;
	s6 =	simm.s32 @!p1 $0x1082;
	[sflag:s4] =	ssyncset.s32 $0xFFFFF086  }
0x25: {  	[simem:s6], [sflag:s4] =	dma.local [hbm:s3], $0xF7A  }
0x26: {  	[smem:$0x3F80] =	sst s1;
	(tag) =	ssettag s2;
	_ =	strace s9  }
0x27: {  	s1 =	sld [smem:$0x3F90]  }
0x28: {  	s2 =	sld [smem:$0x3F91]  }
0x29: {  	s4 =	sld [smem:$0x3F93]  }
0x2a: {  	p0 =	seq.s32 s5, $0x0;
	s5 =	sld [smem:$0x3F94]  }
0x2b: {  	s6 =	sld [smem:$0x3F95]  }
0x2c: {  	s7 =	sld [smem:$0x3F96]  }
0x2d: {  	s3 =	simm.s32 $0x108;
	s8 =	sld [smem:$0x3F97]  }
0x2e: {  	s3 =	simm.s32 @!p0 $0x1082;
	s9 =	sld [smem:$0x3F98]  }
0x2f: {  	lr =	sadd.s32 s0, s3;
	s0 =	sld [smem:$0x3F8F]  }
0x30: {  	s3 =	sld [smem:$0x3F92]  }
0x31: {  	[smem:$0x3F9B] =	sst s10  }
0x32: {  	s10 =	sld [smem:$0x3F99];
	_ =	sdelay $0x3  }
0x33: {  	p0 =	seq.s32 s10, $0x1;
	s10 =	sld [smem:$0x3F9B];
	_ =	sdelay $0x3  }
0x34: {  	[smem:$0x3F9B] =	sst s10  }
0x35: {  	s10 =	sld [smem:$0x3F9A];
	_ =	sdelay $0x3  }
0x36: {  	p1 =	seq.s32 s10, $0x1;
	s10 =	sld [smem:$0x3F9B];
	_ =	sdelay $0x3  }
0x37: {  	[smem:$0x3F9B] =	sst s10  }
0x38: {  	s10 =	sld [smem:$0x3F9C]  }
0x39: {  	_ = 	snop;
	(pc) =	sbr.ind lr, $3  }
0x3a: {  	_ = 	snop  }
0x3b: {  	_ = 	snop  }
0x3c: {  	p2 =	seq.s32 s10, $0x1;
	s10 =	sld [smem:$0x3F9B]  }
0x3d: {  	_ =	shalt  }
0x3e: {  	_ =	shalt  }
0x3f: {  	_ =	shalt  }
0x40: {  	_ =	shalt  }
0x41: {  	_ =	shalt  }
0x42: {  	_ =	shalt  }
0x43: {  	_ =	shalt  }
0x44: {  	_ =	shalt  }
0x45: {  	_ =	shalt  }
0x46: {  	_ =	shalt  }
0x47: {  	_ =	shalt  }
0x48: {  	_ =	shalt  }
0x49: {  	_ =	shalt  }
0x4a: {  	_ =	shalt  }
0x4b: {  	_ =	shalt  }
0x4c: {  	_ =	shalt  }
0x4d: {  	_ =	shalt  }
0x4e: {  	_ =	shalt  }
0x4f: {  	_ =	shalt  }
0x50: {  	_ =	shalt  }
0x51: {  	_ =	shalt  }
0x52: {  	_ =	shalt  }
0x53: {  	_ =	shalt  }
0x54: {  	_ =	shalt  }
0x55: {  	_ =	shalt  }
0x56: {  	_ =	shalt  }
0x57: {  	_ =	shalt  }
0x58: {  	_ =	shalt  }
0x59: {  	_ =	shalt  }
0x5a: {  	_ =	shalt  }
0x5b: {  	_ =	shalt  }
0x5c: {  	_ =	shalt  }
0x5d: {  	_ =	shalt  }
0x5e: {  	_ =	shalt  }
0x5f: {  	_ =	shalt  }
0x60: {  	_ =	shalt  }
0x61: {  	_ =	shalt  }
0x62: {  	_ =	shalt  }
0x63: {  	_ =	shalt  }
0x64: {  	_ =	shalt  }
0x65: {  	_ =	shalt  }
0x66: {  	_ =	shalt  }
0x67: {  	_ =	shalt  }
0x68: {  	_ =	shalt  }
0x69: {  	_ =	shalt  }
0x6a: {  	_ =	shalt  }
0x6b: {  	_ =	shalt  }
0x6c: {  	_ =	shalt  }
0x6d: {  	_ =	shalt  }
0x6e: {  	_ =	shalt  }
0x6f: {  	_ =	shalt  }
0x70: {  	_ =	shalt  }
0x71: {  	_ =	shalt  }
0x72: {  	_ =	shalt  }
0x73: {  	_ =	shalt  }
0x74: {  	_ =	shalt  }
0x75: {  	_ =	shalt  }
0x76: {  	_ =	shalt  }
0x77: {  	_ =	shalt  }
0x78: {  	_ =	shalt  }
0x79: {  	_ =	shalt  }
0x7a: {  	_ =	shalt  }
0x7b: {  	_ =	shalt  }
0x7c: {  	_ =	shalt  }
0x7d: {  	_ =	shalt  }
0x7e: {  	_ =	shalt  }
0x7f: {  	_ =	shalt  }
0x80: {  	_ =	shalt  }
0x81: {  	_ =	shalt  }
0x82: {  	_ =	shalt  }
0x83: {  	_ =	shalt  }
0x84: {  	_ =	shalt  }
0x85: {  	_ =	shalt  }
0x86: {  	_ =	shalt  }
0x87: {  	_ =	shalt  }
.Lfunc_end0:
.L_simem_size_0:
called_computation.4_lowered:
.L_overlay_start_0:
0x88: {  	s2 =	sld [smem:$0x3FD9]  }
0x89: {  	s3 =	sld [smem:$0x3FFE];
	_ =	sdelay $0x1  }
0x8a: {  	s1 =	srdreg.scid  }
0x8b: {  	s0 =	sand.u32 $0x1, s1  }
0x8c: {  	s17 =	sshll.u32 s0, $0xA;
	s2 =	sadd.s32 s3, s2  }
0x8d: {  	s2 =	sadd.s32 s2, s17  }
0x8e: {  	[smem:$0x3FA7] =	sst s2  }
0x8f: {  	_ = 	snop  }
0x90: {  	(tm) =	ssettm $0x1  }
0x91: {  	s18 =	sld [smem:$0x3FFB];
	_ =	sdelay $0x3  }
0x92: {  	_ =	strace s18  }
0x93: {  	s2 =	sld [smem:$0x3FFC];
	_ =	sdelay $0x3  }
0x94: {  	_ =	strace s2  }
0x95: {  	s2 =	sld [smem:$0x3FFD];
	_ =	sdelay $0x3  }
0x96: {  	_ =	strace s2  }
0x97: {  	_ =	strace $0x8FFFFFFF  }
0x98: {  	s19 =	sld [smem:$0x3FDB];
	_ =	sdelay $0x1  }
0x99: {  	s20 =	simm.s32 $_scs_section_size  }
0x9a: {  	s4 =	simm.s32 $_size__tile_overlayer_lowered;
	s5 =	simm.s32 $_tile_overlayer_lowered  }
0x9b: {  	s6 =	simm.s32 $0x1BFF;
	s21 =	sshll.u32 s5, $0x1;
	s3 =	sadd.s32 s20, s19  }
0x9c: {  	s22 =	simm.s32 $0x0;
	s4 =	sshll.u32 s4, $0x1;
	s5 =	sadd.s32 s21, s3  }
0x9d: {  	[timem:s22], [sflag:s6] =	dma.local [hbm:s5], s4  }
0x9e: {  	_ =	swait.ge [sflag:s6], s4  }
0x9f: {  	s4 =	ssub.s32 $0x0, s4;
	[sflag:s6] =	ssyncset.done $0x0  }
0xa0: {  	[sflag:s6] =	ssyncadd.s32 s4;
	_ =	sdelay $0x1  }
0xa1: {  	s23 =	simm.s32 $0x1B8B  }
0xa2: {  	_ =	swait.ge [sflag:s23], $0x1  }
0xa3: {  	[sflag:s23] =	ssyncset.done $0x0  }
0xa4: {  	[sflag:s23] =	ssyncadd.s32 $0xFFFFFFFF  }
0xa5: {  	s4 =	sld [smem:$0x0]  }
0xa6: {  	s5 =	sand.u32 $0xFFFFFFFE, s1  }
0xa7: {  	p0 =	sne.s32 s1, s5  }
0xa8: {  	s5 =	sshll.u32 @p0 s5, $0xE  }
0xa9: {  	s5 =	sadd.s32 @p0 $0x11B8D, s5;
	s6 =	sshll.u32 @p0 s4, $0x11  }
0xaa: {  	s5 =	sor.u32 @p0 s6, s5  }
0xab: {  	[sflag:s5] =	ssyncadd.remote.s32 @p0 $0x1;
	_ =	sdelay $0x1  }
0xac: {  	s5 =	simm.s32 @p0 $0x1B8D  }
0xad: {  	_ =	swait.eq @p0 [sflag:s5], $0x1  }
0xae: {  	[sflag:s5] =	ssyncadd.s32 @p0 $0xFFFFFFFF  }
0xaf: {  	s6 =	sshll.u32 @!p0 s1, $0xE  }
0xb0: {  	s6 =	sor.u32 @!p0 $0x4000, s6;
	s5 =	simm.s32 @!p0 $0x1B8D  }
0xb1: {  	s4 =	sshll.u32 @!p0 s4, $0x11;
	s6 =	sadd.s32 @!p0 $0x11B8D, s6;
	_ =	swait.eq @!p0 [sflag:s5], $0x1  }
0xb2: {  	s4 =	sor.u32 @!p0 s4, s6;
	[sflag:s5] =	ssyncadd.s32 @!p0 $0xFFFFFFFF  }
0xb3: {  	s25 =	simm.s32 $0x1B8E;
	s24 =	sld [smem:$0x3FFE];
	[sflag:s4] =	ssyncadd.remote.s32 @!p0 $0x1  }
0xb4: {  	s26 =	simm.s32 $execute0_lowered;
	[smem:$0x3FD2] =	sst s25  }
0xb5: {  	s5 =	sshll.u32 s26, $0x1;
	_ =	strace $0x80000052;
	[dreg:$0x1] =	wrdreg $0xFFFFFFFF  }
0xb6: {  	s28 =	simm.s32 $_size_execute0_lowered;
	s3 =	sadd.s32 s3, s5;
	[dreg:$0x0] =	wrdreg $0x0  }
0xb7: {  	s5 =	sshll.u32 s28, $0x1;
	[dreg:$0x2] =	wrdreg s3  }
0xb8: {  	[dreg:$0x3] =	wrdreg s5  }
0xb9: {  	[dreg:$0x4] =	wrdreg $0xC0  }
0xba: {  	_ =	task [dreg:s22], $0x5FFFF  }
0xbb: {  	[dreg:$0x1] =	wrdreg $0xFFFFFFFF  }
0xbc: {  	[dreg:$0x0] =	wrdreg $0x60  }
0xbd: {  	[dreg:$0x2] =	wrdreg s24  }
0xbe: {  	[dreg:$0x3] =	wrdreg $0x0  }
0xbf: {  	[dreg:$0x4] =	wrdreg $0xA  }
0xc0: {  	_ =	task.clear_ibuf [dreg:s22], $0x5FFFF;
	_ =	strace $0x90000052  }
0xc1: {  	s29 =	simm.s32 $0xA;
	_ =	strace $0x80000054  }
0xc2: {  	_ =	swait.ge [sflag:s29], $0x1  }
0xc3: {  	[sflag:s29] =	ssyncadd.s32 $0xFFFFFFFF  }
0xc4: {  	_ =	strace $0x90000054  }
0xc5: {  	_ =	sfence  }
0xc6: {  	s30 =	sld [smem:$0x0];
	_ =	sdelay $0x2  }
0xc7: {  	s31 =	sshll.u32 s1, $0xD;
	s1 =	sshrl.u32 s1, $0x2  }
0xc8: {  	s4 =	sand.u32 $0x4000, s31;
	s1 =	sadd.s32 s1, s30  }
0xc9: {  	s0 =	sor.u32 s4, s0;
	s1 =	sshll.u32 s1, $0x11  }
0xca: {  	s0 =	sor.u32 s1, s0  }
0xcb: {  	s0 =	sadd.s32 $0x8F2B, s0  }
0xcc: {  	[sflag:s0] =	ssyncadd.remote.s32 $0x1  }
0xcd: {  	_ =	sfence.sel $0xFFFF  }
0xce: {  	[dreg:$0x0] =	wrdreg $0xFFFFFFFF;
	(pc) =	sbr.abs _section_cstart, $3  }
0xcf: {  	[dreg:$0x1] =	wrdreg $0xFFFFFFFF  }
0xd0: {  	_ =	task.clear_ibuf [dreg:s22], $0x2FFFF;
	_ =	strace $0x9FFFFFFF  }
0xd1: {  	(tm) =	ssettm $0x7FFFFFFF  }
tec
execute0_lowered:
.L_overlay_start_1:
0x0: {  	(tag) =	ssettag $0x1  }
0x1: {  	s0 =	rddreg [dreg:$0x0]  }
0x2: {  	s2 =	rddreg [dreg:$0x1]  }
0x3: {  	s4 =	srdreg.scid;
	s1 =	stileid.u32;
	s3 =	simm.s32 $0x0  }
0x4: {  	s16 =	simm.s32 $0x14FA0;
	s17 =	simm.s32 $0x3;
	s18 =	simm.s32 $0x118A0  }
0x5: {  	s19 =	simm.s32 $0xF000;
	s20 =	simm.s32 $0xF050;
	s21 =	simm.s32 $0x50  }
0x6: {  	s22 =	simm.s32 $0xF0A0;
	s23 =	simm.s32 $0x1;
	s24 =	simm.s32 $0x2  }
0x7: {  	s25 =	simm.s32 $0x131A0;
	s26 =	simm.s32 $0x0;
	s8 =	sand.u32 $0x1, s4  }
0x8: {  	s9 =	smul.u32 $0xF000, s1;
	[smem:$0x7FF] =	sst s3;
	s4 =	sadd.s32 $0x20E00, s0  }
0x9: {  	s5 =	sadd.s32 $0xD1C00, s0;
	s6 =	sadd.s32 $0x17000, s0;
	s12 =	smul.u32 $0x3C000, s1  }
0xa: {  	s7 =	smul.u32 $0xF0000, s8;
	_ =	strace $0x80000053;
	s11 =	ssub.s32 $0x2, s8  }
0xb: {  	s8 =	sshll.u32 s8, $0x4;
	s30 =	sshrl.u32 s11, $0x1;
	s31 =	sshrl.u32 s12, $0x2  }
0xc: {  	s13 =	sor.u32 s1, s8;
	s8 =	sadd.s32 s9, s2;
	s7 =	sadd.s32 s9, s7  }
0xd: {  	s15 =	ssub.s32 s11, s30;
	s12 =	sadd.s32 s31, s2;
	s13 =	smul.u32 $0x2710, s13  }
0xe: {  	s10 =	sshrl.u32 s7, $0x3;
	s7 =	sadd.s32 $0xD200, s0;
	s9 =	sadd.s32 $0x3000, s12  }
0xf: {  	s11 =	sadd.s32 $0x9000, s12;
	s15 =	smax.u32 s15, $0x1;
	s0 =	sadd.s32 s10, s0  }
0x10: {  	v0 =	vimm.f32 $0.0e+00;
	s10 =	sadd.s32 $0x6000, s12;
	s12 =	sadd.s32 $0xC000, s12;
	s14 =	sadd.s32 $0x3DF000, s0  }
.LBB2_1:
0x11: {  	s0 =	simm.s32 $0x0  }
0x12: {  	[tilespmem:s0+$0x14FF0] =	vst v0  }
0x13: {  	[tilespmem:s0+$0x14FA0] =	vst v0  }
0x14: {  	[tilespmem:s0+$0x14FB0] =	vst v0  }
0x15: {  	[tilespmem:s0+$0x14FC0] =	vst v0  }
0x16: {  	s28 =	simm.s32 $0x180;
	[tilespmem:s0+$0x14FD0] =	vst v0  }
.LBB2_2:
0x17: {  	p0 =	sne.s32 s28, $0xBE80;
	[tilespmem:s0+$0x14FE0] =	vst v0;
	s0 =	sshra.s32 s28, $0x2;
	s28 =	sadd.s32 $0x180, s28  }
.Ltmp0:
0x18: {  	[tilespmem:s0+$0x14FF0] =	vst v0;
	(pc) =	sbr.rel @p0 .LBB2_2-.Ltmp0, $4  }
0x19: {  	[tilespmem:s0+$0x14FA0] =	vst v0  }
0x1a: {  	[tilespmem:s0+$0x14FB0] =	vst v0  }
0x1b: {  	[tilespmem:s0+$0x14FC0] =	vst v0  }
0x1c: {  	[tilespmem:s0+$0x14FD0] =	vst v0  }
0x1d: {  	[tilespmem:s0+$0x14FE0] =	vst v0  }
0x1e: {  	[spmem:s8] =	stream.linear.scatter [tilespmem:s16], [sflag:$0x3], $0x3000, $0x38;
	[tilespmem:$0x17FA0] =	vst v63  }
0x1f: {  	_ =	swait.ge [sflag:s17], $0x3000  }
0x20: {  	[sflag:s17] =	ssyncset.done $0x0  }
0x21: {  	[sflag:s17] =	ssyncadd.s32 $0xFFFFD000  }
0x22: {  	[spmem:s9] =	stream.linear.scatter [tilespmem:s16], [sflag:$0x3], $0x3000, $0x38;
	[tilespmem:$0x17FA0] =	vst v63  }
0x23: {  	_ =	swait.ge [sflag:s17], $0x3000  }
0x24: {  	[sflag:s17] =	ssyncset.done $0x0  }
0x25: {  	[sflag:s17] =	ssyncadd.s32 $0xFFFFD000  }
0x26: {  	[spmem:s10] =	stream.linear.scatter [tilespmem:s16], [sflag:$0x3], $0x3000, $0x38;
	[tilespmem:$0x17FA0] =	vst v63  }
0x27: {  	_ =	swait.ge [sflag:s17], $0x3000  }
0x28: {  	[sflag:s17] =	ssyncset.done $0x0  }
0x29: {  	[sflag:s17] =	ssyncadd.s32 $0xFFFFD000  }
0x2a: {  	[spmem:s11] =	stream.linear.scatter [tilespmem:s16], [sflag:$0x3], $0x3000, $0x38;
	[tilespmem:$0x17FA0] =	vst v63  }
0x2b: {  	_ =	swait.ge [sflag:s17], $0x3000  }
0x2c: {  	[sflag:s17] =	ssyncset.done $0x0  }
0x2d: {  	[sflag:s17] =	ssyncadd.s32 $0xFFFFD000  }
0x2e: {  	[spmem:s12] =	stream.linear.scatter [tilespmem:s16], [sflag:$0x3], $0x3000, $0x38;
	[tilespmem:$0x17FA0] =	vst v63  }
0x2f: {  	_ =	swait.ge [sflag:s17], $0x3000  }
0x30: {  	[sflag:s17] =	ssyncset.done $0x0  }
0x31: {  	[sflag:s17] =	ssyncadd.s32 $0xFFFFD000  }
0x32: {  	s28 =	simm.s32 $0x0;
	[bflag:$0x0] =	sbarrier.arrive $0xFFFF  }
.LBB2_4:
0x33: {  	s0 =	smul.u32 $0x50, s28;
	_ =	sdelay $0x1  }
0x34: {  	s0 =	sadd.s32 s13, s0  }
0x35: {  	s29 =	smul.u32 $0xA, s0;
	_ =	sdelay $0x1  }
0x36: {  	s0 =	sshrl.u32 s0, $0x3;
	s29 =	sadd.s32 s5, s29  }
0x37: {  	[tilespmem:s18], [sflag:$0x2] =	stream.linear.gather [hbm4b:s29+s3], $0x1900, $0x38;
	[tilespmem:$0x17FA0] =	vst v63  }
0x38: {  	s29 =	sadd.s32 s6, s0  }
0x39: {  	[tilespmem:s19], [sflag:$0x3] =	stream.linear.gather [hbm4b:s29+s3], $0x50, $0x38;
	[tilespmem:$0x17FA0] =	vst v63  }
0x3a: {  	_ =	swait.ge [sflag:s17], $0x50  }
0x3b: {  	[sflag:s17] =	ssyncset.done $0x0  }
0x3c: {  	s0 =	sadd.s32 s7, s0;
	[sflag:s17] =	ssyncadd.s32 $0xFFFFFFB0  }
0x3d: {  	[tilespmem:s20], [sflag:$0x3] =	stream.linear.gather [hbm4b:s0+s3], $0x50, $0x38;
	[tilespmem:$0x17FA0] =	vst v63  }
0x3e: {  	_ =	swait.ge [sflag:s17], $0x50  }
0x3f: {  	[sflag:s17] =	ssyncset.done $0x0  }
0x40: {  	[sflag:s17] =	ssyncadd.s32 $0xFFFFFFB0  }
0x41: {  	[tilespmem:s22], [sflag:$0x1] =	stream.indirect.gather [hbm4b:s4+s21], $0x80, s19, s21, $0xb8;
	[tilespmem:$0x17FA0] =	vst v63  }
0x42: {  	_ =	swait.ge [sflag:s23], $0x2800  }
0x43: {  	[sflag:s23] =	ssyncset.done $0x0  }
0x44: {  	[sflag:s23] =	ssyncadd.s32 $0xFFFFD800  }
0x45: {  	_ =	swait.ge [sflag:s24], $0x1900  }
0x46: {  	[sflag:s24] =	ssyncset.done $0x0  }
0x47: {  	s29 =	simm.s32 $0xF0E0;
	[sflag:s24] =	ssyncadd.s32 $0xFFFFE700  }
0x48: {  	v2 =	vld [tilespmem:s29+$0xFFFFFFF0]  }
0x49: {  	v3 =	vld [tilespmem:s29+$0xFFFFFFE0]  }
0x4a: {  	v4 =	vld [tilespmem:s29+$0xFFFFFFD0]  }
0x4b: {  	s1 =	simm.s32 $0x40;
	v5 =	vld [tilespmem:s29+$0xFFFFFFC0]  }
0x4c: {  	v6 =	vld [tilespmem:s1+$0x118A0]  }
0x4d: {  	v7 =	vld [tilespmem:s1+$0x11860]  }
0x4e: {  	v8 =	vld [tilespmem:s1+$0x11870]  }
0x4f: {  	v9 =	vld [tilespmem:s1+$0x11880]  }
0x50: {  	v1 =	vld [tilespmem:s1+$0x11890];
	_ =	sdelay $0x1  }
0x51: {  	v10 =	vbroadcast v6, $0x0;
	v5 =	vmul.f32 v5, v7  }
0x52: {  	v4 =	vmul.f32 v4, v8  }
0x53: {  	v3 =	vmul.f32 v3, v9;
	v7 =	vmul.f32 v10, v5  }
0x54: {  	v2 =	vmul.f32 v2, v1;
	v8 =	vmul.f32 v10, v4  }
0x55: {  	v3 =	vadd.f32 v3, v7  }
0x56: {  	s30 =	simm.s32 $0x131D0;
	v2 =	vadd.f32 v2, v8  }
0x57: {  	[tilespmem:s30+$0xFFFFFFD0] =	vst v3  }
0x58: {  	[tilespmem:s30+$0xFFFFFFE0] =	vst v2  }
0x59: {  	v2 =	vld [tilespmem:s29+$0x0]  }
0x5a: {  	v3 =	vld [tilespmem:s29+$0x10];
	_ =	sdelay $0x1  }
0x5b: {  	v7 =	vbroadcast v6, $0x1;
	_ =	sdelay $0x1  }
0x5c: {  	v63 =	vmul.f32 v7, v5;
	v2 =	vmul.f32 v2, v9  }
0x5d: {  	v7 =	vmul.f32 v7, v4;
	v3 =	vmul.f32 v3, v1  }
0x5e: {  	v2 =	vadd.f32 v2, v63  }
0x5f: {  	v3 =	vadd.f32 v3, v7  }
0x60: {  	[tilespmem:s30+$0xFFFFFFF0] =	vst v2  }
0x61: {  	[tilespmem:s30+$0x0] =	vst v3  }
0x62: {  	v7 =	vld [tilespmem:s29+$0x20]  }
0x63: {  	v3 =	vld [tilespmem:s29+$0x30]  }
0x64: {  	v6 =	vbroadcast v6, $0x2;
	_ =	sdelay $0x1  }
0x65: {  	v2 =	vmul.f32 v6, v4  }
0x66: {  	s31 =	simm.s32 $0x131D0;
	s0 =	simm.s32 $0x240;
	v4 =	vmul.f32 v6, v5;
	v5 =	vmul.f32 v7, v9  }
.LBB2_5:
0x67: {  	p0 =	sne.s32 s0, $0x63C0;
	v1 =	vmul.f32 v3, v1;
	s30 =	sadd.s32 $0x60, s30;
	s29 =	sadd.s32 $0x80, s29  }
0x68: {  	s1 =	smov.u32 s0;
	s0 =	sadd.s32 $0x140, s0;
	v3 =	vadd.f32 v5, v4  }
0x69: {  	v1 =	vadd.f32 v1, v2  }
0x6a: {  	[tilespmem:s31+$0x10] =	vst v3  }
0x6b: {  	[tilespmem:s31+$0x20] =	vst v1;
	s31 =	smov.u32 s30  }
0x6c: {  	v2 =	vld [tilespmem:s29+$0xFFFFFFF0]  }
0x6d: {  	v3 =	vld [tilespmem:s29+$0xFFFFFFE0]  }
0x6e: {  	v4 =	vld [tilespmem:s29+$0xFFFFFFD0]  }
0x6f: {  	s1 =	sshra.s32 s1, $0x2;
	v5 =	vld [tilespmem:s29+$0xFFFFFFC0]  }
0x70: {  	v6 =	vld [tilespmem:s1+$0x118A0]  }
0x71: {  	v7 =	vld [tilespmem:s1+$0x11860]  }
0x72: {  	v8 =	vld [tilespmem:s1+$0x11870]  }
0x73: {  	v9 =	vld [tilespmem:s1+$0x11880]  }
0x74: {  	v1 =	vld [tilespmem:s1+$0x11890]  }
0x75: {  	v10 =	vbroadcast v6, $0x0  }
0x76: {  	v5 =	vmul.f32 v5, v7  }
0x77: {  	v7 =	vbroadcast v6, $0x2;
	v4 =	vmul.f32 v4, v8  }
0x78: {  	v8 =	vmul.f32 v10, v5;
	v3 =	vmul.f32 v3, v9  }
0x79: {  	v10 =	vmul.f32 v10, v4;
	v11 =	vmul.f32 v2, v1  }
0x7a: {  	v2 =	vmul.f32 v7, v4;
	v3 =	vadd.f32 v3, v8  }
0x7b: {  	v8 =	vadd.f32 v11, v10  }
0x7c: {  	[tilespmem:s30+$0xFFFFFFD0] =	vst v3  }
0x7d: {  	[tilespmem:s30+$0xFFFFFFE0] =	vst v8  }
0x7e: {  	v3 =	vld [tilespmem:s29+$0x0]  }
0x7f: {  	v8 =	vld [tilespmem:s29+$0x10];
	_ =	sdelay $0x1  }
0x80: {  	v6 =	vbroadcast v6, $0x1;
	_ =	sdelay $0x1  }
0x81: {  	v10 =	vmul.f32 v6, v5;
	v3 =	vmul.f32 v3, v9  }
0x82: {  	v4 =	vmul.f32 v6, v4;
	v6 =	vmul.f32 v8, v1  }
0x83: {  	v3 =	vadd.f32 v3, v10  }
0x84: {  	v4 =	vadd.f32 v6, v4  }
0x85: {  	[tilespmem:s30+$0xFFFFFFF0] =	vst v3  }
0x86: {  	[tilespmem:s30+$0x0] =	vst v4  }
0x87: {  	v6 =	vld [tilespmem:s29+$0x20]  }
.Ltmp1:
0x88: {  	v3 =	vld [tilespmem:s29+$0x30];
	(pc) =	sbr.rel @p0 .LBB2_5-.Ltmp1, $2  }
0x89: {  	_ =	sdelay $0x2  }
0x8a: {  	v4 =	vmul.f32 v7, v5;
	v5 =	vmul.f32 v6, v9  }
0x8b: {  	v1 =	vmul.f32 v3, v1  }
0x8c: {  	v3 =	vadd.f32 v5, v4  }
0x8d: {  	s28 =	sadd.s32 $0x1, s28;
	v1 =	vadd.f32 v1, v2  }
0x8e: {  	p0 =	sne.s32 s28, $0x7D;
	[tilespmem:s31+$0x10] =	vst v3  }
.Ltmp2:
0x8f: {  	[tilespmem:s31+$0x20] =	vst v1;
	(pc) =	sbr.rel @p0 .LBB2_4-.Ltmp2, $4  }
0x90: {  	[spmem:s2] =	stream.indirect.scatter.add.f32 [tilespmem:s25], [sflag:$0x3], $0x60, s20, s21, $0xb8;
	[tilespmem:$0x17FA0] =	vst v63  }
0x91: {  	_ =	swait.ge [sflag:s17], $0x1E00  }
0x92: {  	[sflag:s17] =	ssyncset.done $0x0  }
0x93: {  	[sflag:s17] =	ssyncadd.s32 $0xFFFFE200  }
0x94: {  	s0 =	stileid.u32;
	s26 =	sadd.s32 $0x1, s26  }
0x95: {  	[bflag:$0x0] =	sbarrier.arrive $0xFFFF;
	s0 =	sshll.u32 s0, $0x6;
	p0 =	sne.s32 s26, s15  }
.Ltmp3:
0x96: {  	s1 =	sshrl.u32 s8, $0x3;
	s0 =	sor.u32 $0x1C03, s0;
	(pc) =	sbr.rel @p0 .LBB2_1-.Ltmp3, $4  }
0x97: {  	[hbm:s14], [sflag:s0] =	dma.local [spmem:s1], $0x1E00  }
0x98: {  	_ =	swait.ge [sflag:s17], $0x1E00  }
0x99: {  	[sflag:s17] =	ssyncset.done $0x0  }
0x9a: {  	[sflag:s17] =	ssyncadd.s32 $0xFFFFE200  }
0x9b: {  	_ =	sfence.sel $0x180000  }
0x9c: {  	[bflag:$0x0] =	sbarrier.arrive $0xFFFF  }
0x9d: {  	_ =	strace $0x90000053  }
0x9e: {  	s0 =	stileid.u32;
	[bflag:$0x2] =	sbarrier.arrive $0xFFFF  }
0x9f: {  	p0 =	sne.s32 s0, $0x0;
	s0 =	rddreg [dreg:$0x2]  }
0xa0: {  	s0 =	sadd.s32 @!p0 $0x100000, s0  }
0xa1: {  	[sflag:s0] =	ssyncadd.tile.s32 @!p0 $0x1;
	_ =	shalt  }
.Lfunc_end2:
_tile_overlayer_lowered:
.L_overlay_start_2:
0xa2: {  	(tag) =	ssettag $0x2  }
0xa3: {  	s0 =	rddreg [dreg:$0x0];
	s2 =	stileid.u32  }
0xa4: {  	s1 =	rddreg [dreg:$0x1];
	p0 =	sne.s32 s2, $0x0  }
0xa5: {  	s3 =	rddreg [dreg:$0x2];
	[bflag:$0x3] =	sbarrier.arrive $0xFFFF;
	s2 =	simm.s32 @!p0 $0x1C03  }
0xa6: {  	[timem:s3], [sflag:s2] =	dma.local @!p0 [hbm:s0], s1  }
0xa7: {  	s0 =	simm.s32 @!p0 $0x3  }
0xa8: {  	_ =	swait.ge @!p0 [sflag:s0], s1  }
0xa9: {  	s1 =	ssub.s32 @!p0 $0x0, s1;
	[sflag:s0] =	ssyncset.done @!p0 $0x0  }
0xaa: {  	[sflag:s0] =	ssyncadd.s32 @!p0 s1  }
0xab: {  	[bflag:$0x3] =	sbarrier.arrive $0xFFFF  }
0xac: {  	_ =	shalt  }

// kernel: kernel.28.cloned.1.call-start
scs
__scs_entry_jumppad:
0x0: {  	(pc) =	sbr.rel $0x88, $3  }
0x1: {  	(tag) =	ssettag $0x0;
	lr =	simm.s32 $0x1  }
0x2: {  	[smem:$0x3F80] =	sst lr;
	_ =	strace $0xD0000000  }
0x3: {  	_ = 	snop  }
0x4: {  	_ = 	snop  }
0x5: {  	_ = 	snop  }
0x6: {  	_ = 	snop  }
0x7: {  	_ = 	snop  }
__scs_overlays_trampoline_lowered:
0x8: {  	[smem:$0x3F8F] =	sst s0  }
0x9: {  	[smem:$0x3F90] =	sst s1  }
0xa: {  	[smem:$0x3F91] =	sst s2  }
0xb: {  	[smem:$0x3F92] =	sst s3  }
0xc: {  	[smem:$0x3F93] =	sst s4  }
0xd: {  	[smem:$0x3F94] =	sst s5  }
0xe: {  	[smem:$0x3F95] =	sst s6  }
0xf: {  	[smem:$0x3F96] =	sst s7  }
0x10: {  	[smem:$0x3F97] =	sst s8  }
0x11: {  	[smem:$0x3F98] =	sst s9;
	s0 =	simm.s32 @!p0 $0x0  }
0x12: {  	s1 =	sld [smem:$0x3F7E];
	s0 =	simm.s32 @p0 $0x1  }
0x13: {  	[smem:$0x3F99] =	sst s0;
	s0 =	simm.s32 @!p1 $0x0  }
0x14: {  	s2 =	sld [smem:$0x3F7D];
	s0 =	simm.s32 @p1 $0x1  }
0x15: {  	[smem:$0x3F9A] =	sst s0;
	s0 =	simm.s32 @!p2 $0x0  }
0x16: {  	s3 =	sld [smem:$0x3FDB];
	s0 =	simm.s32 @p2 $0x1  }
0x17: {  	s4 =	simm.s32 $0x1BF5;
	[smem:$0x3F9C] =	sst s0  }
0x18: {  	s0 =	sld [smem:$0x3F7F];
	_ =	swait.ge [sflag:s4], $0x0  }
0x19: {  	s7 =	sld [smem:$0x3F80]  }
0x1a: {  	s8 =	sadd.s32 $0xFFFFE003, lr  }
0x1b: {  	s9 =	sadd.s32 $0xFFFFFEF7, lr;
	s5 =	simm.s32 $0xFFFFFFFF;
	p2 =	slt.u32 s8, $0xFFFFF086  }
0x1c: {  	p1 =	slt.u32 s9, $0xF7A;
	s5 =	simm.s32 @!p2 $0x0  }
0x1d: {  	s5 =	simm.s32 @p1 $0x1;
	p0 =	seq.s32 s7, s2  }
0x1e: {  	s7 =	smul.u32 @!p0 $0xF7A, s2;
	p2 =	seq.s32 @!p0 s5, $0x0  }
0x1f: {  	s9 =	smul.u32 $0xF7A, s1;
	s8 =	simm.s32 @!p0 $0x1BF5;
	p2 =	por !p2, p0  }
0x20: {  	[sflag:s8] =	ssyncset.s32 @!p0 $0xFFFFF086;
	s6 =	sadd.s32 @!p0 s3, s7;
	s7 =	simm.s32 @!p0 $0x108  }
0x21: {  	s3 =	sadd.s32 s3, s9;
	s6 =	sadd.s32 @!p0 $0x88, s6;
	s7 =	simm.s32 @p2 $0x1082  }
0x22: {  	[simem:s7], [sflag:s8] =	dma.local @!p0 [hbm:s6], $0xF7A  }
0x23: {  	s9 =	sor.u32 $0xD0000000, s2;
	s6 =	simm.s32 $0x108;
	_ =	swait.ge @!p0 [sflag:s8], $0x0  }
0x24: {  	s3 =	sadd.s32 $0x88, s3;
	s6 =	simm.s32 @!p1 $0x1082;
	[sflag:s4] =	ssyncset.s32 $0xFFFFF086  }
0x25: {  	[simem:s6], [sflag:s4] =	dma.local [hbm:s3], $0xF7A  }
0x26: {  	[smem:$0x3F80] =	sst s1;
	(tag) =	ssettag s2;
	_ =	strace s9  }
0x27: {  	s1 =	sld [smem:$0x3F90]  }
0x28: {  	s2 =	sld [smem:$0x3F91]  }
0x29: {  	s4 =	sld [smem:$0x3F93]  }
0x2a: {  	p0 =	seq.s32 s5, $0x0;
	s5 =	sld [smem:$0x3F94]  }
0x2b: {  	s6 =	sld [smem:$0x3F95]  }
0x2c: {  	s7 =	sld [smem:$0x3F96]  }
0x2d: {  	s3 =	simm.s32 $0x108;
	s8 =	sld [smem:$0x3F97]  }
0x2e: {  	s3 =	simm.s32 @!p0 $0x1082;
	s9 =	sld [smem:$0x3F98]  }
0x2f: {  	lr =	sadd.s32 s0, s3;
	s0 =	sld [smem:$0x3F8F]  }
0x30: {  	s3 =	sld [smem:$0x3F92]  }
0x31: {  	[smem:$0x3F9B] =	sst s10  }
0x32: {  	s10 =	sld [smem:$0x3F99];
	_ =	sdelay $0x3  }
0x33: {  	p0 =	seq.s32 s10, $0x1;
	s10 =	sld [smem:$0x3F9B];
	_ =	sdelay $0x3  }
0x34: {  	[smem:$0x3F9B] =	sst s10  }
0x35: {  	s10 =	sld [smem:$0x3F9A];
	_ =	sdelay $0x3  }
0x36: {  	p1 =	seq.s32 s10, $0x1;
	s10 =	sld [smem:$0x3F9B];
	_ =	sdelay $0x3  }
0x37: {  	[smem:$0x3F9B] =	sst s10  }
0x38: {  	s10 =	sld [smem:$0x3F9C]  }
0x39: {  	_ = 	snop;
	(pc) =	sbr.ind lr, $3  }
0x3a: {  	_ = 	snop  }
0x3b: {  	_ = 	snop  }
0x3c: {  	p2 =	seq.s32 s10, $0x1;
	s10 =	sld [smem:$0x3F9B]  }
0x3d: {  	_ =	shalt  }
0x3e: {  	_ =	shalt  }
0x3f: {  	_ =	shalt  }
0x40: {  	_ =	shalt  }
0x41: {  	_ =	shalt  }
0x42: {  	_ =	shalt  }
0x43: {  	_ =	shalt  }
0x44: {  	_ =	shalt  }
0x45: {  	_ =	shalt  }
0x46: {  	_ =	shalt  }
0x47: {  	_ =	shalt  }
0x48: {  	_ =	shalt  }
0x49: {  	_ =	shalt  }
0x4a: {  	_ =	shalt  }
0x4b: {  	_ =	shalt  }
0x4c: {  	_ =	shalt  }
0x4d: {  	_ =	shalt  }
0x4e: {  	_ =	shalt  }
0x4f: {  	_ =	shalt  }
0x50: {  	_ =	shalt  }
0x51: {  	_ =	shalt  }
0x52: {  	_ =	shalt  }
0x53: {  	_ =	shalt  }
0x54: {  	_ =	shalt  }
0x55: {  	_ =	shalt  }
0x56: {  	_ =	shalt  }
0x57: {  	_ =	shalt  }
0x58: {  	_ =	shalt  }
0x59: {  	_ =	shalt  }
0x5a: {  	_ =	shalt  }
0x5b: {  	_ =	shalt  }
0x5c: {  	_ =	shalt  }
0x5d: {  	_ =	shalt  }
0x5e: {  	_ =	shalt  }
0x5f: {  	_ =	shalt  }
0x60: {  	_ =	shalt  }
0x61: {  	_ =	shalt  }
0x62: {  	_ =	shalt  }
0x63: {  	_ =	shalt  }
0x64: {  	_ =	shalt  }
0x65: {  	_ =	shalt  }
0x66: {  	_ =	shalt  }
0x67: {  	_ =	shalt  }
0x68: {  	_ =	shalt  }
0x69: {  	_ =	shalt  }
0x6a: {  	_ =	shalt  }
0x6b: {  	_ =	shalt  }
0x6c: {  	_ =	shalt  }
0x6d: {  	_ =	shalt  }
0x6e: {  	_ =	shalt  }
0x6f: {  	_ =	shalt  }
0x70: {  	_ =	shalt  }
0x71: {  	_ =	shalt  }
0x72: {  	_ =	shalt  }
0x73: {  	_ =	shalt  }
0x74: {  	_ =	shalt  }
0x75: {  	_ =	shalt  }
0x76: {  	_ =	shalt  }
0x77: {  	_ =	shalt  }
0x78: {  	_ =	shalt  }
0x79: {  	_ =	shalt  }
0x7a: {  	_ =	shalt  }
0x7b: {  	_ =	shalt  }
0x7c: {  	_ =	shalt  }
0x7d: {  	_ =	shalt  }
0x7e: {  	_ =	shalt  }
0x7f: {  	_ =	shalt  }
0x80: {  	_ =	shalt  }
0x81: {  	_ =	shalt  }
0x82: {  	_ =	shalt  }
0x83: {  	_ =	shalt  }
0x84: {  	_ =	shalt  }
0x85: {  	_ =	shalt  }
0x86: {  	_ =	shalt  }
0x87: {  	_ =	shalt  }
.Lfunc_end0:
.L_simem_size_0:
called_computation.5_lowered:
.L_overlay_start_0:
0x88: {  	s2 =	sld [smem:$0x3FD9]  }
0x89: {  	s3 =	sld [smem:$0x3FFE];
	_ =	sdelay $0x1  }
0x8a: {  	s1 =	srdreg.scid  }
0x8b: {  	s0 =	sand.u32 $0x1, s1  }
0x8c: {  	s16 =	sshll.u32 s0, $0xA;
	s2 =	sadd.s32 s3, s2  }
0x8d: {  	s2 =	sadd.s32 s2, s16  }
0x8e: {  	[smem:$0x3FA7] =	sst s2  }
0x8f: {  	_ = 	snop  }
0x90: {  	(tm) =	ssettm $0x1  }
0x91: {  	s17 =	sld [smem:$0x3FFB];
	_ =	sdelay $0x3  }
0x92: {  	_ =	strace s17  }
0x93: {  	s2 =	sld [smem:$0x3FFC];
	_ =	sdelay $0x3  }
0x94: {  	_ =	strace s2  }
0x95: {  	s2 =	sld [smem:$0x3FFD];
	_ =	sdelay $0x3  }
0x96: {  	_ =	strace s2  }
0x97: {  	_ =	strace $0x8FFFFFFF  }
0x98: {  	s18 =	sld [smem:$0x3FDB];
	_ =	sdelay $0x1  }
0x99: {  	s19 =	simm.s32 $_scs_section_size  }
0x9a: {  	s4 =	simm.s32 $_size__tile_overlayer_lowered;
	s5 =	simm.s32 $_tile_overlayer_lowered  }
0x9b: {  	s22 =	simm.s32 $0x1BFF;
	s21 =	sshll.u32 s5, $0x1;
	s2 =	sadd.s32 s19, s18  }
0x9c: {  	s6 =	simm.s32 $0x0;
	s20 =	sshll.u32 s4, $0x1;
	s4 =	sadd.s32 s21, s2  }
0x9d: {  	[timem:s6], [sflag:s22] =	dma.local [hbm:s4], s20  }
0x9e: {  	_ =	swait.ge [sflag:s22], s20  }
0x9f: {  	s3 =	ssub.s32 $0x0, s20;
	[sflag:s22] =	ssyncset.done $0x0  }
0xa0: {  	[sflag:s22] =	ssyncadd.s32 s3;
	_ =	sdelay $0x1  }
0xa1: {  	s23 =	simm.s32 $0x1B8B  }
0xa2: {  	_ =	swait.ge [sflag:s23], $0x1  }
0xa3: {  	[sflag:s23] =	ssyncset.done $0x0  }
0xa4: {  	s25 =	simm.s32 $0x1B8E;
	s24 =	sld [smem:$0x3FFE];
	[sflag:s23] =	ssyncadd.s32 $0xFFFFFFFF  }
0xa5: {  	s26 =	simm.s32 $execute0_lowered;
	[smem:$0x3FD2] =	sst s25  }
0xa6: {  	s4 =	sshll.u32 s26, $0x1;
	_ =	strace $0x80000055;
	[dreg:$0x1] =	wrdreg $0xFFFFFFFF  }
0xa7: {  	s28 =	simm.s32 $_size_execute0_lowered;
	s2 =	sadd.s32 s2, s4;
	[dreg:$0x0] =	wrdreg $0x0  }
0xa8: {  	s4 =	sshll.u32 s28, $0x1;
	[dreg:$0x2] =	wrdreg s2  }
0xa9: {  	[dreg:$0x3] =	wrdreg s4  }
0xaa: {  	[dreg:$0x4] =	wrdreg $0xC0  }
0xab: {  	_ =	task [dreg:s6], $0x5FFFF  }
0xac: {  	[dreg:$0x1] =	wrdreg $0xFFFFFFFF  }
0xad: {  	[dreg:$0x0] =	wrdreg $0x60  }
0xae: {  	[dreg:$0x2] =	wrdreg s24  }
0xaf: {  	[dreg:$0x3] =	wrdreg $0x0  }
0xb0: {  	[dreg:$0x4] =	wrdreg $0x9  }
0xb1: {  	_ =	task.clear_ibuf [dreg:s6], $0x5FFFF;
	_ =	strace $0x90000055  }
0xb2: {  	s29 =	simm.s32 $0x9;
	_ =	strace $0x80000057  }
0xb3: {  	_ =	swait.ge [sflag:s29], $0x1  }
0xb4: {  	[sflag:s29] =	ssyncadd.s32 $0xFFFFFFFF  }
0xb5: {  	_ =	strace $0x90000057  }
0xb6: {  	_ =	sfence  }
0xb7: {  	s30 =	sld [smem:$0x0];
	_ =	sdelay $0x2  }
0xb8: {  	s31 =	sshll.u32 s1, $0xD;
	s1 =	sshrl.u32 s1, $0x2  }
0xb9: {  	s3 =	sand.u32 $0x4000, s31;
	s1 =	sadd.s32 s1, s30  }
0xba: {  	s0 =	sor.u32 s3, s0;
	s1 =	sshll.u32 s1, $0x11  }
0xbb: {  	s0 =	sor.u32 s1, s0  }
0xbc: {  	s0 =	sadd.s32 $0x8F2B, s0  }
0xbd: {  	[sflag:s0] =	ssyncadd.remote.s32 $0x1  }
0xbe: {  	_ =	sfence.sel $0xFFFF  }
0xbf: {  	[dreg:$0x0] =	wrdreg $0xFFFFFFFF;
	(pc) =	sbr.abs _section_cstart, $3  }
0xc0: {  	[dreg:$0x1] =	wrdreg $0xFFFFFFFF  }
0xc1: {  	_ =	task.clear_ibuf [dreg:s6], $0x2FFFF;
	_ =	strace $0x9FFFFFFF  }
0xc2: {  	(tm) =	ssettm $0x7FFFFFFF  }
0xc3: {  	_ =	shalt  }
tec
execute0_lowered:
.L_overlay_start_1:
0x0: {  	(tag) =	ssettag $0x1  }
0x1: {  	s0 =	rddreg [dreg:$0x0]  }
0x2: {  	s2 =	rddreg [dreg:$0x1]  }
0x3: {  	s4 =	srdreg.scid;
	s1 =	stileid.u32;
	s3 =	simm.s32 $0x0  }
0x4: {  	s16 =	simm.s32 $0x14FA0;
	s17 =	simm.s32 $0x3;
	s18 =	simm.s32 $0x118A0  }
0x5: {  	s19 =	simm.s32 $0xF000;
	s20 =	simm.s32 $0xF050;
	s21 =	simm.s32 $0x50  }
0x6: {  	s22 =	simm.s32 $0xF0A0;
	s23 =	simm.s32 $0x1;
	s24 =	simm.s32 $0x2  }
0x7: {  	s25 =	simm.s32 $0x131A0;
	s26 =	simm.s32 $0x0;
	s8 =	sand.u32 $0x1, s4  }
0x8: {  	s9 =	smul.u32 $0xF000, s1;
	[smem:$0x7FF] =	sst s3;
	s4 =	sadd.s32 $0x20E00, s0  }
0x9: {  	s5 =	sadd.s32 $0x41B000, s0;
	s6 =	sadd.s32 $0x17000, s0;
	s12 =	smul.u32 $0x3C000, s1  }
0xa: {  	s7 =	smul.u32 $0xF0000, s8;
	_ =	strace $0x80000056;
	s11 =	ssub.s32 $0x2, s8  }
0xb: {  	s8 =	sshll.u32 s8, $0x4;
	s30 =	sshrl.u32 s11, $0x1;
	s31 =	sshrl.u32 s12, $0x2  }
0xc: {  	s13 =	sor.u32 s1, s8;
	s8 =	sadd.s32 s9, s2;
	s7 =	sadd.s32 s9, s7  }
0xd: {  	s15 =	ssub.s32 s11, s30;
	s12 =	sadd.s32 s31, s2;
	s13 =	smul.u32 $0x2710, s13  }
0xe: {  	s10 =	sshrl.u32 s7, $0x3;
	s7 =	sadd.s32 $0xD200, s0;
	s9 =	sadd.s32 $0x3000, s12  }
0xf: {  	s11 =	sadd.s32 $0x9000, s12;
	s15 =	smax.u32 s15, $0x1;
	s0 =	sadd.s32 s10, s0  }
0x10: {  	v0 =	vimm.f32 $0.0e+00;
	s10 =	sadd.s32 $0x6000, s12;
	s12 =	sadd.s32 $0xC000, s12;
	s14 =	sadd.s32 $0x48000, s0  }
.LBB2_1:
0x11: {  	s0 =	simm.s32 $0x0  }
0x12: {  	[tilespmem:s0+$0x14FF0] =	vst v0  }
0x13: {  	[tilespmem:s0+$0x14FA0] =	vst v0  }
0x14: {  	[tilespmem:s0+$0x14FB0] =	vst v0  }
0x15: {  	[tilespmem:s0+$0x14FC0] =	vst v0  }
0x16: {  	s28 =	simm.s32 $0x180;
	[tilespmem:s0+$0x14FD0] =	vst v0  }
.LBB2_2:
0x17: {  	p0 =	sne.s32 s28, $0xBE80;
	[tilespmem:s0+$0x14FE0] =	vst v0;
	s0 =	sshra.s32 s28, $0x2;
	s28 =	sadd.s32 $0x180, s28  }
.Ltmp0:
0x18: {  	[tilespmem:s0+$0x14FF0] =	vst v0;
	(pc) =	sbr.rel @p0 .LBB2_2-.Ltmp0, $4  }
0x19: {  	[tilespmem:s0+$0x14FA0] =	vst v0  }
0x1a: {  	[tilespmem:s0+$0x14FB0] =	vst v0  }
0x1b: {  	[tilespmem:s0+$0x14FC0] =	vst v0  }
0x1c: {  	[tilespmem:s0+$0x14FD0] =	vst v0  }
0x1d: {  	[tilespmem:s0+$0x14FE0] =	vst v0  }
0x1e: {  	[spmem:s8] =	stream.linear.scatter [tilespmem:s16], [sflag:$0x3], $0x3000, $0x38;
	[tilespmem:$0x17FA0] =	vst v63  }
0x1f: {  	_ =	swait.ge [sflag:s17], $0x3000  }
0x20: {  	[sflag:s17] =	ssyncset.done $0x0  }
0x21: {  	[sflag:s17] =	ssyncadd.s32 $0xFFFFD000  }
0x22: {  	[spmem:s9] =	stream.linear.scatter [tilespmem:s16], [sflag:$0x3], $0x3000, $0x38;
	[tilespmem:$0x17FA0] =	vst v63  }
0x23: {  	_ =	swait.ge [sflag:s17], $0x3000  }
0x24: {  	[sflag:s17] =	ssyncset.done $0x0  }
0x25: {  	[sflag:s17] =	ssyncadd.s32 $0xFFFFD000  }
0x26: {  	[spmem:s10] =	stream.linear.scatter [tilespmem:s16], [sflag:$0x3], $0x3000, $0x38;
	[tilespmem:$0x17FA0] =	vst v63  }
0x27: {  	_ =	swait.ge [sflag:s17], $0x3000  }
0x28: {  	[sflag:s17] =	ssyncset.done $0x0  }
0x29: {  	[sflag:s17] =	ssyncadd.s32 $0xFFFFD000  }
0x2a: {  	[spmem:s11] =	stream.linear.scatter [tilespmem:s16], [sflag:$0x3], $0x3000, $0x38;
	[tilespmem:$0x17FA0] =	vst v63  }
0x2b: {  	_ =	swait.ge [sflag:s17], $0x3000  }
0x2c: {  	[sflag:s17] =	ssyncset.done $0x0  }
0x2d: {  	[sflag:s17] =	ssyncadd.s32 $0xFFFFD000  }
0x2e: {  	[spmem:s12] =	stream.linear.scatter [tilespmem:s16], [sflag:$0x3], $0x3000, $0x38;
	[tilespmem:$0x17FA0] =	vst v63  }
0x2f: {  	_ =	swait.ge [sflag:s17], $0x3000  }
0x30: {  	[sflag:s17] =	ssyncset.done $0x0  }
0x31: {  	[sflag:s17] =	ssyncadd.s32 $0xFFFFD000  }
0x32: {  	s28 =	simm.s32 $0x0;
	[bflag:$0x0] =	sbarrier.arrive $0xFFFF  }
.LBB2_4:
0x33: {  	s0 =	smul.u32 $0x50, s28;
	_ =	sdelay $0x1  }
0x34: {  	s0 =	sadd.s32 s13, s0  }
0x35: {  	s29 =	smul.u32 $0xA, s0;
	_ =	sdelay $0x1  }
0x36: {  	s0 =	sshrl.u32 s0, $0x3;
	s29 =	sadd.s32 s5, s29  }
0x37: {  	[tilespmem:s18], [sflag:$0x2] =	stream.linear.gather [hbm4b:s29+s3], $0x1900, $0x38;
	[tilespmem:$0x17FA0] =	vst v63  }
0x38: {  	s29 =	sadd.s32 s6, s0  }
0x39: {  	[tilespmem:s19], [sflag:$0x3] =	stream.linear.gather [hbm4b:s29+s3], $0x50, $0x38;
	[tilespmem:$0x17FA0] =	vst v63  }
0x3a: {  	_ =	swait.ge [sflag:s17], $0x50  }
0x3b: {  	[sflag:s17] =	ssyncset.done $0x0  }
0x3c: {  	s0 =	sadd.s32 s7, s0;
	[sflag:s17] =	ssyncadd.s32 $0xFFFFFFB0  }
0x3d: {  	[tilespmem:s20], [sflag:$0x3] =	stream.linear.gather [hbm4b:s0+s3], $0x50, $0x38;
	[tilespmem:$0x17FA0] =	vst v63  }
0x3e: {  	_ =	swait.ge [sflag:s17], $0x50  }
0x3f: {  	[sflag:s17] =	ssyncset.done $0x0  }
0x40: {  	[sflag:s17] =	ssyncadd.s32 $0xFFFFFFB0  }
0x41: {  	[tilespmem:s22], [sflag:$0x1] =	stream.indirect.gather [hbm4b:s4+s21], $0x80, s19, s21, $0xb8;
	[tilespmem:$0x17FA0] =	vst v63  }
0x42: {  	_ =	swait.ge [sflag:s23], $0x2800  }
0x43: {  	[sflag:s23] =	ssyncset.done $0x0  }
0x44: {  	[sflag:s23] =	ssyncadd.s32 $0xFFFFD800  }
0x45: {  	_ =	swait.ge [sflag:s24], $0x1900  }
0x46: {  	[sflag:s24] =	ssyncset.done $0x0  }
0x47: {  	s29 =	simm.s32 $0xF0E0;
	[sflag:s24] =	ssyncadd.s32 $0xFFFFE700  }
0x48: {  	v2 =	vld [tilespmem:s29+$0xFFFFFFF0]  }
0x49: {  	v3 =	vld [tilespmem:s29+$0xFFFFFFE0]  }
0x4a: {  	v4 =	vld [tilespmem:s29+$0xFFFFFFD0]  }
0x4b: {  	s1 =	simm.s32 $0x40;
	v5 =	vld [tilespmem:s29+$0xFFFFFFC0]  }
0x4c: {  	v6 =	vld [tilespmem:s1+$0x118A0]  }
0x4d: {  	v7 =	vld [tilespmem:s1+$0x11860]  }
0x4e: {  	v8 =	vld [tilespmem:s1+$0x11870]  }
0x4f: {  	v9 =	vld [tilespmem:s1+$0x11880]  }
0x50: {  	v1 =	vld [tilespmem:s1+$0x11890];
	_ =	sdelay $0x1  }
0x51: {  	v10 =	vbroadcast v6, $0x0;
	v5 =	vmul.f32 v5, v7  }
0x52: {  	v4 =	vmul.f32 v4, v8  }
0x53: {  	v3 =	vmul.f32 v3, v9;
	v7 =	vmul.f32 v10, v5  }
0x54: {  	v2 =	vmul.f32 v2, v1;
	v8 =	vmul.f32 v10, v4  }
0x55: {  	v3 =	vadd.f32 v3, v7  }
0x56: {  	s30 =	simm.s32 $0x131D0;
	v2 =	vadd.f32 v2, v8  }
0x57: {  	[tilespmem:s30+$0xFFFFFFD0] =	vst v3  }
0x58: {  	[tilespmem:s30+$0xFFFFFFE0] =	vst v2  }
0x59: {  	v2 =	vld [tilespmem:s29+$0x0]  }
0x5a: {  	v3 =	vld [tilespmem:s29+$0x10];
	_ =	sdelay $0x1  }
0x5b: {  	v7 =	vbroadcast v6, $0x1;
	_ =	sdelay $0x1  }
0x5c: {  	v63 =	vmul.f32 v7, v5;
	v2 =	vmul.f32 v2, v9  }
0x5d: {  	v7 =	vmul.f32 v7, v4;
	v3 =	vmul.f32 v3, v1  }
0x5e: {  	v2 =	vadd.f32 v2, v63  }
0x5f: {  	v3 =	vadd.f32 v3, v7  }
0x60: {  	[tilespmem:s30+$0xFFFFFFF0] =	vst v2  }
0x61: {  	[tilespmem:s30+$0x0] =	vst v3  }
0x62: {  	v7 =	vld [tilespmem:s29+$0x20]  }
0x63: {  	v3 =	vld [tilespmem:s29+$0x30]  }
0x64: {  	v6 =	vbroadcast v6, $0x2;
	_ =	sdelay $0x1  }
0x65: {  	v2 =	vmul.f32 v6, v4  }
0x66: {  	s31 =	simm.s32 $0x131D0;
	s0 =	simm.s32 $0x240;
	v4 =	vmul.f32 v6, v5;
	v5 =	vmul.f32 v7, v9  }
.LBB2_5:
0x67: {  	p0 =	sne.s32 s0, $0x63C0;
	v1 =	vmul.f32 v3, v1;
	s30 =	sadd.s32 $0x60, s30;
	s29 =	sadd.s32 $0x80, s29  }
0x68: {  	s1 =	smov.u32 s0;
	s0 =	sadd.s32 $0x140, s0;
	v3 =	vadd.f32 v5, v4  }
0x69: {  	v1 =	vadd.f32 v1, v2  }
0x6a: {  	[tilespmem:s31+$0x10] =	vst v3  }
0x6b: {  	[tilespmem:s31+$0x20] =	vst v1;
	s31 =	smov.u32 s30  }
0x6c: {  	v2 =	vld [tilespmem:s29+$0xFFFFFFF0]  }
0x6d: {  	v3 =	vld [tilespmem:s29+$0xFFFFFFE0]  }
0x6e: {  	v4 =	vld [tilespmem:s29+$0xFFFFFFD0]  }
0x6f: {  	s1 =	sshra.s32 s1, $0x2;
	v5 =	vld [tilespmem:s29+$0xFFFFFFC0]  }
0x70: {  	v6 =	vld [tilespmem:s1+$0x118A0]  }
0x71: {  	v7 =	vld [tilespmem:s1+$0x11860]  }
0x72: {  	v8 =	vld [tilespmem:s1+$0x11870]  }
0x73: {  	v9 =	vld [tilespmem:s1+$0x11880]  }
0x74: {  	v1 =	vld [tilespmem:s1+$0x11890]  }
0x75: {  	v10 =	vbroadcast v6, $0x0  }
0x76: {  	v5 =	vmul.f32 v5, v7  }
0x77: {  	v7 =	vbroadcast v6, $0x2;
	v4 =	vmul.f32 v4, v8  }
0x78: {  	v8 =	vmul.f32 v10, v5;
	v3 =	vmul.f32 v3, v9  }
0x79: {  	v10 =	vmul.f32 v10, v4;
	v11 =	vmul.f32 v2, v1  }
0x7a: {  	v2 =	vmul.f32 v7, v4;
	v3 =	vadd.f32 v3, v8  }
0x7b: {  	v8 =	vadd.f32 v11, v10  }
0x7c: {  	[tilespmem:s30+$0xFFFFFFD0] =	vst v3  }
0x7d: {  	[tilespmem:s30+$0xFFFFFFE0] =	vst v8  }
0x7e: {  	v3 =	vld [tilespmem:s29+$0x0]  }
0x7f: {  	v8 =	vld [tilespmem:s29+$0x10];
	_ =	sdelay $0x1  }
0x80: {  	v6 =	vbroadcast v6, $0x1;
	_ =	sdelay $0x1  }
0x81: {  	v10 =	vmul.f32 v6, v5;
	v3 =	vmul.f32 v3, v9  }
0x82: {  	v4 =	vmul.f32 v6, v4;
	v6 =	vmul.f32 v8, v1  }
0x83: {  	v3 =	vadd.f32 v3, v10  }
0x84: {  	v4 =	vadd.f32 v6, v4  }
0x85: {  	[tilespmem:s30+$0xFFFFFFF0] =	vst v3  }
0x86: {  	[tilespmem:s30+$0x0] =	vst v4  }
0x87: {  	v6 =	vld [tilespmem:s29+$0x20]  }
.Ltmp1:
0x88: {  	v3 =	vld [tilespmem:s29+$0x30];
	(pc) =	sbr.rel @p0 .LBB2_5-.Ltmp1, $2  }
0x89: {  	_ =	sdelay $0x2  }
0x8a: {  	v4 =	vmul.f32 v7, v5;
	v5 =	vmul.f32 v6, v9  }
0x8b: {  	v1 =	vmul.f32 v3, v1  }
0x8c: {  	v3 =	vadd.f32 v5, v4  }
0x8d: {  	s28 =	sadd.s32 $0x1, s28;
	v1 =	vadd.f32 v1, v2  }
0x8e: {  	p0 =	sne.s32 s28, $0x7D;
	[tilespmem:s31+$0x10] =	vst v3  }
.Ltmp2:
0x8f: {  	[tilespmem:s31+$0x20] =	vst v1;
	(pc) =	sbr.rel @p0 .LBB2_4-.Ltmp2, $4  }
0x90: {  	[spmem:s2] =	stream.indirect.scatter.add.f32 [tilespmem:s25], [sflag:$0x3], $0x60, s20, s21, $0xb8;
	[tilespmem:$0x17FA0] =	vst v63  }
0x91: {  	_ =	swait.ge [sflag:s17], $0x1E00  }
0x92: {  	[sflag:s17] =	ssyncset.done $0x0  }
0x93: {  	[sflag:s17] =	ssyncadd.s32 $0xFFFFE200  }
0x94: {  	s0 =	stileid.u32;
	s26 =	sadd.s32 $0x1, s26  }
0x95: {  	[bflag:$0x0] =	sbarrier.arrive $0xFFFF;
	s0 =	sshll.u32 s0, $0x6;
	p0 =	sne.s32 s26, s15  }
.Ltmp3:
0x96: {  	s1 =	sshrl.u32 s8, $0x3;
	s0 =	sor.u32 $0x1C03, s0;
	(pc) =	sbr.rel @p0 .LBB2_1-.Ltmp3, $4  }
0x97: {  	[hbm:s14], [sflag:s0] =	dma.local [spmem:s1], $0x1E00  }
0x98: {  	_ =	swait.ge [sflag:s17], $0x1E00  }
0x99: {  	[sflag:s17] =	ssyncset.done $0x0  }
0x9a: {  	[sflag:s17] =	ssyncadd.s32 $0xFFFFE200  }
0x9b: {  	_ =	sfence.sel $0x180000  }
0x9c: {  	[bflag:$0x0] =	sbarrier.arrive $0xFFFF  }
0x9d: {  	_ =	strace $0x90000056  }
0x9e: {  	s0 =	stileid.u32;
	[bflag:$0x2] =	sbarrier.arrive $0xFFFF  }
0x9f: {  	p0 =	sne.s32 s0, $0x0;
	s0 =	rddreg [dreg:$0x2]  }
0xa0: {  	s0 =	sadd.s32 @!p0 $0x100000, s0  }
0xa1: {  	[sflag:s0] =	ssyncadd.tile.s32 @!p0 $0x1;
	_ =	shalt  }
.Lfunc_end2:
_tile_overlayer_lowered:
.L_overlay_start_2:
0xa2: {  	(tag) =	ssettag $0x2  }
0xa3: {  	s0 =	rddreg [dreg:$0x0];
	s2 =	stileid.u32  }
0xa4: {  	s1 =	rddreg [dreg:$0x1];
	p0 =	sne.s32 s2, $0x0  }
0xa5: {  	s3 =	rddreg [dreg:$0x2];
	[bflag:$0x3] =	sbarrier.arrive $0xFFFF;
	s2 =	simm.s32 @!p0 $0x1C03  }
0xa6: {  	[timem:s3], [sflag:s2] =	dma.local @!p0 [hbm:s0], s1  }
0xa7: {  	s0 =	simm.s32 @!p0 $0x3  }
0xa8: {  	_ =	swait.ge @!p0 [sflag:s0], s1  }
0xa9: {  	s1 =	ssub.s32 @!p0 $0x0, s1;
	[sflag:s0] =	ssyncset.done @!p0 $0x0  }
0xaa: {  	[sflag:s0] =	ssyncadd.s32 @!p0 s1  }
0xab: {  	[bflag:$0x3] =	sbarrier.arrive $0xFFFF  }
0xac: {  	_ =	shalt  }

</sc_bundles>
